<compile_context>
chip_gen: v7x
topology: tpu7x:2x2x1
jax: 0.10.2.dev20260603
libtpu: 0.0.44.dev20260713+nightly
codegen_flags: <defaults>
</compile_context>

<pallas_src>
import functools

import jax
import jax.numpy as jnp
from jax import lax
from jax.experimental import pallas as pl
from jax.experimental.pallas import tpu as pltpu
from jax.experimental.pallas import tpu_sc as plsc

N = 10000
E = 320000
F = 128

NC = 2
NS = 16
NW = NC * NS
EPW = E // NW
CHUNK = 40
NCHUNK = EPW // CHUNK
NBUF = 5
NGROUP = NCHUNK // NBUF
RPT = 624
TAIL_BASE = RPT * NS
TAIL = N - TAIL_BASE

_SC_PARAMS = pltpu.CompilerParams(use_tc_tiling_on_sc=False)


def _sc_aggregate():
    mesh = plsc.VectorSubcoreMesh(
        core_axis_name="c", subcore_axis_name="s",
        num_cores=NC, num_subcores=NS)

    scratch = [
        pltpu.VMEM((NCHUNK, CHUNK), jnp.int32),
        pltpu.VMEM((NCHUNK, CHUNK), jnp.int32),
        pltpu.VMEM((NBUF * CHUNK, F), jnp.float32),
        pltpu.VMEM_SHARED((N, F), jnp.float32),
        pltpu.SemaphoreType.DMA,
    ] + [pltpu.SemaphoreType.DMA] * NBUF

    def body(x_hbm, srcg_hbm, dstg_hbm, out_hbm, didx, sidx, rows, accum,
             ssem, *gsems):
        c = lax.axis_index("c")
        s = lax.axis_index("s")
        wid = s * NC + c
        row_base = s * RPT

        pd1 = pltpu.async_copy(dstg_hbm.at[wid], didx, ssem)
        pd2 = pltpu.async_copy(srcg_hbm.at[wid], sidx, ssem)

        def zrows(r, carry):
            for k in range(F // 16):
                rows[r, pl.ds(k * 16, 16)] = jnp.zeros((16,), jnp.float32)
            return carry
        lax.fori_loop(0, CHUNK, zrows, 0)
        pd1.wait()
        pd2.wait()

        zsrc = rows.at[pl.ds(0, CHUNK)]
        nfull = RPT // CHUNK
        rem = RPT - nfull * CHUNK
        zdescs = [
            pltpu.async_copy(zsrc,
                             accum.at[pl.ds(row_base + j * CHUNK, CHUNK)],
                             ssem)
            for j in range(nfull)]
        zdescs.append(
            pltpu.async_copy(rows.at[pl.ds(0, rem)],
                             accum.at[pl.ds(row_base + nfull * CHUNK, rem)],
                             ssem))
        for d in zdescs:
            d.wait()

        @pl.when(s == NS - 1)
        def _zero_tail():
            pltpu.sync_copy(rows.at[pl.ds(0, TAIL)],
                            accum.at[pl.ds(TAIL_BASE, TAIL)])

        plsc.subcore_barrier()

        def rslot(b):
            return rows.at[pl.ds(b * CHUNK, CHUNK)]

        for b in range(NBUF):
            pltpu.async_copy(x_hbm.at[sidx.at[b]], rslot(b), gsems[b])

        def group(g, carry):
            for b in range(NBUF):
                cc = g * NBUF + b
                pltpu.make_async_copy(
                    x_hbm.at[sidx.at[cc]], rslot(b), gsems[b]).wait()
                sd = pltpu.async_copy(
                    rslot(b), accum.at[didx.at[cc]], ssem, add=True)
                sd.wait()

                @pl.when(g < NGROUP - 1)
                def _prefetch():
                    pltpu.async_copy(
                        x_hbm.at[sidx.at[cc + NBUF]], rslot(b), gsems[b])
            return carry
        lax.fori_loop(0, NGROUP, group, 0)

        plsc.subcore_barrier()

        pltpu.sync_copy(accum.at[pl.ds(row_base, RPT)],
                        out_hbm.at[c, pl.ds(row_base, RPT)])

        @pl.when(s == NS - 1)
        def _write_tail():
            pltpu.sync_copy(accum.at[pl.ds(TAIL_BASE, TAIL)],
                            out_hbm.at[c, pl.ds(TAIL_BASE, TAIL)])

    return pl.kernel(body, out_type=jax.ShapeDtypeStruct((NC, N, F),
                                                         jnp.float32),
                     mesh=mesh, scratch_types=scratch,
                     compiler_params=_SC_PARAMS)


DEGW = 16
DCHUNK = 128
DNCH = EPW // DCHUNK
DTAIL = EPW - DNCH * DCHUNK
DNB = 6
DNG = DNCH // DNB


def _sc_degree():
    mesh = plsc.VectorSubcoreMesh(
        core_axis_name="c", subcore_axis_name="s",
        num_cores=NC, num_subcores=NS)

    scratch = [
        pltpu.VMEM((DNCH + 1, DCHUNK), jnp.int32),
        pltpu.VMEM((DCHUNK, DEGW), jnp.float32),
        pltpu.VMEM_SHARED((N, DEGW), jnp.float32),
        pltpu.SemaphoreType.DMA,
    ]

    def body(dstg_hbm, dstt_hbm, out_hbm, didx, ones, accum, ssem):
        c = lax.axis_index("c")
        s = lax.axis_index("s")
        wid = s * NC + c
        row_base = s * RPT

        pd1 = pltpu.async_copy(dstg_hbm.at[wid], didx.at[pl.ds(0, DNCH)],
                               ssem)
        pd2 = pltpu.async_copy(dstt_hbm.at[wid],
                               didx.at[DNCH, pl.ds(0, DTAIL)], ssem)

        def zrows(r, carry):
            ones[r, pl.ds(0, DEGW)] = jnp.zeros((DEGW,), jnp.float32)
            return carry
        lax.fori_loop(0, DCHUNK, zrows, 0)
        pd1.wait()
        pd2.wait()

        nfull = RPT // DCHUNK
        rem = RPT - nfull * DCHUNK
        zdescs = [
            pltpu.async_copy(ones,
                             accum.at[pl.ds(row_base + j * DCHUNK, DCHUNK)],
                             ssem)
            for j in range(nfull)]
        zdescs.append(
            pltpu.async_copy(ones.at[pl.ds(0, rem)],
                             accum.at[pl.ds(row_base + nfull * DCHUNK, rem)],
                             ssem))
        for d in zdescs:
            d.wait()

        @pl.when(s == NS - 1)
        def _zero_tail():
            pltpu.sync_copy(ones.at[pl.ds(0, TAIL)],
                            accum.at[pl.ds(TAIL_BASE, TAIL)])

        def frows(r, carry):
            ones[r, pl.ds(0, DEGW)] = jnp.full((DEGW,), 1.0, jnp.float32)
            return carry
        lax.fori_loop(0, DCHUNK, frows, 0)

        plsc.subcore_barrier()

        def dgroup(g, carry):
            descs = []
            for b in range(DNB):
                cc = g * DNB + b
                descs.append(pltpu.async_copy(
                    ones, accum.at[didx.at[cc]], ssem, add=True))
            for d in descs:
                d.wait()
            return carry
        lax.fori_loop(0, DNG, dgroup, 0)

        pltpu.sync_copy(ones.at[pl.ds(0, DTAIL)],
                        accum.at[didx.at[DNCH, pl.ds(0, DTAIL)]], add=True)

        plsc.subcore_barrier()

        pltpu.sync_copy(accum.at[pl.ds(row_base, RPT)],
                        out_hbm.at[c, pl.ds(row_base, RPT)])

        @pl.when(s == NS - 1)
        def _write_tail():
            pltpu.sync_copy(accum.at[pl.ds(TAIL_BASE, TAIL)],
                            out_hbm.at[c, pl.ds(TAIL_BASE, TAIL)])

    return pl.kernel(body, out_type=jax.ShapeDtypeStruct((NC, N, DEGW),
                                                         jnp.float32),
                     mesh=mesh, scratch_types=scratch,
                     compiler_params=_SC_PARAMS)


BN = 2000


def _tc1_body(sp_ref, dp_ref, x_ref, wl_ref, bl_ref, wr_ref, o_ref):
    summed = sp_ref[0] + sp_ref[1]
    deg = dp_ref[0, :, 0:1] + dp_ref[1, :, 0:1]
    mean = summed * (1.0 / jnp.maximum(deg, 1.0))
    h = (jnp.dot(mean, wl_ref[...], preferred_element_type=jnp.float32)
         + bl_ref[...]
         + jnp.dot(x_ref[...], wr_ref[...], preferred_element_type=jnp.float32))
    o_ref[...] = jnp.maximum(h, 0.0)


def _tc2_body(sp_ref, dp_ref, h_ref, wl_ref, bl_ref, wr_ref, w3_ref, b3_ref,
              o_ref):
    summed = sp_ref[0] + sp_ref[1]
    deg = dp_ref[0, :, 0:1] + dp_ref[1, :, 0:1]
    mean = summed * (1.0 / jnp.maximum(deg, 1.0))
    h2 = (jnp.dot(mean, wl_ref[...], preferred_element_type=jnp.float32)
          + bl_ref[...]
          + jnp.dot(h_ref[...], wr_ref[...], preferred_element_type=jnp.float32))
    o_ref[...] = jnp.sum(h2 * w3_ref[...], axis=1, keepdims=True) + b3_ref[0, 0]


def _tc_layer1(sp, dp, x, wlT, bl, wrT):
    grid = (N // BN,)
    return pl.pallas_call(
        _tc1_body,
        grid=grid,
        in_specs=[
            pl.BlockSpec((NC, BN, F), lambda i: (0, i, 0)),
            pl.BlockSpec((NC, BN, DEGW), lambda i: (0, i, 0)),
            pl.BlockSpec((BN, F), lambda i: (i, 0)),
            pl.BlockSpec((F, F), lambda i: (0, 0)),
            pl.BlockSpec((1, F), lambda i: (0, 0)),
            pl.BlockSpec((F, F), lambda i: (0, 0)),
        ],
        out_specs=pl.BlockSpec((BN, F), lambda i: (i, 0)),
        out_shape=jax.ShapeDtypeStruct((N, F), jnp.float32),
    )(sp, dp, x, wlT, bl, wrT)


def _tc_layer2(sp, dp, h, wlT, bl, wrT, w3, b3):
    grid = (N // BN,)
    return pl.pallas_call(
        _tc2_body,
        grid=grid,
        in_specs=[
            pl.BlockSpec((NC, BN, F), lambda i: (0, i, 0)),
            pl.BlockSpec((NC, BN, DEGW), lambda i: (0, i, 0)),
            pl.BlockSpec((BN, F), lambda i: (i, 0)),
            pl.BlockSpec((F, F), lambda i: (0, 0)),
            pl.BlockSpec((1, F), lambda i: (0, 0)),
            pl.BlockSpec((F, F), lambda i: (0, 0)),
            pl.BlockSpec((1, F), lambda i: (0, 0)),
            pl.BlockSpec((1, 1), lambda i: (0, 0), memory_space=pltpu.SMEM),
        ],
        out_specs=pl.BlockSpec((BN, 1), lambda i: (i, 0)),
        out_shape=jax.ShapeDtypeStruct((N, 1), jnp.float32),
    )(sp, dp, h, wlT, bl, wrT, w3, b3)


@functools.cache
def _sc_kernels():
    return _sc_aggregate(), _sc_degree()


def kernel(x_feature, edge_index, W1l, b1l, W1r, W2l, b2l, W2r, W3, b3):
    agg, deg_count = _sc_kernels()
    srcg = edge_index[0].reshape(NW, NCHUNK, CHUNK)
    dstg = edge_index[1].reshape(NW, NCHUNK, CHUNK)
    dstw = edge_index[1].reshape(NW, EPW)
    dst_main = dstw[:, :DNCH * DCHUNK].reshape(NW, DNCH, DCHUNK)
    dst_tail = dstw[:, DNCH * DCHUNK:]
    dp = deg_count(dst_main, dst_tail)
    sp1 = agg(x_feature, srcg, dstg)
    h = _tc_layer1(sp1, dp, x_feature, W1l.T, b1l[None, :], W1r.T)
    sp2 = agg(h, srcg, dstg)
    return _tc_layer2(sp2, dp, h, W2l.T, b2l[None, :], W2r.T, W3,
                      b3.reshape(1, 1))

# --- scband reference (transcript-rebuilt; emitter-appended) ---
"""Pipeline reference for scband-graph-sage-net-20478404067556 (READ-ONLY COPY).

The authoritative reference and input builder live on the scoring server;
editing this copy changes nothing except your own understanding.
"""

import jax, jax.numpy as jnp
import numpy as np

N = 10000
E = 320000
F_IN = 128
H = 128


def setup_inputs(seed: int = 0) -> dict:
    key = jax.random.key(seed)
    ks = jax.random.split(key, 12)
    x_feature = jax.random.normal(ks[0], (N, F_IN), dtype=jnp.float32)
    edge_index = jax.random.randint(ks[1], (2, E), 0, N, dtype=jnp.int32)
    s_in = 1.0 / np.sqrt(F_IN)
    s_h = 1.0 / np.sqrt(H)
    # SAGEConv layer 1: lin_l (applied to mean-aggregated neighbors, has bias), lin_r (root, no bias)
    W1l = jax.random.uniform(ks[2], (H, F_IN), dtype=jnp.float32, minval=-s_in, maxval=s_in)
    b1l = jax.random.uniform(ks[3], (H,), dtype=jnp.float32, minval=-s_in, maxval=s_in)
    W1r = jax.random.uniform(ks[4], (H, F_IN), dtype=jnp.float32, minval=-s_in, maxval=s_in)
    # SAGEConv layer 2
    W2l = jax.random.uniform(ks[5], (H, H), dtype=jnp.float32, minval=-s_h, maxval=s_h)
    b2l = jax.random.uniform(ks[6], (H,), dtype=jnp.float32, minval=-s_h, maxval=s_h)
    W2r = jax.random.uniform(ks[7], (H, H), dtype=jnp.float32, minval=-s_h, maxval=s_h)
    # final linear -> 1
    W3 = jax.random.uniform(ks[8], (1, H), dtype=jnp.float32, minval=-s_h, maxval=s_h)
    b3 = jax.random.uniform(ks[9], (1,), dtype=jnp.float32, minval=-s_h, maxval=s_h)
    return {"x_feature": x_feature, "edge_index": edge_index,
            "W1l": W1l, "b1l": b1l, "W1r": W1r,
            "W2l": W2l, "b2l": b2l, "W2r": W2r,
            "W3": W3, "b3": b3}


def _sage_conv(x, src, dst, Wl, bl, Wr):
    # mean aggregation of source features at destination nodes
    msg = jnp.take(x, src, axis=0)
    summed = jax.ops.segment_sum(msg, dst, num_segments=N)
    deg = jax.ops.segment_sum(jnp.ones((E,), dtype=x.dtype), dst, num_segments=N)
    mean = summed / jnp.clip(deg, 1.0, None)[:, None]
    return mean @ Wl.T + bl + x @ Wr.T


def reference(x_feature, edge_index, W1l, b1l, W1r, W2l, b2l, W2r, W3, b3):
    src = edge_index[0]
    dst = edge_index[1]
    h = _sage_conv(x_feature, src, dst, W1l, b1l, W1r)
    h = jax.nn.relu(h)
    # dropout is identity in eval mode (F.dropout with training=False)
    h = _sage_conv(h, src, dst, W2l, b2l, W2r)
    out = h @ W3.T + b3
    return out

if __name__ == "__main__":
    import jax
    _d = setup_inputs()
    print(jax.jit(kernel)(*tuple(_d.values())))

</pallas_src>

<mosaic_0001>
#map = affine_map<(d0, d1) -> (0, 0, 0)>
#map1 = affine_map<(d0, d1) -> (0, 0)>
module attributes {stable_mosaic.version = 14 : i64} {
  func.func @body(%arg0: i32, %arg1: i32, %arg2: memref<32x78x128xi32, #tpu.memory_space<hbm>>, %arg3: memref<32x16xi32, #tpu.memory_space<hbm>>, %arg4: memref<2x10000x16xf32, #tpu.memory_space<hbm>>, %arg5: memref<79x128xi32, #tpu.memory_space<vmem>>, %arg6: memref<128x16xf32, #tpu.memory_space<vmem>>, %arg7: memref<10000x16xf32, #tpu.memory_space<vmem_shared>>, %arg8: memref<!tpu.dma_semaphore, #tpu.memory_space<semaphore_mem>>) attributes {dimension_semantics = [#tpu.dimension_semantics<core_parallel>, #tpu.dimension_semantics<subcore_parallel>], iteration_bounds = array<i64: 2, 16>, scalar_prefetch = 0 : i64, scratch_operands = 4 : i64, tpu.core_type = #tpu.core_type<sc_vector_subcore>, window_params = [{transform_indices = #map}, {transform_indices = #map1}, {transform_indices = #map}]} {
    %mul3A = arith.constant 2 : i32
    %mul3A_0 = arith.muli %arg1, %mul3A : i32
    %add3A = arith.addi %mul3A_0, %arg0 : i32
    %mul3A_1 = arith.constant 624 : i32
    %mul3A_2 = arith.muli %arg1, %mul3A_1 : i32
    %dma_start3A = arith.constant 0 : i32
    %dma_start3A_3 = arith.constant 0 : i32
    %dma_start3A_4 = tpu.memref_slice %arg5[%dma_start3A, %dma_start3A_3] : memref<79x128xi32, #tpu.memory_space<vmem>> -> memref<78x128xi32, #tpu.memory_space<vmem>>
    %dma_start3A_5 = arith.constant 0 : i32
    %dma_start3A_6 = arith.constant 0 : i32
    %dma_start3A_7 = tpu.memref_slice %arg2[%add3A, %dma_start3A_5, %dma_start3A_6] : memref<32x78x128xi32, #tpu.memory_space<hbm>> -> memref<1x78x128xi32, #tpu.memory_space<hbm>>
    %dma_start3A_8 = tpu.memref_squeeze %dma_start3A_7 : memref<1x78x128xi32, #tpu.memory_space<hbm>> -> memref<78x128xi32, #tpu.memory_space<hbm>>
    %dma_start3A_9 = arith.constant 0 : i32
    %dma_start3A_10 = arith.constant 0 : i32
    %dma_start3A_11 = tpu.memref_slice %arg5[%dma_start3A_9, %dma_start3A_10] : memref<79x128xi32, #tpu.memory_space<vmem>> -> memref<78x128xi32, #tpu.memory_space<vmem>>
    %dma_start3A_12 = arith.constant 0 : i32
    %dma_start3A_13 = arith.constant 0 : i32
    %dma_start3A_14 = tpu.memref_slice %arg2[%add3A, %dma_start3A_12, %dma_start3A_13] : memref<32x78x128xi32, #tpu.memory_space<hbm>> -> memref<1x78x128xi32, #tpu.memory_space<hbm>>
    %dma_start3A_15 = tpu.memref_squeeze %dma_start3A_14 : memref<1x78x128xi32, #tpu.memory_space<hbm>> -> memref<78x128xi32, #tpu.memory_space<hbm>>
    tpu.enqueue_dma source(%dma_start3A_15 : memref<78x128xi32, #tpu.memory_space<hbm>>) target(%dma_start3A_11 : memref<78x128xi32, #tpu.memory_space<vmem>>) target_semaphore(%arg8 : memref<!tpu.dma_semaphore, #tpu.memory_space<semaphore_mem>>)
    %dma_start3A_16 = arith.constant 78 : i32
    %dma_start3A_17 = arith.constant 0 : i32
    %dma_start3A_18 = tpu.memref_slice %arg5[%dma_start3A_16, %dma_start3A_17] : memref<79x128xi32, #tpu.memory_space<vmem>> -> memref<1x16xi32, #tpu.memory_space<vmem>>
    %dma_start3A_19 = tpu.memref_squeeze %dma_start3A_18 : memref<1x16xi32, #tpu.memory_space<vmem>> -> memref<16xi32, #tpu.memory_space<vmem>>
    %dma_start3A_20 = arith.constant 0 : i32
    %dma_start3A_21 = tpu.memref_slice %arg3[%add3A, %dma_start3A_20] : memref<32x16xi32, #tpu.memory_space<hbm>> -> memref<1x16xi32, #tpu.memory_space<hbm>>
    %dma_start3A_22 = tpu.memref_squeeze %dma_start3A_21 : memref<1x16xi32, #tpu.memory_space<hbm>> -> memref<16xi32, #tpu.memory_space<hbm>>
    %dma_start3A_23 = arith.constant 0 : i32
    %dma_start3A_24 = tpu.memref_slice %arg5[%dma_start3A_16, %dma_start3A_23] : memref<79x128xi32, #tpu.memory_space<vmem>> -> memref<1x16xi32, #tpu.memory_space<vmem>>
    %dma_start3A_25 = tpu.memref_squeeze %dma_start3A_24 : memref<1x16xi32, #tpu.memory_space<vmem>> -> memref<16xi32, #tpu.memory_space<vmem>>
    %dma_start3A_26 = arith.constant 0 : i32
    %dma_start3A_27 = tpu.memref_slice %arg3[%add3A, %dma_start3A_26] : memref<32x16xi32, #tpu.memory_space<hbm>> -> memref<1x16xi32, #tpu.memory_space<hbm>>
    %dma_start3A_28 = tpu.memref_squeeze %dma_start3A_27 : memref<1x16xi32, #tpu.memory_space<hbm>> -> memref<16xi32, #tpu.memory_space<hbm>>
    tpu.enqueue_dma source(%dma_start3A_28 : memref<16xi32, #tpu.memory_space<hbm>>) target(%dma_start3A_25 : memref<16xi32, #tpu.memory_space<vmem>>) target_semaphore(%arg8 : memref<!tpu.dma_semaphore, #tpu.memory_space<semaphore_mem>>)
    %scan3A = arith.constant 0 : i32
    %scan3A_29 = arith.constant 0 : i32
    %scan3A_30 = arith.constant 128 : i32
    %scan3A_31 = arith.addi %scan3A_29, %scan3A_30 : i32
    %scan3A_32 = arith.constant 1 : i32
    scf.for %scan3A_142 = %scan3A_29 to %scan3A_31 step %scan3A_32  : i32 {
      %broadcast_in_dim3A = arith.constant 0.000000e+00 : f32
      %broadcast_in_dim3A_143 = vector.broadcast %broadcast_in_dim3A : f32 to vector<16xf32>
      %swap3A = arith.index_cast %scan3A_142 : i32 to index
      %swap3A_144 = arith.constant 0 : index
      %swap3A_145 = tpu.vector_load %arg6[%swap3A, %swap3A_144] {strides = array<i32>} : memref<128x16xf32, #tpu.memory_space<vmem>>, vector<1x16xf32>,
      %swap3A_146 = vector.shape_cast %swap3A_145 : vector<1x16xf32> to vector<16xf32>
      %swap3A_147 = vector.shape_cast %broadcast_in_dim3A_143 : vector<16xf32> to vector<1x16xf32>
      tpu.vector_store %arg6[%swap3A, %swap3A_144], %swap3A_147 {strides = array<i32>} : memref<128x16xf32, #tpu.memory_space<vmem>>, vector<1x16xf32>,
    }
    %scan3A_33 = arith.constant 128 : i32
    %dma_wait3A = arith.constant 0 : i32
    %dma_wait3A_34 = arith.constant 0 : i32
    %dma_wait3A_35 = tpu.memref_slice %arg5[%dma_wait3A, %dma_wait3A_34] : memref<79x128xi32, #tpu.memory_space<vmem>> -> memref<78x128xi32, #tpu.memory_space<vmem>>
    %dma_wait3A_36 = arith.constant 0 : i32
    %dma_wait3A_37 = arith.constant 0 : i32
    %dma_wait3A_38 = tpu.memref_slice %arg2[%add3A, %dma_wait3A_36, %dma_wait3A_37] : memref<32x78x128xi32, #tpu.memory_space<hbm>> -> memref<1x78x128xi32, #tpu.memory_space<hbm>>
    %dma_wait3A_39 = tpu.memref_squeeze %dma_wait3A_38 : memref<1x78x128xi32, #tpu.memory_space<hbm>> -> memref<78x128xi32, #tpu.memory_space<hbm>>
    %dma_wait3A_40 = arith.constant 0 : i32
    %dma_wait3A_41 = arith.constant 0 : i32
    %dma_wait3A_42 = tpu.memref_slice %arg5[%dma_wait3A_40, %dma_wait3A_41] : memref<79x128xi32, #tpu.memory_space<vmem>> -> memref<78x128xi32, #tpu.memory_space<vmem>>
    %dma_wait3A_43 = arith.constant 0 : i32
    %dma_wait3A_44 = arith.constant 0 : i32
    %dma_wait3A_45 = tpu.memref_slice %arg2[%add3A, %dma_wait3A_43, %dma_wait3A_44] : memref<32x78x128xi32, #tpu.memory_space<hbm>> -> memref<1x78x128xi32, #tpu.memory_space<hbm>>
    %dma_wait3A_46 = tpu.memref_squeeze %dma_wait3A_45 : memref<1x78x128xi32, #tpu.memory_space<hbm>> -> memref<78x128xi32, #tpu.memory_space<hbm>>
    tpu.wait_dma2 semaphore(%arg8 : memref<!tpu.dma_semaphore, #tpu.memory_space<semaphore_mem>>) src(%dma_wait3A_46 : memref<78x128xi32, #tpu.memory_space<hbm>>) dst(%dma_wait3A_42 : memref<78x128xi32, #tpu.memory_space<vmem>>)
    %dma_wait3A_47 = arith.constant 78 : i32
    %dma_wait3A_48 = arith.constant 0 : i32
    %dma_wait3A_49 = tpu.memref_slice %arg5[%dma_wait3A_47, %dma_wait3A_48] : memref<79x128xi32, #tpu.memory_space<vmem>> -> memref<1x16xi32, #tpu.memory_space<vmem>>
    %dma_wait3A_50 = tpu.memref_squeeze %dma_wait3A_49 : memref<1x16xi32, #tpu.memory_space<vmem>> -> memref<16xi32, #tpu.memory_space<vmem>>
    %dma_wait3A_51 = arith.constant 0 : i32
    %dma_wait3A_52 = tpu.memref_slice %arg3[%add3A, %dma_wait3A_51] : memref<32x16xi32, #tpu.memory_space<hbm>> -> memref<1x16xi32, #tpu.memory_space<hbm>>
    %dma_wait3A_53 = tpu.memref_squeeze %dma_wait3A_52 : memref<1x16xi32, #tpu.memory_space<hbm>> -> memref<16xi32, #tpu.memory_space<hbm>>
    %dma_wait3A_54 = arith.constant 0 : i32
    %dma_wait3A_55 = tpu.memref_slice %arg5[%dma_wait3A_47, %dma_wait3A_54] : memref<79x128xi32, #tpu.memory_space<vmem>> -> memref<1x16xi32, #tpu.memory_space<vmem>>
    %dma_wait3A_56 = tpu.memref_squeeze %dma_wait3A_55 : memref<1x16xi32, #tpu.memory_space<vmem>> -> memref<16xi32, #tpu.memory_space<vmem>>
    %dma_wait3A_57 = arith.constant 0 : i32
    %dma_wait3A_58 = tpu.memref_slice %arg3[%add3A, %dma_wait3A_57] : memref<32x16xi32, #tpu.memory_space<hbm>> -> memref<1x16xi32, #tpu.memory_space<hbm>>
    %dma_wait3A_59 = tpu.memref_squeeze %dma_wait3A_58 : memref<1x16xi32, #tpu.memory_space<hbm>> -> memref<16xi32, #tpu.memory_space<hbm>>
    tpu.wait_dma2 semaphore(%arg8 : memref<!tpu.dma_semaphore, #tpu.memory_space<semaphore_mem>>) src(%dma_wait3A_59 : memref<16xi32, #tpu.memory_space<hbm>>) dst(%dma_wait3A_56 : memref<16xi32, #tpu.memory_space<vmem>>)
    %add3A_60 = arith.constant 0 : i32
    %add3A_61 = arith.addi %mul3A_2, %add3A_60 : i32
    %dma_start3A_62 = arith.constant 0 : i32
    %dma_start3A_63 = tpu.memref_slice %arg7[%add3A_61, %dma_start3A_62] : memref<10000x16xf32, #tpu.memory_space<vmem_shared>> -> memref<128x16xf32, #tpu.memory_space<vmem_shared>>
    %dma_start3A_64 = arith.constant 0 : i32
    %dma_start3A_65 = tpu.memref_slice %arg7[%add3A_61, %dma_start3A_64] : memref<10000x16xf32, #tpu.memory_space<vmem_shared>> -> memref<128x16xf32, #tpu.memory_space<vmem_shared>>
    tpu.enqueue_dma source(%arg6 : memref<128x16xf32, #tpu.memory_space<vmem>>) target(%dma_start3A_65 : memref<128x16xf32, #tpu.memory_space<vmem_shared>>) target_semaphore(%arg8 : memref<!tpu.dma_semaphore, #tpu.memory_space<semaphore_mem>>)
    %add3A_66 = arith.constant 128 : i32
    %add3A_67 = arith.addi %mul3A_2, %add3A_66 : i32
    %dma_start3A_68 = arith.constant 0 : i32
    %dma_start3A_69 = tpu.memref_slice %arg7[%add3A_67, %dma_start3A_68] : memref<10000x16xf32, #tpu.memory_space<vmem_shared>> -> memref<128x16xf32, #tpu.memory_space<vmem_shared>>
    %dma_start3A_70 = arith.constant 0 : i32
    %dma_start3A_71 = tpu.memref_slice %arg7[%add3A_67, %dma_start3A_70] : memref<10000x16xf32, #tpu.memory_space<vmem_shared>> -> memref<128x16xf32, #tpu.memory_space<vmem_shared>>
    tpu.enqueue_dma source(%arg6 : memref<128x16xf32, #tpu.memory_space<vmem>>) target(%dma_start3A_71 : memref<128x16xf32, #tpu.memory_space<vmem_shared>>) target_semaphore(%arg8 : memref<!tpu.dma_semaphore, #tpu.memory_space<semaphore_mem>>)
    %add3A_72 = arith.constant 256 : i32
    %add3A_73 = arith.addi %mul3A_2, %add3A_72 : i32
    %dma_start3A_74 = arith.constant 0 : i32
    %dma_start3A_75 = tpu.memref_slice %arg7[%add3A_73, %dma_start3A_74] : memref<10000x16xf32, #tpu.memory_space<vmem_shared>> -> memref<128x16xf32, #tpu.memory_space<vmem_shared>>
    %dma_start3A_76 = arith.constant 0 : i32
    %dma_start3A_77 = tpu.memref_slice %arg7[%add3A_73, %dma_start3A_76] : memref<10000x16xf32, #tpu.memory_space<vmem_shared>> -> memref<128x16xf32, #tpu.memory_space<vmem_shared>>
    tpu.enqueue_dma source(%arg6 : memref<128x16xf32, #tpu.memory_space<vmem>>) target(%dma_start3A_77 : memref<128x16xf32, #tpu.memory_space<vmem_shared>>) target_semaphore(%arg8 : memref<!tpu.dma_semaphore, #tpu.memory_space<semaphore_mem>>)
    %add3A_78 = arith.constant 384 : i32
    %add3A_79 = arith.addi %mul3A_2, %add3A_78 : i32
    %dma_start3A_80 = arith.constant 0 : i32
    %dma_start3A_81 = tpu.memref_slice %arg7[%add3A_79, %dma_start3A_80] : memref<10000x16xf32, #tpu.memory_space<vmem_shared>> -> memref<128x16xf32, #tpu.memory_space<vmem_shared>>
    %dma_start3A_82 = arith.constant 0 : i32
    %dma_start3A_83 = tpu.memref_slice %arg7[%add3A_79, %dma_start3A_82] : memref<10000x16xf32, #tpu.memory_space<vmem_shared>> -> memref<128x16xf32, #tpu.memory_space<vmem_shared>>
    tpu.enqueue_dma source(%arg6 : memref<128x16xf32, #tpu.memory_space<vmem>>) target(%dma_start3A_83 : memref<128x16xf32, #tpu.memory_space<vmem_shared>>) target_semaphore(%arg8 : memref<!tpu.dma_semaphore, #tpu.memory_space<semaphore_mem>>)
    %add3A_84 = arith.constant 512 : i32
    %add3A_85 = arith.addi %mul3A_2, %add3A_84 : i32
    %dma_start3A_86 = arith.constant 0 : i32
    %dma_start3A_87 = arith.constant 0 : i32
    %dma_start3A_88 = tpu.memref_slice %arg6[%dma_start3A_86, %dma_start3A_87] : memref<128x16xf32, #tpu.memory_space<vmem>> -> memref<112x16xf32, #tpu.memory_space<vmem>>
    %dma_start3A_89 = arith.constant 0 : i32
    %dma_start3A_90 = tpu.memref_slice %arg7[%add3A_85, %dma_start3A_89] : memref<10000x16xf32, #tpu.memory_space<vmem_shared>> -> memref<112x16xf32, #tpu.memory_space<vmem_shared>>
    %dma_start3A_91 = arith.constant 0 : i32
    %dma_start3A_92 = tpu.memref_slice %arg7[%add3A_85, %dma_start3A_91] : memref<10000x16xf32, #tpu.memory_space<vmem_shared>> -> memref<112x16xf32, #tpu.memory_space<vmem_shared>>
    %dma_start3A_93 = arith.constant 0 : i32
    %dma_start3A_94 = arith.constant 0 : i32
    %dma_start3A_95 = tpu.memref_slice %arg6[%dma_start3A_93, %dma_start3A_94] : memref<128x16xf32, #tpu.memory_space<vmem>> -> memref<112x16xf32, #tpu.memory_space<vmem>>
    tpu.enqueue_dma source(%dma_start3A_95 : memref<112x16xf32, #tpu.memory_space<vmem>>) target(%dma_start3A_92 : memref<112x16xf32, #tpu.memory_space<vmem_shared>>) target_semaphore(%arg8 : memref<!tpu.dma_semaphore, #tpu.memory_space<semaphore_mem>>)
    %dma_wait3A_96 = arith.constant 0 : i32
    %dma_wait3A_97 = tpu.memref_slice %arg7[%add3A_61, %dma_wait3A_96] : memref<10000x16xf32, #tpu.memory_space<vmem_shared>> -> memref<128x16xf32, #tpu.memory_space<vmem_shared>>
    %dma_wait3A_98 = arith.constant 0 : i32
    %dma_wait3A_99 = tpu.memref_slice %arg7[%add3A_61, %dma_wait3A_98] : memref<10000x16xf32, #tpu.memory_space<vmem_shared>> -> memref<128x16xf32, #tpu.memory_space<vmem_shared>>
    tpu.wait_dma2 semaphore(%arg8 : memref<!tpu.dma_semaphore, #tpu.memory_space<semaphore_mem>>) src(%arg6 : memref<128x16xf32, #tpu.memory_space<vmem>>) dst(%dma_wait3A_99 : memref<128x16xf32, #tpu.memory_space<vmem_shared>>)
    %dma_wait3A_100 = arith.constant 0 : i32
    %dma_wait3A_101 = tpu.memref_slice %arg7[%add3A_67, %dma_wait3A_100] : memref<10000x16xf32, #tpu.memory_space<vmem_shared>> -> memref<128x16xf32, #tpu.memory_space<vmem_shared>>
    %dma_wait3A_102 = arith.constant 0 : i32
    %dma_wait3A_103 = tpu.memref_slice %arg7[%add3A_67, %dma_wait3A_102] : memref<10000x16xf32, #tpu.memory_space<vmem_shared>> -> memref<128x16xf32, #tpu.memory_space<vmem_shared>>
    tpu.wait_dma2 semaphore(%arg8 : memref<!tpu.dma_semaphore, #tpu.memory_space<semaphore_mem>>) src(%arg6 : memref<128x16xf32, #tpu.memory_space<vmem>>) dst(%dma_wait3A_103 : memref<128x16xf32, #tpu.memory_space<vmem_shared>>)
    %dma_wait3A_104 = arith.constant 0 : i32
    %dma_wait3A_105 = tpu.memref_slice %arg7[%add3A_73, %dma_wait3A_104] : memref<10000x16xf32, #tpu.memory_space<vmem_shared>> -> memref<128x16xf32, #tpu.memory_space<vmem_shared>>
    %dma_wait3A_106 = arith.constant 0 : i32
    %dma_wait3A_107 = tpu.memref_slice %arg7[%add3A_73, %dma_wait3A_106] : memref<10000x16xf32, #tpu.memory_space<vmem_shared>> -> memref<128x16xf32, #tpu.memory_space<vmem_shared>>
    tpu.wait_dma2 semaphore(%arg8 : memref<!tpu.dma_semaphore, #tpu.memory_space<semaphore_mem>>) src(%arg6 : memref<128x16xf32, #tpu.memory_space<vmem>>) dst(%dma_wait3A_107 : memref<128x16xf32, #tpu.memory_space<vmem_shared>>)
    %dma_wait3A_108 = arith.constant 0 : i32
    %dma_wait3A_109 = tpu.memref_slice %arg7[%add3A_79, %dma_wait3A_108] : memref<10000x16xf32, #tpu.memory_space<vmem_shared>> -> memref<128x16xf32, #tpu.memory_space<vmem_shared>>
    %dma_wait3A_110 = arith.constant 0 : i32
    %dma_wait3A_111 = tpu.memref_slice %arg7[%add3A_79, %dma_wait3A_110] : memref<10000x16xf32, #tpu.memory_space<vmem_shared>> -> memref<128x16xf32, #tpu.memory_space<vmem_shared>>
    tpu.wait_dma2 semaphore(%arg8 : memref<!tpu.dma_semaphore, #tpu.memory_space<semaphore_mem>>) src(%arg6 : memref<128x16xf32, #tpu.memory_space<vmem>>) dst(%dma_wait3A_111 : memref<128x16xf32, #tpu.memory_space<vmem_shared>>)
    %dma_wait3A_112 = arith.constant 0 : i32
    %dma_wait3A_113 = arith.constant 0 : i32
    %dma_wait3A_114 = tpu.memref_slice %arg6[%dma_wait3A_112, %dma_wait3A_113] : memref<128x16xf32, #tpu.memory_space<vmem>> -> memref<112x16xf32, #tpu.memory_space<vmem>>
    %dma_wait3A_115 = arith.constant 0 : i32
    %dma_wait3A_116 = tpu.memref_slice %arg7[%add3A_85, %dma_wait3A_115] : memref<10000x16xf32, #tpu.memory_space<vmem_shared>> -> memref<112x16xf32, #tpu.memory_space<vmem_shared>>
    %dma_wait3A_117 = arith.constant 0 : i32
    %dma_wait3A_118 = tpu.memref_slice %arg7[%add3A_85, %dma_wait3A_117] : memref<10000x16xf32, #tpu.memory_space<vmem_shared>> -> memref<112x16xf32, #tpu.memory_space<vmem_shared>>
    %dma_wait3A_119 = arith.constant 0 : i32
    %dma_wait3A_120 = arith.constant 0 : i32
    %dma_wait3A_121 = tpu.memref_slice %arg6[%dma_wait3A_119, %dma_wait3A_120] : memref<128x16xf32, #tpu.memory_space<vmem>> -> memref<112x16xf32, #tpu.memory_space<vmem>>
    tpu.wait_dma2 semaphore(%arg8 : memref<!tpu.dma_semaphore, #tpu.memory_space<semaphore_mem>>) src(%dma_wait3A_121 : memref<112x16xf32, #tpu.memory_space<vmem>>) dst(%dma_wait3A_118 : memref<112x16xf32, #tpu.memory_space<vmem_shared>>)
    %eq3A = arith.constant 15 : i32
    %eq3A_122 = arith.cmpi eq, %arg1, %eq3A : i32
    %convert_element_type3A = arith.extui %eq3A_122 : i1 to i32
    %cond3A = arith.constant 0 : i32
    %cond3A_123 = arith.cmpi ne, %convert_element_type3A, %cond3A : i32
    scf.if %cond3A_123 {
      "tpu.region"() ({
        %run_scoped3A_142 = tpu.sem_alloc : memref<!tpu.dma_semaphore, #tpu.memory_space<semaphore_mem>>
        %dma_start3A_143 = arith.constant 0 : i32
        %dma_start3A_144 = arith.constant 0 : i32
        %dma_start3A_145 = tpu.memref_slice %arg6[%dma_start3A_143, %dma_start3A_144] : memref<128x16xf32, #tpu.memory_space<vmem>> -> memref<16x16xf32, #tpu.memory_space<vmem>>
        %dma_start3A_146 = arith.constant 9984 : i32
        %dma_start3A_147 = arith.constant 0 : i32
        %dma_start3A_148 = tpu.memref_slice %arg7[%dma_start3A_146, %dma_start3A_147] : memref<10000x16xf32, #tpu.memory_space<vmem_shared>> -> memref<16x16xf32, #tpu.memory_space<vmem_shared>>
        %dma_start3A_149 = arith.constant 9984 : i32
        %dma_start3A_150 = arith.constant 0 : i32
        %dma_start3A_151 = tpu.memref_slice %arg7[%dma_start3A_149, %dma_start3A_150] : memref<10000x16xf32, #tpu.memory_space<vmem_shared>> -> memref<16x16xf32, #tpu.memory_space<vmem_shared>>
        %dma_start3A_152 = arith.constant 0 : i32
        %dma_start3A_153 = arith.constant 0 : i32
        %dma_start3A_154 = tpu.memref_slice %arg6[%dma_start3A_152, %dma_start3A_153] : memref<128x16xf32, #tpu.memory_space<vmem>> -> memref<16x16xf32, #tpu.memory_space<vmem>>
        tpu.enqueue_dma source(%dma_start3A_154 : memref<16x16xf32, #tpu.memory_space<vmem>>) target(%dma_start3A_151 : memref<16x16xf32, #tpu.memory_space<vmem_shared>>) target_semaphore(%run_scoped3A_142 : memref<!tpu.dma_semaphore, #tpu.memory_space<semaphore_mem>>)
        %dma_wait3A_155 = arith.constant 0 : i32
        %dma_wait3A_156 = arith.constant 0 : i32
        %dma_wait3A_157 = tpu.memref_slice %arg6[%dma_wait3A_155, %dma_wait3A_156] : memref<128x16xf32, #tpu.memory_space<vmem>> -> memref<16x16xf32, #tpu.memory_space<vmem>>
        %dma_wait3A_158 = arith.constant 9984 : i32
        %dma_wait3A_159 = arith.constant 0 : i32
        %dma_wait3A_160 = tpu.memref_slice %arg7[%dma_wait3A_158, %dma_wait3A_159] : memref<10000x16xf32, #tpu.memory_space<vmem_shared>> -> memref<16x16xf32, #tpu.memory_space<vmem_shared>>
        %dma_wait3A_161 = arith.constant 9984 : i32
        %dma_wait3A_162 = arith.constant 0 : i32
        %dma_wait3A_163 = tpu.memref_slice %arg7[%dma_wait3A_161, %dma_wait3A_162] : memref<10000x16xf32, #tpu.memory_space<vmem_shared>> -> memref<16x16xf32, #tpu.memory_space<vmem_shared>>
        %dma_wait3A_164 = arith.constant 0 : i32
        %dma_wait3A_165 = arith.constant 0 : i32
        %dma_wait3A_166 = tpu.memref_slice %arg6[%dma_wait3A_164, %dma_wait3A_165] : memref<128x16xf32, #tpu.memory_space<vmem>> -> memref<16x16xf32, #tpu.memory_space<vmem>>
        tpu.wait_dma2 semaphore(%run_scoped3A_142 : memref<!tpu.dma_semaphore, #tpu.memory_space<semaphore_mem>>) src(%dma_wait3A_166 : memref<16x16xf32, #tpu.memory_space<vmem>>) dst(%dma_wait3A_163 : memref<16x16xf32, #tpu.memory_space<vmem_shared>>)
        tpu.yield
      }) : () -> ()
    } else {
    }
    %scan3A_124 = arith.constant 0 : i32
    %scan3A_125 = arith.constant 0 : i32
    %scan3A_126 = arith.constant 128 : i32
    %scan3A_127 = arith.addi %scan3A_125, %scan3A_126 : i32
    %scan3A_128 = arith.constant 1 : i32
    scf.for %scan3A_142 = %scan3A_125 to %scan3A_127 step %scan3A_128  : i32 {
      %broadcast_in_dim3A = arith.constant 1.000000e+00 : f32
      %broadcast_in_dim3A_143 = vector.broadcast %broadcast_in_dim3A : f32 to vector<16xf32>
      %swap3A = arith.index_cast %scan3A_142 : i32 to index
      %swap3A_144 = arith.constant 0 : index
      %swap3A_145 = tpu.vector_load %arg6[%swap3A, %swap3A_144] {strides = array<i32>} : memref<128x16xf32, #tpu.memory_space<vmem>>, vector<1x16xf32>,
      %swap3A_146 = vector.shape_cast %swap3A_145 : vector<1x16xf32> to vector<16xf32>
      %swap3A_147 = vector.shape_cast %broadcast_in_dim3A_143 : vector<16xf32> to vector<1x16xf32>
      tpu.vector_store %arg6[%swap3A, %swap3A_144], %swap3A_147 {strides = array<i32>} : memref<128x16xf32, #tpu.memory_space<vmem>>, vector<1x16xf32>,
    }
    %scan3A_129 = arith.constant 128 : i32
    %barrier3A = arith.constant 0 : index
    tpu.barrier barrier_id(%barrier3A)
    %scan3A_130 = arith.constant 0 : i32
    %scan3A_131 = arith.constant 0 : i32
    %scan3A_132 = arith.constant 13 : i32
    %scan3A_133 = arith.addi %scan3A_131, %scan3A_132 : i32
    %scan3A_134 = arith.constant 1 : i32
    scf.for %scan3A_142 = %scan3A_131 to %scan3A_133 step %scan3A_134  : i32 {
      %mul3A_143 = arith.constant 6 : i32
      %mul3A_144 = arith.muli %scan3A_142, %mul3A_143 : i32
      %add3A_145 = arith.constant 0 : i32
      %add3A_146 = arith.addi %mul3A_144, %add3A_145 : i32
      %dma_start3A_147 = arith.constant 0 : i32
      %dma_start3A_148 = tpu.memref_slice %arg5[%add3A_146, %dma_start3A_147] : memref<79x128xi32, #tpu.memory_space<vmem>> -> memref<1x128xi32, #tpu.memory_space<vmem>>
      %dma_start3A_149 = tpu.memref_squeeze %dma_start3A_148 : memref<1x128xi32, #tpu.memory_space<vmem>> -> memref<128xi32, #tpu.memory_space<vmem>>
      %dma_start3A_150 = arith.constant 0 : i32
      %dma_start3A_151 = arith.constant 0 : i32
      %dma_start3A_152 = tpu.memref_slice %arg7[%dma_start3A_150, %dma_start3A_151] : memref<10000x16xf32, #tpu.memory_space<vmem_shared>> -> memref<10000x16xf32, #tpu.memory_space<vmem_shared>>
      tpu.enqueue_indirect_dma source(%arg6 : memref<128x16xf32, #tpu.memory_space<vmem>>) target(%dma_start3A_152 : memref<10000x16xf32, #tpu.memory_space<vmem_shared>>) offsets(%dma_start3A_149 : memref<128xi32, #tpu.memory_space<vmem>>) semaphore(%arg8 : memref<!tpu.dma_semaphore, #tpu.memory_space<semaphore_mem>>) {add = true}
      %mul3A_153 = arith.constant 6 : i32
      %mul3A_154 = arith.muli %scan3A_142, %mul3A_153 : i32
      %add3A_155 = arith.constant 1 : i32
      %add3A_156 = arith.addi %mul3A_154, %add3A_155 : i32
      %dma_start3A_157 = arith.constant 0 : i32
      %dma_start3A_158 = tpu.memref_slice %arg5[%add3A_156, %dma_start3A_157] : memref<79x128xi32, #tpu.memory_space<vmem>> -> memref<1x128xi32, #tpu.memory_space<vmem>>
      %dma_start3A_159 = tpu.memref_squeeze %dma_start3A_158 : memref<1x128xi32, #tpu.memory_space<vmem>> -> memref<128xi32, #tpu.memory_space<vmem>>
      %dma_start3A_160 = arith.constant 0 : i32
      %dma_start3A_161 = arith.constant 0 : i32
      %dma_start3A_162 = tpu.memref_slice %arg7[%dma_start3A_160, %dma_start3A_161] : memref<10000x16xf32, #tpu.memory_space<vmem_shared>> -> memref<10000x16xf32, #tpu.memory_space<vmem_shared>>
      tpu.enqueue_indirect_dma source(%arg6 : memref<128x16xf32, #tpu.memory_space<vmem>>) target(%dma_start3A_162 : memref<10000x16xf32, #tpu.memory_space<vmem_shared>>) offsets(%dma_start3A_159 : memref<128xi32, #tpu.memory_space<vmem>>) semaphore(%arg8 : memref<!tpu.dma_semaphore, #tpu.memory_space<semaphore_mem>>) {add = true}
      %mul3A_163 = arith.constant 6 : i32
      %mul3A_164 = arith.muli %scan3A_142, %mul3A_163 : i32
      %add3A_165 = arith.constant 2 : i32
      %add3A_166 = arith.addi %mul3A_164, %add3A_165 : i32
      %dma_start3A_167 = arith.constant 0 : i32
      %dma_start3A_168 = tpu.memref_slice %arg5[%add3A_166, %dma_start3A_167] : memref<79x128xi32, #tpu.memory_space<vmem>> -> memref<1x128xi32, #tpu.memory_space<vmem>>
      %dma_start3A_169 = tpu.memref_squeeze %dma_start3A_168 : memref<1x128xi32, #tpu.memory_space<vmem>> -> memref<128xi32, #tpu.memory_space<vmem>>
      %dma_start3A_170 = arith.constant 0 : i32
      %dma_start3A_171 = arith.constant 0 : i32
      %dma_start3A_172 = tpu.memref_slice %arg7[%dma_start3A_170, %dma_start3A_171] : memref<10000x16xf32, #tpu.memory_space<vmem_shared>> -> memref<10000x16xf32, #tpu.memory_space<vmem_shared>>
      tpu.enqueue_indirect_dma source(%arg6 : memref<128x16xf32, #tpu.memory_space<vmem>>) target(%dma_start3A_172 : memref<10000x16xf32, #tpu.memory_space<vmem_shared>>) offsets(%dma_start3A_169 : memref<128xi32, #tpu.memory_space<vmem>>) semaphore(%arg8 : memref<!tpu.dma_semaphore, #tpu.memory_space<semaphore_mem>>) {add = true}
      %mul3A_173 = arith.constant 6 : i32
      %mul3A_174 = arith.muli %scan3A_142, %mul3A_173 : i32
      %add3A_175 = arith.constant 3 : i32
      %add3A_176 = arith.addi %mul3A_174, %add3A_175 : i32
      %dma_start3A_177 = arith.constant 0 : i32
      %dma_start3A_178 = tpu.memref_slice %arg5[%add3A_176, %dma_start3A_177] : memref<79x128xi32, #tpu.memory_space<vmem>> -> memref<1x128xi32, #tpu.memory_space<vmem>>
      %dma_start3A_179 = tpu.memref_squeeze %dma_start3A_178 : memref<1x128xi32, #tpu.memory_space<vmem>> -> memref<128xi32, #tpu.memory_space<vmem>>
      %dma_start3A_180 = arith.constant 0 : i32
      %dma_start3A_181 = arith.constant 0 : i32
      %dma_start3A_182 = tpu.memref_slice %arg7[%dma_start3A_180, %dma_start3A_181] : memref<10000x16xf32, #tpu.memory_space<vmem_shared>> -> memref<10000x16xf32, #tpu.memory_space<vmem_shared>>
      tpu.enqueue_indirect_dma source(%arg6 : memref<128x16xf32, #tpu.memory_space<vmem>>) target(%dma_start3A_182 : memref<10000x16xf32, #tpu.memory_space<vmem_shared>>) offsets(%dma_start3A_179 : memref<128xi32, #tpu.memory_space<vmem>>) semaphore(%arg8 : memref<!tpu.dma_semaphore, #tpu.memory_space<semaphore_mem>>) {add = true}
      %mul3A_183 = arith.constant 6 : i32
      %mul3A_184 = arith.muli %scan3A_142, %mul3A_183 : i32
      %add3A_185 = arith.constant 4 : i32
      %add3A_186 = arith.addi %mul3A_184, %add3A_185 : i32
      %dma_start3A_187 = arith.constant 0 : i32
      %dma_start3A_188 = tpu.memref_slice %arg5[%add3A_186, %dma_start3A_187] : memref<79x128xi32, #tpu.memory_space<vmem>> -> memref<1x128xi32, #tpu.memory_space<vmem>>
      %dma_start3A_189 = tpu.memref_squeeze %dma_start3A_188 : memref<1x128xi32, #tpu.memory_space<vmem>> -> memref<128xi32, #tpu.memory_space<vmem>>
      %dma_start3A_190 = arith.constant 0 : i32
      %dma_start3A_191 = arith.constant 0 : i32
      %dma_start3A_192 = tpu.memref_slice %arg7[%dma_start3A_190, %dma_start3A_191] : memref<10000x16xf32, #tpu.memory_space<vmem_shared>> -> memref<10000x16xf32, #tpu.memory_space<vmem_shared>>
      tpu.enqueue_indirect_dma source(%arg6 : memref<128x16xf32, #tpu.memory_space<vmem>>) target(%dma_start3A_192 : memref<10000x16xf32, #tpu.memory_space<vmem_shared>>) offsets(%dma_start3A_189 : memref<128xi32, #tpu.memory_space<vmem>>) semaphore(%arg8 : memref<!tpu.dma_semaphore, #tpu.memory_space<semaphore_mem>>) {add = true}
      %mul3A_193 = arith.constant 6 : i32
      %mul3A_194 = arith.muli %scan3A_142, %mul3A_193 : i32
      %add3A_195 = arith.constant 5 : i32
      %add3A_196 = arith.addi %mul3A_194, %add3A_195 : i32
      %dma_start3A_197 = arith.constant 0 : i32
      %dma_start3A_198 = tpu.memref_slice %arg5[%add3A_196, %dma_start3A_197] : memref<79x128xi32, #tpu.memory_space<vmem>> -> memref<1x128xi32, #tpu.memory_space<vmem>>
      %dma_start3A_199 = tpu.memref_squeeze %dma_start3A_198 : memref<1x128xi32, #tpu.memory_space<vmem>> -> memref<128xi32, #tpu.memory_space<vmem>>
      %dma_start3A_200 = arith.constant 0 : i32
      %dma_start3A_201 = arith.constant 0 : i32
      %dma_start3A_202 = tpu.memref_slice %arg7[%dma_start3A_200, %dma_start3A_201] : memref<10000x16xf32, #tpu.memory_space<vmem_shared>> -> memref<10000x16xf32, #tpu.memory_space<vmem_shared>>
      tpu.enqueue_indirect_dma source(%arg6 : memref<128x16xf32, #tpu.memory_space<vmem>>) target(%dma_start3A_202 : memref<10000x16xf32, #tpu.memory_space<vmem_shared>>) offsets(%dma_start3A_199 : memref<128xi32, #tpu.memory_space<vmem>>) semaphore(%arg8 : memref<!tpu.dma_semaphore, #tpu.memory_space<semaphore_mem>>) {add = true}
      %dma_wait3A_203 = arith.constant 0 : i32
      %dma_wait3A_204 = tpu.memref_slice %arg5[%add3A_146, %dma_wait3A_203] : memref<79x128xi32, #tpu.memory_space<vmem>> -> memref<1x128xi32, #tpu.memory_space<vmem>>
      %dma_wait3A_205 = tpu.memref_squeeze %dma_wait3A_204 : memref<1x128xi32, #tpu.memory_space<vmem>> -> memref<128xi32, #tpu.memory_space<vmem>>
      %dma_wait3A_206 = arith.constant 0 : i32
      %dma_wait3A_207 = arith.constant 0 : i32
      %dma_wait3A_208 = tpu.memref_slice %arg7[%dma_wait3A_206, %dma_wait3A_207] : memref<10000x16xf32, #tpu.memory_space<vmem_shared>> -> memref<10000x16xf32, #tpu.memory_space<vmem_shared>>
      tpu.wait_indirect_dma semaphore(%arg8 : memref<!tpu.dma_semaphore, #tpu.memory_space<semaphore_mem>>) src(%arg6 : memref<128x16xf32, #tpu.memory_space<vmem>>) dst(%dma_wait3A_208 : memref<10000x16xf32, #tpu.memory_space<vmem_shared>>)
      %dma_wait3A_209 = arith.constant 0 : i32
      %dma_wait3A_210 = tpu.memref_slice %arg5[%add3A_156, %dma_wait3A_209] : memref<79x128xi32, #tpu.memory_space<vmem>> -> memref<1x128xi32, #tpu.memory_space<vmem>>
      %dma_wait3A_211 = tpu.memref_squeeze %dma_wait3A_210 : memref<1x128xi32, #tpu.memory_space<vmem>> -> memref<128xi32, #tpu.memory_space<vmem>>
      %dma_wait3A_212 = arith.constant 0 : i32
      %dma_wait3A_213 = arith.constant 0 : i32
      %dma_wait3A_214 = tpu.memref_slice %arg7[%dma_wait3A_212, %dma_wait3A_213] : memref<10000x16xf32, #tpu.memory_space<vmem_shared>> -> memref<10000x16xf32, #tpu.memory_space<vmem_shared>>
      tpu.wait_indirect_dma semaphore(%arg8 : memref<!tpu.dma_semaphore, #tpu.memory_space<semaphore_mem>>) src(%arg6 : memref<128x16xf32, #tpu.memory_space<vmem>>) dst(%dma_wait3A_214 : memref<10000x16xf32, #tpu.memory_space<vmem_shared>>)
      %dma_wait3A_215 = arith.constant 0 : i32
      %dma_wait3A_216 = tpu.memref_slice %arg5[%add3A_166, %dma_wait3A_215] : memref<79x128xi32, #tpu.memory_space<vmem>> -> memref<1x128xi32, #tpu.memory_space<vmem>>
      %dma_wait3A_217 = tpu.memref_squeeze %dma_wait3A_216 : memref<1x128xi32, #tpu.memory_space<vmem>> -> memref<128xi32, #tpu.memory_space<vmem>>
      %dma_wait3A_218 = arith.constant 0 : i32
      %dma_wait3A_219 = arith.constant 0 : i32
      %dma_wait3A_220 = tpu.memref_slice %arg7[%dma_wait3A_218, %dma_wait3A_219] : memref<10000x16xf32, #tpu.memory_space<vmem_shared>> -> memref<10000x16xf32, #tpu.memory_space<vmem_shared>>
      tpu.wait_indirect_dma semaphore(%arg8 : memref<!tpu.dma_semaphore, #tpu.memory_space<semaphore_mem>>) src(%arg6 : memref<128x16xf32, #tpu.memory_space<vmem>>) dst(%dma_wait3A_220 : memref<10000x16xf32, #tpu.memory_space<vmem_shared>>)
      %dma_wait3A_221 = arith.constant 0 : i32
      %dma_wait3A_222 = tpu.memref_slice %arg5[%add3A_176, %dma_wait3A_221] : memref<79x128xi32, #tpu.memory_space<vmem>> -> memref<1x128xi32, #tpu.memory_space<vmem>>
      %dma_wait3A_223 = tpu.memref_squeeze %dma_wait3A_222 : memref<1x128xi32, #tpu.memory_space<vmem>> -> memref<128xi32, #tpu.memory_space<vmem>>
      %dma_wait3A_224 = arith.constant 0 : i32
      %dma_wait3A_225 = arith.constant 0 : i32
      %dma_wait3A_226 = tpu.memref_slice %arg7[%dma_wait3A_224, %dma_wait3A_225] : memref<10000x16xf32, #tpu.memory_space<vmem_shared>> -> memref<10000x16xf32, #tpu.memory_space<vmem_shared>>
      tpu.wait_indirect_dma semaphore(%arg8 : memref<!tpu.dma_semaphore, #tpu.memory_space<semaphore_mem>>) src(%arg6 : memref<128x16xf32, #tpu.memory_space<vmem>>) dst(%dma_wait3A_226 : memref<10000x16xf32, #tpu.memory_space<vmem_shared>>)
      %dma_wait3A_227 = arith.constant 0 : i32
      %dma_wait3A_228 = tpu.memref_slice %arg5[%add3A_186, %dma_wait3A_227] : memref<79x128xi32, #tpu.memory_space<vmem>> -> memref<1x128xi32, #tpu.memory_space<vmem>>
      %dma_wait3A_229 = tpu.memref_squeeze %dma_wait3A_228 : memref<1x128xi32, #tpu.memory_space<vmem>> -> memref<128xi32, #tpu.memory_space<vmem>>
      %dma_wait3A_230 = arith.constant 0 : i32
      %dma_wait3A_231 = arith.constant 0 : i32
      %dma_wait3A_232 = tpu.memref_slice %arg7[%dma_wait3A_230, %dma_wait3A_231] : memref<10000x16xf32, #tpu.memory_space<vmem_shared>> -> memref<10000x16xf32, #tpu.memory_space<vmem_shared>>
      tpu.wait_indirect_dma semaphore(%arg8 : memref<!tpu.dma_semaphore, #tpu.memory_space<semaphore_mem>>) src(%arg6 : memref<128x16xf32, #tpu.memory_space<vmem>>) dst(%dma_wait3A_232 : memref<10000x16xf32, #tpu.memory_space<vmem_shared>>)
      %dma_wait3A_233 = arith.constant 0 : i32
      %dma_wait3A_234 = tpu.memref_slice %arg5[%add3A_196, %dma_wait3A_233] : memref<79x128xi32, #tpu.memory_space<vmem>> -> memref<1x128xi32, #tpu.memory_space<vmem>>
      %dma_wait3A_235 = tpu.memref_squeeze %dma_wait3A_234 : memref<1x128xi32, #tpu.memory_space<vmem>> -> memref<128xi32, #tpu.memory_space<vmem>>
      %dma_wait3A_236 = arith.constant 0 : i32
      %dma_wait3A_237 = arith.constant 0 : i32
      %dma_wait3A_238 = tpu.memref_slice %arg7[%dma_wait3A_236, %dma_wait3A_237] : memref<10000x16xf32, #tpu.memory_space<vmem_shared>> -> memref<10000x16xf32, #tpu.memory_space<vmem_shared>>
      tpu.wait_indirect_dma semaphore(%arg8 : memref<!tpu.dma_semaphore, #tpu.memory_space<semaphore_mem>>) src(%arg6 : memref<128x16xf32, #tpu.memory_space<vmem>>) dst(%dma_wait3A_238 : memref<10000x16xf32, #tpu.memory_space<vmem_shared>>)
    }
    %scan3A_135 = arith.constant 13 : i32
    %run_scoped3A = arith.constant 78 : i32
    "tpu.region"() ({
      %run_scoped3A_142 = tpu.sem_alloc : memref<!tpu.dma_semaphore, #tpu.memory_space<semaphore_mem>>
      %dma_start3A_143 = arith.constant 0 : i32
      %dma_start3A_144 = arith.constant 0 : i32
      %dma_start3A_145 = tpu.memref_slice %arg6[%dma_start3A_143, %dma_start3A_144] : memref<128x16xf32, #tpu.memory_space<vmem>> -> memref<16x16xf32, #tpu.memory_space<vmem>>
      %dma_start3A_146 = arith.constant 0 : i32
      %dma_start3A_147 = tpu.memref_slice %arg5[%run_scoped3A, %dma_start3A_146] : memref<79x128xi32, #tpu.memory_space<vmem>> -> memref<1x16xi32, #tpu.memory_space<vmem>>
      %dma_start3A_148 = tpu.memref_squeeze %dma_start3A_147 : memref<1x16xi32, #tpu.memory_space<vmem>> -> memref<16xi32, #tpu.memory_space<vmem>>
      %dma_start3A_149 = arith.constant 0 : i32
      %dma_start3A_150 = arith.constant 0 : i32
      %dma_start3A_151 = tpu.memref_slice %arg7[%dma_start3A_149, %dma_start3A_150] : memref<10000x16xf32, #tpu.memory_space<vmem_shared>> -> memref<10000x16xf32, #tpu.memory_space<vmem_shared>>
      tpu.enqueue_indirect_dma source(%dma_start3A_145 : memref<16x16xf32, #tpu.memory_space<vmem>>) target(%dma_start3A_151 : memref<10000x16xf32, #tpu.memory_space<vmem_shared>>) offsets(%dma_start3A_148 : memref<16xi32, #tpu.memory_space<vmem>>) semaphore(%run_scoped3A_142 : memref<!tpu.dma_semaphore, #tpu.memory_space<semaphore_mem>>) {add = true}
      %dma_wait3A_152 = arith.constant 0 : i32
      %dma_wait3A_153 = arith.constant 0 : i32
      %dma_wait3A_154 = tpu.memref_slice %arg6[%dma_wait3A_152, %dma_wait3A_153] : memref<128x16xf32, #tpu.memory_space<vmem>> -> memref<16x16xf32, #tpu.memory_space<vmem>>
      %dma_wait3A_155 = arith.constant 0 : i32
      %dma_wait3A_156 = tpu.memref_slice %arg5[%run_scoped3A, %dma_wait3A_155] : memref<79x128xi32, #tpu.memory_space<vmem>> -> memref<1x16xi32, #tpu.memory_space<vmem>>
      %dma_wait3A_157 = tpu.memref_squeeze %dma_wait3A_156 : memref<1x16xi32, #tpu.memory_space<vmem>> -> memref<16xi32, #tpu.memory_space<vmem>>
      %dma_wait3A_158 = arith.constant 0 : i32
      %dma_wait3A_159 = arith.constant 0 : i32
      %dma_wait3A_160 = tpu.memref_slice %arg7[%dma_wait3A_158, %dma_wait3A_159] : memref<10000x16xf32, #tpu.memory_space<vmem_shared>> -> memref<10000x16xf32, #tpu.memory_space<vmem_shared>>
      tpu.wait_indirect_dma semaphore(%run_scoped3A_142 : memref<!tpu.dma_semaphore, #tpu.memory_space<semaphore_mem>>) src(%dma_wait3A_154 : memref<16x16xf32, #tpu.memory_space<vmem>>) dst(%dma_wait3A_160 : memref<10000x16xf32, #tpu.memory_space<vmem_shared>>)
      tpu.yield
    }) : () -> ()
    %barrier3A_136 = arith.constant 0 : index
    tpu.barrier barrier_id(%barrier3A_136)
    "tpu.region"() ({
      %run_scoped3A_142 = tpu.sem_alloc : memref<!tpu.dma_semaphore, #tpu.memory_space<semaphore_mem>>
      %dma_start3A_143 = arith.constant 0 : i32
      %dma_start3A_144 = tpu.memref_slice %arg4[%arg0, %mul3A_2, %dma_start3A_143] : memref<2x10000x16xf32, #tpu.memory_space<hbm>> -> memref<1x624x16xf32, #tpu.memory_space<hbm>>
      %dma_start3A_145 = tpu.memref_squeeze %dma_start3A_144 : memref<1x624x16xf32, #tpu.memory_space<hbm>> -> memref<624x16xf32, #tpu.memory_space<hbm>>
      %dma_start3A_146 = arith.constant 0 : i32
      %dma_start3A_147 = tpu.memref_slice %arg7[%mul3A_2, %dma_start3A_146] : memref<10000x16xf32, #tpu.memory_space<vmem_shared>> -> memref<624x16xf32, #tpu.memory_space<vmem_shared>>
      tpu.enqueue_dma source(%dma_start3A_147 : memref<624x16xf32, #tpu.memory_space<vmem_shared>>) target(%dma_start3A_145 : memref<624x16xf32, #tpu.memory_space<hbm>>) target_semaphore(%run_scoped3A_142 : memref<!tpu.dma_semaphore, #tpu.memory_space<semaphore_mem>>)
      %dma_wait3A_148 = arith.constant 0 : i32
      %dma_wait3A_149 = tpu.memref_slice %arg4[%arg0, %mul3A_2, %dma_wait3A_148] : memref<2x10000x16xf32, #tpu.memory_space<hbm>> -> memref<1x624x16xf32, #tpu.memory_space<hbm>>
      %dma_wait3A_150 = tpu.memref_squeeze %dma_wait3A_149 : memref<1x624x16xf32, #tpu.memory_space<hbm>> -> memref<624x16xf32, #tpu.memory_space<hbm>>
      %dma_wait3A_151 = arith.constant 0 : i32
      %dma_wait3A_152 = tpu.memref_slice %arg7[%mul3A_2, %dma_wait3A_151] : memref<10000x16xf32, #tpu.memory_space<vmem_shared>> -> memref<624x16xf32, #tpu.memory_space<vmem_shared>>
      tpu.wait_dma2 semaphore(%run_scoped3A_142 : memref<!tpu.dma_semaphore, #tpu.memory_space<semaphore_mem>>) src(%dma_wait3A_152 : memref<624x16xf32, #tpu.memory_space<vmem_shared>>) dst(%dma_wait3A_150 : memref<624x16xf32, #tpu.memory_space<hbm>>)
      tpu.yield
    }) : () -> ()
    %eq3A_137 = arith.constant 15 : i32
    %eq3A_138 = arith.cmpi eq, %arg1, %eq3A_137 : i32
    %convert_element_type3A_139 = arith.extui %eq3A_138 : i1 to i32
    %cond3A_140 = arith.constant 0 : i32
    %cond3A_141 = arith.cmpi ne, %convert_element_type3A_139, %cond3A_140 : i32
    scf.if %cond3A_141 {
      "tpu.region"() ({
        %run_scoped3A_142 = tpu.sem_alloc : memref<!tpu.dma_semaphore, #tpu.memory_space<semaphore_mem>>
        %dma_start3A_143 = arith.constant 9984 : i32
        %dma_start3A_144 = arith.constant 0 : i32
        %dma_start3A_145 = tpu.memref_slice %arg4[%arg0, %dma_start3A_143, %dma_start3A_144] : memref<2x10000x16xf32, #tpu.memory_space<hbm>> -> memref<1x16x16xf32, #tpu.memory_space<hbm>>
        %dma_start3A_146 = tpu.memref_squeeze %dma_start3A_145 : memref<1x16x16xf32, #tpu.memory_space<hbm>> -> memref<16x16xf32, #tpu.memory_space<hbm>>
        %dma_start3A_147 = arith.constant 9984 : i32
        %dma_start3A_148 = arith.constant 0 : i32
        %dma_start3A_149 = tpu.memref_slice %arg7[%dma_start3A_147, %dma_start3A_148] : memref<10000x16xf32, #tpu.memory_space<vmem_shared>> -> memref<16x16xf32, #tpu.memory_space<vmem_shared>>
        tpu.enqueue_dma source(%dma_start3A_149 : memref<16x16xf32, #tpu.memory_space<vmem_shared>>) target(%dma_start3A_146 : memref<16x16xf32, #tpu.memory_space<hbm>>) target_semaphore(%run_scoped3A_142 : memref<!tpu.dma_semaphore, #tpu.memory_space<semaphore_mem>>)
        %dma_wait3A_150 = arith.constant 9984 : i32
        %dma_wait3A_151 = arith.constant 0 : i32
        %dma_wait3A_152 = tpu.memref_slice %arg4[%arg0, %dma_wait3A_150, %dma_wait3A_151] : memref<2x10000x16xf32, #tpu.memory_space<hbm>> -> memref<1x16x16xf32, #tpu.memory_space<hbm>>
        %dma_wait3A_153 = tpu.memref_squeeze %dma_wait3A_152 : memref<1x16x16xf32, #tpu.memory_space<hbm>> -> memref<16x16xf32, #tpu.memory_space<hbm>>
        %dma_wait3A_154 = arith.constant 9984 : i32
        %dma_wait3A_155 = arith.constant 0 : i32
        %dma_wait3A_156 = tpu.memref_slice %arg7[%dma_wait3A_154, %dma_wait3A_155] : memref<10000x16xf32, #tpu.memory_space<vmem_shared>> -> memref<16x16xf32, #tpu.memory_space<vmem_shared>>
        tpu.wait_dma2 semaphore(%run_scoped3A_142 : memref<!tpu.dma_semaphore, #tpu.memory_space<semaphore_mem>>) src(%dma_wait3A_156 : memref<16x16xf32, #tpu.memory_space<vmem_shared>>) dst(%dma_wait3A_153 : memref<16x16xf32, #tpu.memory_space<hbm>>)
        tpu.yield
      }) : () -> ()
    } else {
    }
    return
  }
}

#map = affine_map<(d0, d1) -> (0, 0)>
#map1 = affine_map<(d0, d1) -> (0, 0, 0)>
module attributes {stable_mosaic.version = 14 : i64} {
  func.func @body(%arg0: i32, %arg1: i32, %arg2: memref<10000x128xf32, #tpu.memory_space<hbm>>, %arg3: memref<32x250x40xi32, #tpu.memory_space<hbm>>, %arg4: memref<32x250x40xi32, #tpu.memory_space<hbm>>, %arg5: memref<2x10000x128xf32, #tpu.memory_space<hbm>>, %arg6: memref<250x40xi32, #tpu.memory_space<vmem>>, %arg7: memref<250x40xi32, #tpu.memory_space<vmem>>, %arg8: memref<200x128xf32, #tpu.memory_space<vmem>>, %arg9: memref<10000x128xf32, #tpu.memory_space<vmem_shared>>, %arg10: memref<!tpu.dma_semaphore, #tpu.memory_space<semaphore_mem>>, %arg11: memref<!tpu.dma_semaphore, #tpu.memory_space<semaphore_mem>>, %arg12: memref<!tpu.dma_semaphore, #tpu.memory_space<semaphore_mem>>, %arg13: memref<!tpu.dma_semaphore, #tpu.memory_space<semaphore_mem>>, %arg14: memref<!tpu.dma_semaphore, #tpu.memory_space<semaphore_mem>>, %arg15: memref<!tpu.dma_semaphore, #tpu.memory_space<semaphore_mem>>) attributes {dimension_semantics = [#tpu.dimension_semantics<core_parallel>, #tpu.dimension_semantics<subcore_parallel>], iteration_bounds = array<i64: 2, 16>, scalar_prefetch = 0 : i64, scratch_operands = 10 : i64, tpu.core_type = #tpu.core_type<sc_vector_subcore>, window_params = [{transform_indices = #map}, {transform_indices = #map1}, {transform_indices = #map1}, {transform_indices = #map1}]} {
    %mul3A = arith.constant 2 : i32
    %mul3A_0 = arith.muli %arg1, %mul3A : i32
    %add3A = arith.addi %mul3A_0, %arg0 : i32
    %mul3A_1 = arith.constant 624 : i32
    %mul3A_2 = arith.muli %arg1, %mul3A_1 : i32
    %dma_start3A = arith.constant 0 : i32
    %dma_start3A_3 = arith.constant 0 : i32
    %dma_start3A_4 = tpu.memref_slice %arg4[%add3A, %dma_start3A, %dma_start3A_3] : memref<32x250x40xi32, #tpu.memory_space<hbm>> -> memref<1x250x40xi32, #tpu.memory_space<hbm>>
    %dma_start3A_5 = tpu.memref_squeeze %dma_start3A_4 : memref<1x250x40xi32, #tpu.memory_space<hbm>> -> memref<250x40xi32, #tpu.memory_space<hbm>>
    %dma_start3A_6 = arith.constant 0 : i32
    %dma_start3A_7 = arith.constant 0 : i32
    %dma_start3A_8 = tpu.memref_slice %arg4[%add3A, %dma_start3A_6, %dma_start3A_7] : memref<32x250x40xi32, #tpu.memory_space<hbm>> -> memref<1x250x40xi32, #tpu.memory_space<hbm>>
    %dma_start3A_9 = tpu.memref_squeeze %dma_start3A_8 : memref<1x250x40xi32, #tpu.memory_space<hbm>> -> memref<250x40xi32, #tpu.memory_space<hbm>>
    tpu.enqueue_dma source(%dma_start3A_9 : memref<250x40xi32, #tpu.memory_space<hbm>>) target(%arg6 : memref<250x40xi32, #tpu.memory_space<vmem>>) target_semaphore(%arg10 : memref<!tpu.dma_semaphore, #tpu.memory_space<semaphore_mem>>)
    %dma_start3A_10 = arith.constant 0 : i32
    %dma_start3A_11 = arith.constant 0 : i32
    %dma_start3A_12 = tpu.memref_slice %arg3[%add3A, %dma_start3A_10, %dma_start3A_11] : memref<32x250x40xi32, #tpu.memory_space<hbm>> -> memref<1x250x40xi32, #tpu.memory_space<hbm>>
    %dma_start3A_13 = tpu.memref_squeeze %dma_start3A_12 : memref<1x250x40xi32, #tpu.memory_space<hbm>> -> memref<250x40xi32, #tpu.memory_space<hbm>>
    %dma_start3A_14 = arith.constant 0 : i32
    %dma_start3A_15 = arith.constant 0 : i32
    %dma_start3A_16 = tpu.memref_slice %arg3[%add3A, %dma_start3A_14, %dma_start3A_15] : memref<32x250x40xi32, #tpu.memory_space<hbm>> -> memref<1x250x40xi32, #tpu.memory_space<hbm>>
    %dma_start3A_17 = tpu.memref_squeeze %dma_start3A_16 : memref<1x250x40xi32, #tpu.memory_space<hbm>> -> memref<250x40xi32, #tpu.memory_space<hbm>>
    tpu.enqueue_dma source(%dma_start3A_17 : memref<250x40xi32, #tpu.memory_space<hbm>>) target(%arg7 : memref<250x40xi32, #tpu.memory_space<vmem>>) target_semaphore(%arg10 : memref<!tpu.dma_semaphore, #tpu.memory_space<semaphore_mem>>)
    %scan3A = arith.constant 0 : i32
    %scan3A_18 = arith.constant 0 : i32
    %scan3A_19 = arith.constant 40 : i32
    %scan3A_20 = arith.addi %scan3A_18, %scan3A_19 : i32
    %scan3A_21 = arith.constant 1 : i32
    scf.for %scan3A_454 = %scan3A_18 to %scan3A_20 step %scan3A_21  : i32 {
      %broadcast_in_dim3A = arith.constant 0.000000e+00 : f32
      %broadcast_in_dim3A_455 = vector.broadcast %broadcast_in_dim3A : f32 to vector<16xf32>
      %swap3A = arith.index_cast %scan3A_454 : i32 to index
      %swap3A_456 = arith.constant 0 : index
      %swap3A_457 = tpu.vector_load %arg8[%swap3A, %swap3A_456] {strides = array<i32>} : memref<200x128xf32, #tpu.memory_space<vmem>>, vector<1x16xf32>,
      %swap3A_458 = vector.shape_cast %swap3A_457 : vector<1x16xf32> to vector<16xf32>
      %swap3A_459 = vector.shape_cast %broadcast_in_dim3A_455 : vector<16xf32> to vector<1x16xf32>
      tpu.vector_store %arg8[%swap3A, %swap3A_456], %swap3A_459 {strides = array<i32>} : memref<200x128xf32, #tpu.memory_space<vmem>>, vector<1x16xf32>,
      %broadcast_in_dim3A_460 = arith.constant 0.000000e+00 : f32
      %broadcast_in_dim3A_461 = vector.broadcast %broadcast_in_dim3A_460 : f32 to vector<16xf32>
      %swap3A_462 = arith.index_cast %scan3A_454 : i32 to index
      %swap3A_463 = arith.constant 16 : index
      %swap3A_464 = tpu.vector_load %arg8[%swap3A_462, %swap3A_463] {strides = array<i32>} : memref<200x128xf32, #tpu.memory_space<vmem>>, vector<1x16xf32>,
      %swap3A_465 = vector.shape_cast %swap3A_464 : vector<1x16xf32> to vector<16xf32>
      %swap3A_466 = vector.shape_cast %broadcast_in_dim3A_461 : vector<16xf32> to vector<1x16xf32>
      tpu.vector_store %arg8[%swap3A_462, %swap3A_463], %swap3A_466 {strides = array<i32>} : memref<200x128xf32, #tpu.memory_space<vmem>>, vector<1x16xf32>,
      %broadcast_in_dim3A_467 = arith.constant 0.000000e+00 : f32
      %broadcast_in_dim3A_468 = vector.broadcast %broadcast_in_dim3A_467 : f32 to vector<16xf32>
      %swap3A_469 = arith.index_cast %scan3A_454 : i32 to index
      %swap3A_470 = arith.constant 32 : index
      %swap3A_471 = tpu.vector_load %arg8[%swap3A_469, %swap3A_470] {strides = array<i32>} : memref<200x128xf32, #tpu.memory_space<vmem>>, vector<1x16xf32>,
      %swap3A_472 = vector.shape_cast %swap3A_471 : vector<1x16xf32> to vector<16xf32>
      %swap3A_473 = vector.shape_cast %broadcast_in_dim3A_468 : vector<16xf32> to vector<1x16xf32>
      tpu.vector_store %arg8[%swap3A_469, %swap3A_470], %swap3A_473 {strides = array<i32>} : memref<200x128xf32, #tpu.memory_space<vmem>>, vector<1x16xf32>,
      %broadcast_in_dim3A_474 = arith.constant 0.000000e+00 : f32
      %broadcast_in_dim3A_475 = vector.broadcast %broadcast_in_dim3A_474 : f32 to vector<16xf32>
      %swap3A_476 = arith.index_cast %scan3A_454 : i32 to index
      %swap3A_477 = arith.constant 48 : index
      %swap3A_478 = tpu.vector_load %arg8[%swap3A_476, %swap3A_477] {strides = array<i32>} : memref<200x128xf32, #tpu.memory_space<vmem>>, vector<1x16xf32>,
      %swap3A_479 = vector.shape_cast %swap3A_478 : vector<1x16xf32> to vector<16xf32>
      %swap3A_480 = vector.shape_cast %broadcast_in_dim3A_475 : vector<16xf32> to vector<1x16xf32>
      tpu.vector_store %arg8[%swap3A_476, %swap3A_477], %swap3A_480 {strides = array<i32>} : memref<200x128xf32, #tpu.memory_space<vmem>>, vector<1x16xf32>,
      %broadcast_in_dim3A_481 = arith.constant 0.000000e+00 : f32
      %broadcast_in_dim3A_482 = vector.broadcast %broadcast_in_dim3A_481 : f32 to vector<16xf32>
      %swap3A_483 = arith.index_cast %scan3A_454 : i32 to index
      %swap3A_484 = arith.constant 64 : index
      %swap3A_485 = tpu.vector_load %arg8[%swap3A_483, %swap3A_484] {strides = array<i32>} : memref<200x128xf32, #tpu.memory_space<vmem>>, vector<1x16xf32>,
      %swap3A_486 = vector.shape_cast %swap3A_485 : vector<1x16xf32> to vector<16xf32>
      %swap3A_487 = vector.shape_cast %broadcast_in_dim3A_482 : vector<16xf32> to vector<1x16xf32>
      tpu.vector_store %arg8[%swap3A_483, %swap3A_484], %swap3A_487 {strides = array<i32>} : memref<200x128xf32, #tpu.memory_space<vmem>>, vector<1x16xf32>,
      %broadcast_in_dim3A_488 = arith.constant 0.000000e+00 : f32
      %broadcast_in_dim3A_489 = vector.broadcast %broadcast_in_dim3A_488 : f32 to vector<16xf32>
      %swap3A_490 = arith.index_cast %scan3A_454 : i32 to index
      %swap3A_491 = arith.constant 80 : index
      %swap3A_492 = tpu.vector_load %arg8[%swap3A_490, %swap3A_491] {strides = array<i32>} : memref<200x128xf32, #tpu.memory_space<vmem>>, vector<1x16xf32>,
      %swap3A_493 = vector.shape_cast %swap3A_492 : vector<1x16xf32> to vector<16xf32>
      %swap3A_494 = vector.shape_cast %broadcast_in_dim3A_489 : vector<16xf32> to vector<1x16xf32>
      tpu.vector_store %arg8[%swap3A_490, %swap3A_491], %swap3A_494 {strides = array<i32>} : memref<200x128xf32, #tpu.memory_space<vmem>>, vector<1x16xf32>,
      %broadcast_in_dim3A_495 = arith.constant 0.000000e+00 : f32
      %broadcast_in_dim3A_496 = vector.broadcast %broadcast_in_dim3A_495 : f32 to vector<16xf32>
      %swap3A_497 = arith.index_cast %scan3A_454 : i32 to index
      %swap3A_498 = arith.constant 96 : index
      %swap3A_499 = tpu.vector_load %arg8[%swap3A_497, %swap3A_498] {strides = array<i32>} : memref<200x128xf32, #tpu.memory_space<vmem>>, vector<1x16xf32>,
      %swap3A_500 = vector.shape_cast %swap3A_499 : vector<1x16xf32> to vector<16xf32>
      %swap3A_501 = vector.shape_cast %broadcast_in_dim3A_496 : vector<16xf32> to vector<1x16xf32>
      tpu.vector_store %arg8[%swap3A_497, %swap3A_498], %swap3A_501 {strides = array<i32>} : memref<200x128xf32, #tpu.memory_space<vmem>>, vector<1x16xf32>,
      %broadcast_in_dim3A_502 = arith.constant 0.000000e+00 : f32
      %broadcast_in_dim3A_503 = vector.broadcast %broadcast_in_dim3A_502 : f32 to vector<16xf32>
      %swap3A_504 = arith.index_cast %scan3A_454 : i32 to index
      %swap3A_505 = arith.constant 112 : index
      %swap3A_506 = tpu.vector_load %arg8[%swap3A_504, %swap3A_505] {strides = array<i32>} : memref<200x128xf32, #tpu.memory_space<vmem>>, vector<1x16xf32>,
      %swap3A_507 = vector.shape_cast %swap3A_506 : vector<1x16xf32> to vector<16xf32>
      %swap3A_508 = vector.shape_cast %broadcast_in_dim3A_503 : vector<16xf32> to vector<1x16xf32>
      tpu.vector_store %arg8[%swap3A_504, %swap3A_505], %swap3A_508 {strides = array<i32>} : memref<200x128xf32, #tpu.memory_space<vmem>>, vector<1x16xf32>,
    }
    %scan3A_22 = arith.constant 40 : i32
    %dma_wait3A = arith.constant 0 : i32
    %dma_wait3A_23 = arith.constant 0 : i32
    %dma_wait3A_24 = tpu.memref_slice %arg4[%add3A, %dma_wait3A, %dma_wait3A_23] : memref<32x250x40xi32, #tpu.memory_space<hbm>> -> memref<1x250x40xi32, #tpu.memory_space<hbm>>
    %dma_wait3A_25 = tpu.memref_squeeze %dma_wait3A_24 : memref<1x250x40xi32, #tpu.memory_space<hbm>> -> memref<250x40xi32, #tpu.memory_space<hbm>>
    %dma_wait3A_26 = arith.constant 0 : i32
    %dma_wait3A_27 = arith.constant 0 : i32
    %dma_wait3A_28 = tpu.memref_slice %arg4[%add3A, %dma_wait3A_26, %dma_wait3A_27] : memref<32x250x40xi32, #tpu.memory_space<hbm>> -> memref<1x250x40xi32, #tpu.memory_space<hbm>>
    %dma_wait3A_29 = tpu.memref_squeeze %dma_wait3A_28 : memref<1x250x40xi32, #tpu.memory_space<hbm>> -> memref<250x40xi32, #tpu.memory_space<hbm>>
    tpu.wait_dma2 semaphore(%arg10 : memref<!tpu.dma_semaphore, #tpu.memory_space<semaphore_mem>>) src(%dma_wait3A_29 : memref<250x40xi32, #tpu.memory_space<hbm>>) dst(%arg6 : memref<250x40xi32, #tpu.memory_space<vmem>>)
    %dma_wait3A_30 = arith.constant 0 : i32
    %dma_wait3A_31 = arith.constant 0 : i32
    %dma_wait3A_32 = tpu.memref_slice %arg3[%add3A, %dma_wait3A_30, %dma_wait3A_31] : memref<32x250x40xi32, #tpu.memory_space<hbm>> -> memref<1x250x40xi32, #tpu.memory_space<hbm>>
    %dma_wait3A_33 = tpu.memref_squeeze %dma_wait3A_32 : memref<1x250x40xi32, #tpu.memory_space<hbm>> -> memref<250x40xi32, #tpu.memory_space<hbm>>
    %dma_wait3A_34 = arith.constant 0 : i32
    %dma_wait3A_35 = arith.constant 0 : i32
    %dma_wait3A_36 = tpu.memref_slice %arg3[%add3A, %dma_wait3A_34, %dma_wait3A_35] : memref<32x250x40xi32, #tpu.memory_space<hbm>> -> memref<1x250x40xi32, #tpu.memory_space<hbm>>
    %dma_wait3A_37 = tpu.memref_squeeze %dma_wait3A_36 : memref<1x250x40xi32, #tpu.memory_space<hbm>> -> memref<250x40xi32, #tpu.memory_space<hbm>>
    tpu.wait_dma2 semaphore(%arg10 : memref<!tpu.dma_semaphore, #tpu.memory_space<semaphore_mem>>) src(%dma_wait3A_37 : memref<250x40xi32, #tpu.memory_space<hbm>>) dst(%arg7 : memref<250x40xi32, #tpu.memory_space<vmem>>)
    %add3A_38 = arith.constant 0 : i32
    %add3A_39 = arith.addi %mul3A_2, %add3A_38 : i32
    %dma_start3A_40 = arith.constant 0 : i32
    %dma_start3A_41 = arith.constant 0 : i32
    %dma_start3A_42 = tpu.memref_slice %arg8[%dma_start3A_40, %dma_start3A_41] : memref<200x128xf32, #tpu.memory_space<vmem>> -> memref<40x128xf32, #tpu.memory_space<vmem>>
    %dma_start3A_43 = arith.constant 0 : i32
    %dma_start3A_44 = tpu.memref_slice %arg9[%add3A_39, %dma_start3A_43] : memref<10000x128xf32, #tpu.memory_space<vmem_shared>> -> memref<40x128xf32, #tpu.memory_space<vmem_shared>>
    %dma_start3A_45 = arith.constant 0 : i32
    %dma_start3A_46 = tpu.memref_slice %arg9[%add3A_39, %dma_start3A_45] : memref<10000x128xf32, #tpu.memory_space<vmem_shared>> -> memref<40x128xf32, #tpu.memory_space<vmem_shared>>
    %dma_start3A_47 = arith.constant 0 : i32
    %dma_start3A_48 = arith.constant 0 : i32
    %dma_start3A_49 = tpu.memref_slice %arg8[%dma_start3A_47, %dma_start3A_48] : memref<200x128xf32, #tpu.memory_space<vmem>> -> memref<40x128xf32, #tpu.memory_space<vmem>>
    tpu.enqueue_dma source(%dma_start3A_49 : memref<40x128xf32, #tpu.memory_space<vmem>>) target(%dma_start3A_46 : memref<40x128xf32, #tpu.memory_space<vmem_shared>>) target_semaphore(%arg10 : memref<!tpu.dma_semaphore, #tpu.memory_space<semaphore_mem>>)
    %add3A_50 = arith.constant 40 : i32
    %add3A_51 = arith.addi %mul3A_2, %add3A_50 : i32
    %dma_start3A_52 = arith.constant 0 : i32
    %dma_start3A_53 = arith.constant 0 : i32
    %dma_start3A_54 = tpu.memref_slice %arg8[%dma_start3A_52, %dma_start3A_53] : memref<200x128xf32, #tpu.memory_space<vmem>> -> memref<40x128xf32, #tpu.memory_space<vmem>>
    %dma_start3A_55 = arith.constant 0 : i32
    %dma_start3A_56 = tpu.memref_slice %arg9[%add3A_51, %dma_start3A_55] : memref<10000x128xf32, #tpu.memory_space<vmem_shared>> -> memref<40x128xf32, #tpu.memory_space<vmem_shared>>
    %dma_start3A_57 = arith.constant 0 : i32
    %dma_start3A_58 = tpu.memref_slice %arg9[%add3A_51, %dma_start3A_57] : memref<10000x128xf32, #tpu.memory_space<vmem_shared>> -> memref<40x128xf32, #tpu.memory_space<vmem_shared>>
    %dma_start3A_59 = arith.constant 0 : i32
    %dma_start3A_60 = arith.constant 0 : i32
    %dma_start3A_61 = tpu.memref_slice %arg8[%dma_start3A_59, %dma_start3A_60] : memref<200x128xf32, #tpu.memory_space<vmem>> -> memref<40x128xf32, #tpu.memory_space<vmem>>
    tpu.enqueue_dma source(%dma_start3A_61 : memref<40x128xf32, #tpu.memory_space<vmem>>) target(%dma_start3A_58 : memref<40x128xf32, #tpu.memory_space<vmem_shared>>) target_semaphore(%arg10 : memref<!tpu.dma_semaphore, #tpu.memory_space<semaphore_mem>>)
    %add3A_62 = arith.constant 80 : i32
    %add3A_63 = arith.addi %mul3A_2, %add3A_62 : i32
    %dma_start3A_64 = arith.constant 0 : i32
    %dma_start3A_65 = arith.constant 0 : i32
    %dma_start3A_66 = tpu.memref_slice %arg8[%dma_start3A_64, %dma_start3A_65] : memref<200x128xf32, #tpu.memory_space<vmem>> -> memref<40x128xf32, #tpu.memory_space<vmem>>
    %dma_start3A_67 = arith.constant 0 : i32
    %dma_start3A_68 = tpu.memref_slice %arg9[%add3A_63, %dma_start3A_67] : memref<10000x128xf32, #tpu.memory_space<vmem_shared>> -> memref<40x128xf32, #tpu.memory_space<vmem_shared>>
    %dma_start3A_69 = arith.constant 0 : i32
    %dma_start3A_70 = tpu.memref_slice %arg9[%add3A_63, %dma_start3A_69] : memref<10000x128xf32, #tpu.memory_space<vmem_shared>> -> memref<40x128xf32, #tpu.memory_space<vmem_shared>>
    %dma_start3A_71 = arith.constant 0 : i32
    %dma_start3A_72 = arith.constant 0 : i32
    %dma_start3A_73 = tpu.memref_slice %arg8[%dma_start3A_71, %dma_start3A_72] : memref<200x128xf32, #tpu.memory_space<vmem>> -> memref<40x128xf32, #tpu.memory_space<vmem>>
    tpu.enqueue_dma source(%dma_start3A_73 : memref<40x128xf32, #tpu.memory_space<vmem>>) target(%dma_start3A_70 : memref<40x128xf32, #tpu.memory_space<vmem_shared>>) target_semaphore(%arg10 : memref<!tpu.dma_semaphore, #tpu.memory_space<semaphore_mem>>)
    %add3A_74 = arith.constant 120 : i32
    %add3A_75 = arith.addi %mul3A_2, %add3A_74 : i32
    %dma_start3A_76 = arith.constant 0 : i32
    %dma_start3A_77 = arith.constant 0 : i32
    %dma_start3A_78 = tpu.memref_slice %arg8[%dma_start3A_76, %dma_start3A_77] : memref<200x128xf32, #tpu.memory_space<vmem>> -> memref<40x128xf32, #tpu.memory_space<vmem>>
    %dma_start3A_79 = arith.constant 0 : i32
    %dma_start3A_80 = tpu.memref_slice %arg9[%add3A_75, %dma_start3A_79] : memref<10000x128xf32, #tpu.memory_space<vmem_shared>> -> memref<40x128xf32, #tpu.memory_space<vmem_shared>>
    %dma_start3A_81 = arith.constant 0 : i32
    %dma_start3A_82 = tpu.memref_slice %arg9[%add3A_75, %dma_start3A_81] : memref<10000x128xf32, #tpu.memory_space<vmem_shared>> -> memref<40x128xf32, #tpu.memory_space<vmem_shared>>
    %dma_start3A_83 = arith.constant 0 : i32
    %dma_start3A_84 = arith.constant 0 : i32
    %dma_start3A_85 = tpu.memref_slice %arg8[%dma_start3A_83, %dma_start3A_84] : memref<200x128xf32, #tpu.memory_space<vmem>> -> memref<40x128xf32, #tpu.memory_space<vmem>>
    tpu.enqueue_dma source(%dma_start3A_85 : memref<40x128xf32, #tpu.memory_space<vmem>>) target(%dma_start3A_82 : memref<40x128xf32, #tpu.memory_space<vmem_shared>>) target_semaphore(%arg10 : memref<!tpu.dma_semaphore, #tpu.memory_space<semaphore_mem>>)
    %add3A_86 = arith.constant 160 : i32
    %add3A_87 = arith.addi %mul3A_2, %add3A_86 : i32
    %dma_start3A_88 = arith.constant 0 : i32
    %dma_start3A_89 = arith.constant 0 : i32
    %dma_start3A_90 = tpu.memref_slice %arg8[%dma_start3A_88, %dma_start3A_89] : memref<200x128xf32, #tpu.memory_space<vmem>> -> memref<40x128xf32, #tpu.memory_space<vmem>>
    %dma_start3A_91 = arith.constant 0 : i32
    %dma_start3A_92 = tpu.memref_slice %arg9[%add3A_87, %dma_start3A_91] : memref<10000x128xf32, #tpu.memory_space<vmem_shared>> -> memref<40x128xf32, #tpu.memory_space<vmem_shared>>
    %dma_start3A_93 = arith.constant 0 : i32
    %dma_start3A_94 = tpu.memref_slice %arg9[%add3A_87, %dma_start3A_93] : memref<10000x128xf32, #tpu.memory_space<vmem_shared>> -> memref<40x128xf32, #tpu.memory_space<vmem_shared>>
    %dma_start3A_95 = arith.constant 0 : i32
    %dma_start3A_96 = arith.constant 0 : i32
    %dma_start3A_97 = tpu.memref_slice %arg8[%dma_start3A_95, %dma_start3A_96] : memref<200x128xf32, #tpu.memory_space<vmem>> -> memref<40x128xf32, #tpu.memory_space<vmem>>
    tpu.enqueue_dma source(%dma_start3A_97 : memref<40x128xf32, #tpu.memory_space<vmem>>) target(%dma_start3A_94 : memref<40x128xf32, #tpu.memory_space<vmem_shared>>) target_semaphore(%arg10 : memref<!tpu.dma_semaphore, #tpu.memory_space<semaphore_mem>>)
    %add3A_98 = arith.constant 200 : i32
    %add3A_99 = arith.addi %mul3A_2, %add3A_98 : i32
    %dma_start3A_100 = arith.constant 0 : i32
    %dma_start3A_101 = arith.constant 0 : i32
    %dma_start3A_102 = tpu.memref_slice %arg8[%dma_start3A_100, %dma_start3A_101] : memref<200x128xf32, #tpu.memory_space<vmem>> -> memref<40x128xf32, #tpu.memory_space<vmem>>
    %dma_start3A_103 = arith.constant 0 : i32
    %dma_start3A_104 = tpu.memref_slice %arg9[%add3A_99, %dma_start3A_103] : memref<10000x128xf32, #tpu.memory_space<vmem_shared>> -> memref<40x128xf32, #tpu.memory_space<vmem_shared>>
    %dma_start3A_105 = arith.constant 0 : i32
    %dma_start3A_106 = tpu.memref_slice %arg9[%add3A_99, %dma_start3A_105] : memref<10000x128xf32, #tpu.memory_space<vmem_shared>> -> memref<40x128xf32, #tpu.memory_space<vmem_shared>>
    %dma_start3A_107 = arith.constant 0 : i32
    %dma_start3A_108 = arith.constant 0 : i32
    %dma_start3A_109 = tpu.memref_slice %arg8[%dma_start3A_107, %dma_start3A_108] : memref<200x128xf32, #tpu.memory_space<vmem>> -> memref<40x128xf32, #tpu.memory_space<vmem>>
    tpu.enqueue_dma source(%dma_start3A_109 : memref<40x128xf32, #tpu.memory_space<vmem>>) target(%dma_start3A_106 : memref<40x128xf32, #tpu.memory_space<vmem_shared>>) target_semaphore(%arg10 : memref<!tpu.dma_semaphore, #tpu.memory_space<semaphore_mem>>)
    %add3A_110 = arith.constant 240 : i32
    %add3A_111 = arith.addi %mul3A_2, %add3A_110 : i32
    %dma_start3A_112 = arith.constant 0 : i32
    %dma_start3A_113 = arith.constant 0 : i32
    %dma_start3A_114 = tpu.memref_slice %arg8[%dma_start3A_112, %dma_start3A_113] : memref<200x128xf32, #tpu.memory_space<vmem>> -> memref<40x128xf32, #tpu.memory_space<vmem>>
    %dma_start3A_115 = arith.constant 0 : i32
    %dma_start3A_116 = tpu.memref_slice %arg9[%add3A_111, %dma_start3A_115] : memref<10000x128xf32, #tpu.memory_space<vmem_shared>> -> memref<40x128xf32, #tpu.memory_space<vmem_shared>>
    %dma_start3A_117 = arith.constant 0 : i32
    %dma_start3A_118 = tpu.memref_slice %arg9[%add3A_111, %dma_start3A_117] : memref<10000x128xf32, #tpu.memory_space<vmem_shared>> -> memref<40x128xf32, #tpu.memory_space<vmem_shared>>
    %dma_start3A_119 = arith.constant 0 : i32
    %dma_start3A_120 = arith.constant 0 : i32
    %dma_start3A_121 = tpu.memref_slice %arg8[%dma_start3A_119, %dma_start3A_120] : memref<200x128xf32, #tpu.memory_space<vmem>> -> memref<40x128xf32, #tpu.memory_space<vmem>>
    tpu.enqueue_dma source(%dma_start3A_121 : memref<40x128xf32, #tpu.memory_space<vmem>>) target(%dma_start3A_118 : memref<40x128xf32, #tpu.memory_space<vmem_shared>>) target_semaphore(%arg10 : memref<!tpu.dma_semaphore, #tpu.memory_space<semaphore_mem>>)
    %add3A_122 = arith.constant 280 : i32
    %add3A_123 = arith.addi %mul3A_2, %add3A_122 : i32
    %dma_start3A_124 = arith.constant 0 : i32
    %dma_start3A_125 = arith.constant 0 : i32
    %dma_start3A_126 = tpu.memref_slice %arg8[%dma_start3A_124, %dma_start3A_125] : memref<200x128xf32, #tpu.memory_space<vmem>> -> memref<40x128xf32, #tpu.memory_space<vmem>>
    %dma_start3A_127 = arith.constant 0 : i32
    %dma_start3A_128 = tpu.memref_slice %arg9[%add3A_123, %dma_start3A_127] : memref<10000x128xf32, #tpu.memory_space<vmem_shared>> -> memref<40x128xf32, #tpu.memory_space<vmem_shared>>
    %dma_start3A_129 = arith.constant 0 : i32
    %dma_start3A_130 = tpu.memref_slice %arg9[%add3A_123, %dma_start3A_129] : memref<10000x128xf32, #tpu.memory_space<vmem_shared>> -> memref<40x128xf32, #tpu.memory_space<vmem_shared>>
    %dma_start3A_131 = arith.constant 0 : i32
    %dma_start3A_132 = arith.constant 0 : i32
    %dma_start3A_133 = tpu.memref_slice %arg8[%dma_start3A_131, %dma_start3A_132] : memref<200x128xf32, #tpu.memory_space<vmem>> -> memref<40x128xf32, #tpu.memory_space<vmem>>
    tpu.enqueue_dma source(%dma_start3A_133 : memref<40x128xf32, #tpu.memory_space<vmem>>) target(%dma_start3A_130 : memref<40x128xf32, #tpu.memory_space<vmem_shared>>) target_semaphore(%arg10 : memref<!tpu.dma_semaphore, #tpu.memory_space<semaphore_mem>>)
    %add3A_134 = arith.constant 320 : i32
    %add3A_135 = arith.addi %mul3A_2, %add3A_134 : i32
    %dma_start3A_136 = arith.constant 0 : i32
    %dma_start3A_137 = arith.constant 0 : i32
    %dma_start3A_138 = tpu.memref_slice %arg8[%dma_start3A_136, %dma_start3A_137] : memref<200x128xf32, #tpu.memory_space<vmem>> -> memref<40x128xf32, #tpu.memory_space<vmem>>
    %dma_start3A_139 = arith.constant 0 : i32
    %dma_start3A_140 = tpu.memref_slice %arg9[%add3A_135, %dma_start3A_139] : memref<10000x128xf32, #tpu.memory_space<vmem_shared>> -> memref<40x128xf32, #tpu.memory_space<vmem_shared>>
    %dma_start3A_141 = arith.constant 0 : i32
    %dma_start3A_142 = tpu.memref_slice %arg9[%add3A_135, %dma_start3A_141] : memref<10000x128xf32, #tpu.memory_space<vmem_shared>> -> memref<40x128xf32, #tpu.memory_space<vmem_shared>>
    %dma_start3A_143 = arith.constant 0 : i32
    %dma_start3A_144 = arith.constant 0 : i32
    %dma_start3A_145 = tpu.memref_slice %arg8[%dma_start3A_143, %dma_start3A_144] : memref<200x128xf32, #tpu.memory_space<vmem>> -> memref<40x128xf32, #tpu.memory_space<vmem>>
    tpu.enqueue_dma source(%dma_start3A_145 : memref<40x128xf32, #tpu.memory_space<vmem>>) target(%dma_start3A_142 : memref<40x128xf32, #tpu.memory_space<vmem_shared>>) target_semaphore(%arg10 : memref<!tpu.dma_semaphore, #tpu.memory_space<semaphore_mem>>)
    %add3A_146 = arith.constant 360 : i32
    %add3A_147 = arith.addi %mul3A_2, %add3A_146 : i32
    %dma_start3A_148 = arith.constant 0 : i32
    %dma_start3A_149 = arith.constant 0 : i32
    %dma_start3A_150 = tpu.memref_slice %arg8[%dma_start3A_148, %dma_start3A_149] : memref<200x128xf32, #tpu.memory_space<vmem>> -> memref<40x128xf32, #tpu.memory_space<vmem>>
    %dma_start3A_151 = arith.constant 0 : i32
    %dma_start3A_152 = tpu.memref_slice %arg9[%add3A_147, %dma_start3A_151] : memref<10000x128xf32, #tpu.memory_space<vmem_shared>> -> memref<40x128xf32, #tpu.memory_space<vmem_shared>>
    %dma_start3A_153 = arith.constant 0 : i32
    %dma_start3A_154 = tpu.memref_slice %arg9[%add3A_147, %dma_start3A_153] : memref<10000x128xf32, #tpu.memory_space<vmem_shared>> -> memref<40x128xf32, #tpu.memory_space<vmem_shared>>
    %dma_start3A_155 = arith.constant 0 : i32
    %dma_start3A_156 = arith.constant 0 : i32
    %dma_start3A_157 = tpu.memref_slice %arg8[%dma_start3A_155, %dma_start3A_156] : memref<200x128xf32, #tpu.memory_space<vmem>> -> memref<40x128xf32, #tpu.memory_space<vmem>>
    tpu.enqueue_dma source(%dma_start3A_157 : memref<40x128xf32, #tpu.memory_space<vmem>>) target(%dma_start3A_154 : memref<40x128xf32, #tpu.memory_space<vmem_shared>>) target_semaphore(%arg10 : memref<!tpu.dma_semaphore, #tpu.memory_space<semaphore_mem>>)
    %add3A_158 = arith.constant 400 : i32
    %add3A_159 = arith.addi %mul3A_2, %add3A_158 : i32
    %dma_start3A_160 = arith.constant 0 : i32
    %dma_start3A_161 = arith.constant 0 : i32
    %dma_start3A_162 = tpu.memref_slice %arg8[%dma_start3A_160, %dma_start3A_161] : memref<200x128xf32, #tpu.memory_space<vmem>> -> memref<40x128xf32, #tpu.memory_space<vmem>>
    %dma_start3A_163 = arith.constant 0 : i32
    %dma_start3A_164 = tpu.memref_slice %arg9[%add3A_159, %dma_start3A_163] : memref<10000x128xf32, #tpu.memory_space<vmem_shared>> -> memref<40x128xf32, #tpu.memory_space<vmem_shared>>
    %dma_start3A_165 = arith.constant 0 : i32
    %dma_start3A_166 = tpu.memref_slice %arg9[%add3A_159, %dma_start3A_165] : memref<10000x128xf32, #tpu.memory_space<vmem_shared>> -> memref<40x128xf32, #tpu.memory_space<vmem_shared>>
    %dma_start3A_167 = arith.constant 0 : i32
    %dma_start3A_168 = arith.constant 0 : i32
    %dma_start3A_169 = tpu.memref_slice %arg8[%dma_start3A_167, %dma_start3A_168] : memref<200x128xf32, #tpu.memory_space<vmem>> -> memref<40x128xf32, #tpu.memory_space<vmem>>
    tpu.enqueue_dma source(%dma_start3A_169 : memref<40x128xf32, #tpu.memory_space<vmem>>) target(%dma_start3A_166 : memref<40x128xf32, #tpu.memory_space<vmem_shared>>) target_semaphore(%arg10 : memref<!tpu.dma_semaphore, #tpu.memory_space<semaphore_mem>>)
    %add3A_170 = arith.constant 440 : i32
    %add3A_171 = arith.addi %mul3A_2, %add3A_170 : i32
    %dma_start3A_172 = arith.constant 0 : i32
    %dma_start3A_173 = arith.constant 0 : i32
    %dma_start3A_174 = tpu.memref_slice %arg8[%dma_start3A_172, %dma_start3A_173] : memref<200x128xf32, #tpu.memory_space<vmem>> -> memref<40x128xf32, #tpu.memory_space<vmem>>
    %dma_start3A_175 = arith.constant 0 : i32
    %dma_start3A_176 = tpu.memref_slice %arg9[%add3A_171, %dma_start3A_175] : memref<10000x128xf32, #tpu.memory_space<vmem_shared>> -> memref<40x128xf32, #tpu.memory_space<vmem_shared>>
    %dma_start3A_177 = arith.constant 0 : i32
    %dma_start3A_178 = tpu.memref_slice %arg9[%add3A_171, %dma_start3A_177] : memref<10000x128xf32, #tpu.memory_space<vmem_shared>> -> memref<40x128xf32, #tpu.memory_space<vmem_shared>>
    %dma_start3A_179 = arith.constant 0 : i32
    %dma_start3A_180 = arith.constant 0 : i32
    %dma_start3A_181 = tpu.memref_slice %arg8[%dma_start3A_179, %dma_start3A_180] : memref<200x128xf32, #tpu.memory_space<vmem>> -> memref<40x128xf32, #tpu.memory_space<vmem>>
    tpu.enqueue_dma source(%dma_start3A_181 : memref<40x128xf32, #tpu.memory_space<vmem>>) target(%dma_start3A_178 : memref<40x128xf32, #tpu.memory_space<vmem_shared>>) target_semaphore(%arg10 : memref<!tpu.dma_semaphore, #tpu.memory_space<semaphore_mem>>)
    %add3A_182 = arith.constant 480 : i32
    %add3A_183 = arith.addi %mul3A_2, %add3A_182 : i32
    %dma_start3A_184 = arith.constant 0 : i32
    %dma_start3A_185 = arith.constant 0 : i32
    %dma_start3A_186 = tpu.memref_slice %arg8[%dma_start3A_184, %dma_start3A_185] : memref<200x128xf32, #tpu.memory_space<vmem>> -> memref<40x128xf32, #tpu.memory_space<vmem>>
    %dma_start3A_187 = arith.constant 0 : i32
    %dma_start3A_188 = tpu.memref_slice %arg9[%add3A_183, %dma_start3A_187] : memref<10000x128xf32, #tpu.memory_space<vmem_shared>> -> memref<40x128xf32, #tpu.memory_space<vmem_shared>>
    %dma_start3A_189 = arith.constant 0 : i32
    %dma_start3A_190 = tpu.memref_slice %arg9[%add3A_183, %dma_start3A_189] : memref<10000x128xf32, #tpu.memory_space<vmem_shared>> -> memref<40x128xf32, #tpu.memory_space<vmem_shared>>
    %dma_start3A_191 = arith.constant 0 : i32
    %dma_start3A_192 = arith.constant 0 : i32
    %dma_start3A_193 = tpu.memref_slice %arg8[%dma_start3A_191, %dma_start3A_192] : memref<200x128xf32, #tpu.memory_space<vmem>> -> memref<40x128xf32, #tpu.memory_space<vmem>>
    tpu.enqueue_dma source(%dma_start3A_193 : memref<40x128xf32, #tpu.memory_space<vmem>>) target(%dma_start3A_190 : memref<40x128xf32, #tpu.memory_space<vmem_shared>>) target_semaphore(%arg10 : memref<!tpu.dma_semaphore, #tpu.memory_space<semaphore_mem>>)
    %add3A_194 = arith.constant 520 : i32
    %add3A_195 = arith.addi %mul3A_2, %add3A_194 : i32
    %dma_start3A_196 = arith.constant 0 : i32
    %dma_start3A_197 = arith.constant 0 : i32
    %dma_start3A_198 = tpu.memref_slice %arg8[%dma_start3A_196, %dma_start3A_197] : memref<200x128xf32, #tpu.memory_space<vmem>> -> memref<40x128xf32, #tpu.memory_space<vmem>>
    %dma_start3A_199 = arith.constant 0 : i32
    %dma_start3A_200 = tpu.memref_slice %arg9[%add3A_195, %dma_start3A_199] : memref<10000x128xf32, #tpu.memory_space<vmem_shared>> -> memref<40x128xf32, #tpu.memory_space<vmem_shared>>
    %dma_start3A_201 = arith.constant 0 : i32
    %dma_start3A_202 = tpu.memref_slice %arg9[%add3A_195, %dma_start3A_201] : memref<10000x128xf32, #tpu.memory_space<vmem_shared>> -> memref<40x128xf32, #tpu.memory_space<vmem_shared>>
    %dma_start3A_203 = arith.constant 0 : i32
    %dma_start3A_204 = arith.constant 0 : i32
    %dma_start3A_205 = tpu.memref_slice %arg8[%dma_start3A_203, %dma_start3A_204] : memref<200x128xf32, #tpu.memory_space<vmem>> -> memref<40x128xf32, #tpu.memory_space<vmem>>
    tpu.enqueue_dma source(%dma_start3A_205 : memref<40x128xf32, #tpu.memory_space<vmem>>) target(%dma_start3A_202 : memref<40x128xf32, #tpu.memory_space<vmem_shared>>) target_semaphore(%arg10 : memref<!tpu.dma_semaphore, #tpu.memory_space<semaphore_mem>>)
    %add3A_206 = arith.constant 560 : i32
    %add3A_207 = arith.addi %mul3A_2, %add3A_206 : i32
    %dma_start3A_208 = arith.constant 0 : i32
    %dma_start3A_209 = arith.constant 0 : i32
    %dma_start3A_210 = tpu.memref_slice %arg8[%dma_start3A_208, %dma_start3A_209] : memref<200x128xf32, #tpu.memory_space<vmem>> -> memref<40x128xf32, #tpu.memory_space<vmem>>
    %dma_start3A_211 = arith.constant 0 : i32
    %dma_start3A_212 = tpu.memref_slice %arg9[%add3A_207, %dma_start3A_211] : memref<10000x128xf32, #tpu.memory_space<vmem_shared>> -> memref<40x128xf32, #tpu.memory_space<vmem_shared>>
    %dma_start3A_213 = arith.constant 0 : i32
    %dma_start3A_214 = tpu.memref_slice %arg9[%add3A_207, %dma_start3A_213] : memref<10000x128xf32, #tpu.memory_space<vmem_shared>> -> memref<40x128xf32, #tpu.memory_space<vmem_shared>>
    %dma_start3A_215 = arith.constant 0 : i32
    %dma_start3A_216 = arith.constant 0 : i32
    %dma_start3A_217 = tpu.memref_slice %arg8[%dma_start3A_215, %dma_start3A_216] : memref<200x128xf32, #tpu.memory_space<vmem>> -> memref<40x128xf32, #tpu.memory_space<vmem>>
    tpu.enqueue_dma source(%dma_start3A_217 : memref<40x128xf32, #tpu.memory_space<vmem>>) target(%dma_start3A_214 : memref<40x128xf32, #tpu.memory_space<vmem_shared>>) target_semaphore(%arg10 : memref<!tpu.dma_semaphore, #tpu.memory_space<semaphore_mem>>)
    %add3A_218 = arith.constant 600 : i32
    %add3A_219 = arith.addi %mul3A_2, %add3A_218 : i32
    %dma_start3A_220 = arith.constant 0 : i32
    %dma_start3A_221 = arith.constant 0 : i32
    %dma_start3A_222 = tpu.memref_slice %arg8[%dma_start3A_220, %dma_start3A_221] : memref<200x128xf32, #tpu.memory_space<vmem>> -> memref<24x128xf32, #tpu.memory_space<vmem>>
    %dma_start3A_223 = arith.constant 0 : i32
    %dma_start3A_224 = tpu.memref_slice %arg9[%add3A_219, %dma_start3A_223] : memref<10000x128xf32, #tpu.memory_space<vmem_shared>> -> memref<24x128xf32, #tpu.memory_space<vmem_shared>>
    %dma_start3A_225 = arith.constant 0 : i32
    %dma_start3A_226 = tpu.memref_slice %arg9[%add3A_219, %dma_start3A_225] : memref<10000x128xf32, #tpu.memory_space<vmem_shared>> -> memref<24x128xf32, #tpu.memory_space<vmem_shared>>
    %dma_start3A_227 = arith.constant 0 : i32
    %dma_start3A_228 = arith.constant 0 : i32
    %dma_start3A_229 = tpu.memref_slice %arg8[%dma_start3A_227, %dma_start3A_228] : memref<200x128xf32, #tpu.memory_space<vmem>> -> memref<24x128xf32, #tpu.memory_space<vmem>>
    tpu.enqueue_dma source(%dma_start3A_229 : memref<24x128xf32, #tpu.memory_space<vmem>>) target(%dma_start3A_226 : memref<24x128xf32, #tpu.memory_space<vmem_shared>>) target_semaphore(%arg10 : memref<!tpu.dma_semaphore, #tpu.memory_space<semaphore_mem>>)
    %dma_wait3A_230 = arith.constant 0 : i32
    %dma_wait3A_231 = arith.constant 0 : i32
    %dma_wait3A_232 = tpu.memref_slice %arg8[%dma_wait3A_230, %dma_wait3A_231] : memref<200x128xf32, #tpu.memory_space<vmem>> -> memref<40x128xf32, #tpu.memory_space<vmem>>
    %dma_wait3A_233 = arith.constant 0 : i32
    %dma_wait3A_234 = tpu.memref_slice %arg9[%add3A_39, %dma_wait3A_233] : memref<10000x128xf32, #tpu.memory_space<vmem_shared>> -> memref<40x128xf32, #tpu.memory_space<vmem_shared>>
    %dma_wait3A_235 = arith.constant 0 : i32
    %dma_wait3A_236 = tpu.memref_slice %arg9[%add3A_39, %dma_wait3A_235] : memref<10000x128xf32, #tpu.memory_space<vmem_shared>> -> memref<40x128xf32, #tpu.memory_space<vmem_shared>>
    %dma_wait3A_237 = arith.constant 0 : i32
    %dma_wait3A_238 = arith.constant 0 : i32
    %dma_wait3A_239 = tpu.memref_slice %arg8[%dma_wait3A_237, %dma_wait3A_238] : memref<200x128xf32, #tpu.memory_space<vmem>> -> memref<40x128xf32, #tpu.memory_space<vmem>>
    tpu.wait_dma2 semaphore(%arg10 : memref<!tpu.dma_semaphore, #tpu.memory_space<semaphore_mem>>) src(%dma_wait3A_239 : memref<40x128xf32, #tpu.memory_space<vmem>>) dst(%dma_wait3A_236 : memref<40x128xf32, #tpu.memory_space<vmem_shared>>)
    %dma_wait3A_240 = arith.constant 0 : i32
    %dma_wait3A_241 = arith.constant 0 : i32
    %dma_wait3A_242 = tpu.memref_slice %arg8[%dma_wait3A_240, %dma_wait3A_241] : memref<200x128xf32, #tpu.memory_space<vmem>> -> memref<40x128xf32, #tpu.memory_space<vmem>>
    %dma_wait3A_243 = arith.constant 0 : i32
    %dma_wait3A_244 = tpu.memref_slice %arg9[%add3A_51, %dma_wait3A_243] : memref<10000x128xf32, #tpu.memory_space<vmem_shared>> -> memref<40x128xf32, #tpu.memory_space<vmem_shared>>
    %dma_wait3A_245 = arith.constant 0 : i32
    %dma_wait3A_246 = tpu.memref_slice %arg9[%add3A_51, %dma_wait3A_245] : memref<10000x128xf32, #tpu.memory_space<vmem_shared>> -> memref<40x128xf32, #tpu.memory_space<vmem_shared>>
    %dma_wait3A_247 = arith.constant 0 : i32
    %dma_wait3A_248 = arith.constant 0 : i32
    %dma_wait3A_249 = tpu.memref_slice %arg8[%dma_wait3A_247, %dma_wait3A_248] : memref<200x128xf32, #tpu.memory_space<vmem>> -> memref<40x128xf32, #tpu.memory_space<vmem>>
    tpu.wait_dma2 semaphore(%arg10 : memref<!tpu.dma_semaphore, #tpu.memory_space<semaphore_mem>>) src(%dma_wait3A_249 : memref<40x128xf32, #tpu.memory_space<vmem>>) dst(%dma_wait3A_246 : memref<40x128xf32, #tpu.memory_space<vmem_shared>>)
    %dma_wait3A_250 = arith.constant 0 : i32
    %dma_wait3A_251 = arith.constant 0 : i32
    %dma_wait3A_252 = tpu.memref_slice %arg8[%dma_wait3A_250, %dma_wait3A_251] : memref<200x128xf32, #tpu.memory_space<vmem>> -> memref<40x128xf32, #tpu.memory_space<vmem>>
    %dma_wait3A_253 = arith.constant 0 : i32
    %dma_wait3A_254 = tpu.memref_slice %arg9[%add3A_63, %dma_wait3A_253] : memref<10000x128xf32, #tpu.memory_space<vmem_shared>> -> memref<40x128xf32, #tpu.memory_space<vmem_shared>>
    %dma_wait3A_255 = arith.constant 0 : i32
    %dma_wait3A_256 = tpu.memref_slice %arg9[%add3A_63, %dma_wait3A_255] : memref<10000x128xf32, #tpu.memory_space<vmem_shared>> -> memref<40x128xf32, #tpu.memory_space<vmem_shared>>
    %dma_wait3A_257 = arith.constant 0 : i32
    %dma_wait3A_258 = arith.constant 0 : i32
    %dma_wait3A_259 = tpu.memref_slice %arg8[%dma_wait3A_257, %dma_wait3A_258] : memref<200x128xf32, #tpu.memory_space<vmem>> -> memref<40x128xf32, #tpu.memory_space<vmem>>
    tpu.wait_dma2 semaphore(%arg10 : memref<!tpu.dma_semaphore, #tpu.memory_space<semaphore_mem>>) src(%dma_wait3A_259 : memref<40x128xf32, #tpu.memory_space<vmem>>) dst(%dma_wait3A_256 : memref<40x128xf32, #tpu.memory_space<vmem_shared>>)
    %dma_wait3A_260 = arith.constant 0 : i32
    %dma_wait3A_261 = arith.constant 0 : i32
    %dma_wait3A_262 = tpu.memref_slice %arg8[%dma_wait3A_260, %dma_wait3A_261] : memref<200x128xf32, #tpu.memory_space<vmem>> -> memref<40x128xf32, #tpu.memory_space<vmem>>
    %dma_wait3A_263 = arith.constant 0 : i32
    %dma_wait3A_264 = tpu.memref_slice %arg9[%add3A_75, %dma_wait3A_263] : memref<10000x128xf32, #tpu.memory_space<vmem_shared>> -> memref<40x128xf32, #tpu.memory_space<vmem_shared>>
    %dma_wait3A_265 = arith.constant 0 : i32
    %dma_wait3A_266 = tpu.memref_slice %arg9[%add3A_75, %dma_wait3A_265] : memref<10000x128xf32, #tpu.memory_space<vmem_shared>> -> memref<40x128xf32, #tpu.memory_space<vmem_shared>>
    %dma_wait3A_267 = arith.constant 0 : i32
    %dma_wait3A_268 = arith.constant 0 : i32
    %dma_wait3A_269 = tpu.memref_slice %arg8[%dma_wait3A_267, %dma_wait3A_268] : memref<200x128xf32, #tpu.memory_space<vmem>> -> memref<40x128xf32, #tpu.memory_space<vmem>>
    tpu.wait_dma2 semaphore(%arg10 : memref<!tpu.dma_semaphore, #tpu.memory_space<semaphore_mem>>) src(%dma_wait3A_269 : memref<40x128xf32, #tpu.memory_space<vmem>>) dst(%dma_wait3A_266 : memref<40x128xf32, #tpu.memory_space<vmem_shared>>)
    %dma_wait3A_270 = arith.constant 0 : i32
    %dma_wait3A_271 = arith.constant 0 : i32
    %dma_wait3A_272 = tpu.memref_slice %arg8[%dma_wait3A_270, %dma_wait3A_271] : memref<200x128xf32, #tpu.memory_space<vmem>> -> memref<40x128xf32, #tpu.memory_space<vmem>>
    %dma_wait3A_273 = arith.constant 0 : i32
    %dma_wait3A_274 = tpu.memref_slice %arg9[%add3A_87, %dma_wait3A_273] : memref<10000x128xf32, #tpu.memory_space<vmem_shared>> -> memref<40x128xf32, #tpu.memory_space<vmem_shared>>
    %dma_wait3A_275 = arith.constant 0 : i32
    %dma_wait3A_276 = tpu.memref_slice %arg9[%add3A_87, %dma_wait3A_275] : memref<10000x128xf32, #tpu.memory_space<vmem_shared>> -> memref<40x128xf32, #tpu.memory_space<vmem_shared>>
    %dma_wait3A_277 = arith.constant 0 : i32
    %dma_wait3A_278 = arith.constant 0 : i32
    %dma_wait3A_279 = tpu.memref_slice %arg8[%dma_wait3A_277, %dma_wait3A_278] : memref<200x128xf32, #tpu.memory_space<vmem>> -> memref<40x128xf32, #tpu.memory_space<vmem>>
    tpu.wait_dma2 semaphore(%arg10 : memref<!tpu.dma_semaphore, #tpu.memory_space<semaphore_mem>>) src(%dma_wait3A_279 : memref<40x128xf32, #tpu.memory_space<vmem>>) dst(%dma_wait3A_276 : memref<40x128xf32, #tpu.memory_space<vmem_shared>>)
    %dma_wait3A_280 = arith.constant 0 : i32
    %dma_wait3A_281 = arith.constant 0 : i32
    %dma_wait3A_282 = tpu.memref_slice %arg8[%dma_wait3A_280, %dma_wait3A_281] : memref<200x128xf32, #tpu.memory_space<vmem>> -> memref<40x128xf32, #tpu.memory_space<vmem>>
    %dma_wait3A_283 = arith.constant 0 : i32
    %dma_wait3A_284 = tpu.memref_slice %arg9[%add3A_99, %dma_wait3A_283] : memref<10000x128xf32, #tpu.memory_space<vmem_shared>> -> memref<40x128xf32, #tpu.memory_space<vmem_shared>>
    %dma_wait3A_285 = arith.constant 0 : i32
    %dma_wait3A_286 = tpu.memref_slice %arg9[%add3A_99, %dma_wait3A_285] : memref<10000x128xf32, #tpu.memory_space<vmem_shared>> -> memref<40x128xf32, #tpu.memory_space<vmem_shared>>
    %dma_wait3A_287 = arith.constant 0 : i32
    %dma_wait3A_288 = arith.constant 0 : i32
    %dma_wait3A_289 = tpu.memref_slice %arg8[%dma_wait3A_287, %dma_wait3A_288] : memref<200x128xf32, #tpu.memory_space<vmem>> -> memref<40x128xf32, #tpu.memory_space<vmem>>
    tpu.wait_dma2 semaphore(%arg10 : memref<!tpu.dma_semaphore, #tpu.memory_space<semaphore_mem>>) src(%dma_wait3A_289 : memref<40x128xf32, #tpu.memory_space<vmem>>) dst(%dma_wait3A_286 : memref<40x128xf32, #tpu.memory_space<vmem_shared>>)
    %dma_wait3A_290 = arith.constant 0 : i32
    %dma_wait3A_291 = arith.constant 0 : i32
    %dma_wait3A_292 = tpu.memref_slice %arg8[%dma_wait3A_290, %dma_wait3A_291] : memref<200x128xf32, #tpu.memory_space<vmem>> -> memref<40x128xf32, #tpu.memory_space<vmem>>
    %dma_wait3A_293 = arith.constant 0 : i32
    %dma_wait3A_294 = tpu.memref_slice %arg9[%add3A_111, %dma_wait3A_293] : memref<10000x128xf32, #tpu.memory_space<vmem_shared>> -> memref<40x128xf32, #tpu.memory_space<vmem_shared>>
    %dma_wait3A_295 = arith.constant 0 : i32
    %dma_wait3A_296 = tpu.memref_slice %arg9[%add3A_111, %dma_wait3A_295] : memref<10000x128xf32, #tpu.memory_space<vmem_shared>> -> memref<40x128xf32, #tpu.memory_space<vmem_shared>>
    %dma_wait3A_297 = arith.constant 0 : i32
    %dma_wait3A_298 = arith.constant 0 : i32
    %dma_wait3A_299 = tpu.memref_slice %arg8[%dma_wait3A_297, %dma_wait3A_298] : memref<200x128xf32, #tpu.memory_space<vmem>> -> memref<40x128xf32, #tpu.memory_space<vmem>>
    tpu.wait_dma2 semaphore(%arg10 : memref<!tpu.dma_semaphore, #tpu.memory_space<semaphore_mem>>) src(%dma_wait3A_299 : memref<40x128xf32, #tpu.memory_space<vmem>>) dst(%dma_wait3A_296 : memref<40x128xf32, #tpu.memory_space<vmem_shared>>)
    %dma_wait3A_300 = arith.constant 0 : i32
    %dma_wait3A_301 = arith.constant 0 : i32
    %dma_wait3A_302 = tpu.memref_slice %arg8[%dma_wait3A_300, %dma_wait3A_301] : memref<200x128xf32, #tpu.memory_space<vmem>> -> memref<40x128xf32, #tpu.memory_space<vmem>>
    %dma_wait3A_303 = arith.constant 0 : i32
    %dma_wait3A_304 = tpu.memref_slice %arg9[%add3A_123, %dma_wait3A_303] : memref<10000x128xf32, #tpu.memory_space<vmem_shared>> -> memref<40x128xf32, #tpu.memory_space<vmem_shared>>
    %dma_wait3A_305 = arith.constant 0 : i32
    %dma_wait3A_306 = tpu.memref_slice %arg9[%add3A_123, %dma_wait3A_305] : memref<10000x128xf32, #tpu.memory_space<vmem_shared>> -> memref<40x128xf32, #tpu.memory_space<vmem_shared>>
    %dma_wait3A_307 = arith.constant 0 : i32
    %dma_wait3A_308 = arith.constant 0 : i32
    %dma_wait3A_309 = tpu.memref_slice %arg8[%dma_wait3A_307, %dma_wait3A_308] : memref<200x128xf32, #tpu.memory_space<vmem>> -> memref<40x128xf32, #tpu.memory_space<vmem>>
    tpu.wait_dma2 semaphore(%arg10 : memref<!tpu.dma_semaphore, #tpu.memory_space<semaphore_mem>>) src(%dma_wait3A_309 : memref<40x128xf32, #tpu.memory_space<vmem>>) dst(%dma_wait3A_306 : memref<40x128xf32, #tpu.memory_space<vmem_shared>>)
    %dma_wait3A_310 = arith.constant 0 : i32
    %dma_wait3A_311 = arith.constant 0 : i32
    %dma_wait3A_312 = tpu.memref_slice %arg8[%dma_wait3A_310, %dma_wait3A_311] : memref<200x128xf32, #tpu.memory_space<vmem>> -> memref<40x128xf32, #tpu.memory_space<vmem>>
    %dma_wait3A_313 = arith.constant 0 : i32
    %dma_wait3A_314 = tpu.memref_slice %arg9[%add3A_135, %dma_wait3A_313] : memref<10000x128xf32, #tpu.memory_space<vmem_shared>> -> memref<40x128xf32, #tpu.memory_space<vmem_shared>>
    %dma_wait3A_315 = arith.constant 0 : i32
    %dma_wait3A_316 = tpu.memref_slice %arg9[%add3A_135, %dma_wait3A_315] : memref<10000x128xf32, #tpu.memory_space<vmem_shared>> -> memref<40x128xf32, #tpu.memory_space<vmem_shared>>
    %dma_wait3A_317 = arith.constant 0 : i32
    %dma_wait3A_318 = arith.constant 0 : i32
    %dma_wait3A_319 = tpu.memref_slice %arg8[%dma_wait3A_317, %dma_wait3A_318] : memref<200x128xf32, #tpu.memory_space<vmem>> -> memref<40x128xf32, #tpu.memory_space<vmem>>
    tpu.wait_dma2 semaphore(%arg10 : memref<!tpu.dma_semaphore, #tpu.memory_space<semaphore_mem>>) src(%dma_wait3A_319 : memref<40x128xf32, #tpu.memory_space<vmem>>) dst(%dma_wait3A_316 : memref<40x128xf32, #tpu.memory_space<vmem_shared>>)
    %dma_wait3A_320 = arith.constant 0 : i32
    %dma_wait3A_321 = arith.constant 0 : i32
    %dma_wait3A_322 = tpu.memref_slice %arg8[%dma_wait3A_320, %dma_wait3A_321] : memref<200x128xf32, #tpu.memory_space<vmem>> -> memref<40x128xf32, #tpu.memory_space<vmem>>
    %dma_wait3A_323 = arith.constant 0 : i32
    %dma_wait3A_324 = tpu.memref_slice %arg9[%add3A_147, %dma_wait3A_323] : memref<10000x128xf32, #tpu.memory_space<vmem_shared>> -> memref<40x128xf32, #tpu.memory_space<vmem_shared>>
    %dma_wait3A_325 = arith.constant 0 : i32
    %dma_wait3A_326 = tpu.memref_slice %arg9[%add3A_147, %dma_wait3A_325] : memref<10000x128xf32, #tpu.memory_space<vmem_shared>> -> memref<40x128xf32, #tpu.memory_space<vmem_shared>>
    %dma_wait3A_327 = arith.constant 0 : i32
    %dma_wait3A_328 = arith.constant 0 : i32
    %dma_wait3A_329 = tpu.memref_slice %arg8[%dma_wait3A_327, %dma_wait3A_328] : memref<200x128xf32, #tpu.memory_space<vmem>> -> memref<40x128xf32, #tpu.memory_space<vmem>>
    tpu.wait_dma2 semaphore(%arg10 : memref<!tpu.dma_semaphore, #tpu.memory_space<semaphore_mem>>) src(%dma_wait3A_329 : memref<40x128xf32, #tpu.memory_space<vmem>>) dst(%dma_wait3A_326 : memref<40x128xf32, #tpu.memory_space<vmem_shared>>)
    %dma_wait3A_330 = arith.constant 0 : i32
    %dma_wait3A_331 = arith.constant 0 : i32
    %dma_wait3A_332 = tpu.memref_slice %arg8[%dma_wait3A_330, %dma_wait3A_331] : memref<200x128xf32, #tpu.memory_space<vmem>> -> memref<40x128xf32, #tpu.memory_space<vmem>>
    %dma_wait3A_333 = arith.constant 0 : i32
    %dma_wait3A_334 = tpu.memref_slice %arg9[%add3A_159, %dma_wait3A_333] : memref<10000x128xf32, #tpu.memory_space<vmem_shared>> -> memref<40x128xf32, #tpu.memory_space<vmem_shared>>
    %dma_wait3A_335 = arith.constant 0 : i32
    %dma_wait3A_336 = tpu.memref_slice %arg9[%add3A_159, %dma_wait3A_335] : memref<10000x128xf32, #tpu.memory_space<vmem_shared>> -> memref<40x128xf32, #tpu.memory_space<vmem_shared>>
    %dma_wait3A_337 = arith.constant 0 : i32
    %dma_wait3A_338 = arith.constant 0 : i32
    %dma_wait3A_339 = tpu.memref_slice %arg8[%dma_wait3A_337, %dma_wait3A_338] : memref<200x128xf32, #tpu.memory_space<vmem>> -> memref<40x128xf32, #tpu.memory_space<vmem>>
    tpu.wait_dma2 semaphore(%arg10 : memref<!tpu.dma_semaphore, #tpu.memory_space<semaphore_mem>>) src(%dma_wait3A_339 : memref<40x128xf32, #tpu.memory_space<vmem>>) dst(%dma_wait3A_336 : memref<40x128xf32, #tpu.memory_space<vmem_shared>>)
    %dma_wait3A_340 = arith.constant 0 : i32
    %dma_wait3A_341 = arith.constant 0 : i32
    %dma_wait3A_342 = tpu.memref_slice %arg8[%dma_wait3A_340, %dma_wait3A_341] : memref<200x128xf32, #tpu.memory_space<vmem>> -> memref<40x128xf32, #tpu.memory_space<vmem>>
    %dma_wait3A_343 = arith.constant 0 : i32
    %dma_wait3A_344 = tpu.memref_slice %arg9[%add3A_171, %dma_wait3A_343] : memref<10000x128xf32, #tpu.memory_space<vmem_shared>> -> memref<40x128xf32, #tpu.memory_space<vmem_shared>>
    %dma_wait3A_345 = arith.constant 0 : i32
    %dma_wait3A_346 = tpu.memref_slice %arg9[%add3A_171, %dma_wait3A_345] : memref<10000x128xf32, #tpu.memory_space<vmem_shared>> -> memref<40x128xf32, #tpu.memory_space<vmem_shared>>
    %dma_wait3A_347 = arith.constant 0 : i32
    %dma_wait3A_348 = arith.constant 0 : i32
    %dma_wait3A_349 = tpu.memref_slice %arg8[%dma_wait3A_347, %dma_wait3A_348] : memref<200x128xf32, #tpu.memory_space<vmem>> -> memref<40x128xf32, #tpu.memory_space<vmem>>
    tpu.wait_dma2 semaphore(%arg10 : memref<!tpu.dma_semaphore, #tpu.memory_space<semaphore_mem>>) src(%dma_wait3A_349 : memref<40x128xf32, #tpu.memory_space<vmem>>) dst(%dma_wait3A_346 : memref<40x128xf32, #tpu.memory_space<vmem_shared>>)
    %dma_wait3A_350 = arith.constant 0 : i32
    %dma_wait3A_351 = arith.constant 0 : i32
    %dma_wait3A_352 = tpu.memref_slice %arg8[%dma_wait3A_350, %dma_wait3A_351] : memref<200x128xf32, #tpu.memory_space<vmem>> -> memref<40x128xf32, #tpu.memory_space<vmem>>
    %dma_wait3A_353 = arith.constant 0 : i32
    %dma_wait3A_354 = tpu.memref_slice %arg9[%add3A_183, %dma_wait3A_353] : memref<10000x128xf32, #tpu.memory_space<vmem_shared>> -> memref<40x128xf32, #tpu.memory_space<vmem_shared>>
    %dma_wait3A_355 = arith.constant 0 : i32
    %dma_wait3A_356 = tpu.memref_slice %arg9[%add3A_183, %dma_wait3A_355] : memref<10000x128xf32, #tpu.memory_space<vmem_shared>> -> memref<40x128xf32, #tpu.memory_space<vmem_shared>>
    %dma_wait3A_357 = arith.constant 0 : i32
    %dma_wait3A_358 = arith.constant 0 : i32
    %dma_wait3A_359 = tpu.memref_slice %arg8[%dma_wait3A_357, %dma_wait3A_358] : memref<200x128xf32, #tpu.memory_space<vmem>> -> memref<40x128xf32, #tpu.memory_space<vmem>>
    tpu.wait_dma2 semaphore(%arg10 : memref<!tpu.dma_semaphore, #tpu.memory_space<semaphore_mem>>) src(%dma_wait3A_359 : memref<40x128xf32, #tpu.memory_space<vmem>>) dst(%dma_wait3A_356 : memref<40x128xf32, #tpu.memory_space<vmem_shared>>)
    %dma_wait3A_360 = arith.constant 0 : i32
    %dma_wait3A_361 = arith.constant 0 : i32
    %dma_wait3A_362 = tpu.memref_slice %arg8[%dma_wait3A_360, %dma_wait3A_361] : memref<200x128xf32, #tpu.memory_space<vmem>> -> memref<40x128xf32, #tpu.memory_space<vmem>>
    %dma_wait3A_363 = arith.constant 0 : i32
    %dma_wait3A_364 = tpu.memref_slice %arg9[%add3A_195, %dma_wait3A_363] : memref<10000x128xf32, #tpu.memory_space<vmem_shared>> -> memref<40x128xf32, #tpu.memory_space<vmem_shared>>
    %dma_wait3A_365 = arith.constant 0 : i32
    %dma_wait3A_366 = tpu.memref_slice %arg9[%add3A_195, %dma_wait3A_365] : memref<10000x128xf32, #tpu.memory_space<vmem_shared>> -> memref<40x128xf32, #tpu.memory_space<vmem_shared>>
    %dma_wait3A_367 = arith.constant 0 : i32
    %dma_wait3A_368 = arith.constant 0 : i32
    %dma_wait3A_369 = tpu.memref_slice %arg8[%dma_wait3A_367, %dma_wait3A_368] : memref<200x128xf32, #tpu.memory_space<vmem>> -> memref<40x128xf32, #tpu.memory_space<vmem>>
    tpu.wait_dma2 semaphore(%arg10 : memref<!tpu.dma_semaphore, #tpu.memory_space<semaphore_mem>>) src(%dma_wait3A_369 : memref<40x128xf32, #tpu.memory_space<vmem>>) dst(%dma_wait3A_366 : memref<40x128xf32, #tpu.memory_space<vmem_shared>>)
    %dma_wait3A_370 = arith.constant 0 : i32
    %dma_wait3A_371 = arith.constant 0 : i32
    %dma_wait3A_372 = tpu.memref_slice %arg8[%dma_wait3A_370, %dma_wait3A_371] : memref<200x128xf32, #tpu.memory_space<vmem>> -> memref<40x128xf32, #tpu.memory_space<vmem>>
    %dma_wait3A_373 = arith.constant 0 : i32
    %dma_wait3A_374 = tpu.memref_slice %arg9[%add3A_207, %dma_wait3A_373] : memref<10000x128xf32, #tpu.memory_space<vmem_shared>> -> memref<40x128xf32, #tpu.memory_space<vmem_shared>>
    %dma_wait3A_375 = arith.constant 0 : i32
    %dma_wait3A_376 = tpu.memref_slice %arg9[%add3A_207, %dma_wait3A_375] : memref<10000x128xf32, #tpu.memory_space<vmem_shared>> -> memref<40x128xf32, #tpu.memory_space<vmem_shared>>
    %dma_wait3A_377 = arith.constant 0 : i32
    %dma_wait3A_378 = arith.constant 0 : i32
    %dma_wait3A_379 = tpu.memref_slice %arg8[%dma_wait3A_377, %dma_wait3A_378] : memref<200x128xf32, #tpu.memory_space<vmem>> -> memref<40x128xf32, #tpu.memory_space<vmem>>
    tpu.wait_dma2 semaphore(%arg10 : memref<!tpu.dma_semaphore, #tpu.memory_space<semaphore_mem>>) src(%dma_wait3A_379 : memref<40x128xf32, #tpu.memory_space<vmem>>) dst(%dma_wait3A_376 : memref<40x128xf32, #tpu.memory_space<vmem_shared>>)
    %dma_wait3A_380 = arith.constant 0 : i32
    %dma_wait3A_381 = arith.constant 0 : i32
    %dma_wait3A_382 = tpu.memref_slice %arg8[%dma_wait3A_380, %dma_wait3A_381] : memref<200x128xf32, #tpu.memory_space<vmem>> -> memref<24x128xf32, #tpu.memory_space<vmem>>
    %dma_wait3A_383 = arith.constant 0 : i32
    %dma_wait3A_384 = tpu.memref_slice %arg9[%add3A_219, %dma_wait3A_383] : memref<10000x128xf32, #tpu.memory_space<vmem_shared>> -> memref<24x128xf32, #tpu.memory_space<vmem_shared>>
    %dma_wait3A_385 = arith.constant 0 : i32
    %dma_wait3A_386 = tpu.memref_slice %arg9[%add3A_219, %dma_wait3A_385] : memref<10000x128xf32, #tpu.memory_space<vmem_shared>> -> memref<24x128xf32, #tpu.memory_space<vmem_shared>>
    %dma_wait3A_387 = arith.constant 0 : i32
    %dma_wait3A_388 = arith.constant 0 : i32
    %dma_wait3A_389 = tpu.memref_slice %arg8[%dma_wait3A_387, %dma_wait3A_388] : memref<200x128xf32, #tpu.memory_space<vmem>> -> memref<24x128xf32, #tpu.memory_space<vmem>>
    tpu.wait_dma2 semaphore(%arg10 : memref<!tpu.dma_semaphore, #tpu.memory_space<semaphore_mem>>) src(%dma_wait3A_389 : memref<24x128xf32, #tpu.memory_space<vmem>>) dst(%dma_wait3A_386 : memref<24x128xf32, #tpu.memory_space<vmem_shared>>)
    %eq3A = arith.constant 15 : i32
    %eq3A_390 = arith.cmpi eq, %arg1, %eq3A : i32
    %convert_element_type3A = arith.extui %eq3A_390 : i1 to i32
    %cond3A = arith.constant 0 : i32
    %cond3A_391 = arith.cmpi ne, %convert_element_type3A, %cond3A : i32
    scf.if %cond3A_391 {
      "tpu.region"() ({
        %run_scoped3A = tpu.sem_alloc : memref<!tpu.dma_semaphore, #tpu.memory_space<semaphore_mem>>
        %dma_start3A_454 = arith.constant 0 : i32
        %dma_start3A_455 = arith.constant 0 : i32
        %dma_start3A_456 = tpu.memref_slice %arg8[%dma_start3A_454, %dma_start3A_455] : memref<200x128xf32, #tpu.memory_space<vmem>> -> memref<16x128xf32, #tpu.memory_space<vmem>>
        %dma_start3A_457 = arith.constant 9984 : i32
        %dma_start3A_458 = arith.constant 0 : i32
        %dma_start3A_459 = tpu.memref_slice %arg9[%dma_start3A_457, %dma_start3A_458] : memref<10000x128xf32, #tpu.memory_space<vmem_shared>> -> memref<16x128xf32, #tpu.memory_space<vmem_shared>>
        %dma_start3A_460 = arith.constant 9984 : i32
        %dma_start3A_461 = arith.constant 0 : i32
        %dma_start3A_462 = tpu.memref_slice %arg9[%dma_start3A_460, %dma_start3A_461] : memref<10000x128xf32, #tpu.memory_space<vmem_shared>> -> memref<16x128xf32, #tpu.memory_space<vmem_shared>>
        %dma_start3A_463 = arith.constant 0 : i32
        %dma_start3A_464 = arith.constant 0 : i32
        %dma_start3A_465 = tpu.memref_slice %arg8[%dma_start3A_463, %dma_start3A_464] : memref<200x128xf32, #tpu.memory_space<vmem>> -> memref<16x128xf32, #tpu.memory_space<vmem>>
        tpu.enqueue_dma source(%dma_start3A_465 : memref<16x128xf32, #tpu.memory_space<vmem>>) target(%dma_start3A_462 : memref<16x128xf32, #tpu.memory_space<vmem_shared>>) target_semaphore(%run_scoped3A : memref<!tpu.dma_semaphore, #tpu.memory_space<semaphore_mem>>)
        %dma_wait3A_466 = arith.constant 0 : i32
        %dma_wait3A_467 = arith.constant 0 : i32
        %dma_wait3A_468 = tpu.memref_slice %arg8[%dma_wait3A_466, %dma_wait3A_467] : memref<200x128xf32, #tpu.memory_space<vmem>> -> memref<16x128xf32, #tpu.memory_space<vmem>>
        %dma_wait3A_469 = arith.constant 9984 : i32
        %dma_wait3A_470 = arith.constant 0 : i32
        %dma_wait3A_471 = tpu.memref_slice %arg9[%dma_wait3A_469, %dma_wait3A_470] : memref<10000x128xf32, #tpu.memory_space<vmem_shared>> -> memref<16x128xf32, #tpu.memory_space<vmem_shared>>
        %dma_wait3A_472 = arith.constant 9984 : i32
        %dma_wait3A_473 = arith.constant 0 : i32
        %dma_wait3A_474 = tpu.memref_slice %arg9[%dma_wait3A_472, %dma_wait3A_473] : memref<10000x128xf32, #tpu.memory_space<vmem_shared>> -> memref<16x128xf32, #tpu.memory_space<vmem_shared>>
        %dma_wait3A_475 = arith.constant 0 : i32
        %dma_wait3A_476 = arith.constant 0 : i32
        %dma_wait3A_477 = tpu.memref_slice %arg8[%dma_wait3A_475, %dma_wait3A_476] : memref<200x128xf32, #tpu.memory_space<vmem>> -> memref<16x128xf32, #tpu.memory_space<vmem>>
        tpu.wait_dma2 semaphore(%run_scoped3A : memref<!tpu.dma_semaphore, #tpu.memory_space<semaphore_mem>>) src(%dma_wait3A_477 : memref<16x128xf32, #tpu.memory_space<vmem>>) dst(%dma_wait3A_474 : memref<16x128xf32, #tpu.memory_space<vmem_shared>>)
        tpu.yield
      }) : () -> ()
    } else {
    }
    %barrier3A = arith.constant 0 : index
    tpu.barrier barrier_id(%barrier3A)
    %dma_start3A_392 = arith.constant 0 : i32
    %dma_start3A_393 = arith.constant 0 : i32
    %dma_start3A_394 = arith.constant 0 : i32
    %dma_start3A_395 = tpu.memref_slice %arg8[%dma_start3A_393, %dma_start3A_394] : memref<200x128xf32, #tpu.memory_space<vmem>> -> memref<40x128xf32, #tpu.memory_space<vmem>>
    %dma_start3A_396 = arith.constant 0 : i32
    %dma_start3A_397 = tpu.memref_slice %arg7[%dma_start3A_392, %dma_start3A_396] : memref<250x40xi32, #tpu.memory_space<vmem>> -> memref<1x40xi32, #tpu.memory_space<vmem>>
    %dma_start3A_398 = tpu.memref_squeeze %dma_start3A_397 : memref<1x40xi32, #tpu.memory_space<vmem>> -> memref<40xi32, #tpu.memory_space<vmem>>
    %dma_start3A_399 = arith.constant 0 : i32
    %dma_start3A_400 = arith.constant 0 : i32
    %dma_start3A_401 = tpu.memref_slice %arg2[%dma_start3A_399, %dma_start3A_400] : memref<10000x128xf32, #tpu.memory_space<hbm>> -> memref<10000x128xf32, #tpu.memory_space<hbm>>
    tpu.enqueue_indirect_dma source(%dma_start3A_401 : memref<10000x128xf32, #tpu.memory_space<hbm>>) target(%dma_start3A_395 : memref<40x128xf32, #tpu.memory_space<vmem>>) offsets(%dma_start3A_398 : memref<40xi32, #tpu.memory_space<vmem>>) semaphore(%arg11 : memref<!tpu.dma_semaphore, #tpu.memory_space<semaphore_mem>>)
    %dma_start3A_402 = arith.constant 1 : i32
    %dma_start3A_403 = arith.constant 40 : i32
    %dma_start3A_404 = arith.constant 0 : i32
    %dma_start3A_405 = tpu.memref_slice %arg8[%dma_start3A_403, %dma_start3A_404] : memref<200x128xf32, #tpu.memory_space<vmem>> -> memref<40x128xf32, #tpu.memory_space<vmem>>
    %dma_start3A_406 = arith.constant 0 : i32
    %dma_start3A_407 = tpu.memref_slice %arg7[%dma_start3A_402, %dma_start3A_406] : memref<250x40xi32, #tpu.memory_space<vmem>> -> memref<1x40xi32, #tpu.memory_space<vmem>>
    %dma_start3A_408 = tpu.memref_squeeze %dma_start3A_407 : memref<1x40xi32, #tpu.memory_space<vmem>> -> memref<40xi32, #tpu.memory_space<vmem>>
    %dma_start3A_409 = arith.constant 0 : i32
    %dma_start3A_410 = arith.constant 0 : i32
    %dma_start3A_411 = tpu.memref_slice %arg2[%dma_start3A_409, %dma_start3A_410] : memref<10000x128xf32, #tpu.memory_space<hbm>> -> memref<10000x128xf32, #tpu.memory_space<hbm>>
    tpu.enqueue_indirect_dma source(%dma_start3A_411 : memref<10000x128xf32, #tpu.memory_space<hbm>>) target(%dma_start3A_405 : memref<40x128xf32, #tpu.memory_space<vmem>>) offsets(%dma_start3A_408 : memref<40xi32, #tpu.memory_space<vmem>>) semaphore(%arg12 : memref<!tpu.dma_semaphore, #tpu.memory_space<semaphore_mem>>)
    %dma_start3A_412 = arith.constant 2 : i32
    %dma_start3A_413 = arith.constant 80 : i32
    %dma_start3A_414 = arith.constant 0 : i32
    %dma_start3A_415 = tpu.memref_slice %arg8[%dma_start3A_413, %dma_start3A_414] : memref<200x128xf32, #tpu.memory_space<vmem>> -> memref<40x128xf32, #tpu.memory_space<vmem>>
    %dma_start3A_416 = arith.constant 0 : i32
    %dma_start3A_417 = tpu.memref_slice %arg7[%dma_start3A_412, %dma_start3A_416] : memref<250x40xi32, #tpu.memory_space<vmem>> -> memref<1x40xi32, #tpu.memory_space<vmem>>
    %dma_start3A_418 = tpu.memref_squeeze %dma_start3A_417 : memref<1x40xi32, #tpu.memory_space<vmem>> -> memref<40xi32, #tpu.memory_space<vmem>>
    %dma_start3A_419 = arith.constant 0 : i32
    %dma_start3A_420 = arith.constant 0 : i32
    %dma_start3A_421 = tpu.memref_slice %arg2[%dma_start3A_419, %dma_start3A_420] : memref<10000x128xf32, #tpu.memory_space<hbm>> -> memref<10000x128xf32, #tpu.memory_space<hbm>>
    tpu.enqueue_indirect_dma source(%dma_start3A_421 : memref<10000x128xf32, #tpu.memory_space<hbm>>) target(%dma_start3A_415 : memref<40x128xf32, #tpu.memory_space<vmem>>) offsets(%dma_start3A_418 : memref<40xi32, #tpu.memory_space<vmem>>) semaphore(%arg13 : memref<!tpu.dma_semaphore, #tpu.memory_space<semaphore_mem>>)
    %dma_start3A_422 = arith.constant 3 : i32
    %dma_start3A_423 = arith.constant 120 : i32
    %dma_start3A_424 = arith.constant 0 : i32
    %dma_start3A_425 = tpu.memref_slice %arg8[%dma_start3A_423, %dma_start3A_424] : memref<200x128xf32, #tpu.memory_space<vmem>> -> memref<40x128xf32, #tpu.memory_space<vmem>>
    %dma_start3A_426 = arith.constant 0 : i32
    %dma_start3A_427 = tpu.memref_slice %arg7[%dma_start3A_422, %dma_start3A_426] : memref<250x40xi32, #tpu.memory_space<vmem>> -> memref<1x40xi32, #tpu.memory_space<vmem>>
    %dma_start3A_428 = tpu.memref_squeeze %dma_start3A_427 : memref<1x40xi32, #tpu.memory_space<vmem>> -> memref<40xi32, #tpu.memory_space<vmem>>
    %dma_start3A_429 = arith.constant 0 : i32
    %dma_start3A_430 = arith.constant 0 : i32
    %dma_start3A_431 = tpu.memref_slice %arg2[%dma_start3A_429, %dma_start3A_430] : memref<10000x128xf32, #tpu.memory_space<hbm>> -> memref<10000x128xf32, #tpu.memory_space<hbm>>
    tpu.enqueue_indirect_dma source(%dma_start3A_431 : memref<10000x128xf32, #tpu.memory_space<hbm>>) target(%dma_start3A_425 : memref<40x128xf32, #tpu.memory_space<vmem>>) offsets(%dma_start3A_428 : memref<40xi32, #tpu.memory_space<vmem>>) semaphore(%arg14 : memref<!tpu.dma_semaphore, #tpu.memory_space<semaphore_mem>>)
    %dma_start3A_432 = arith.constant 4 : i32
    %dma_start3A_433 = arith.constant 160 : i32
    %dma_start3A_434 = arith.constant 0 : i32
    %dma_start3A_435 = tpu.memref_slice %arg8[%dma_start3A_433, %dma_start3A_434] : memref<200x128xf32, #tpu.memory_space<vmem>> -> memref<40x128xf32, #tpu.memory_space<vmem>>
    %dma_start3A_436 = arith.constant 0 : i32
    %dma_start3A_437 = tpu.memref_slice %arg7[%dma_start3A_432, %dma_start3A_436] : memref<250x40xi32, #tpu.memory_space<vmem>> -> memref<1x40xi32, #tpu.memory_space<vmem>>
    %dma_start3A_438 = tpu.memref_squeeze %dma_start3A_437 : memref<1x40xi32, #tpu.memory_space<vmem>> -> memref<40xi32, #tpu.memory_space<vmem>>
    %dma_start3A_439 = arith.constant 0 : i32
    %dma_start3A_440 = arith.constant 0 : i32
    %dma_start3A_441 = tpu.memref_slice %arg2[%dma_start3A_439, %dma_start3A_440] : memref<10000x128xf32, #tpu.memory_space<hbm>> -> memref<10000x128xf32, #tpu.memory_space<hbm>>
    tpu.enqueue_indirect_dma source(%dma_start3A_441 : memref<10000x128xf32, #tpu.memory_space<hbm>>) target(%dma_start3A_435 : memref<40x128xf32, #tpu.memory_space<vmem>>) offsets(%dma_start3A_438 : memref<40xi32, #tpu.memory_space<vmem>>) semaphore(%arg15 : memref<!tpu.dma_semaphore, #tpu.memory_space<semaphore_mem>>)
    %scan3A_442 = arith.constant 0 : i32
    %scan3A_443 = arith.constant 0 : i32
    %scan3A_444 = arith.constant 50 : i32
    %scan3A_445 = arith.addi %scan3A_443, %scan3A_444 : i32
    %scan3A_446 = arith.constant 1 : i32
    scf.for %scan3A_454 = %scan3A_443 to %scan3A_445 step %scan3A_446  : i32 {
      %mul3A_455 = arith.constant 5 : i32
      %mul3A_456 = arith.muli %scan3A_454, %mul3A_455 : i32
      %add3A_457 = arith.constant 0 : i32
      %add3A_458 = arith.addi %mul3A_456, %add3A_457 : i32
      %dma_wait3A_459 = arith.constant 0 : i32
      %dma_wait3A_460 = arith.constant 0 : i32
      %dma_wait3A_461 = tpu.memref_slice %arg8[%dma_wait3A_459, %dma_wait3A_460] : memref<200x128xf32, #tpu.memory_space<vmem>> -> memref<40x128xf32, #tpu.memory_space<vmem>>
      %dma_wait3A_462 = arith.constant 0 : i32
      %dma_wait3A_463 = tpu.memref_slice %arg7[%add3A_458, %dma_wait3A_462] : memref<250x40xi32, #tpu.memory_space<vmem>> -> memref<1x40xi32, #tpu.memory_space<vmem>>
      %dma_wait3A_464 = tpu.memref_squeeze %dma_wait3A_463 : memref<1x40xi32, #tpu.memory_space<vmem>> -> memref<40xi32, #tpu.memory_space<vmem>>
      %dma_wait3A_465 = arith.constant 0 : i32
      %dma_wait3A_466 = arith.constant 0 : i32
      %dma_wait3A_467 = tpu.memref_slice %arg2[%dma_wait3A_465, %dma_wait3A_466] : memref<10000x128xf32, #tpu.memory_space<hbm>> -> memref<10000x128xf32, #tpu.memory_space<hbm>>
      tpu.wait_indirect_dma semaphore(%arg11 : memref<!tpu.dma_semaphore, #tpu.memory_space<semaphore_mem>>) src(%dma_wait3A_467 : memref<10000x128xf32, #tpu.memory_space<hbm>>) dst(%dma_wait3A_461 : memref<40x128xf32, #tpu.memory_space<vmem>>)
      %dma_start3A_468 = arith.constant 0 : i32
      %dma_start3A_469 = arith.constant 0 : i32
      %dma_start3A_470 = tpu.memref_slice %arg8[%dma_start3A_468, %dma_start3A_469] : memref<200x128xf32, #tpu.memory_space<vmem>> -> memref<40x128xf32, #tpu.memory_space<vmem>>
      %dma_start3A_471 = arith.constant 0 : i32
      %dma_start3A_472 = tpu.memref_slice %arg6[%add3A_458, %dma_start3A_471] : memref<250x40xi32, #tpu.memory_space<vmem>> -> memref<1x40xi32, #tpu.memory_space<vmem>>
      %dma_start3A_473 = tpu.memref_squeeze %dma_start3A_472 : memref<1x40xi32, #tpu.memory_space<vmem>> -> memref<40xi32, #tpu.memory_space<vmem>>
      %dma_start3A_474 = arith.constant 0 : i32
      %dma_start3A_475 = arith.constant 0 : i32
      %dma_start3A_476 = tpu.memref_slice %arg9[%dma_start3A_474, %dma_start3A_475] : memref<10000x128xf32, #tpu.memory_space<vmem_shared>> -> memref<10000x128xf32, #tpu.memory_space<vmem_shared>>
      tpu.enqueue_indirect_dma source(%dma_start3A_470 : memref<40x128xf32, #tpu.memory_space<vmem>>) target(%dma_start3A_476 : memref<10000x128xf32, #tpu.memory_space<vmem_shared>>) offsets(%dma_start3A_473 : memref<40xi32, #tpu.memory_space<vmem>>) semaphore(%arg10 : memref<!tpu.dma_semaphore, #tpu.memory_space<semaphore_mem>>) {add = true}
      %dma_wait3A_477 = arith.constant 0 : i32
      %dma_wait3A_478 = arith.constant 0 : i32
      %dma_wait3A_479 = tpu.memref_slice %arg8[%dma_wait3A_477, %dma_wait3A_478] : memref<200x128xf32, #tpu.memory_space<vmem>> -> memref<40x128xf32, #tpu.memory_space<vmem>>
      %dma_wait3A_480 = arith.constant 0 : i32
      %dma_wait3A_481 = tpu.memref_slice %arg6[%add3A_458, %dma_wait3A_480] : memref<250x40xi32, #tpu.memory_space<vmem>> -> memref<1x40xi32, #tpu.memory_space<vmem>>
      %dma_wait3A_482 = tpu.memref_squeeze %dma_wait3A_481 : memref<1x40xi32, #tpu.memory_space<vmem>> -> memref<40xi32, #tpu.memory_space<vmem>>
      %dma_wait3A_483 = arith.constant 0 : i32
      %dma_wait3A_484 = arith.constant 0 : i32
      %dma_wait3A_485 = tpu.memref_slice %arg9[%dma_wait3A_483, %dma_wait3A_484] : memref<10000x128xf32, #tpu.memory_space<vmem_shared>> -> memref<10000x128xf32, #tpu.memory_space<vmem_shared>>
      tpu.wait_indirect_dma semaphore(%arg10 : memref<!tpu.dma_semaphore, #tpu.memory_space<semaphore_mem>>) src(%dma_wait3A_479 : memref<40x128xf32, #tpu.memory_space<vmem>>) dst(%dma_wait3A_485 : memref<10000x128xf32, #tpu.memory_space<vmem_shared>>)
      %lt3A = arith.constant 49 : i32
      %lt3A_486 = arith.cmpi slt, %scan3A_454, %lt3A : i32
      %convert_element_type3A_487 = arith.extui %lt3A_486 : i1 to i32
      %cond3A_488 = arith.constant 0 : i32
      %cond3A_489 = arith.cmpi ne, %convert_element_type3A_487, %cond3A_488 : i32
      scf.if %cond3A_489 {
        %add3A_634 = arith.constant 5 : i32
        %add3A_635 = arith.addi %add3A_458, %add3A_634 : i32
        %dma_start3A_636 = arith.constant 0 : i32
        %dma_start3A_637 = arith.constant 0 : i32
        %dma_start3A_638 = tpu.memref_slice %arg8[%dma_start3A_636, %dma_start3A_637] : memref<200x128xf32, #tpu.memory_space<vmem>> -> memref<40x128xf32, #tpu.memory_space<vmem>>
        %dma_start3A_639 = arith.constant 0 : i32
        %dma_start3A_640 = tpu.memref_slice %arg7[%add3A_635, %dma_start3A_639] : memref<250x40xi32, #tpu.memory_space<vmem>> -> memref<1x40xi32, #tpu.memory_space<vmem>>
        %dma_start3A_641 = tpu.memref_squeeze %dma_start3A_640 : memref<1x40xi32, #tpu.memory_space<vmem>> -> memref<40xi32, #tpu.memory_space<vmem>>
        %dma_start3A_642 = arith.constant 0 : i32
        %dma_start3A_643 = arith.constant 0 : i32
        %dma_start3A_644 = tpu.memref_slice %arg2[%dma_start3A_642, %dma_start3A_643] : memref<10000x128xf32, #tpu.memory_space<hbm>> -> memref<10000x128xf32, #tpu.memory_space<hbm>>
        tpu.enqueue_indirect_dma source(%dma_start3A_644 : memref<10000x128xf32, #tpu.memory_space<hbm>>) target(%dma_start3A_638 : memref<40x128xf32, #tpu.memory_space<vmem>>) offsets(%dma_start3A_641 : memref<40xi32, #tpu.memory_space<vmem>>) semaphore(%arg11 : memref<!tpu.dma_semaphore, #tpu.memory_space<semaphore_mem>>)
      } else {
      }
      %mul3A_490 = arith.constant 5 : i32
      %mul3A_491 = arith.muli %scan3A_454, %mul3A_490 : i32
      %add3A_492 = arith.constant 1 : i32
      %add3A_493 = arith.addi %mul3A_491, %add3A_492 : i32
      %dma_wait3A_494 = arith.constant 40 : i32
      %dma_wait3A_495 = arith.constant 0 : i32
      %dma_wait3A_496 = tpu.memref_slice %arg8[%dma_wait3A_494, %dma_wait3A_495] : memref<200x128xf32, #tpu.memory_space<vmem>> -> memref<40x128xf32, #tpu.memory_space<vmem>>
      %dma_wait3A_497 = arith.constant 0 : i32
      %dma_wait3A_498 = tpu.memref_slice %arg7[%add3A_493, %dma_wait3A_497] : memref<250x40xi32, #tpu.memory_space<vmem>> -> memref<1x40xi32, #tpu.memory_space<vmem>>
      %dma_wait3A_499 = tpu.memref_squeeze %dma_wait3A_498 : memref<1x40xi32, #tpu.memory_space<vmem>> -> memref<40xi32, #tpu.memory_space<vmem>>
      %dma_wait3A_500 = arith.constant 0 : i32
      %dma_wait3A_501 = arith.constant 0 : i32
      %dma_wait3A_502 = tpu.memref_slice %arg2[%dma_wait3A_500, %dma_wait3A_501] : memref<10000x128xf32, #tpu.memory_space<hbm>> -> memref<10000x128xf32, #tpu.memory_space<hbm>>
      tpu.wait_indirect_dma semaphore(%arg12 : memref<!tpu.dma_semaphore, #tpu.memory_space<semaphore_mem>>) src(%dma_wait3A_502 : memref<10000x128xf32, #tpu.memory_space<hbm>>) dst(%dma_wait3A_496 : memref<40x128xf32, #tpu.memory_space<vmem>>)
      %dma_start3A_503 = arith.constant 40 : i32
      %dma_start3A_504 = arith.constant 0 : i32
      %dma_start3A_505 = tpu.memref_slice %arg8[%dma_start3A_503, %dma_start3A_504] : memref<200x128xf32, #tpu.memory_space<vmem>> -> memref<40x128xf32, #tpu.memory_space<vmem>>
      %dma_start3A_506 = arith.constant 0 : i32
      %dma_start3A_507 = tpu.memref_slice %arg6[%add3A_493, %dma_start3A_506] : memref<250x40xi32, #tpu.memory_space<vmem>> -> memref<1x40xi32, #tpu.memory_space<vmem>>
      %dma_start3A_508 = tpu.memref_squeeze %dma_start3A_507 : memref<1x40xi32, #tpu.memory_space<vmem>> -> memref<40xi32, #tpu.memory_space<vmem>>
      %dma_start3A_509 = arith.constant 0 : i32
      %dma_start3A_510 = arith.constant 0 : i32
      %dma_start3A_511 = tpu.memref_slice %arg9[%dma_start3A_509, %dma_start3A_510] : memref<10000x128xf32, #tpu.memory_space<vmem_shared>> -> memref<10000x128xf32, #tpu.memory_space<vmem_shared>>
      tpu.enqueue_indirect_dma source(%dma_start3A_505 : memref<40x128xf32, #tpu.memory_space<vmem>>) target(%dma_start3A_511 : memref<10000x128xf32, #tpu.memory_space<vmem_shared>>) offsets(%dma_start3A_508 : memref<40xi32, #tpu.memory_space<vmem>>) semaphore(%arg10 : memref<!tpu.dma_semaphore, #tpu.memory_space<semaphore_mem>>) {add = true}
      %dma_wait3A_512 = arith.constant 40 : i32
      %dma_wait3A_513 = arith.constant 0 : i32
      %dma_wait3A_514 = tpu.memref_slice %arg8[%dma_wait3A_512, %dma_wait3A_513] : memref<200x128xf32, #tpu.memory_space<vmem>> -> memref<40x128xf32, #tpu.memory_space<vmem>>
      %dma_wait3A_515 = arith.constant 0 : i32
      %dma_wait3A_516 = tpu.memref_slice %arg6[%add3A_493, %dma_wait3A_515] : memref<250x40xi32, #tpu.memory_space<vmem>> -> memref<1x40xi32, #tpu.memory_space<vmem>>
      %dma_wait3A_517 = tpu.memref_squeeze %dma_wait3A_516 : memref<1x40xi32, #tpu.memory_space<vmem>> -> memref<40xi32, #tpu.memory_space<vmem>>
      %dma_wait3A_518 = arith.constant 0 : i32
      %dma_wait3A_519 = arith.constant 0 : i32
      %dma_wait3A_520 = tpu.memref_slice %arg9[%dma_wait3A_518, %dma_wait3A_519] : memref<10000x128xf32, #tpu.memory_space<vmem_shared>> -> memref<10000x128xf32, #tpu.memory_space<vmem_shared>>
      tpu.wait_indirect_dma semaphore(%arg10 : memref<!tpu.dma_semaphore, #tpu.memory_space<semaphore_mem>>) src(%dma_wait3A_514 : memref<40x128xf32, #tpu.memory_space<vmem>>) dst(%dma_wait3A_520 : memref<10000x128xf32, #tpu.memory_space<vmem_shared>>)
      %lt3A_521 = arith.constant 49 : i32
      %lt3A_522 = arith.cmpi slt, %scan3A_454, %lt3A_521 : i32
      %convert_element_type3A_523 = arith.extui %lt3A_522 : i1 to i32
      %cond3A_524 = arith.constant 0 : i32
      %cond3A_525 = arith.cmpi ne, %convert_element_type3A_523, %cond3A_524 : i32
      scf.if %cond3A_525 {
        %add3A_634 = arith.constant 5 : i32
        %add3A_635 = arith.addi %add3A_493, %add3A_634 : i32
        %dma_start3A_636 = arith.constant 40 : i32
        %dma_start3A_637 = arith.constant 0 : i32
        %dma_start3A_638 = tpu.memref_slice %arg8[%dma_start3A_636, %dma_start3A_637] : memref<200x128xf32, #tpu.memory_space<vmem>> -> memref<40x128xf32, #tpu.memory_space<vmem>>
        %dma_start3A_639 = arith.constant 0 : i32
        %dma_start3A_640 = tpu.memref_slice %arg7[%add3A_635, %dma_start3A_639] : memref<250x40xi32, #tpu.memory_space<vmem>> -> memref<1x40xi32, #tpu.memory_space<vmem>>
        %dma_start3A_641 = tpu.memref_squeeze %dma_start3A_640 : memref<1x40xi32, #tpu.memory_space<vmem>> -> memref<40xi32, #tpu.memory_space<vmem>>
        %dma_start3A_642 = arith.constant 0 : i32
        %dma_start3A_643 = arith.constant 0 : i32
        %dma_start3A_644 = tpu.memref_slice %arg2[%dma_start3A_642, %dma_start3A_643] : memref<10000x128xf32, #tpu.memory_space<hbm>> -> memref<10000x128xf32, #tpu.memory_space<hbm>>
        tpu.enqueue_indirect_dma source(%dma_start3A_644 : memref<10000x128xf32, #tpu.memory_space<hbm>>) target(%dma_start3A_638 : memref<40x128xf32, #tpu.memory_space<vmem>>) offsets(%dma_start3A_641 : memref<40xi32, #tpu.memory_space<vmem>>) semaphore(%arg12 : memref<!tpu.dma_semaphore, #tpu.memory_space<semaphore_mem>>)
      } else {
      }
      %mul3A_526 = arith.constant 5 : i32
      %mul3A_527 = arith.muli %scan3A_454, %mul3A_526 : i32
      %add3A_528 = arith.constant 2 : i32
      %add3A_529 = arith.addi %mul3A_527, %add3A_528 : i32
      %dma_wait3A_530 = arith.constant 80 : i32
      %dma_wait3A_531 = arith.constant 0 : i32
      %dma_wait3A_532 = tpu.memref_slice %arg8[%dma_wait3A_530, %dma_wait3A_531] : memref<200x128xf32, #tpu.memory_space<vmem>> -> memref<40x128xf32, #tpu.memory_space<vmem>>
      %dma_wait3A_533 = arith.constant 0 : i32
      %dma_wait3A_534 = tpu.memref_slice %arg7[%add3A_529, %dma_wait3A_533] : memref<250x40xi32, #tpu.memory_space<vmem>> -> memref<1x40xi32, #tpu.memory_space<vmem>>
      %dma_wait3A_535 = tpu.memref_squeeze %dma_wait3A_534 : memref<1x40xi32, #tpu.memory_space<vmem>> -> memref<40xi32, #tpu.memory_space<vmem>>
      %dma_wait3A_536 = arith.constant 0 : i32
      %dma_wait3A_537 = arith.constant 0 : i32
      %dma_wait3A_538 = tpu.memref_slice %arg2[%dma_wait3A_536, %dma_wait3A_537] : memref<10000x128xf32, #tpu.memory_space<hbm>> -> memref<10000x128xf32, #tpu.memory_space<hbm>>
      tpu.wait_indirect_dma semaphore(%arg13 : memref<!tpu.dma_semaphore, #tpu.memory_space<semaphore_mem>>) src(%dma_wait3A_538 : memref<10000x128xf32, #tpu.memory_space<hbm>>) dst(%dma_wait3A_532 : memref<40x128xf32, #tpu.memory_space<vmem>>)
      %dma_start3A_539 = arith.constant 80 : i32
      %dma_start3A_540 = arith.constant 0 : i32
      %dma_start3A_541 = tpu.memref_slice %arg8[%dma_start3A_539, %dma_start3A_540] : memref<200x128xf32, #tpu.memory_space<vmem>> -> memref<40x128xf32, #tpu.memory_space<vmem>>
      %dma_start3A_542 = arith.constant 0 : i32
      %dma_start3A_543 = tpu.memref_slice %arg6[%add3A_529, %dma_start3A_542] : memref<250x40xi32, #tpu.memory_space<vmem>> -> memref<1x40xi32, #tpu.memory_space<vmem>>
      %dma_start3A_544 = tpu.memref_squeeze %dma_start3A_543 : memref<1x40xi32, #tpu.memory_space<vmem>> -> memref<40xi32, #tpu.memory_space<vmem>>
      %dma_start3A_545 = arith.constant 0 : i32
      %dma_start3A_546 = arith.constant 0 : i32
      %dma_start3A_547 = tpu.memref_slice %arg9[%dma_start3A_545, %dma_start3A_546] : memref<10000x128xf32, #tpu.memory_space<vmem_shared>> -> memref<10000x128xf32, #tpu.memory_space<vmem_shared>>
      tpu.enqueue_indirect_dma source(%dma_start3A_541 : memref<40x128xf32, #tpu.memory_space<vmem>>) target(%dma_start3A_547 : memref<10000x128xf32, #tpu.memory_space<vmem_shared>>) offsets(%dma_start3A_544 : memref<40xi32, #tpu.memory_space<vmem>>) semaphore(%arg10 : memref<!tpu.dma_semaphore, #tpu.memory_space<semaphore_mem>>) {add = true}
      %dma_wait3A_548 = arith.constant 80 : i32
      %dma_wait3A_549 = arith.constant 0 : i32
      %dma_wait3A_550 = tpu.memref_slice %arg8[%dma_wait3A_548, %dma_wait3A_549] : memref<200x128xf32, #tpu.memory_space<vmem>> -> memref<40x128xf32, #tpu.memory_space<vmem>>
      %dma_wait3A_551 = arith.constant 0 : i32
      %dma_wait3A_552 = tpu.memref_slice %arg6[%add3A_529, %dma_wait3A_551] : memref<250x40xi32, #tpu.memory_space<vmem>> -> memref<1x40xi32, #tpu.memory_space<vmem>>
      %dma_wait3A_553 = tpu.memref_squeeze %dma_wait3A_552 : memref<1x40xi32, #tpu.memory_space<vmem>> -> memref<40xi32, #tpu.memory_space<vmem>>
      %dma_wait3A_554 = arith.constant 0 : i32
      %dma_wait3A_555 = arith.constant 0 : i32
      %dma_wait3A_556 = tpu.memref_slice %arg9[%dma_wait3A_554, %dma_wait3A_555] : memref<10000x128xf32, #tpu.memory_space<vmem_shared>> -> memref<10000x128xf32, #tpu.memory_space<vmem_shared>>
      tpu.wait_indirect_dma semaphore(%arg10 : memref<!tpu.dma_semaphore, #tpu.memory_space<semaphore_mem>>) src(%dma_wait3A_550 : memref<40x128xf32, #tpu.memory_space<vmem>>) dst(%dma_wait3A_556 : memref<10000x128xf32, #tpu.memory_space<vmem_shared>>)
      %lt3A_557 = arith.constant 49 : i32
      %lt3A_558 = arith.cmpi slt, %scan3A_454, %lt3A_557 : i32
      %convert_element_type3A_559 = arith.extui %lt3A_558 : i1 to i32
      %cond3A_560 = arith.constant 0 : i32
      %cond3A_561 = arith.cmpi ne, %convert_element_type3A_559, %cond3A_560 : i32
      scf.if %cond3A_561 {
        %add3A_634 = arith.constant 5 : i32
        %add3A_635 = arith.addi %add3A_529, %add3A_634 : i32
        %dma_start3A_636 = arith.constant 80 : i32
        %dma_start3A_637 = arith.constant 0 : i32
        %dma_start3A_638 = tpu.memref_slice %arg8[%dma_start3A_636, %dma_start3A_637] : memref<200x128xf32, #tpu.memory_space<vmem>> -> memref<40x128xf32, #tpu.memory_space<vmem>>
        %dma_start3A_639 = arith.constant 0 : i32
        %dma_start3A_640 = tpu.memref_slice %arg7[%add3A_635, %dma_start3A_639] : memref<250x40xi32, #tpu.memory_space<vmem>> -> memref<1x40xi32, #tpu.memory_space<vmem>>
        %dma_start3A_641 = tpu.memref_squeeze %dma_start3A_640 : memref<1x40xi32, #tpu.memory_space<vmem>> -> memref<40xi32, #tpu.memory_space<vmem>>
        %dma_start3A_642 = arith.constant 0 : i32
        %dma_start3A_643 = arith.constant 0 : i32
        %dma_start3A_644 = tpu.memref_slice %arg2[%dma_start3A_642, %dma_start3A_643] : memref<10000x128xf32, #tpu.memory_space<hbm>> -> memref<10000x128xf32, #tpu.memory_space<hbm>>
        tpu.enqueue_indirect_dma source(%dma_start3A_644 : memref<10000x128xf32, #tpu.memory_space<hbm>>) target(%dma_start3A_638 : memref<40x128xf32, #tpu.memory_space<vmem>>) offsets(%dma_start3A_641 : memref<40xi32, #tpu.memory_space<vmem>>) semaphore(%arg13 : memref<!tpu.dma_semaphore, #tpu.memory_space<semaphore_mem>>)
      } else {
      }
      %mul3A_562 = arith.constant 5 : i32
      %mul3A_563 = arith.muli %scan3A_454, %mul3A_562 : i32
      %add3A_564 = arith.constant 3 : i32
      %add3A_565 = arith.addi %mul3A_563, %add3A_564 : i32
      %dma_wait3A_566 = arith.constant 120 : i32
      %dma_wait3A_567 = arith.constant 0 : i32
      %dma_wait3A_568 = tpu.memref_slice %arg8[%dma_wait3A_566, %dma_wait3A_567] : memref<200x128xf32, #tpu.memory_space<vmem>> -> memref<40x128xf32, #tpu.memory_space<vmem>>
      %dma_wait3A_569 = arith.constant 0 : i32
      %dma_wait3A_570 = tpu.memref_slice %arg7[%add3A_565, %dma_wait3A_569] : memref<250x40xi32, #tpu.memory_space<vmem>> -> memref<1x40xi32, #tpu.memory_space<vmem>>
      %dma_wait3A_571 = tpu.memref_squeeze %dma_wait3A_570 : memref<1x40xi32, #tpu.memory_space<vmem>> -> memref<40xi32, #tpu.memory_space<vmem>>
      %dma_wait3A_572 = arith.constant 0 : i32
      %dma_wait3A_573 = arith.constant 0 : i32
      %dma_wait3A_574 = tpu.memref_slice %arg2[%dma_wait3A_572, %dma_wait3A_573] : memref<10000x128xf32, #tpu.memory_space<hbm>> -> memref<10000x128xf32, #tpu.memory_space<hbm>>
      tpu.wait_indirect_dma semaphore(%arg14 : memref<!tpu.dma_semaphore, #tpu.memory_space<semaphore_mem>>) src(%dma_wait3A_574 : memref<10000x128xf32, #tpu.memory_space<hbm>>) dst(%dma_wait3A_568 : memref<40x128xf32, #tpu.memory_space<vmem>>)
      %dma_start3A_575 = arith.constant 120 : i32
      %dma_start3A_576 = arith.constant 0 : i32
      %dma_start3A_577 = tpu.memref_slice %arg8[%dma_start3A_575, %dma_start3A_576] : memref<200x128xf32, #tpu.memory_space<vmem>> -> memref<40x128xf32, #tpu.memory_space<vmem>>
      %dma_start3A_578 = arith.constant 0 : i32
      %dma_start3A_579 = tpu.memref_slice %arg6[%add3A_565, %dma_start3A_578] : memref<250x40xi32, #tpu.memory_space<vmem>> -> memref<1x40xi32, #tpu.memory_space<vmem>>
      %dma_start3A_580 = tpu.memref_squeeze %dma_start3A_579 : memref<1x40xi32, #tpu.memory_space<vmem>> -> memref<40xi32, #tpu.memory_space<vmem>>
      %dma_start3A_581 = arith.constant 0 : i32
      %dma_start3A_582 = arith.constant 0 : i32
      %dma_start3A_583 = tpu.memref_slice %arg9[%dma_start3A_581, %dma_start3A_582] : memref<10000x128xf32, #tpu.memory_space<vmem_shared>> -> memref<10000x128xf32, #tpu.memory_space<vmem_shared>>
      tpu.enqueue_indirect_dma source(%dma_start3A_577 : memref<40x128xf32, #tpu.memory_space<vmem>>) target(%dma_start3A_583 : memref<10000x128xf32, #tpu.memory_space<vmem_shared>>) offsets(%dma_start3A_580 : memref<40xi32, #tpu.memory_space<vmem>>) semaphore(%arg10 : memref<!tpu.dma_semaphore, #tpu.memory_space<semaphore_mem>>) {add = true}
      %dma_wait3A_584 = arith.constant 120 : i32
      %dma_wait3A_585 = arith.constant 0 : i32
      %dma_wait3A_586 = tpu.memref_slice %arg8[%dma_wait3A_584, %dma_wait3A_585] : memref<200x128xf32, #tpu.memory_space<vmem>> -> memref<40x128xf32, #tpu.memory_space<vmem>>
      %dma_wait3A_587 = arith.constant 0 : i32
      %dma_wait3A_588 = tpu.memref_slice %arg6[%add3A_565, %dma_wait3A_587] : memref<250x40xi32, #tpu.memory_space<vmem>> -> memref<1x40xi32, #tpu.memory_space<vmem>>
      %dma_wait3A_589 = tpu.memref_squeeze %dma_wait3A_588 : memref<1x40xi32, #tpu.memory_space<vmem>> -> memref<40xi32, #tpu.memory_space<vmem>>
      %dma_wait3A_590 = arith.constant 0 : i32
      %dma_wait3A_591 = arith.constant 0 : i32
      %dma_wait3A_592 = tpu.memref_slice %arg9[%dma_wait3A_590, %dma_wait3A_591] : memref<10000x128xf32, #tpu.memory_space<vmem_shared>> -> memref<10000x128xf32, #tpu.memory_space<vmem_shared>>
      tpu.wait_indirect_dma semaphore(%arg10 : memref<!tpu.dma_semaphore, #tpu.memory_space<semaphore_mem>>) src(%dma_wait3A_586 : memref<40x128xf32, #tpu.memory_space<vmem>>) dst(%dma_wait3A_592 : memref<10000x128xf32, #tpu.memory_space<vmem_shared>>)
      %lt3A_593 = arith.constant 49 : i32
      %lt3A_594 = arith.cmpi slt, %scan3A_454, %lt3A_593 : i32
      %convert_element_type3A_595 = arith.extui %lt3A_594 : i1 to i32
      %cond3A_596 = arith.constant 0 : i32
      %cond3A_597 = arith.cmpi ne, %convert_element_type3A_595, %cond3A_596 : i32
      scf.if %cond3A_597 {
        %add3A_634 = arith.constant 5 : i32
        %add3A_635 = arith.addi %add3A_565, %add3A_634 : i32
        %dma_start3A_636 = arith.constant 120 : i32
        %dma_start3A_637 = arith.constant 0 : i32
        %dma_start3A_638 = tpu.memref_slice %arg8[%dma_start3A_636, %dma_start3A_637] : memref<200x128xf32, #tpu.memory_space<vmem>> -> memref<40x128xf32, #tpu.memory_space<vmem>>
        %dma_start3A_639 = arith.constant 0 : i32
        %dma_start3A_640 = tpu.memref_slice %arg7[%add3A_635, %dma_start3A_639] : memref<250x40xi32, #tpu.memory_space<vmem>> -> memref<1x40xi32, #tpu.memory_space<vmem>>
        %dma_start3A_641 = tpu.memref_squeeze %dma_start3A_640 : memref<1x40xi32, #tpu.memory_space<vmem>> -> memref<40xi32, #tpu.memory_space<vmem>>
        %dma_start3A_642 = arith.constant 0 : i32
        %dma_start3A_643 = arith.constant 0 : i32
        %dma_start3A_644 = tpu.memref_slice %arg2[%dma_start3A_642, %dma_start3A_643] : memref<10000x128xf32, #tpu.memory_space<hbm>> -> memref<10000x128xf32, #tpu.memory_space<hbm>>
        tpu.enqueue_indirect_dma source(%dma_start3A_644 : memref<10000x128xf32, #tpu.memory_space<hbm>>) target(%dma_start3A_638 : memref<40x128xf32, #tpu.memory_space<vmem>>) offsets(%dma_start3A_641 : memref<40xi32, #tpu.memory_space<vmem>>) semaphore(%arg14 : memref<!tpu.dma_semaphore, #tpu.memory_space<semaphore_mem>>)
      } else {
      }
      %mul3A_598 = arith.constant 5 : i32
      %mul3A_599 = arith.muli %scan3A_454, %mul3A_598 : i32
      %add3A_600 = arith.constant 4 : i32
      %add3A_601 = arith.addi %mul3A_599, %add3A_600 : i32
      %dma_wait3A_602 = arith.constant 160 : i32
      %dma_wait3A_603 = arith.constant 0 : i32
      %dma_wait3A_604 = tpu.memref_slice %arg8[%dma_wait3A_602, %dma_wait3A_603] : memref<200x128xf32, #tpu.memory_space<vmem>> -> memref<40x128xf32, #tpu.memory_space<vmem>>
      %dma_wait3A_605 = arith.constant 0 : i32
      %dma_wait3A_606 = tpu.memref_slice %arg7[%add3A_601, %dma_wait3A_605] : memref<250x40xi32, #tpu.memory_space<vmem>> -> memref<1x40xi32, #tpu.memory_space<vmem>>
      %dma_wait3A_607 = tpu.memref_squeeze %dma_wait3A_606 : memref<1x40xi32, #tpu.memory_space<vmem>> -> memref<40xi32, #tpu.memory_space<vmem>>
      %dma_wait3A_608 = arith.constant 0 : i32
      %dma_wait3A_609 = arith.constant 0 : i32
      %dma_wait3A_610 = tpu.memref_slice %arg2[%dma_wait3A_608, %dma_wait3A_609] : memref<10000x128xf32, #tpu.memory_space<hbm>> -> memref<10000x128xf32, #tpu.memory_space<hbm>>
      tpu.wait_indirect_dma semaphore(%arg15 : memref<!tpu.dma_semaphore, #tpu.memory_space<semaphore_mem>>) src(%dma_wait3A_610 : memref<10000x128xf32, #tpu.memory_space<hbm>>) dst(%dma_wait3A_604 : memref<40x128xf32, #tpu.memory_space<vmem>>)
      %dma_start3A_611 = arith.constant 160 : i32
      %dma_start3A_612 = arith.constant 0 : i32
      %dma_start3A_613 = tpu.memref_slice %arg8[%dma_start3A_611, %dma_start3A_612] : memref<200x128xf32, #tpu.memory_space<vmem>> -> memref<40x128xf32, #tpu.memory_space<vmem>>
      %dma_start3A_614 = arith.constant 0 : i32
      %dma_start3A_615 = tpu.memref_slice %arg6[%add3A_601, %dma_start3A_614] : memref<250x40xi32, #tpu.memory_space<vmem>> -> memref<1x40xi32, #tpu.memory_space<vmem>>
      %dma_start3A_616 = tpu.memref_squeeze %dma_start3A_615 : memref<1x40xi32, #tpu.memory_space<vmem>> -> memref<40xi32, #tpu.memory_space<vmem>>
      %dma_start3A_617 = arith.constant 0 : i32
      %dma_start3A_618 = arith.constant 0 : i32
      %dma_start3A_619 = tpu.memref_slice %arg9[%dma_start3A_617, %dma_start3A_618] : memref<10000x128xf32, #tpu.memory_space<vmem_shared>> -> memref<10000x128xf32, #tpu.memory_space<vmem_shared>>
      tpu.enqueue_indirect_dma source(%dma_start3A_613 : memref<40x128xf32, #tpu.memory_space<vmem>>) target(%dma_start3A_619 : memref<10000x128xf32, #tpu.memory_space<vmem_shared>>) offsets(%dma_start3A_616 : memref<40xi32, #tpu.memory_space<vmem>>) semaphore(%arg10 : memref<!tpu.dma_semaphore, #tpu.memory_space<semaphore_mem>>) {add = true}
      %dma_wait3A_620 = arith.constant 160 : i32
      %dma_wait3A_621 = arith.constant 0 : i32
      %dma_wait3A_622 = tpu.memref_slice %arg8[%dma_wait3A_620, %dma_wait3A_621] : memref<200x128xf32, #tpu.memory_space<vmem>> -> memref<40x128xf32, #tpu.memory_space<vmem>>
      %dma_wait3A_623 = arith.constant 0 : i32
      %dma_wait3A_624 = tpu.memref_slice %arg6[%add3A_601, %dma_wait3A_623] : memref<250x40xi32, #tpu.memory_space<vmem>> -> memref<1x40xi32, #tpu.memory_space<vmem>>
      %dma_wait3A_625 = tpu.memref_squeeze %dma_wait3A_624 : memref<1x40xi32, #tpu.memory_space<vmem>> -> memref<40xi32, #tpu.memory_space<vmem>>
      %dma_wait3A_626 = arith.constant 0 : i32
      %dma_wait3A_627 = arith.constant 0 : i32
      %dma_wait3A_628 = tpu.memref_slice %arg9[%dma_wait3A_626, %dma_wait3A_627] : memref<10000x128xf32, #tpu.memory_space<vmem_shared>> -> memref<10000x128xf32, #tpu.memory_space<vmem_shared>>
      tpu.wait_indirect_dma semaphore(%arg10 : memref<!tpu.dma_semaphore, #tpu.memory_space<semaphore_mem>>) src(%dma_wait3A_622 : memref<40x128xf32, #tpu.memory_space<vmem>>) dst(%dma_wait3A_628 : memref<10000x128xf32, #tpu.memory_space<vmem_shared>>)
      %lt3A_629 = arith.constant 49 : i32
      %lt3A_630 = arith.cmpi slt, %scan3A_454, %lt3A_629 : i32
      %convert_element_type3A_631 = arith.extui %lt3A_630 : i1 to i32
      %cond3A_632 = arith.constant 0 : i32
      %cond3A_633 = arith.cmpi ne, %convert_element_type3A_631, %cond3A_632 : i32
      scf.if %cond3A_633 {
        %add3A_634 = arith.constant 5 : i32
        %add3A_635 = arith.addi %add3A_601, %add3A_634 : i32
        %dma_start3A_636 = arith.constant 160 : i32
        %dma_start3A_637 = arith.constant 0 : i32
        %dma_start3A_638 = tpu.memref_slice %arg8[%dma_start3A_636, %dma_start3A_637] : memref<200x128xf32, #tpu.memory_space<vmem>> -> memref<40x128xf32, #tpu.memory_space<vmem>>
        %dma_start3A_639 = arith.constant 0 : i32
        %dma_start3A_640 = tpu.memref_slice %arg7[%add3A_635, %dma_start3A_639] : memref<250x40xi32, #tpu.memory_space<vmem>> -> memref<1x40xi32, #tpu.memory_space<vmem>>
        %dma_start3A_641 = tpu.memref_squeeze %dma_start3A_640 : memref<1x40xi32, #tpu.memory_space<vmem>> -> memref<40xi32, #tpu.memory_space<vmem>>
        %dma_start3A_642 = arith.constant 0 : i32
        %dma_start3A_643 = arith.constant 0 : i32
        %dma_start3A_644 = tpu.memref_slice %arg2[%dma_start3A_642, %dma_start3A_643] : memref<10000x128xf32, #tpu.memory_space<hbm>> -> memref<10000x128xf32, #tpu.memory_space<hbm>>
        tpu.enqueue_indirect_dma source(%dma_start3A_644 : memref<10000x128xf32, #tpu.memory_space<hbm>>) target(%dma_start3A_638 : memref<40x128xf32, #tpu.memory_space<vmem>>) offsets(%dma_start3A_641 : memref<40xi32, #tpu.memory_space<vmem>>) semaphore(%arg15 : memref<!tpu.dma_semaphore, #tpu.memory_space<semaphore_mem>>)
      } else {
      }
    }
    %scan3A_447 = arith.constant 50 : i32
    %barrier3A_448 = arith.constant 0 : index
    tpu.barrier barrier_id(%barrier3A_448)
    "tpu.region"() ({
      %run_scoped3A = tpu.sem_alloc : memref<!tpu.dma_semaphore, #tpu.memory_space<semaphore_mem>>
      %dma_start3A_454 = arith.constant 0 : i32
      %dma_start3A_455 = tpu.memref_slice %arg5[%arg0, %mul3A_2, %dma_start3A_454] : memref<2x10000x128xf32, #tpu.memory_space<hbm>> -> memref<1x624x128xf32, #tpu.memory_space<hbm>>
      %dma_start3A_456 = tpu.memref_squeeze %dma_start3A_455 : memref<1x624x128xf32, #tpu.memory_space<hbm>> -> memref<624x128xf32, #tpu.memory_space<hbm>>
      %dma_start3A_457 = arith.constant 0 : i32
      %dma_start3A_458 = tpu.memref_slice %arg9[%mul3A_2, %dma_start3A_457] : memref<10000x128xf32, #tpu.memory_space<vmem_shared>> -> memref<624x128xf32, #tpu.memory_space<vmem_shared>>
      tpu.enqueue_dma source(%dma_start3A_458 : memref<624x128xf32, #tpu.memory_space<vmem_shared>>) target(%dma_start3A_456 : memref<624x128xf32, #tpu.memory_space<hbm>>) target_semaphore(%run_scoped3A : memref<!tpu.dma_semaphore, #tpu.memory_space<semaphore_mem>>)
      %dma_wait3A_459 = arith.constant 0 : i32
      %dma_wait3A_460 = tpu.memref_slice %arg5[%arg0, %mul3A_2, %dma_wait3A_459] : memref<2x10000x128xf32, #tpu.memory_space<hbm>> -> memref<1x624x128xf32, #tpu.memory_space<hbm>>
      %dma_wait3A_461 = tpu.memref_squeeze %dma_wait3A_460 : memref<1x624x128xf32, #tpu.memory_space<hbm>> -> memref<624x128xf32, #tpu.memory_space<hbm>>
      %dma_wait3A_462 = arith.constant 0 : i32
      %dma_wait3A_463 = tpu.memref_slice %arg9[%mul3A_2, %dma_wait3A_462] : memref<10000x128xf32, #tpu.memory_space<vmem_shared>> -> memref<624x128xf32, #tpu.memory_space<vmem_shared>>
      tpu.wait_dma2 semaphore(%run_scoped3A : memref<!tpu.dma_semaphore, #tpu.memory_space<semaphore_mem>>) src(%dma_wait3A_463 : memref<624x128xf32, #tpu.memory_space<vmem_shared>>) dst(%dma_wait3A_461 : memref<624x128xf32, #tpu.memory_space<hbm>>)
      tpu.yield
    }) : () -> ()
    %eq3A_449 = arith.constant 15 : i32
    %eq3A_450 = arith.cmpi eq, %arg1, %eq3A_449 : i32
    %convert_element_type3A_451 = arith.extui %eq3A_450 : i1 to i32
    %cond3A_452 = arith.constant 0 : i32
    %cond3A_453 = arith.cmpi ne, %convert_element_type3A_451, %cond3A_452 : i32
    scf.if %cond3A_453 {
      "tpu.region"() ({
        %run_scoped3A = tpu.sem_alloc : memref<!tpu.dma_semaphore, #tpu.memory_space<semaphore_mem>>
        %dma_start3A_454 = arith.constant 9984 : i32
        %dma_start3A_455 = arith.constant 0 : i32
        %dma_start3A_456 = tpu.memref_slice %arg5[%arg0, %dma_start3A_454, %dma_start3A_455] : memref<2x10000x128xf32, #tpu.memory_space<hbm>> -> memref<1x16x128xf32, #tpu.memory_space<hbm>>
        %dma_start3A_457 = tpu.memref_squeeze %dma_start3A_456 : memref<1x16x128xf32, #tpu.memory_space<hbm>> -> memref<16x128xf32, #tpu.memory_space<hbm>>
        %dma_start3A_458 = arith.constant 9984 : i32
        %dma_start3A_459 = arith.constant 0 : i32
        %dma_start3A_460 = tpu.memref_slice %arg9[%dma_start3A_458, %dma_start3A_459] : memref<10000x128xf32, #tpu.memory_space<vmem_shared>> -> memref<16x128xf32, #tpu.memory_space<vmem_shared>>
        tpu.enqueue_dma source(%dma_start3A_460 : memref<16x128xf32, #tpu.memory_space<vmem_shared>>) target(%dma_start3A_457 : memref<16x128xf32, #tpu.memory_space<hbm>>) target_semaphore(%run_scoped3A : memref<!tpu.dma_semaphore, #tpu.memory_space<semaphore_mem>>)
        %dma_wait3A_461 = arith.constant 9984 : i32
        %dma_wait3A_462 = arith.constant 0 : i32
        %dma_wait3A_463 = tpu.memref_slice %arg5[%arg0, %dma_wait3A_461, %dma_wait3A_462] : memref<2x10000x128xf32, #tpu.memory_space<hbm>> -> memref<1x16x128xf32, #tpu.memory_space<hbm>>
        %dma_wait3A_464 = tpu.memref_squeeze %dma_wait3A_463 : memref<1x16x128xf32, #tpu.memory_space<hbm>> -> memref<16x128xf32, #tpu.memory_space<hbm>>
        %dma_wait3A_465 = arith.constant 9984 : i32
        %dma_wait3A_466 = arith.constant 0 : i32
        %dma_wait3A_467 = tpu.memref_slice %arg9[%dma_wait3A_465, %dma_wait3A_466] : memref<10000x128xf32, #tpu.memory_space<vmem_shared>> -> memref<16x128xf32, #tpu.memory_space<vmem_shared>>
        tpu.wait_dma2 semaphore(%run_scoped3A : memref<!tpu.dma_semaphore, #tpu.memory_space<semaphore_mem>>) src(%dma_wait3A_467 : memref<16x128xf32, #tpu.memory_space<vmem_shared>>) dst(%dma_wait3A_464 : memref<16x128xf32, #tpu.memory_space<hbm>>)
        tpu.yield
      }) : () -> ()
    } else {
    }
    return
  }
}

#map = affine_map<(d0, d1) -> (0, 0)>
#map1 = affine_map<(d0, d1) -> (0, 0, 0)>
module attributes {stable_mosaic.version = 14 : i64} {
  func.func @body(%arg0: i32, %arg1: i32, %arg2: memref<10000x128xf32, #tpu.memory_space<hbm>>, %arg3: memref<32x250x40xi32, #tpu.memory_space<hbm>>, %arg4: memref<32x250x40xi32, #tpu.memory_space<hbm>>, %arg5: memref<2x10000x128xf32, #tpu.memory_space<hbm>>, %arg6: memref<250x40xi32, #tpu.memory_space<vmem>>, %arg7: memref<250x40xi32, #tpu.memory_space<vmem>>, %arg8: memref<200x128xf32, #tpu.memory_space<vmem>>, %arg9: memref<10000x128xf32, #tpu.memory_space<vmem_shared>>, %arg10: memref<!tpu.dma_semaphore, #tpu.memory_space<semaphore_mem>>, %arg11: memref<!tpu.dma_semaphore, #tpu.memory_space<semaphore_mem>>, %arg12: memref<!tpu.dma_semaphore, #tpu.memory_space<semaphore_mem>>, %arg13: memref<!tpu.dma_semaphore, #tpu.memory_space<semaphore_mem>>, %arg14: memref<!tpu.dma_semaphore, #tpu.memory_space<semaphore_mem>>, %arg15: memref<!tpu.dma_semaphore, #tpu.memory_space<semaphore_mem>>) attributes {dimension_semantics = [#tpu.dimension_semantics<core_parallel>, #tpu.dimension_semantics<subcore_parallel>], iteration_bounds = array<i64: 2, 16>, scalar_prefetch = 0 : i64, scratch_operands = 10 : i64, tpu.core_type = #tpu.core_type<sc_vector_subcore>, window_params = [{transform_indices = #map}, {transform_indices = #map1}, {transform_indices = #map1}, {transform_indices = #map1}]} {
    %mul3A = arith.constant 2 : i32
    %mul3A_0 = arith.muli %arg1, %mul3A : i32
    %add3A = arith.addi %mul3A_0, %arg0 : i32
    %mul3A_1 = arith.constant 624 : i32
    %mul3A_2 = arith.muli %arg1, %mul3A_1 : i32
    %dma_start3A = arith.constant 0 : i32
    %dma_start3A_3 = arith.constant 0 : i32
    %dma_start3A_4 = tpu.memref_slice %arg4[%add3A, %dma_start3A, %dma_start3A_3] : memref<32x250x40xi32, #tpu.memory_space<hbm>> -> memref<1x250x40xi32, #tpu.memory_space<hbm>>
    %dma_start3A_5 = tpu.memref_squeeze %dma_start3A_4 : memref<1x250x40xi32, #tpu.memory_space<hbm>> -> memref<250x40xi32, #tpu.memory_space<hbm>>
    %dma_start3A_6 = arith.constant 0 : i32
    %dma_start3A_7 = arith.constant 0 : i32
    %dma_start3A_8 = tpu.memref_slice %arg4[%add3A, %dma_start3A_6, %dma_start3A_7] : memref<32x250x40xi32, #tpu.memory_space<hbm>> -> memref<1x250x40xi32, #tpu.memory_space<hbm>>
    %dma_start3A_9 = tpu.memref_squeeze %dma_start3A_8 : memref<1x250x40xi32, #tpu.memory_space<hbm>> -> memref<250x40xi32, #tpu.memory_space<hbm>>
    tpu.enqueue_dma source(%dma_start3A_9 : memref<250x40xi32, #tpu.memory_space<hbm>>) target(%arg6 : memref<250x40xi32, #tpu.memory_space<vmem>>) target_semaphore(%arg10 : memref<!tpu.dma_semaphore, #tpu.memory_space<semaphore_mem>>)
    %dma_start3A_10 = arith.constant 0 : i32
    %dma_start3A_11 = arith.constant 0 : i32
    %dma_start3A_12 = tpu.memref_slice %arg3[%add3A, %dma_start3A_10, %dma_start3A_11] : memref<32x250x40xi32, #tpu.memory_space<hbm>> -> memref<1x250x40xi32, #tpu.memory_space<hbm>>
    %dma_start3A_13 = tpu.memref_squeeze %dma_start3A_12 : memref<1x250x40xi32, #tpu.memory_space<hbm>> -> memref<250x40xi32, #tpu.memory_space<hbm>>
    %dma_start3A_14 = arith.constant 0 : i32
    %dma_start3A_15 = arith.constant 0 : i32
    %dma_start3A_16 = tpu.memref_slice %arg3[%add3A, %dma_start3A_14, %dma_start3A_15] : memref<32x250x40xi32, #tpu.memory_space<hbm>> -> memref<1x250x40xi32, #tpu.memory_space<hbm>>
    %dma_start3A_17 = tpu.memref_squeeze %dma_start3A_16 : memref<1x250x40xi32, #tpu.memory_space<hbm>> -> memref<250x40xi32, #tpu.memory_space<hbm>>
    tpu.enqueue_dma source(%dma_start3A_17 : memref<250x40xi32, #tpu.memory_space<hbm>>) target(%arg7 : memref<250x40xi32, #tpu.memory_space<vmem>>) target_semaphore(%arg10 : memref<!tpu.dma_semaphore, #tpu.memory_space<semaphore_mem>>)
    %scan3A = arith.constant 0 : i32
    %scan3A_18 = arith.constant 0 : i32
    %scan3A_19 = arith.constant 40 : i32
    %scan3A_20 = arith.addi %scan3A_18, %scan3A_19 : i32
    %scan3A_21 = arith.constant 1 : i32
    scf.for %scan3A_454 = %scan3A_18 to %scan3A_20 step %scan3A_21  : i32 {
      %broadcast_in_dim3A = arith.constant 0.000000e+00 : f32
      %broadcast_in_dim3A_455 = vector.broadcast %broadcast_in_dim3A : f32 to vector<16xf32>
      %swap3A = arith.index_cast %scan3A_454 : i32 to index
      %swap3A_456 = arith.constant 0 : index
      %swap3A_457 = tpu.vector_load %arg8[%swap3A, %swap3A_456] {strides = array<i32>} : memref<200x128xf32, #tpu.memory_space<vmem>>, vector<1x16xf32>,
      %swap3A_458 = vector.shape_cast %swap3A_457 : vector<1x16xf32> to vector<16xf32>
      %swap3A_459 = vector.shape_cast %broadcast_in_dim3A_455 : vector<16xf32> to vector<1x16xf32>
      tpu.vector_store %arg8[%swap3A, %swap3A_456], %swap3A_459 {strides = array<i32>} : memref<200x128xf32, #tpu.memory_space<vmem>>, vector<1x16xf32>,
      %broadcast_in_dim3A_460 = arith.constant 0.000000e+00 : f32
      %broadcast_in_dim3A_461 = vector.broadcast %broadcast_in_dim3A_460 : f32 to vector<16xf32>
      %swap3A_462 = arith.index_cast %scan3A_454 : i32 to index
      %swap3A_463 = arith.constant 16 : index
      %swap3A_464 = tpu.vector_load %arg8[%swap3A_462, %swap3A_463] {strides = array<i32>} : memref<200x128xf32, #tpu.memory_space<vmem>>, vector<1x16xf32>,
      %swap3A_465 = vector.shape_cast %swap3A_464 : vector<1x16xf32> to vector<16xf32>
      %swap3A_466 = vector.shape_cast %broadcast_in_dim3A_461 : vector<16xf32> to vector<1x16xf32>
      tpu.vector_store %arg8[%swap3A_462, %swap3A_463], %swap3A_466 {strides = array<i32>} : memref<200x128xf32, #tpu.memory_space<vmem>>, vector<1x16xf32>,
      %broadcast_in_dim3A_467 = arith.constant 0.000000e+00 : f32
      %broadcast_in_dim3A_468 = vector.broadcast %broadcast_in_dim3A_467 : f32 to vector<16xf32>
      %swap3A_469 = arith.index_cast %scan3A_454 : i32 to index
      %swap3A_470 = arith.constant 32 : index
      %swap3A_471 = tpu.vector_load %arg8[%swap3A_469, %swap3A_470] {strides = array<i32>} : memref<200x128xf32, #tpu.memory_space<vmem>>, vector<1x16xf32>,
      %swap3A_472 = vector.shape_cast %swap3A_471 : vector<1x16xf32> to vector<16xf32>
      %swap3A_473 = vector.shape_cast %broadcast_in_dim3A_468 : vector<16xf32> to vector<1x16xf32>
      tpu.vector_store %arg8[%swap3A_469, %swap3A_470], %swap3A_473 {strides = array<i32>} : memref<200x128xf32, #tpu.memory_space<vmem>>, vector<1x16xf32>,
      %broadcast_in_dim3A_474 = arith.constant 0.000000e+00 : f32
      %broadcast_in_dim3A_475 = vector.broadcast %broadcast_in_dim3A_474 : f32 to vector<16xf32>
      %swap3A_476 = arith.index_cast %scan3A_454 : i32 to index
      %swap3A_477 = arith.constant 48 : index
      %swap3A_478 = tpu.vector_load %arg8[%swap3A_476, %swap3A_477] {strides = array<i32>} : memref<200x128xf32, #tpu.memory_space<vmem>>, vector<1x16xf32>,
      %swap3A_479 = vector.shape_cast %swap3A_478 : vector<1x16xf32> to vector<16xf32>
      %swap3A_480 = vector.shape_cast %broadcast_in_dim3A_475 : vector<16xf32> to vector<1x16xf32>
      tpu.vector_store %arg8[%swap3A_476, %swap3A_477], %swap3A_480 {strides = array<i32>} : memref<200x128xf32, #tpu.memory_space<vmem>>, vector<1x16xf32>,
      %broadcast_in_dim3A_481 = arith.constant 0.000000e+00 : f32
      %broadcast_in_dim3A_482 = vector.broadcast %broadcast_in_dim3A_481 : f32 to vector<16xf32>
      %swap3A_483 = arith.index_cast %scan3A_454 : i32 to index
      %swap3A_484 = arith.constant 64 : index
      %swap3A_485 = tpu.vector_load %arg8[%swap3A_483, %swap3A_484] {strides = array<i32>} : memref<200x128xf32, #tpu.memory_space<vmem>>, vector<1x16xf32>,
      %swap3A_486 = vector.shape_cast %swap3A_485 : vector<1x16xf32> to vector<16xf32>
      %swap3A_487 = vector.shape_cast %broadcast_in_dim3A_482 : vector<16xf32> to vector<1x16xf32>
      tpu.vector_store %arg8[%swap3A_483, %swap3A_484], %swap3A_487 {strides = array<i32>} : memref<200x128xf32, #tpu.memory_space<vmem>>, vector<1x16xf32>,
      %broadcast_in_dim3A_488 = arith.constant 0.000000e+00 : f32
      %broadcast_in_dim3A_489 = vector.broadcast %broadcast_in_dim3A_488 : f32 to vector<16xf32>
      %swap3A_490 = arith.index_cast %scan3A_454 : i32 to index
      %swap3A_491 = arith.constant 80 : index
      %swap3A_492 = tpu.vector_load %arg8[%swap3A_490, %swap3A_491] {strides = array<i32>} : memref<200x128xf32, #tpu.memory_space<vmem>>, vector<1x16xf32>,
      %swap3A_493 = vector.shape_cast %swap3A_492 : vector<1x16xf32> to vector<16xf32>
      %swap3A_494 = vector.shape_cast %broadcast_in_dim3A_489 : vector<16xf32> to vector<1x16xf32>
      tpu.vector_store %arg8[%swap3A_490, %swap3A_491], %swap3A_494 {strides = array<i32>} : memref<200x128xf32, #tpu.memory_space<vmem>>, vector<1x16xf32>,
      %broadcast_in_dim3A_495 = arith.constant 0.000000e+00 : f32
      %broadcast_in_dim3A_496 = vector.broadcast %broadcast_in_dim3A_495 : f32 to vector<16xf32>
      %swap3A_497 = arith.index_cast %scan3A_454 : i32 to index
      %swap3A_498 = arith.constant 96 : index
      %swap3A_499 = tpu.vector_load %arg8[%swap3A_497, %swap3A_498] {strides = array<i32>} : memref<200x128xf32, #tpu.memory_space<vmem>>, vector<1x16xf32>,
      %swap3A_500 = vector.shape_cast %swap3A_499 : vector<1x16xf32> to vector<16xf32>
      %swap3A_501 = vector.shape_cast %broadcast_in_dim3A_496 : vector<16xf32> to vector<1x16xf32>
      tpu.vector_store %arg8[%swap3A_497, %swap3A_498], %swap3A_501 {strides = array<i32>} : memref<200x128xf32, #tpu.memory_space<vmem>>, vector<1x16xf32>,
      %broadcast_in_dim3A_502 = arith.constant 0.000000e+00 : f32
      %broadcast_in_dim3A_503 = vector.broadcast %broadcast_in_dim3A_502 : f32 to vector<16xf32>
      %swap3A_504 = arith.index_cast %scan3A_454 : i32 to index
      %swap3A_505 = arith.constant 112 : index
      %swap3A_506 = tpu.vector_load %arg8[%swap3A_504, %swap3A_505] {strides = array<i32>} : memref<200x128xf32, #tpu.memory_space<vmem>>, vector<1x16xf32>,
      %swap3A_507 = vector.shape_cast %swap3A_506 : vector<1x16xf32> to vector<16xf32>
      %swap3A_508 = vector.shape_cast %broadcast_in_dim3A_503 : vector<16xf32> to vector<1x16xf32>
      tpu.vector_store %arg8[%swap3A_504, %swap3A_505], %swap3A_508 {strides = array<i32>} : memref<200x128xf32, #tpu.memory_space<vmem>>, vector<1x16xf32>,
    }
    %scan3A_22 = arith.constant 40 : i32
    %dma_wait3A = arith.constant 0 : i32
    %dma_wait3A_23 = arith.constant 0 : i32
    %dma_wait3A_24 = tpu.memref_slice %arg4[%add3A, %dma_wait3A, %dma_wait3A_23] : memref<32x250x40xi32, #tpu.memory_space<hbm>> -> memref<1x250x40xi32, #tpu.memory_space<hbm>>
    %dma_wait3A_25 = tpu.memref_squeeze %dma_wait3A_24 : memref<1x250x40xi32, #tpu.memory_space<hbm>> -> memref<250x40xi32, #tpu.memory_space<hbm>>
    %dma_wait3A_26 = arith.constant 0 : i32
    %dma_wait3A_27 = arith.constant 0 : i32
    %dma_wait3A_28 = tpu.memref_slice %arg4[%add3A, %dma_wait3A_26, %dma_wait3A_27] : memref<32x250x40xi32, #tpu.memory_space<hbm>> -> memref<1x250x40xi32, #tpu.memory_space<hbm>>
    %dma_wait3A_29 = tpu.memref_squeeze %dma_wait3A_28 : memref<1x250x40xi32, #tpu.memory_space<hbm>> -> memref<250x40xi32, #tpu.memory_space<hbm>>
    tpu.wait_dma2 semaphore(%arg10 : memref<!tpu.dma_semaphore, #tpu.memory_space<semaphore_mem>>) src(%dma_wait3A_29 : memref<250x40xi32, #tpu.memory_space<hbm>>) dst(%arg6 : memref<250x40xi32, #tpu.memory_space<vmem>>)
    %dma_wait3A_30 = arith.constant 0 : i32
    %dma_wait3A_31 = arith.constant 0 : i32
    %dma_wait3A_32 = tpu.memref_slice %arg3[%add3A, %dma_wait3A_30, %dma_wait3A_31] : memref<32x250x40xi32, #tpu.memory_space<hbm>> -> memref<1x250x40xi32, #tpu.memory_space<hbm>>
    %dma_wait3A_33 = tpu.memref_squeeze %dma_wait3A_32 : memref<1x250x40xi32, #tpu.memory_space<hbm>> -> memref<250x40xi32, #tpu.memory_space<hbm>>
    %dma_wait3A_34 = arith.constant 0 : i32
    %dma_wait3A_35 = arith.constant 0 : i32
    %dma_wait3A_36 = tpu.memref_slice %arg3[%add3A, %dma_wait3A_34, %dma_wait3A_35] : memref<32x250x40xi32, #tpu.memory_space<hbm>> -> memref<1x250x40xi32, #tpu.memory_space<hbm>>
    %dma_wait3A_37 = tpu.memref_squeeze %dma_wait3A_36 : memref<1x250x40xi32, #tpu.memory_space<hbm>> -> memref<250x40xi32, #tpu.memory_space<hbm>>
    tpu.wait_dma2 semaphore(%arg10 : memref<!tpu.dma_semaphore, #tpu.memory_space<semaphore_mem>>) src(%dma_wait3A_37 : memref<250x40xi32, #tpu.memory_space<hbm>>) dst(%arg7 : memref<250x40xi32, #tpu.memory_space<vmem>>)
    %add3A_38 = arith.constant 0 : i32
    %add3A_39 = arith.addi %mul3A_2, %add3A_38 : i32
    %dma_start3A_40 = arith.constant 0 : i32
    %dma_start3A_41 = arith.constant 0 : i32
    %dma_start3A_42 = tpu.memref_slice %arg8[%dma_start3A_40, %dma_start3A_41] : memref<200x128xf32, #tpu.memory_space<vmem>> -> memref<40x128xf32, #tpu.memory_space<vmem>>
    %dma_start3A_43 = arith.constant 0 : i32
    %dma_start3A_44 = tpu.memref_slice %arg9[%add3A_39, %dma_start3A_43] : memref<10000x128xf32, #tpu.memory_space<vmem_shared>> -> memref<40x128xf32, #tpu.memory_space<vmem_shared>>
    %dma_start3A_45 = arith.constant 0 : i32
    %dma_start3A_46 = tpu.memref_slice %arg9[%add3A_39, %dma_start3A_45] : memref<10000x128xf32, #tpu.memory_space<vmem_shared>> -> memref<40x128xf32, #tpu.memory_space<vmem_shared>>
    %dma_start3A_47 = arith.constant 0 : i32
    %dma_start3A_48 = arith.constant 0 : i32
    %dma_start3A_49 = tpu.memref_slice %arg8[%dma_start3A_47, %dma_start3A_48] : memref<200x128xf32, #tpu.memory_space<vmem>> -> memref<40x128xf32, #tpu.memory_space<vmem>>
    tpu.enqueue_dma source(%dma_start3A_49 : memref<40x128xf32, #tpu.memory_space<vmem>>) target(%dma_start3A_46 : memref<40x128xf32, #tpu.memory_space<vmem_shared>>) target_semaphore(%arg10 : memref<!tpu.dma_semaphore, #tpu.memory_space<semaphore_mem>>)
    %add3A_50 = arith.constant 40 : i32
    %add3A_51 = arith.addi %mul3A_2, %add3A_50 : i32
    %dma_start3A_52 = arith.constant 0 : i32
    %dma_start3A_53 = arith.constant 0 : i32
    %dma_start3A_54 = tpu.memref_slice %arg8[%dma_start3A_52, %dma_start3A_53] : memref<200x128xf32, #tpu.memory_space<vmem>> -> memref<40x128xf32, #tpu.memory_space<vmem>>
    %dma_start3A_55 = arith.constant 0 : i32
    %dma_start3A_56 = tpu.memref_slice %arg9[%add3A_51, %dma_start3A_55] : memref<10000x128xf32, #tpu.memory_space<vmem_shared>> -> memref<40x128xf32, #tpu.memory_space<vmem_shared>>
    %dma_start3A_57 = arith.constant 0 : i32
    %dma_start3A_58 = tpu.memref_slice %arg9[%add3A_51, %dma_start3A_57] : memref<10000x128xf32, #tpu.memory_space<vmem_shared>> -> memref<40x128xf32, #tpu.memory_space<vmem_shared>>
    %dma_start3A_59 = arith.constant 0 : i32
    %dma_start3A_60 = arith.constant 0 : i32
    %dma_start3A_61 = tpu.memref_slice %arg8[%dma_start3A_59, %dma_start3A_60] : memref<200x128xf32, #tpu.memory_space<vmem>> -> memref<40x128xf32, #tpu.memory_space<vmem>>
    tpu.enqueue_dma source(%dma_start3A_61 : memref<40x128xf32, #tpu.memory_space<vmem>>) target(%dma_start3A_58 : memref<40x128xf32, #tpu.memory_space<vmem_shared>>) target_semaphore(%arg10 : memref<!tpu.dma_semaphore, #tpu.memory_space<semaphore_mem>>)
    %add3A_62 = arith.constant 80 : i32
    %add3A_63 = arith.addi %mul3A_2, %add3A_62 : i32
    %dma_start3A_64 = arith.constant 0 : i32
    %dma_start3A_65 = arith.constant 0 : i32
    %dma_start3A_66 = tpu.memref_slice %arg8[%dma_start3A_64, %dma_start3A_65] : memref<200x128xf32, #tpu.memory_space<vmem>> -> memref<40x128xf32, #tpu.memory_space<vmem>>
    %dma_start3A_67 = arith.constant 0 : i32
    %dma_start3A_68 = tpu.memref_slice %arg9[%add3A_63, %dma_start3A_67] : memref<10000x128xf32, #tpu.memory_space<vmem_shared>> -> memref<40x128xf32, #tpu.memory_space<vmem_shared>>
    %dma_start3A_69 = arith.constant 0 : i32
    %dma_start3A_70 = tpu.memref_slice %arg9[%add3A_63, %dma_start3A_69] : memref<10000x128xf32, #tpu.memory_space<vmem_shared>> -> memref<40x128xf32, #tpu.memory_space<vmem_shared>>
    %dma_start3A_71 = arith.constant 0 : i32
    %dma_start3A_72 = arith.constant 0 : i32
    %dma_start3A_73 = tpu.memref_slice %arg8[%dma_start3A_71, %dma_start3A_72] : memref<200x128xf32, #tpu.memory_space<vmem>> -> memref<40x128xf32, #tpu.memory_space<vmem>>
    tpu.enqueue_dma source(%dma_start3A_73 : memref<40x128xf32, #tpu.memory_space<vmem>>) target(%dma_start3A_70 : memref<40x128xf32, #tpu.memory_space<vmem_shared>>) target_semaphore(%arg10 : memref<!tpu.dma_semaphore, #tpu.memory_space<semaphore_mem>>)
    %add3A_74 = arith.constant 120 : i32
    %add3A_75 = arith.addi %mul3A_2, %add3A_74 : i32
    %dma_start3A_76 = arith.constant 0 : i32
    %dma_start3A_77 = arith.constant 0 : i32
    %dma_start3A_78 = tpu.memref_slice %arg8[%dma_start3A_76, %dma_start3A_77] : memref<200x128xf32, #tpu.memory_space<vmem>> -> memref<40x128xf32, #tpu.memory_space<vmem>>
    %dma_start3A_79 = arith.constant 0 : i32
    %dma_start3A_80 = tpu.memref_slice %arg9[%add3A_75, %dma_start3A_79] : memref<10000x128xf32, #tpu.memory_space<vmem_shared>> -> memref<40x128xf32, #tpu.memory_space<vmem_shared>>
    %dma_start3A_81 = arith.constant 0 : i32
    %dma_start3A_82 = tpu.memref_slice %arg9[%add3A_75, %dma_start3A_81] : memref<10000x128xf32, #tpu.memory_space<vmem_shared>> -> memref<40x128xf32, #tpu.memory_space<vmem_shared>>
    %dma_start3A_83 = arith.constant 0 : i32
    %dma_start3A_84 = arith.constant 0 : i32
    %dma_start3A_85 = tpu.memref_slice %arg8[%dma_start3A_83, %dma_start3A_84] : memref<200x128xf32, #tpu.memory_space<vmem>> -> memref<40x128xf32, #tpu.memory_space<vmem>>
    tpu.enqueue_dma source(%dma_start3A_85 : memref<40x128xf32, #tpu.memory_space<vmem>>) target(%dma_start3A_82 : memref<40x128xf32, #tpu.memory_space<vmem_shared>>) target_semaphore(%arg10 : memref<!tpu.dma_semaphore, #tpu.memory_space<semaphore_mem>>)
    %add3A_86 = arith.constant 160 : i32
    %add3A_87 = arith.addi %mul3A_2, %add3A_86 : i32
    %dma_start3A_88 = arith.constant 0 : i32
    %dma_start3A_89 = arith.constant 0 : i32
    %dma_start3A_90 = tpu.memref_slice %arg8[%dma_start3A_88, %dma_start3A_89] : memref<200x128xf32, #tpu.memory_space<vmem>> -> memref<40x128xf32, #tpu.memory_space<vmem>>
    %dma_start3A_91 = arith.constant 0 : i32
    %dma_start3A_92 = tpu.memref_slice %arg9[%add3A_87, %dma_start3A_91] : memref<10000x128xf32, #tpu.memory_space<vmem_shared>> -> memref<40x128xf32, #tpu.memory_space<vmem_shared>>
    %dma_start3A_93 = arith.constant 0 : i32
    %dma_start3A_94 = tpu.memref_slice %arg9[%add3A_87, %dma_start3A_93] : memref<10000x128xf32, #tpu.memory_space<vmem_shared>> -> memref<40x128xf32, #tpu.memory_space<vmem_shared>>
    %dma_start3A_95 = arith.constant 0 : i32
    %dma_start3A_96 = arith.constant 0 : i32
    %dma_start3A_97 = tpu.memref_slice %arg8[%dma_start3A_95, %dma_start3A_96] : memref<200x128xf32, #tpu.memory_space<vmem>> -> memref<40x128xf32, #tpu.memory_space<vmem>>
    tpu.enqueue_dma source(%dma_start3A_97 : memref<40x128xf32, #tpu.memory_space<vmem>>) target(%dma_start3A_94 : memref<40x128xf32, #tpu.memory_space<vmem_shared>>) target_semaphore(%arg10 : memref<!tpu.dma_semaphore, #tpu.memory_space<semaphore_mem>>)
    %add3A_98 = arith.constant 200 : i32
    %add3A_99 = arith.addi %mul3A_2, %add3A_98 : i32
    %dma_start3A_100 = arith.constant 0 : i32
    %dma_start3A_101 = arith.constant 0 : i32
    %dma_start3A_102 = tpu.memref_slice %arg8[%dma_start3A_100, %dma_start3A_101] : memref<200x128xf32, #tpu.memory_space<vmem>> -> memref<40x128xf32, #tpu.memory_space<vmem>>
    %dma_start3A_103 = arith.constant 0 : i32
    %dma_start3A_104 = tpu.memref_slice %arg9[%add3A_99, %dma_start3A_103] : memref<10000x128xf32, #tpu.memory_space<vmem_shared>> -> memref<40x128xf32, #tpu.memory_space<vmem_shared>>
    %dma_start3A_105 = arith.constant 0 : i32
    %dma_start3A_106 = tpu.memref_slice %arg9[%add3A_99, %dma_start3A_105] : memref<10000x128xf32, #tpu.memory_space<vmem_shared>> -> memref<40x128xf32, #tpu.memory_space<vmem_shared>>
    %dma_start3A_107 = arith.constant 0 : i32
    %dma_start3A_108 = arith.constant 0 : i32
    %dma_start3A_109 = tpu.memref_slice %arg8[%dma_start3A_107, %dma_start3A_108] : memref<200x128xf32, #tpu.memory_space<vmem>> -> memref<40x128xf32, #tpu.memory_space<vmem>>
    tpu.enqueue_dma source(%dma_start3A_109 : memref<40x128xf32, #tpu.memory_space<vmem>>) target(%dma_start3A_106 : memref<40x128xf32, #tpu.memory_space<vmem_shared>>) target_semaphore(%arg10 : memref<!tpu.dma_semaphore, #tpu.memory_space<semaphore_mem>>)
    %add3A_110 = arith.constant 240 : i32
    %add3A_111 = arith.addi %mul3A_2, %add3A_110 : i32
    %dma_start3A_112 = arith.constant 0 : i32
    %dma_start3A_113 = arith.constant 0 : i32
    %dma_start3A_114 = tpu.memref_slice %arg8[%dma_start3A_112, %dma_start3A_113] : memref<200x128xf32, #tpu.memory_space<vmem>> -> memref<40x128xf32, #tpu.memory_space<vmem>>
    %dma_start3A_115 = arith.constant 0 : i32
    %dma_start3A_116 = tpu.memref_slice %arg9[%add3A_111, %dma_start3A_115] : memref<10000x128xf32, #tpu.memory_space<vmem_shared>> -> memref<40x128xf32, #tpu.memory_space<vmem_shared>>
    %dma_start3A_117 = arith.constant 0 : i32
    %dma_start3A_118 = tpu.memref_slice %arg9[%add3A_111, %dma_start3A_117] : memref<10000x128xf32, #tpu.memory_space<vmem_shared>> -> memref<40x128xf32, #tpu.memory_space<vmem_shared>>
    %dma_start3A_119 = arith.constant 0 : i32
    %dma_start3A_120 = arith.constant 0 : i32
    %dma_start3A_121 = tpu.memref_slice %arg8[%dma_start3A_119, %dma_start3A_120] : memref<200x128xf32, #tpu.memory_space<vmem>> -> memref<40x128xf32, #tpu.memory_space<vmem>>
    tpu.enqueue_dma source(%dma_start3A_121 : memref<40x128xf32, #tpu.memory_space<vmem>>) target(%dma_start3A_118 : memref<40x128xf32, #tpu.memory_space<vmem_shared>>) target_semaphore(%arg10 : memref<!tpu.dma_semaphore, #tpu.memory_space<semaphore_mem>>)
    %add3A_122 = arith.constant 280 : i32
    %add3A_123 = arith.addi %mul3A_2, %add3A_122 : i32
    %dma_start3A_124 = arith.constant 0 : i32
    %dma_start3A_125 = arith.constant 0 : i32
    %dma_start3A_126 = tpu.memref_slice %arg8[%dma_start3A_124, %dma_start3A_125] : memref<200x128xf32, #tpu.memory_space<vmem>> -> memref<40x128xf32, #tpu.memory_space<vmem>>
    %dma_start3A_127 = arith.constant 0 : i32
    %dma_start3A_128 = tpu.memref_slice %arg9[%add3A_123, %dma_start3A_127] : memref<10000x128xf32, #tpu.memory_space<vmem_shared>> -> memref<40x128xf32, #tpu.memory_space<vmem_shared>>
    %dma_start3A_129 = arith.constant 0 : i32
    %dma_start3A_130 = tpu.memref_slice %arg9[%add3A_123, %dma_start3A_129] : memref<10000x128xf32, #tpu.memory_space<vmem_shared>> -> memref<40x128xf32, #tpu.memory_space<vmem_shared>>
    %dma_start3A_131 = arith.constant 0 : i32
    %dma_start3A_132 = arith.constant 0 : i32
    %dma_start3A_133 = tpu.memref_slice %arg8[%dma_start3A_131, %dma_start3A_132] : memref<200x128xf32, #tpu.memory_space<vmem>> -> memref<40x128xf32, #tpu.memory_space<vmem>>
    tpu.enqueue_dma source(%dma_start3A_133 : memref<40x128xf32, #tpu.memory_space<vmem>>) target(%dma_start3A_130 : memref<40x128xf32, #tpu.memory_space<vmem_shared>>) target_semaphore(%arg10 : memref<!tpu.dma_semaphore, #tpu.memory_space<semaphore_mem>>)
    %add3A_134 = arith.constant 320 : i32
    %add3A_135 = arith.addi %mul3A_2, %add3A_134 : i32
    %dma_start3A_136 = arith.constant 0 : i32
    %dma_start3A_137 = arith.constant 0 : i32
    %dma_start3A_138 = tpu.memref_slice %arg8[%dma_start3A_136, %dma_start3A_137] : memref<200x128xf32, #tpu.memory_space<vmem>> -> memref<40x128xf32, #tpu.memory_space<vmem>>
    %dma_start3A_139 = arith.constant 0 : i32
    %dma_start3A_140 = tpu.memref_slice %arg9[%add3A_135, %dma_start3A_139] : memref<10000x128xf32, #tpu.memory_space<vmem_shared>> -> memref<40x128xf32, #tpu.memory_space<vmem_shared>>
    %dma_start3A_141 = arith.constant 0 : i32
    %dma_start3A_142 = tpu.memref_slice %arg9[%add3A_135, %dma_start3A_141] : memref<10000x128xf32, #tpu.memory_space<vmem_shared>> -> memref<40x128xf32, #tpu.memory_space<vmem_shared>>
    %dma_start3A_143 = arith.constant 0 : i32
    %dma_start3A_144 = arith.constant 0 : i32
    %dma_start3A_145 = tpu.memref_slice %arg8[%dma_start3A_143, %dma_start3A_144] : memref<200x128xf32, #tpu.memory_space<vmem>> -> memref<40x128xf32, #tpu.memory_space<vmem>>
    tpu.enqueue_dma source(%dma_start3A_145 : memref<40x128xf32, #tpu.memory_space<vmem>>) target(%dma_start3A_142 : memref<40x128xf32, #tpu.memory_space<vmem_shared>>) target_semaphore(%arg10 : memref<!tpu.dma_semaphore, #tpu.memory_space<semaphore_mem>>)
    %add3A_146 = arith.constant 360 : i32
    %add3A_147 = arith.addi %mul3A_2, %add3A_146 : i32
    %dma_start3A_148 = arith.constant 0 : i32
    %dma_start3A_149 = arith.constant 0 : i32
    %dma_start3A_150 = tpu.memref_slice %arg8[%dma_start3A_148, %dma_start3A_149] : memref<200x128xf32, #tpu.memory_space<vmem>> -> memref<40x128xf32, #tpu.memory_space<vmem>>
    %dma_start3A_151 = arith.constant 0 : i32
    %dma_start3A_152 = tpu.memref_slice %arg9[%add3A_147, %dma_start3A_151] : memref<10000x128xf32, #tpu.memory_space<vmem_shared>> -> memref<40x128xf32, #tpu.memory_space<vmem_shared>>
    %dma_start3A_153 = arith.constant 0 : i32
    %dma_start3A_154 = tpu.memref_slice %arg9[%add3A_147, %dma_start3A_153] : memref<10000x128xf32, #tpu.memory_space<vmem_shared>> -> memref<40x128xf32, #tpu.memory_space<vmem_shared>>
    %dma_start3A_155 = arith.constant 0 : i32
    %dma_start3A_156 = arith.constant 0 : i32
    %dma_start3A_157 = tpu.memref_slice %arg8[%dma_start3A_155, %dma_start3A_156] : memref<200x128xf32, #tpu.memory_space<vmem>> -> memref<40x128xf32, #tpu.memory_space<vmem>>
    tpu.enqueue_dma source(%dma_start3A_157 : memref<40x128xf32, #tpu.memory_space<vmem>>) target(%dma_start3A_154 : memref<40x128xf32, #tpu.memory_space<vmem_shared>>) target_semaphore(%arg10 : memref<!tpu.dma_semaphore, #tpu.memory_space<semaphore_mem>>)
    %add3A_158 = arith.constant 400 : i32
    %add3A_159 = arith.addi %mul3A_2, %add3A_158 : i32
    %dma_start3A_160 = arith.constant 0 : i32
    %dma_start3A_161 = arith.constant 0 : i32
    %dma_start3A_162 = tpu.memref_slice %arg8[%dma_start3A_160, %dma_start3A_161] : memref<200x128xf32, #tpu.memory_space<vmem>> -> memref<40x128xf32, #tpu.memory_space<vmem>>
    %dma_start3A_163 = arith.constant 0 : i32
    %dma_start3A_164 = tpu.memref_slice %arg9[%add3A_159, %dma_start3A_163] : memref<10000x128xf32, #tpu.memory_space<vmem_shared>> -> memref<40x128xf32, #tpu.memory_space<vmem_shared>>
    %dma_start3A_165 = arith.constant 0 : i32
    %dma_start3A_166 = tpu.memref_slice %arg9[%add3A_159, %dma_start3A_165] : memref<10000x128xf32, #tpu.memory_space<vmem_shared>> -> memref<40x128xf32, #tpu.memory_space<vmem_shared>>
    %dma_start3A_167 = arith.constant 0 : i32
    %dma_start3A_168 = arith.constant 0 : i32
    %dma_start3A_169 = tpu.memref_slice %arg8[%dma_start3A_167, %dma_start3A_168] : memref<200x128xf32, #tpu.memory_space<vmem>> -> memref<40x128xf32, #tpu.memory_space<vmem>>
    tpu.enqueue_dma source(%dma_start3A_169 : memref<40x128xf32, #tpu.memory_space<vmem>>) target(%dma_start3A_166 : memref<40x128xf32, #tpu.memory_space<vmem_shared>>) target_semaphore(%arg10 : memref<!tpu.dma_semaphore, #tpu.memory_space<semaphore_mem>>)
    %add3A_170 = arith.constant 440 : i32
    %add3A_171 = arith.addi %mul3A_2, %add3A_170 : i32
    %dma_start3A_172 = arith.constant 0 : i32
    %dma_start3A_173 = arith.constant 0 : i32
    %dma_start3A_174 = tpu.memref_slice %arg8[%dma_start3A_172, %dma_start3A_173] : memref<200x128xf32, #tpu.memory_space<vmem>> -> memref<40x128xf32, #tpu.memory_space<vmem>>
    %dma_start3A_175 = arith.constant 0 : i32
    %dma_start3A_176 = tpu.memref_slice %arg9[%add3A_171, %dma_start3A_175] : memref<10000x128xf32, #tpu.memory_space<vmem_shared>> -> memref<40x128xf32, #tpu.memory_space<vmem_shared>>
    %dma_start3A_177 = arith.constant 0 : i32
    %dma_start3A_178 = tpu.memref_slice %arg9[%add3A_171, %dma_start3A_177] : memref<10000x128xf32, #tpu.memory_space<vmem_shared>> -> memref<40x128xf32, #tpu.memory_space<vmem_shared>>
    %dma_start3A_179 = arith.constant 0 : i32
    %dma_start3A_180 = arith.constant 0 : i32
    %dma_start3A_181 = tpu.memref_slice %arg8[%dma_start3A_179, %dma_start3A_180] : memref<200x128xf32, #tpu.memory_space<vmem>> -> memref<40x128xf32, #tpu.memory_space<vmem>>
    tpu.enqueue_dma source(%dma_start3A_181 : memref<40x128xf32, #tpu.memory_space<vmem>>) target(%dma_start3A_178 : memref<40x128xf32, #tpu.memory_space<vmem_shared>>) target_semaphore(%arg10 : memref<!tpu.dma_semaphore, #tpu.memory_space<semaphore_mem>>)
    %add3A_182 = arith.constant 480 : i32
    %add3A_183 = arith.addi %mul3A_2, %add3A_182 : i32
    %dma_start3A_184 = arith.constant 0 : i32
    %dma_start3A_185 = arith.constant 0 : i32
    %dma_start3A_186 = tpu.memref_slice %arg8[%dma_start3A_184, %dma_start3A_185] : memref<200x128xf32, #tpu.memory_space<vmem>> -> memref<40x128xf32, #tpu.memory_space<vmem>>
    %dma_start3A_187 = arith.constant 0 : i32
    %dma_start3A_188 = tpu.memref_slice %arg9[%add3A_183, %dma_start3A_187] : memref<10000x128xf32, #tpu.memory_space<vmem_shared>> -> memref<40x128xf32, #tpu.memory_space<vmem_shared>>
    %dma_start3A_189 = arith.constant 0 : i32
    %dma_start3A_190 = tpu.memref_slice %arg9[%add3A_183, %dma_start3A_189] : memref<10000x128xf32, #tpu.memory_space<vmem_shared>> -> memref<40x128xf32, #tpu.memory_space<vmem_shared>>
    %dma_start3A_191 = arith.constant 0 : i32
    %dma_start3A_192 = arith.constant 0 : i32
    %dma_start3A_193 = tpu.memref_slice %arg8[%dma_start3A_191, %dma_start3A_192] : memref<200x128xf32, #tpu.memory_space<vmem>> -> memref<40x128xf32, #tpu.memory_space<vmem>>
    tpu.enqueue_dma source(%dma_start3A_193 : memref<40x128xf32, #tpu.memory_space<vmem>>) target(%dma_start3A_190 : memref<40x128xf32, #tpu.memory_space<vmem_shared>>) target_semaphore(%arg10 : memref<!tpu.dma_semaphore, #tpu.memory_space<semaphore_mem>>)
    %add3A_194 = arith.constant 520 : i32
    %add3A_195 = arith.addi %mul3A_2, %add3A_194 : i32
    %dma_start3A_196 = arith.constant 0 : i32
    %dma_start3A_197 = arith.constant 0 : i32
    %dma_start3A_198 = tpu.memref_slice %arg8[%dma_start3A_196, %dma_start3A_197] : memref<200x128xf32, #tpu.memory_space<vmem>> -> memref<40x128xf32, #tpu.memory_space<vmem>>
    %dma_start3A_199 = arith.constant 0 : i32
    %dma_start3A_200 = tpu.memref_slice %arg9[%add3A_195, %dma_start3A_199] : memref<10000x128xf32, #tpu.memory_space<vmem_shared>> -> memref<40x128xf32, #tpu.memory_space<vmem_shared>>
    %dma_start3A_201 = arith.constant 0 : i32
    %dma_start3A_202 = tpu.memref_slice %arg9[%add3A_195, %dma_start3A_201] : memref<10000x128xf32, #tpu.memory_space<vmem_shared>> -> memref<40x128xf32, #tpu.memory_space<vmem_shared>>
    %dma_start3A_203 = arith.constant 0 : i32
    %dma_start3A_204 = arith.constant 0 : i32
    %dma_start3A_205 = tpu.memref_slice %arg8[%dma_start3A_203, %dma_start3A_204] : memref<200x128xf32, #tpu.memory_space<vmem>> -> memref<40x128xf32, #tpu.memory_space<vmem>>
    tpu.enqueue_dma source(%dma_start3A_205 : memref<40x128xf32, #tpu.memory_space<vmem>>) target(%dma_start3A_202 : memref<40x128xf32, #tpu.memory_space<vmem_shared>>) target_semaphore(%arg10 : memref<!tpu.dma_semaphore, #tpu.memory_space<semaphore_mem>>)
    %add3A_206 = arith.constant 560 : i32
    %add3A_207 = arith.addi %mul3A_2, %add3A_206 : i32
    %dma_start3A_208 = arith.constant 0 : i32
    %dma_start3A_209 = arith.constant 0 : i32
    %dma_start3A_210 = tpu.memref_slice %arg8[%dma_start3A_208, %dma_start3A_209] : memref<200x128xf32, #tpu.memory_space<vmem>> -> memref<40x128xf32, #tpu.memory_space<vmem>>
    %dma_start3A_211 = arith.constant 0 : i32
    %dma_start3A_212 = tpu.memref_slice %arg9[%add3A_207, %dma_start3A_211] : memref<10000x128xf32, #tpu.memory_space<vmem_shared>> -> memref<40x128xf32, #tpu.memory_space<vmem_shared>>
    %dma_start3A_213 = arith.constant 0 : i32
    %dma_start3A_214 = tpu.memref_slice %arg9[%add3A_207, %dma_start3A_213] : memref<10000x128xf32, #tpu.memory_space<vmem_shared>> -> memref<40x128xf32, #tpu.memory_space<vmem_shared>>
    %dma_start3A_215 = arith.constant 0 : i32
    %dma_start3A_216 = arith.constant 0 : i32
    %dma_start3A_217 = tpu.memref_slice %arg8[%dma_start3A_215, %dma_start3A_216] : memref<200x128xf32, #tpu.memory_space<vmem>> -> memref<40x128xf32, #tpu.memory_space<vmem>>
    tpu.enqueue_dma source(%dma_start3A_217 : memref<40x128xf32, #tpu.memory_space<vmem>>) target(%dma_start3A_214 : memref<40x128xf32, #tpu.memory_space<vmem_shared>>) target_semaphore(%arg10 : memref<!tpu.dma_semaphore, #tpu.memory_space<semaphore_mem>>)
    %add3A_218 = arith.constant 600 : i32
    %add3A_219 = arith.addi %mul3A_2, %add3A_218 : i32
    %dma_start3A_220 = arith.constant 0 : i32
    %dma_start3A_221 = arith.constant 0 : i32
    %dma_start3A_222 = tpu.memref_slice %arg8[%dma_start3A_220, %dma_start3A_221] : memref<200x128xf32, #tpu.memory_space<vmem>> -> memref<24x128xf32, #tpu.memory_space<vmem>>
    %dma_start3A_223 = arith.constant 0 : i32
    %dma_start3A_224 = tpu.memref_slice %arg9[%add3A_219, %dma_start3A_223] : memref<10000x128xf32, #tpu.memory_space<vmem_shared>> -> memref<24x128xf32, #tpu.memory_space<vmem_shared>>
    %dma_start3A_225 = arith.constant 0 : i32
    %dma_start3A_226 = tpu.memref_slice %arg9[%add3A_219, %dma_start3A_225] : memref<10000x128xf32, #tpu.memory_space<vmem_shared>> -> memref<24x128xf32, #tpu.memory_space<vmem_shared>>
    %dma_start3A_227 = arith.constant 0 : i32
    %dma_start3A_228 = arith.constant 0 : i32
    %dma_start3A_229 = tpu.memref_slice %arg8[%dma_start3A_227, %dma_start3A_228] : memref<200x128xf32, #tpu.memory_space<vmem>> -> memref<24x128xf32, #tpu.memory_space<vmem>>
    tpu.enqueue_dma source(%dma_start3A_229 : memref<24x128xf32, #tpu.memory_space<vmem>>) target(%dma_start3A_226 : memref<24x128xf32, #tpu.memory_space<vmem_shared>>) target_semaphore(%arg10 : memref<!tpu.dma_semaphore, #tpu.memory_space<semaphore_mem>>)
    %dma_wait3A_230 = arith.constant 0 : i32
    %dma_wait3A_231 = arith.constant 0 : i32
    %dma_wait3A_232 = tpu.memref_slice %arg8[%dma_wait3A_230, %dma_wait3A_231] : memref<200x128xf32, #tpu.memory_space<vmem>> -> memref<40x128xf32, #tpu.memory_space<vmem>>
    %dma_wait3A_233 = arith.constant 0 : i32
    %dma_wait3A_234 = tpu.memref_slice %arg9[%add3A_39, %dma_wait3A_233] : memref<10000x128xf32, #tpu.memory_space<vmem_shared>> -> memref<40x128xf32, #tpu.memory_space<vmem_shared>>
    %dma_wait3A_235 = arith.constant 0 : i32
    %dma_wait3A_236 = tpu.memref_slice %arg9[%add3A_39, %dma_wait3A_235] : memref<10000x128xf32, #tpu.memory_space<vmem_shared>> -> memref<40x128xf32, #tpu.memory_space<vmem_shared>>
    %dma_wait3A_237 = arith.constant 0 : i32
    %dma_wait3A_238 = arith.constant 0 : i32
    %dma_wait3A_239 = tpu.memref_slice %arg8[%dma_wait3A_237, %dma_wait3A_238] : memref<200x128xf32, #tpu.memory_space<vmem>> -> memref<40x128xf32, #tpu.memory_space<vmem>>
    tpu.wait_dma2 semaphore(%arg10 : memref<!tpu.dma_semaphore, #tpu.memory_space<semaphore_mem>>) src(%dma_wait3A_239 : memref<40x128xf32, #tpu.memory_space<vmem>>) dst(%dma_wait3A_236 : memref<40x128xf32, #tpu.memory_space<vmem_shared>>)
    %dma_wait3A_240 = arith.constant 0 : i32
    %dma_wait3A_241 = arith.constant 0 : i32
    %dma_wait3A_242 = tpu.memref_slice %arg8[%dma_wait3A_240, %dma_wait3A_241] : memref<200x128xf32, #tpu.memory_space<vmem>> -> memref<40x128xf32, #tpu.memory_space<vmem>>
    %dma_wait3A_243 = arith.constant 0 : i32
    %dma_wait3A_244 = tpu.memref_slice %arg9[%add3A_51, %dma_wait3A_243] : memref<10000x128xf32, #tpu.memory_space<vmem_shared>> -> memref<40x128xf32, #tpu.memory_space<vmem_shared>>
    %dma_wait3A_245 = arith.constant 0 : i32
    %dma_wait3A_246 = tpu.memref_slice %arg9[%add3A_51, %dma_wait3A_245] : memref<10000x128xf32, #tpu.memory_space<vmem_shared>> -> memref<40x128xf32, #tpu.memory_space<vmem_shared>>
    %dma_wait3A_247 = arith.constant 0 : i32
    %dma_wait3A_248 = arith.constant 0 : i32
    %dma_wait3A_249 = tpu.memref_slice %arg8[%dma_wait3A_247, %dma_wait3A_248] : memref<200x128xf32, #tpu.memory_space<vmem>> -> memref<40x128xf32, #tpu.memory_space<vmem>>
    tpu.wait_dma2 semaphore(%arg10 : memref<!tpu.dma_semaphore, #tpu.memory_space<semaphore_mem>>) src(%dma_wait3A_249 : memref<40x128xf32, #tpu.memory_space<vmem>>) dst(%dma_wait3A_246 : memref<40x128xf32, #tpu.memory_space<vmem_shared>>)
    %dma_wait3A_250 = arith.constant 0 : i32
    %dma_wait3A_251 = arith.constant 0 : i32
    %dma_wait3A_252 = tpu.memref_slice %arg8[%dma_wait3A_250, %dma_wait3A_251] : memref<200x128xf32, #tpu.memory_space<vmem>> -> memref<40x128xf32, #tpu.memory_space<vmem>>
    %dma_wait3A_253 = arith.constant 0 : i32
    %dma_wait3A_254 = tpu.memref_slice %arg9[%add3A_63, %dma_wait3A_253] : memref<10000x128xf32, #tpu.memory_space<vmem_shared>> -> memref<40x128xf32, #tpu.memory_space<vmem_shared>>
    %dma_wait3A_255 = arith.constant 0 : i32
    %dma_wait3A_256 = tpu.memref_slice %arg9[%add3A_63, %dma_wait3A_255] : memref<10000x128xf32, #tpu.memory_space<vmem_shared>> -> memref<40x128xf32, #tpu.memory_space<vmem_shared>>
    %dma_wait3A_257 = arith.constant 0 : i32
    %dma_wait3A_258 = arith.constant 0 : i32
    %dma_wait3A_259 = tpu.memref_slice %arg8[%dma_wait3A_257, %dma_wait3A_258] : memref<200x128xf32, #tpu.memory_space<vmem>> -> memref<40x128xf32, #tpu.memory_space<vmem>>
    tpu.wait_dma2 semaphore(%arg10 : memref<!tpu.dma_semaphore, #tpu.memory_space<semaphore_mem>>) src(%dma_wait3A_259 : memref<40x128xf32, #tpu.memory_space<vmem>>) dst(%dma_wait3A_256 : memref<40x128xf32, #tpu.memory_space<vmem_shared>>)
    %dma_wait3A_260 = arith.constant 0 : i32
    %dma_wait3A_261 = arith.constant 0 : i32
    %dma_wait3A_262 = tpu.memref_slice %arg8[%dma_wait3A_260, %dma_wait3A_261] : memref<200x128xf32, #tpu.memory_space<vmem>> -> memref<40x128xf32, #tpu.memory_space<vmem>>
    %dma_wait3A_263 = arith.constant 0 : i32
    %dma_wait3A_264 = tpu.memref_slice %arg9[%add3A_75, %dma_wait3A_263] : memref<10000x128xf32, #tpu.memory_space<vmem_shared>> -> memref<40x128xf32, #tpu.memory_space<vmem_shared>>
    %dma_wait3A_265 = arith.constant 0 : i32
    %dma_wait3A_266 = tpu.memref_slice %arg9[%add3A_75, %dma_wait3A_265] : memref<10000x128xf32, #tpu.memory_space<vmem_shared>> -> memref<40x128xf32, #tpu.memory_space<vmem_shared>>
    %dma_wait3A_267 = arith.constant 0 : i32
    %dma_wait3A_268 = arith.constant 0 : i32
    %dma_wait3A_269 = tpu.memref_slice %arg8[%dma_wait3A_267, %dma_wait3A_268] : memref<200x128xf32, #tpu.memory_space<vmem>> -> memref<40x128xf32, #tpu.memory_space<vmem>>
    tpu.wait_dma2 semaphore(%arg10 : memref<!tpu.dma_semaphore, #tpu.memory_space<semaphore_mem>>) src(%dma_wait3A_269 : memref<40x128xf32, #tpu.memory_space<vmem>>) dst(%dma_wait3A_266 : memref<40x128xf32, #tpu.memory_space<vmem_shared>>)
    %dma_wait3A_270 = arith.constant 0 : i32
    %dma_wait3A_271 = arith.constant 0 : i32
    %dma_wait3A_272 = tpu.memref_slice %arg8[%dma_wait3A_270, %dma_wait3A_271] : memref<200x128xf32, #tpu.memory_space<vmem>> -> memref<40x128xf32, #tpu.memory_space<vmem>>
    %dma_wait3A_273 = arith.constant 0 : i32
    %dma_wait3A_274 = tpu.memref_slice %arg9[%add3A_87, %dma_wait3A_273] : memref<10000x128xf32, #tpu.memory_space<vmem_shared>> -> memref<40x128xf32, #tpu.memory_space<vmem_shared>>
    %dma_wait3A_275 = arith.constant 0 : i32
    %dma_wait3A_276 = tpu.memref_slice %arg9[%add3A_87, %dma_wait3A_275] : memref<10000x128xf32, #tpu.memory_space<vmem_shared>> -> memref<40x128xf32, #tpu.memory_space<vmem_shared>>
    %dma_wait3A_277 = arith.constant 0 : i32
    %dma_wait3A_278 = arith.constant 0 : i32
    %dma_wait3A_279 = tpu.memref_slice %arg8[%dma_wait3A_277, %dma_wait3A_278] : memref<200x128xf32, #tpu.memory_space<vmem>> -> memref<40x128xf32, #tpu.memory_space<vmem>>
    tpu.wait_dma2 semaphore(%arg10 : memref<!tpu.dma_semaphore, #tpu.memory_space<semaphore_mem>>) src(%dma_wait3A_279 : memref<40x128xf32, #tpu.memory_space<vmem>>) dst(%dma_wait3A_276 : memref<40x128xf32, #tpu.memory_space<vmem_shared>>)
    %dma_wait3A_280 = arith.constant 0 : i32
    %dma_wait3A_281 = arith.constant 0 : i32
    %dma_wait3A_282 = tpu.memref_slice %arg8[%dma_wait3A_280, %dma_wait3A_281] : memref<200x128xf32, #tpu.memory_space<vmem>> -> memref<40x128xf32, #tpu.memory_space<vmem>>
    %dma_wait3A_283 = arith.constant 0 : i32
    %dma_wait3A_284 = tpu.memref_slice %arg9[%add3A_99, %dma_wait3A_283] : memref<10000x128xf32, #tpu.memory_space<vmem_shared>> -> memref<40x128xf32, #tpu.memory_space<vmem_shared>>
    %dma_wait3A_285 = arith.constant 0 : i32
    %dma_wait3A_286 = tpu.memref_slice %arg9[%add3A_99, %dma_wait3A_285] : memref<10000x128xf32, #tpu.memory_space<vmem_shared>> -> memref<40x128xf32, #tpu.memory_space<vmem_shared>>
    %dma_wait3A_287 = arith.constant 0 : i32
    %dma_wait3A_288 = arith.constant 0 : i32
    %dma_wait3A_289 = tpu.memref_slice %arg8[%dma_wait3A_287, %dma_wait3A_288] : memref<200x128xf32, #tpu.memory_space<vmem>> -> memref<40x128xf32, #tpu.memory_space<vmem>>
    tpu.wait_dma2 semaphore(%arg10 : memref<!tpu.dma_semaphore, #tpu.memory_space<semaphore_mem>>) src(%dma_wait3A_289 : memref<40x128xf32, #tpu.memory_space<vmem>>) dst(%dma_wait3A_286 : memref<40x128xf32, #tpu.memory_space<vmem_shared>>)
    %dma_wait3A_290 = arith.constant 0 : i32
    %dma_wait3A_291 = arith.constant 0 : i32
    %dma_wait3A_292 = tpu.memref_slice %arg8[%dma_wait3A_290, %dma_wait3A_291] : memref<200x128xf32, #tpu.memory_space<vmem>> -> memref<40x128xf32, #tpu.memory_space<vmem>>
    %dma_wait3A_293 = arith.constant 0 : i32
    %dma_wait3A_294 = tpu.memref_slice %arg9[%add3A_111, %dma_wait3A_293] : memref<10000x128xf32, #tpu.memory_space<vmem_shared>> -> memref<40x128xf32, #tpu.memory_space<vmem_shared>>
    %dma_wait3A_295 = arith.constant 0 : i32
    %dma_wait3A_296 = tpu.memref_slice %arg9[%add3A_111, %dma_wait3A_295] : memref<10000x128xf32, #tpu.memory_space<vmem_shared>> -> memref<40x128xf32, #tpu.memory_space<vmem_shared>>
    %dma_wait3A_297 = arith.constant 0 : i32
    %dma_wait3A_298 = arith.constant 0 : i32
    %dma_wait3A_299 = tpu.memref_slice %arg8[%dma_wait3A_297, %dma_wait3A_298] : memref<200x128xf32, #tpu.memory_space<vmem>> -> memref<40x128xf32, #tpu.memory_space<vmem>>
    tpu.wait_dma2 semaphore(%arg10 : memref<!tpu.dma_semaphore, #tpu.memory_space<semaphore_mem>>) src(%dma_wait3A_299 : memref<40x128xf32, #tpu.memory_space<vmem>>) dst(%dma_wait3A_296 : memref<40x128xf32, #tpu.memory_space<vmem_shared>>)
    %dma_wait3A_300 = arith.constant 0 : i32
    %dma_wait3A_301 = arith.constant 0 : i32
    %dma_wait3A_302 = tpu.memref_slice %arg8[%dma_wait3A_300, %dma_wait3A_301] : memref<200x128xf32, #tpu.memory_space<vmem>> -> memref<40x128xf32, #tpu.memory_space<vmem>>
    %dma_wait3A_303 = arith.constant 0 : i32
    %dma_wait3A_304 = tpu.memref_slice %arg9[%add3A_123, %dma_wait3A_303] : memref<10000x128xf32, #tpu.memory_space<vmem_shared>> -> memref<40x128xf32, #tpu.memory_space<vmem_shared>>
    %dma_wait3A_305 = arith.constant 0 : i32
    %dma_wait3A_306 = tpu.memref_slice %arg9[%add3A_123, %dma_wait3A_305] : memref<10000x128xf32, #tpu.memory_space<vmem_shared>> -> memref<40x128xf32, #tpu.memory_space<vmem_shared>>
    %dma_wait3A_307 = arith.constant 0 : i32
    %dma_wait3A_308 = arith.constant 0 : i32
    %dma_wait3A_309 = tpu.memref_slice %arg8[%dma_wait3A_307, %dma_wait3A_308] : memref<200x128xf32, #tpu.memory_space<vmem>> -> memref<40x128xf32, #tpu.memory_space<vmem>>
    tpu.wait_dma2 semaphore(%arg10 : memref<!tpu.dma_semaphore, #tpu.memory_space<semaphore_mem>>) src(%dma_wait3A_309 : memref<40x128xf32, #tpu.memory_space<vmem>>) dst(%dma_wait3A_306 : memref<40x128xf32, #tpu.memory_space<vmem_shared>>)
    %dma_wait3A_310 = arith.constant 0 : i32
    %dma_wait3A_311 = arith.constant 0 : i32
    %dma_wait3A_312 = tpu.memref_slice %arg8[%dma_wait3A_310, %dma_wait3A_311] : memref<200x128xf32, #tpu.memory_space<vmem>> -> memref<40x128xf32, #tpu.memory_space<vmem>>
    %dma_wait3A_313 = arith.constant 0 : i32
    %dma_wait3A_314 = tpu.memref_slice %arg9[%add3A_135, %dma_wait3A_313] : memref<10000x128xf32, #tpu.memory_space<vmem_shared>> -> memref<40x128xf32, #tpu.memory_space<vmem_shared>>
    %dma_wait3A_315 = arith.constant 0 : i32
    %dma_wait3A_316 = tpu.memref_slice %arg9[%add3A_135, %dma_wait3A_315] : memref<10000x128xf32, #tpu.memory_space<vmem_shared>> -> memref<40x128xf32, #tpu.memory_space<vmem_shared>>
    %dma_wait3A_317 = arith.constant 0 : i32
    %dma_wait3A_318 = arith.constant 0 : i32
    %dma_wait3A_319 = tpu.memref_slice %arg8[%dma_wait3A_317, %dma_wait3A_318] : memref<200x128xf32, #tpu.memory_space<vmem>> -> memref<40x128xf32, #tpu.memory_space<vmem>>
    tpu.wait_dma2 semaphore(%arg10 : memref<!tpu.dma_semaphore, #tpu.memory_space<semaphore_mem>>) src(%dma_wait3A_319 : memref<40x128xf32, #tpu.memory_space<vmem>>) dst(%dma_wait3A_316 : memref<40x128xf32, #tpu.memory_space<vmem_shared>>)
    %dma_wait3A_320 = arith.constant 0 : i32
    %dma_wait3A_321 = arith.constant 0 : i32
    %dma_wait3A_322 = tpu.memref_slice %arg8[%dma_wait3A_320, %dma_wait3A_321] : memref<200x128xf32, #tpu.memory_space<vmem>> -> memref<40x128xf32, #tpu.memory_space<vmem>>
    %dma_wait3A_323 = arith.constant 0 : i32
    %dma_wait3A_324 = tpu.memref_slice %arg9[%add3A_147, %dma_wait3A_323] : memref<10000x128xf32, #tpu.memory_space<vmem_shared>> -> memref<40x128xf32, #tpu.memory_space<vmem_shared>>
    %dma_wait3A_325 = arith.constant 0 : i32
    %dma_wait3A_326 = tpu.memref_slice %arg9[%add3A_147, %dma_wait3A_325] : memref<10000x128xf32, #tpu.memory_space<vmem_shared>> -> memref<40x128xf32, #tpu.memory_space<vmem_shared>>
    %dma_wait3A_327 = arith.constant 0 : i32
    %dma_wait3A_328 = arith.constant 0 : i32
    %dma_wait3A_329 = tpu.memref_slice %arg8[%dma_wait3A_327, %dma_wait3A_328] : memref<200x128xf32, #tpu.memory_space<vmem>> -> memref<40x128xf32, #tpu.memory_space<vmem>>
    tpu.wait_dma2 semaphore(%arg10 : memref<!tpu.dma_semaphore, #tpu.memory_space<semaphore_mem>>) src(%dma_wait3A_329 : memref<40x128xf32, #tpu.memory_space<vmem>>) dst(%dma_wait3A_326 : memref<40x128xf32, #tpu.memory_space<vmem_shared>>)
    %dma_wait3A_330 = arith.constant 0 : i32
    %dma_wait3A_331 = arith.constant 0 : i32
    %dma_wait3A_332 = tpu.memref_slice %arg8[%dma_wait3A_330, %dma_wait3A_331] : memref<200x128xf32, #tpu.memory_space<vmem>> -> memref<40x128xf32, #tpu.memory_space<vmem>>
    %dma_wait3A_333 = arith.constant 0 : i32
    %dma_wait3A_334 = tpu.memref_slice %arg9[%add3A_159, %dma_wait3A_333] : memref<10000x128xf32, #tpu.memory_space<vmem_shared>> -> memref<40x128xf32, #tpu.memory_space<vmem_shared>>
    %dma_wait3A_335 = arith.constant 0 : i32
    %dma_wait3A_336 = tpu.memref_slice %arg9[%add3A_159, %dma_wait3A_335] : memref<10000x128xf32, #tpu.memory_space<vmem_shared>> -> memref<40x128xf32, #tpu.memory_space<vmem_shared>>
    %dma_wait3A_337 = arith.constant 0 : i32
    %dma_wait3A_338 = arith.constant 0 : i32
    %dma_wait3A_339 = tpu.memref_slice %arg8[%dma_wait3A_337, %dma_wait3A_338] : memref<200x128xf32, #tpu.memory_space<vmem>> -> memref<40x128xf32, #tpu.memory_space<vmem>>
    tpu.wait_dma2 semaphore(%arg10 : memref<!tpu.dma_semaphore, #tpu.memory_space<semaphore_mem>>) src(%dma_wait3A_339 : memref<40x128xf32, #tpu.memory_space<vmem>>) dst(%dma_wait3A_336 : memref<40x128xf32, #tpu.memory_space<vmem_shared>>)
    %dma_wait3A_340 = arith.constant 0 : i32
    %dma_wait3A_341 = arith.constant 0 : i32
    %dma_wait3A_342 = tpu.memref_slice %arg8[%dma_wait3A_340, %dma_wait3A_341] : memref<200x128xf32, #tpu.memory_space<vmem>> -> memref<40x128xf32, #tpu.memory_space<vmem>>
    %dma_wait3A_343 = arith.constant 0 : i32
    %dma_wait3A_344 = tpu.memref_slice %arg9[%add3A_171, %dma_wait3A_343] : memref<10000x128xf32, #tpu.memory_space<vmem_shared>> -> memref<40x128xf32, #tpu.memory_space<vmem_shared>>
    %dma_wait3A_345 = arith.constant 0 : i32
    %dma_wait3A_346 = tpu.memref_slice %arg9[%add3A_171, %dma_wait3A_345] : memref<10000x128xf32, #tpu.memory_space<vmem_shared>> -> memref<40x128xf32, #tpu.memory_space<vmem_shared>>
    %dma_wait3A_347 = arith.constant 0 : i32
    %dma_wait3A_348 = arith.constant 0 : i32
    %dma_wait3A_349 = tpu.memref_slice %arg8[%dma_wait3A_347, %dma_wait3A_348] : memref<200x128xf32, #tpu.memory_space<vmem>> -> memref<40x128xf32, #tpu.memory_space<vmem>>
    tpu.wait_dma2 semaphore(%arg10 : memref<!tpu.dma_semaphore, #tpu.memory_space<semaphore_mem>>) src(%dma_wait3A_349 : memref<40x128xf32, #tpu.memory_space<vmem>>) dst(%dma_wait3A_346 : memref<40x128xf32, #tpu.memory_space<vmem_shared>>)
    %dma_wait3A_350 = arith.constant 0 : i32
    %dma_wait3A_351 = arith.constant 0 : i32
    %dma_wait3A_352 = tpu.memref_slice %arg8[%dma_wait3A_350, %dma_wait3A_351] : memref<200x128xf32, #tpu.memory_space<vmem>> -> memref<40x128xf32, #tpu.memory_space<vmem>>
    %dma_wait3A_353 = arith.constant 0 : i32
    %dma_wait3A_354 = tpu.memref_slice %arg9[%add3A_183, %dma_wait3A_353] : memref<10000x128xf32, #tpu.memory_space<vmem_shared>> -> memref<40x128xf32, #tpu.memory_space<vmem_shared>>
    %dma_wait3A_355 = arith.constant 0 : i32
    %dma_wait3A_356 = tpu.memref_slice %arg9[%add3A_183, %dma_wait3A_355] : memref<10000x128xf32, #tpu.memory_space<vmem_shared>> -> memref<40x128xf32, #tpu.memory_space<vmem_shared>>
    %dma_wait3A_357 = arith.constant 0 : i32
    %dma_wait3A_358 = arith.constant 0 : i32
    %dma_wait3A_359 = tpu.memref_slice %arg8[%dma_wait3A_357, %dma_wait3A_358] : memref<200x128xf32, #tpu.memory_space<vmem>> -> memref<40x128xf32, #tpu.memory_space<vmem>>
    tpu.wait_dma2 semaphore(%arg10 : memref<!tpu.dma_semaphore, #tpu.memory_space<semaphore_mem>>) src(%dma_wait3A_359 : memref<40x128xf32, #tpu.memory_space<vmem>>) dst(%dma_wait3A_356 : memref<40x128xf32, #tpu.memory_space<vmem_shared>>)
    %dma_wait3A_360 = arith.constant 0 : i32
    %dma_wait3A_361 = arith.constant 0 : i32
    %dma_wait3A_362 = tpu.memref_slice %arg8[%dma_wait3A_360, %dma_wait3A_361] : memref<200x128xf32, #tpu.memory_space<vmem>> -> memref<40x128xf32, #tpu.memory_space<vmem>>
    %dma_wait3A_363 = arith.constant 0 : i32
    %dma_wait3A_364 = tpu.memref_slice %arg9[%add3A_195, %dma_wait3A_363] : memref<10000x128xf32, #tpu.memory_space<vmem_shared>> -> memref<40x128xf32, #tpu.memory_space<vmem_shared>>
    %dma_wait3A_365 = arith.constant 0 : i32
    %dma_wait3A_366 = tpu.memref_slice %arg9[%add3A_195, %dma_wait3A_365] : memref<10000x128xf32, #tpu.memory_space<vmem_shared>> -> memref<40x128xf32, #tpu.memory_space<vmem_shared>>
    %dma_wait3A_367 = arith.constant 0 : i32
    %dma_wait3A_368 = arith.constant 0 : i32
    %dma_wait3A_369 = tpu.memref_slice %arg8[%dma_wait3A_367, %dma_wait3A_368] : memref<200x128xf32, #tpu.memory_space<vmem>> -> memref<40x128xf32, #tpu.memory_space<vmem>>
    tpu.wait_dma2 semaphore(%arg10 : memref<!tpu.dma_semaphore, #tpu.memory_space<semaphore_mem>>) src(%dma_wait3A_369 : memref<40x128xf32, #tpu.memory_space<vmem>>) dst(%dma_wait3A_366 : memref<40x128xf32, #tpu.memory_space<vmem_shared>>)
    %dma_wait3A_370 = arith.constant 0 : i32
    %dma_wait3A_371 = arith.constant 0 : i32
    %dma_wait3A_372 = tpu.memref_slice %arg8[%dma_wait3A_370, %dma_wait3A_371] : memref<200x128xf32, #tpu.memory_space<vmem>> -> memref<40x128xf32, #tpu.memory_space<vmem>>
    %dma_wait3A_373 = arith.constant 0 : i32
    %dma_wait3A_374 = tpu.memref_slice %arg9[%add3A_207, %dma_wait3A_373] : memref<10000x128xf32, #tpu.memory_space<vmem_shared>> -> memref<40x128xf32, #tpu.memory_space<vmem_shared>>
    %dma_wait3A_375 = arith.constant 0 : i32
    %dma_wait3A_376 = tpu.memref_slice %arg9[%add3A_207, %dma_wait3A_375] : memref<10000x128xf32, #tpu.memory_space<vmem_shared>> -> memref<40x128xf32, #tpu.memory_space<vmem_shared>>
    %dma_wait3A_377 = arith.constant 0 : i32
    %dma_wait3A_378 = arith.constant 0 : i32
    %dma_wait3A_379 = tpu.memref_slice %arg8[%dma_wait3A_377, %dma_wait3A_378] : memref<200x128xf32, #tpu.memory_space<vmem>> -> memref<40x128xf32, #tpu.memory_space<vmem>>
    tpu.wait_dma2 semaphore(%arg10 : memref<!tpu.dma_semaphore, #tpu.memory_space<semaphore_mem>>) src(%dma_wait3A_379 : memref<40x128xf32, #tpu.memory_space<vmem>>) dst(%dma_wait3A_376 : memref<40x128xf32, #tpu.memory_space<vmem_shared>>)
    %dma_wait3A_380 = arith.constant 0 : i32
    %dma_wait3A_381 = arith.constant 0 : i32
    %dma_wait3A_382 = tpu.memref_slice %arg8[%dma_wait3A_380, %dma_wait3A_381] : memref<200x128xf32, #tpu.memory_space<vmem>> -> memref<24x128xf32, #tpu.memory_space<vmem>>
    %dma_wait3A_383 = arith.constant 0 : i32
    %dma_wait3A_384 = tpu.memref_slice %arg9[%add3A_219, %dma_wait3A_383] : memref<10000x128xf32, #tpu.memory_space<vmem_shared>> -> memref<24x128xf32, #tpu.memory_space<vmem_shared>>
    %dma_wait3A_385 = arith.constant 0 : i32
    %dma_wait3A_386 = tpu.memref_slice %arg9[%add3A_219, %dma_wait3A_385] : memref<10000x128xf32, #tpu.memory_space<vmem_shared>> -> memref<24x128xf32, #tpu.memory_space<vmem_shared>>
    %dma_wait3A_387 = arith.constant 0 : i32
    %dma_wait3A_388 = arith.constant 0 : i32
    %dma_wait3A_389 = tpu.memref_slice %arg8[%dma_wait3A_387, %dma_wait3A_388] : memref<200x128xf32, #tpu.memory_space<vmem>> -> memref<24x128xf32, #tpu.memory_space<vmem>>
    tpu.wait_dma2 semaphore(%arg10 : memref<!tpu.dma_semaphore, #tpu.memory_space<semaphore_mem>>) src(%dma_wait3A_389 : memref<24x128xf32, #tpu.memory_space<vmem>>) dst(%dma_wait3A_386 : memref<24x128xf32, #tpu.memory_space<vmem_shared>>)
    %eq3A = arith.constant 15 : i32
    %eq3A_390 = arith.cmpi eq, %arg1, %eq3A : i32
    %convert_element_type3A = arith.extui %eq3A_390 : i1 to i32
    %cond3A = arith.constant 0 : i32
    %cond3A_391 = arith.cmpi ne, %convert_element_type3A, %cond3A : i32
    scf.if %cond3A_391 {
      "tpu.region"() ({
        %run_scoped3A = tpu.sem_alloc : memref<!tpu.dma_semaphore, #tpu.memory_space<semaphore_mem>>
        %dma_start3A_454 = arith.constant 0 : i32
        %dma_start3A_455 = arith.constant 0 : i32
        %dma_start3A_456 = tpu.memref_slice %arg8[%dma_start3A_454, %dma_start3A_455] : memref<200x128xf32, #tpu.memory_space<vmem>> -> memref<16x128xf32, #tpu.memory_space<vmem>>
        %dma_start3A_457 = arith.constant 9984 : i32
        %dma_start3A_458 = arith.constant 0 : i32
        %dma_start3A_459 = tpu.memref_slice %arg9[%dma_start3A_457, %dma_start3A_458] : memref<10000x128xf32, #tpu.memory_space<vmem_shared>> -> memref<16x128xf32, #tpu.memory_space<vmem_shared>>
        %dma_start3A_460 = arith.constant 9984 : i32
        %dma_start3A_461 = arith.constant 0 : i32
        %dma_start3A_462 = tpu.memref_slice %arg9[%dma_start3A_460, %dma_start3A_461] : memref<10000x128xf32, #tpu.memory_space<vmem_shared>> -> memref<16x128xf32, #tpu.memory_space<vmem_shared>>
        %dma_start3A_463 = arith.constant 0 : i32
        %dma_start3A_464 = arith.constant 0 : i32
        %dma_start3A_465 = tpu.memref_slice %arg8[%dma_start3A_463, %dma_start3A_464] : memref<200x128xf32, #tpu.memory_space<vmem>> -> memref<16x128xf32, #tpu.memory_space<vmem>>
        tpu.enqueue_dma source(%dma_start3A_465 : memref<16x128xf32, #tpu.memory_space<vmem>>) target(%dma_start3A_462 : memref<16x128xf32, #tpu.memory_space<vmem_shared>>) target_semaphore(%run_scoped3A : memref<!tpu.dma_semaphore, #tpu.memory_space<semaphore_mem>>)
        %dma_wait3A_466 = arith.constant 0 : i32
        %dma_wait3A_467 = arith.constant 0 : i32
        %dma_wait3A_468 = tpu.memref_slice %arg8[%dma_wait3A_466, %dma_wait3A_467] : memref<200x128xf32, #tpu.memory_space<vmem>> -> memref<16x128xf32, #tpu.memory_space<vmem>>
        %dma_wait3A_469 = arith.constant 9984 : i32
        %dma_wait3A_470 = arith.constant 0 : i32
        %dma_wait3A_471 = tpu.memref_slice %arg9[%dma_wait3A_469, %dma_wait3A_470] : memref<10000x128xf32, #tpu.memory_space<vmem_shared>> -> memref<16x128xf32, #tpu.memory_space<vmem_shared>>
        %dma_wait3A_472 = arith.constant 9984 : i32
        %dma_wait3A_473 = arith.constant 0 : i32
        %dma_wait3A_474 = tpu.memref_slice %arg9[%dma_wait3A_472, %dma_wait3A_473] : memref<10000x128xf32, #tpu.memory_space<vmem_shared>> -> memref<16x128xf32, #tpu.memory_space<vmem_shared>>
        %dma_wait3A_475 = arith.constant 0 : i32
        %dma_wait3A_476 = arith.constant 0 : i32
        %dma_wait3A_477 = tpu.memref_slice %arg8[%dma_wait3A_475, %dma_wait3A_476] : memref<200x128xf32, #tpu.memory_space<vmem>> -> memref<16x128xf32, #tpu.memory_space<vmem>>
        tpu.wait_dma2 semaphore(%run_scoped3A : memref<!tpu.dma_semaphore, #tpu.memory_space<semaphore_mem>>) src(%dma_wait3A_477 : memref<16x128xf32, #tpu.memory_space<vmem>>) dst(%dma_wait3A_474 : memref<16x128xf32, #tpu.memory_space<vmem_shared>>)
        tpu.yield
      }) : () -> ()
    } else {
    }
    %barrier3A = arith.constant 0 : index
    tpu.barrier barrier_id(%barrier3A)
    %dma_start3A_392 = arith.constant 0 : i32
    %dma_start3A_393 = arith.constant 0 : i32
    %dma_start3A_394 = arith.constant 0 : i32
    %dma_start3A_395 = tpu.memref_slice %arg8[%dma_start3A_393, %dma_start3A_394] : memref<200x128xf32, #tpu.memory_space<vmem>> -> memref<40x128xf32, #tpu.memory_space<vmem>>
    %dma_start3A_396 = arith.constant 0 : i32
    %dma_start3A_397 = tpu.memref_slice %arg7[%dma_start3A_392, %dma_start3A_396] : memref<250x40xi32, #tpu.memory_space<vmem>> -> memref<1x40xi32, #tpu.memory_space<vmem>>
    %dma_start3A_398 = tpu.memref_squeeze %dma_start3A_397 : memref<1x40xi32, #tpu.memory_space<vmem>> -> memref<40xi32, #tpu.memory_space<vmem>>
    %dma_start3A_399 = arith.constant 0 : i32
    %dma_start3A_400 = arith.constant 0 : i32
    %dma_start3A_401 = tpu.memref_slice %arg2[%dma_start3A_399, %dma_start3A_400] : memref<10000x128xf32, #tpu.memory_space<hbm>> -> memref<10000x128xf32, #tpu.memory_space<hbm>>
    tpu.enqueue_indirect_dma source(%dma_start3A_401 : memref<10000x128xf32, #tpu.memory_space<hbm>>) target(%dma_start3A_395 : memref<40x128xf32, #tpu.memory_space<vmem>>) offsets(%dma_start3A_398 : memref<40xi32, #tpu.memory_space<vmem>>) semaphore(%arg11 : memref<!tpu.dma_semaphore, #tpu.memory_space<semaphore_mem>>)
    %dma_start3A_402 = arith.constant 1 : i32
    %dma_start3A_403 = arith.constant 40 : i32
    %dma_start3A_404 = arith.constant 0 : i32
    %dma_start3A_405 = tpu.memref_slice %arg8[%dma_start3A_403, %dma_start3A_404] : memref<200x128xf32, #tpu.memory_space<vmem>> -> memref<40x128xf32, #tpu.memory_space<vmem>>
    %dma_start3A_406 = arith.constant 0 : i32
    %dma_start3A_407 = tpu.memref_slice %arg7[%dma_start3A_402, %dma_start3A_406] : memref<250x40xi32, #tpu.memory_space<vmem>> -> memref<1x40xi32, #tpu.memory_space<vmem>>
    %dma_start3A_408 = tpu.memref_squeeze %dma_start3A_407 : memref<1x40xi32, #tpu.memory_space<vmem>> -> memref<40xi32, #tpu.memory_space<vmem>>
    %dma_start3A_409 = arith.constant 0 : i32
    %dma_start3A_410 = arith.constant 0 : i32
    %dma_start3A_411 = tpu.memref_slice %arg2[%dma_start3A_409, %dma_start3A_410] : memref<10000x128xf32, #tpu.memory_space<hbm>> -> memref<10000x128xf32, #tpu.memory_space<hbm>>
    tpu.enqueue_indirect_dma source(%dma_start3A_411 : memref<10000x128xf32, #tpu.memory_space<hbm>>) target(%dma_start3A_405 : memref<40x128xf32, #tpu.memory_space<vmem>>) offsets(%dma_start3A_408 : memref<40xi32, #tpu.memory_space<vmem>>) semaphore(%arg12 : memref<!tpu.dma_semaphore, #tpu.memory_space<semaphore_mem>>)
    %dma_start3A_412 = arith.constant 2 : i32
    %dma_start3A_413 = arith.constant 80 : i32
    %dma_start3A_414 = arith.constant 0 : i32
    %dma_start3A_415 = tpu.memref_slice %arg8[%dma_start3A_413, %dma_start3A_414] : memref<200x128xf32, #tpu.memory_space<vmem>> -> memref<40x128xf32, #tpu.memory_space<vmem>>
    %dma_start3A_416 = arith.constant 0 : i32
    %dma_start3A_417 = tpu.memref_slice %arg7[%dma_start3A_412, %dma_start3A_416] : memref<250x40xi32, #tpu.memory_space<vmem>> -> memref<1x40xi32, #tpu.memory_space<vmem>>
    %dma_start3A_418 = tpu.memref_squeeze %dma_start3A_417 : memref<1x40xi32, #tpu.memory_space<vmem>> -> memref<40xi32, #tpu.memory_space<vmem>>
    %dma_start3A_419 = arith.constant 0 : i32
    %dma_start3A_420 = arith.constant 0 : i32
    %dma_start3A_421 = tpu.memref_slice %arg2[%dma_start3A_419, %dma_start3A_420] : memref<10000x128xf32, #tpu.memory_space<hbm>> -> memref<10000x128xf32, #tpu.memory_space<hbm>>
    tpu.enqueue_indirect_dma source(%dma_start3A_421 : memref<10000x128xf32, #tpu.memory_space<hbm>>) target(%dma_start3A_415 : memref<40x128xf32, #tpu.memory_space<vmem>>) offsets(%dma_start3A_418 : memref<40xi32, #tpu.memory_space<vmem>>) semaphore(%arg13 : memref<!tpu.dma_semaphore, #tpu.memory_space<semaphore_mem>>)
    %dma_start3A_422 = arith.constant 3 : i32
    %dma_start3A_423 = arith.constant 120 : i32
    %dma_start3A_424 = arith.constant 0 : i32
    %dma_start3A_425 = tpu.memref_slice %arg8[%dma_start3A_423, %dma_start3A_424] : memref<200x128xf32, #tpu.memory_space<vmem>> -> memref<40x128xf32, #tpu.memory_space<vmem>>
    %dma_start3A_426 = arith.constant 0 : i32
    %dma_start3A_427 = tpu.memref_slice %arg7[%dma_start3A_422, %dma_start3A_426] : memref<250x40xi32, #tpu.memory_space<vmem>> -> memref<1x40xi32, #tpu.memory_space<vmem>>
    %dma_start3A_428 = tpu.memref_squeeze %dma_start3A_427 : memref<1x40xi32, #tpu.memory_space<vmem>> -> memref<40xi32, #tpu.memory_space<vmem>>
    %dma_start3A_429 = arith.constant 0 : i32
    %dma_start3A_430 = arith.constant 0 : i32
    %dma_start3A_431 = tpu.memref_slice %arg2[%dma_start3A_429, %dma_start3A_430] : memref<10000x128xf32, #tpu.memory_space<hbm>> -> memref<10000x128xf32, #tpu.memory_space<hbm>>
    tpu.enqueue_indirect_dma source(%dma_start3A_431 : memref<10000x128xf32, #tpu.memory_space<hbm>>) target(%dma_start3A_425 : memref<40x128xf32, #tpu.memory_space<vmem>>) offsets(%dma_start3A_428 : memref<40xi32, #tpu.memory_space<vmem>>) semaphore(%arg14 : memref<!tpu.dma_semaphore, #tpu.memory_space<semaphore_mem>>)
    %dma_start3A_432 = arith.constant 4 : i32
    %dma_start3A_433 = arith.constant 160 : i32
    %dma_start3A_434 = arith.constant 0 : i32
    %dma_start3A_435 = tpu.memref_slice %arg8[%dma_start3A_433, %dma_start3A_434] : memref<200x128xf32, #tpu.memory_space<vmem>> -> memref<40x128xf32, #tpu.memory_space<vmem>>
    %dma_start3A_436 = arith.constant 0 : i32
    %dma_start3A_437 = tpu.memref_slice %arg7[%dma_start3A_432, %dma_start3A_436] : memref<250x40xi32, #tpu.memory_space<vmem>> -> memref<1x40xi32, #tpu.memory_space<vmem>>
    %dma_start3A_438 = tpu.memref_squeeze %dma_start3A_437 : memref<1x40xi32, #tpu.memory_space<vmem>> -> memref<40xi32, #tpu.memory_space<vmem>>
    %dma_start3A_439 = arith.constant 0 : i32
    %dma_start3A_440 = arith.constant 0 : i32
    %dma_start3A_441 = tpu.memref_slice %arg2[%dma_start3A_439, %dma_start3A_440] : memref<10000x128xf32, #tpu.memory_space<hbm>> -> memref<10000x128xf32, #tpu.memory_space<hbm>>
    tpu.enqueue_indirect_dma source(%dma_start3A_441 : memref<10000x128xf32, #tpu.memory_space<hbm>>) target(%dma_start3A_435 : memref<40x128xf32, #tpu.memory_space<vmem>>) offsets(%dma_start3A_438 : memref<40xi32, #tpu.memory_space<vmem>>) semaphore(%arg15 : memref<!tpu.dma_semaphore, #tpu.memory_space<semaphore_mem>>)
    %scan3A_442 = arith.constant 0 : i32
    %scan3A_443 = arith.constant 0 : i32
    %scan3A_444 = arith.constant 50 : i32
    %scan3A_445 = arith.addi %scan3A_443, %scan3A_444 : i32
    %scan3A_446 = arith.constant 1 : i32
    scf.for %scan3A_454 = %scan3A_443 to %scan3A_445 step %scan3A_446  : i32 {
      %mul3A_455 = arith.constant 5 : i32
      %mul3A_456 = arith.muli %scan3A_454, %mul3A_455 : i32
      %add3A_457 = arith.constant 0 : i32
      %add3A_458 = arith.addi %mul3A_456, %add3A_457 : i32
      %dma_wait3A_459 = arith.constant 0 : i32
      %dma_wait3A_460 = arith.constant 0 : i32
      %dma_wait3A_461 = tpu.memref_slice %arg8[%dma_wait3A_459, %dma_wait3A_460] : memref<200x128xf32, #tpu.memory_space<vmem>> -> memref<40x128xf32, #tpu.memory_space<vmem>>
      %dma_wait3A_462 = arith.constant 0 : i32
      %dma_wait3A_463 = tpu.memref_slice %arg7[%add3A_458, %dma_wait3A_462] : memref<250x40xi32, #tpu.memory_space<vmem>> -> memref<1x40xi32, #tpu.memory_space<vmem>>
      %dma_wait3A_464 = tpu.memref_squeeze %dma_wait3A_463 : memref<1x40xi32, #tpu.memory_space<vmem>> -> memref<40xi32, #tpu.memory_space<vmem>>
      %dma_wait3A_465 = arith.constant 0 : i32
      %dma_wait3A_466 = arith.constant 0 : i32
      %dma_wait3A_467 = tpu.memref_slice %arg2[%dma_wait3A_465, %dma_wait3A_466] : memref<10000x128xf32, #tpu.memory_space<hbm>> -> memref<10000x128xf32, #tpu.memory_space<hbm>>
      tpu.wait_indirect_dma semaphore(%arg11 : memref<!tpu.dma_semaphore, #tpu.memory_space<semaphore_mem>>) src(%dma_wait3A_467 : memref<10000x128xf32, #tpu.memory_space<hbm>>) dst(%dma_wait3A_461 : memref<40x128xf32, #tpu.memory_space<vmem>>)
      %dma_start3A_468 = arith.constant 0 : i32
      %dma_start3A_469 = arith.constant 0 : i32
      %dma_start3A_470 = tpu.memref_slice %arg8[%dma_start3A_468, %dma_start3A_469] : memref<200x128xf32, #tpu.memory_space<vmem>> -> memref<40x128xf32, #tpu.memory_space<vmem>>
      %dma_start3A_471 = arith.constant 0 : i32
      %dma_start3A_472 = tpu.memref_slice %arg6[%add3A_458, %dma_start3A_471] : memref<250x40xi32, #tpu.memory_space<vmem>> -> memref<1x40xi32, #tpu.memory_space<vmem>>
      %dma_start3A_473 = tpu.memref_squeeze %dma_start3A_472 : memref<1x40xi32, #tpu.memory_space<vmem>> -> memref<40xi32, #tpu.memory_space<vmem>>
      %dma_start3A_474 = arith.constant 0 : i32
      %dma_start3A_475 = arith.constant 0 : i32
      %dma_start3A_476 = tpu.memref_slice %arg9[%dma_start3A_474, %dma_start3A_475] : memref<10000x128xf32, #tpu.memory_space<vmem_shared>> -> memref<10000x128xf32, #tpu.memory_space<vmem_shared>>
      tpu.enqueue_indirect_dma source(%dma_start3A_470 : memref<40x128xf32, #tpu.memory_space<vmem>>) target(%dma_start3A_476 : memref<10000x128xf32, #tpu.memory_space<vmem_shared>>) offsets(%dma_start3A_473 : memref<40xi32, #tpu.memory_space<vmem>>) semaphore(%arg10 : memref<!tpu.dma_semaphore, #tpu.memory_space<semaphore_mem>>) {add = true}
      %dma_wait3A_477 = arith.constant 0 : i32
      %dma_wait3A_478 = arith.constant 0 : i32
      %dma_wait3A_479 = tpu.memref_slice %arg8[%dma_wait3A_477, %dma_wait3A_478] : memref<200x128xf32, #tpu.memory_space<vmem>> -> memref<40x128xf32, #tpu.memory_space<vmem>>
      %dma_wait3A_480 = arith.constant 0 : i32
      %dma_wait3A_481 = tpu.memref_slice %arg6[%add3A_458, %dma_wait3A_480] : memref<250x40xi32, #tpu.memory_space<vmem>> -> memref<1x40xi32, #tpu.memory_space<vmem>>
      %dma_wait3A_482 = tpu.memref_squeeze %dma_wait3A_481 : memref<1x40xi32, #tpu.memory_space<vmem>> -> memref<40xi32, #tpu.memory_space<vmem>>
      %dma_wait3A_483 = arith.constant 0 : i32
      %dma_wait3A_484 = arith.constant 0 : i32
      %dma_wait3A_485 = tpu.memref_slice %arg9[%dma_wait3A_483, %dma_wait3A_484] : memref<10000x128xf32, #tpu.memory_space<vmem_shared>> -> memref<10000x128xf32, #tpu.memory_space<vmem_shared>>
      tpu.wait_indirect_dma semaphore(%arg10 : memref<!tpu.dma_semaphore, #tpu.memory_space<semaphore_mem>>) src(%dma_wait3A_479 : memref<40x128xf32, #tpu.memory_space<vmem>>) dst(%dma_wait3A_485 : memref<10000x128xf32, #tpu.memory_space<vmem_shared>>)
      %lt3A = arith.constant 49 : i32
      %lt3A_486 = arith.cmpi slt, %scan3A_454, %lt3A : i32
      %convert_element_type3A_487 = arith.extui %lt3A_486 : i1 to i32
      %cond3A_488 = arith.constant 0 : i32
      %cond3A_489 = arith.cmpi ne, %convert_element_type3A_487, %cond3A_488 : i32
      scf.if %cond3A_489 {
        %add3A_634 = arith.constant 5 : i32
        %add3A_635 = arith.addi %add3A_458, %add3A_634 : i32
        %dma_start3A_636 = arith.constant 0 : i32
        %dma_start3A_637 = arith.constant 0 : i32
        %dma_start3A_638 = tpu.memref_slice %arg8[%dma_start3A_636, %dma_start3A_637] : memref<200x128xf32, #tpu.memory_space<vmem>> -> memref<40x128xf32, #tpu.memory_space<vmem>>
        %dma_start3A_639 = arith.constant 0 : i32
        %dma_start3A_640 = tpu.memref_slice %arg7[%add3A_635, %dma_start3A_639] : memref<250x40xi32, #tpu.memory_space<vmem>> -> memref<1x40xi32, #tpu.memory_space<vmem>>
        %dma_start3A_641 = tpu.memref_squeeze %dma_start3A_640 : memref<1x40xi32, #tpu.memory_space<vmem>> -> memref<40xi32, #tpu.memory_space<vmem>>
        %dma_start3A_642 = arith.constant 0 : i32
        %dma_start3A_643 = arith.constant 0 : i32
        %dma_start3A_644 = tpu.memref_slice %arg2[%dma_start3A_642, %dma_start3A_643] : memref<10000x128xf32, #tpu.memory_space<hbm>> -> memref<10000x128xf32, #tpu.memory_space<hbm>>
        tpu.enqueue_indirect_dma source(%dma_start3A_644 : memref<10000x128xf32, #tpu.memory_space<hbm>>) target(%dma_start3A_638 : memref<40x128xf32, #tpu.memory_space<vmem>>) offsets(%dma_start3A_641 : memref<40xi32, #tpu.memory_space<vmem>>) semaphore(%arg11 : memref<!tpu.dma_semaphore, #tpu.memory_space<semaphore_mem>>)
      } else {
      }
      %mul3A_490 = arith.constant 5 : i32
      %mul3A_491 = arith.muli %scan3A_454, %mul3A_490 : i32
      %add3A_492 = arith.constant 1 : i32
      %add3A_493 = arith.addi %mul3A_491, %add3A_492 : i32
      %dma_wait3A_494 = arith.constant 40 : i32
      %dma_wait3A_495 = arith.constant 0 : i32
      %dma_wait3A_496 = tpu.memref_slice %arg8[%dma_wait3A_494, %dma_wait3A_495] : memref<200x128xf32, #tpu.memory_space<vmem>> -> memref<40x128xf32, #tpu.memory_space<vmem>>
      %dma_wait3A_497 = arith.constant 0 : i32
      %dma_wait3A_498 = tpu.memref_slice %arg7[%add3A_493, %dma_wait3A_497] : memref<250x40xi32, #tpu.memory_space<vmem>> -> memref<1x40xi32, #tpu.memory_space<vmem>>
      %dma_wait3A_499 = tpu.memref_squeeze %dma_wait3A_498 : memref<1x40xi32, #tpu.memory_space<vmem>> -> memref<40xi32, #tpu.memory_space<vmem>>
      %dma_wait3A_500 = arith.constant 0 : i32
      %dma_wait3A_501 = arith.constant 0 : i32
      %dma_wait3A_502 = tpu.memref_slice %arg2[%dma_wait3A_500, %dma_wait3A_501] : memref<10000x128xf32, #tpu.memory_space<hbm>> -> memref<10000x128xf32, #tpu.memory_space<hbm>>
      tpu.wait_indirect_dma semaphore(%arg12 : memref<!tpu.dma_semaphore, #tpu.memory_space<semaphore_mem>>) src(%dma_wait3A_502 : memref<10000x128xf32, #tpu.memory_space<hbm>>) dst(%dma_wait3A_496 : memref<40x128xf32, #tpu.memory_space<vmem>>)
      %dma_start3A_503 = arith.constant 40 : i32
      %dma_start3A_504 = arith.constant 0 : i32
      %dma_start3A_505 = tpu.memref_slice %arg8[%dma_start3A_503, %dma_start3A_504] : memref<200x128xf32, #tpu.memory_space<vmem>> -> memref<40x128xf32, #tpu.memory_space<vmem>>
      %dma_start3A_506 = arith.constant 0 : i32
      %dma_start3A_507 = tpu.memref_slice %arg6[%add3A_493, %dma_start3A_506] : memref<250x40xi32, #tpu.memory_space<vmem>> -> memref<1x40xi32, #tpu.memory_space<vmem>>
      %dma_start3A_508 = tpu.memref_squeeze %dma_start3A_507 : memref<1x40xi32, #tpu.memory_space<vmem>> -> memref<40xi32, #tpu.memory_space<vmem>>
      %dma_start3A_509 = arith.constant 0 : i32
      %dma_start3A_510 = arith.constant 0 : i32
      %dma_start3A_511 = tpu.memref_slice %arg9[%dma_start3A_509, %dma_start3A_510] : memref<10000x128xf32, #tpu.memory_space<vmem_shared>> -> memref<10000x128xf32, #tpu.memory_space<vmem_shared>>
      tpu.enqueue_indirect_dma source(%dma_start3A_505 : memref<40x128xf32, #tpu.memory_space<vmem>>) target(%dma_start3A_511 : memref<10000x128xf32, #tpu.memory_space<vmem_shared>>) offsets(%dma_start3A_508 : memref<40xi32, #tpu.memory_space<vmem>>) semaphore(%arg10 : memref<!tpu.dma_semaphore, #tpu.memory_space<semaphore_mem>>) {add = true}
      %dma_wait3A_512 = arith.constant 40 : i32
      %dma_wait3A_513 = arith.constant 0 : i32
      %dma_wait3A_514 = tpu.memref_slice %arg8[%dma_wait3A_512, %dma_wait3A_513] : memref<200x128xf32, #tpu.memory_space<vmem>> -> memref<40x128xf32, #tpu.memory_space<vmem>>
      %dma_wait3A_515 = arith.constant 0 : i32
      %dma_wait3A_516 = tpu.memref_slice %arg6[%add3A_493, %dma_wait3A_515] : memref<250x40xi32, #tpu.memory_space<vmem>> -> memref<1x40xi32, #tpu.memory_space<vmem>>
      %dma_wait3A_517 = tpu.memref_squeeze %dma_wait3A_516 : memref<1x40xi32, #tpu.memory_space<vmem>> -> memref<40xi32, #tpu.memory_space<vmem>>
      %dma_wait3A_518 = arith.constant 0 : i32
      %dma_wait3A_519 = arith.constant 0 : i32
      %dma_wait3A_520 = tpu.memref_slice %arg9[%dma_wait3A_518, %dma_wait3A_519] : memref<10000x128xf32, #tpu.memory_space<vmem_shared>> -> memref<10000x128xf32, #tpu.memory_space<vmem_shared>>
      tpu.wait_indirect_dma semaphore(%arg10 : memref<!tpu.dma_semaphore, #tpu.memory_space<semaphore_mem>>) src(%dma_wait3A_514 : memref<40x128xf32, #tpu.memory_space<vmem>>) dst(%dma_wait3A_520 : memref<10000x128xf32, #tpu.memory_space<vmem_shared>>)
      %lt3A_521 = arith.constant 49 : i32
      %lt3A_522 = arith.cmpi slt, %scan3A_454, %lt3A_521 : i32
      %convert_element_type3A_523 = arith.extui %lt3A_522 : i1 to i32
      %cond3A_524 = arith.constant 0 : i32
      %cond3A_525 = arith.cmpi ne, %convert_element_type3A_523, %cond3A_524 : i32
      scf.if %cond3A_525 {
        %add3A_634 = arith.constant 5 : i32
        %add3A_635 = arith.addi %add3A_493, %add3A_634 : i32
        %dma_start3A_636 = arith.constant 40 : i32
        %dma_start3A_637 = arith.constant 0 : i32
        %dma_start3A_638 = tpu.memref_slice %arg8[%dma_start3A_636, %dma_start3A_637] : memref<200x128xf32, #tpu.memory_space<vmem>> -> memref<40x128xf32, #tpu.memory_space<vmem>>
        %dma_start3A_639 = arith.constant 0 : i32
        %dma_start3A_640 = tpu.memref_slice %arg7[%add3A_635, %dma_start3A_639] : memref<250x40xi32, #tpu.memory_space<vmem>> -> memref<1x40xi32, #tpu.memory_space<vmem>>
        %dma_start3A_641 = tpu.memref_squeeze %dma_start3A_640 : memref<1x40xi32, #tpu.memory_space<vmem>> -> memref<40xi32, #tpu.memory_space<vmem>>
        %dma_start3A_642 = arith.constant 0 : i32
        %dma_start3A_643 = arith.constant 0 : i32
        %dma_start3A_644 = tpu.memref_slice %arg2[%dma_start3A_642, %dma_start3A_643] : memref<10000x128xf32, #tpu.memory_space<hbm>> -> memref<10000x128xf32, #tpu.memory_space<hbm>>
        tpu.enqueue_indirect_dma source(%dma_start3A_644 : memref<10000x128xf32, #tpu.memory_space<hbm>>) target(%dma_start3A_638 : memref<40x128xf32, #tpu.memory_space<vmem>>) offsets(%dma_start3A_641 : memref<40xi32, #tpu.memory_space<vmem>>) semaphore(%arg12 : memref<!tpu.dma_semaphore, #tpu.memory_space<semaphore_mem>>)
      } else {
      }
      %mul3A_526 = arith.constant 5 : i32
      %mul3A_527 = arith.muli %scan3A_454, %mul3A_526 : i32
      %add3A_528 = arith.constant 2 : i32
      %add3A_529 = arith.addi %mul3A_527, %add3A_528 : i32
      %dma_wait3A_530 = arith.constant 80 : i32
      %dma_wait3A_531 = arith.constant 0 : i32
      %dma_wait3A_532 = tpu.memref_slice %arg8[%dma_wait3A_530, %dma_wait3A_531] : memref<200x128xf32, #tpu.memory_space<vmem>> -> memref<40x128xf32, #tpu.memory_space<vmem>>
      %dma_wait3A_533 = arith.constant 0 : i32
      %dma_wait3A_534 = tpu.memref_slice %arg7[%add3A_529, %dma_wait3A_533] : memref<250x40xi32, #tpu.memory_space<vmem>> -> memref<1x40xi32, #tpu.memory_space<vmem>>
      %dma_wait3A_535 = tpu.memref_squeeze %dma_wait3A_534 : memref<1x40xi32, #tpu.memory_space<vmem>> -> memref<40xi32, #tpu.memory_space<vmem>>
      %dma_wait3A_536 = arith.constant 0 : i32
      %dma_wait3A_537 = arith.constant 0 : i32
      %dma_wait3A_538 = tpu.memref_slice %arg2[%dma_wait3A_536, %dma_wait3A_537] : memref<10000x128xf32, #tpu.memory_space<hbm>> -> memref<10000x128xf32, #tpu.memory_space<hbm>>
      tpu.wait_indirect_dma semaphore(%arg13 : memref<!tpu.dma_semaphore, #tpu.memory_space<semaphore_mem>>) src(%dma_wait3A_538 : memref<10000x128xf32, #tpu.memory_space<hbm>>) dst(%dma_wait3A_532 : memref<40x128xf32, #tpu.memory_space<vmem>>)
      %dma_start3A_539 = arith.constant 80 : i32
      %dma_start3A_540 = arith.constant 0 : i32
      %dma_start3A_541 = tpu.memref_slice %arg8[%dma_start3A_539, %dma_start3A_540] : memref<200x128xf32, #tpu.memory_space<vmem>> -> memref<40x128xf32, #tpu.memory_space<vmem>>
      %dma_start3A_542 = arith.constant 0 : i32
      %dma_start3A_543 = tpu.memref_slice %arg6[%add3A_529, %dma_start3A_542] : memref<250x40xi32, #tpu.memory_space<vmem>> -> memref<1x40xi32, #tpu.memory_space<vmem>>
      %dma_start3A_544 = tpu.memref_squeeze %dma_start3A_543 : memref<1x40xi32, #tpu.memory_space<vmem>> -> memref<40xi32, #tpu.memory_space<vmem>>
      %dma_start3A_545 = arith.constant 0 : i32
      %dma_start3A_546 = arith.constant 0 : i32
      %dma_start3A_547 = tpu.memref_slice %arg9[%dma_start3A_545, %dma_start3A_546] : memref<10000x128xf32, #tpu.memory_space<vmem_shared>> -> memref<10000x128xf32, #tpu.memory_space<vmem_shared>>
      tpu.enqueue_indirect_dma source(%dma_start3A_541 : memref<40x128xf32, #tpu.memory_space<vmem>>) target(%dma_start3A_547 : memref<10000x128xf32, #tpu.memory_space<vmem_shared>>) offsets(%dma_start3A_544 : memref<40xi32, #tpu.memory_space<vmem>>) semaphore(%arg10 : memref<!tpu.dma_semaphore, #tpu.memory_space<semaphore_mem>>) {add = true}
      %dma_wait3A_548 = arith.constant 80 : i32
      %dma_wait3A_549 = arith.constant 0 : i32
      %dma_wait3A_550 = tpu.memref_slice %arg8[%dma_wait3A_548, %dma_wait3A_549] : memref<200x128xf32, #tpu.memory_space<vmem>> -> memref<40x128xf32, #tpu.memory_space<vmem>>
      %dma_wait3A_551 = arith.constant 0 : i32
      %dma_wait3A_552 = tpu.memref_slice %arg6[%add3A_529, %dma_wait3A_551] : memref<250x40xi32, #tpu.memory_space<vmem>> -> memref<1x40xi32, #tpu.memory_space<vmem>>
      %dma_wait3A_553 = tpu.memref_squeeze %dma_wait3A_552 : memref<1x40xi32, #tpu.memory_space<vmem>> -> memref<40xi32, #tpu.memory_space<vmem>>
      %dma_wait3A_554 = arith.constant 0 : i32
      %dma_wait3A_555 = arith.constant 0 : i32
      %dma_wait3A_556 = tpu.memref_slice %arg9[%dma_wait3A_554, %dma_wait3A_555] : memref<10000x128xf32, #tpu.memory_space<vmem_shared>> -> memref<10000x128xf32, #tpu.memory_space<vmem_shared>>
      tpu.wait_indirect_dma semaphore(%arg10 : memref<!tpu.dma_semaphore, #tpu.memory_space<semaphore_mem>>) src(%dma_wait3A_550 : memref<40x128xf32, #tpu.memory_space<vmem>>) dst(%dma_wait3A_556 : memref<10000x128xf32, #tpu.memory_space<vmem_shared>>)
      %lt3A_557 = arith.constant 49 : i32
      %lt3A_558 = arith.cmpi slt, %scan3A_454, %lt3A_557 : i32
      %convert_element_type3A_559 = arith.extui %lt3A_558 : i1 to i32
      %cond3A_560 = arith.constant 0 : i32
      %cond3A_561 = arith.cmpi ne, %convert_element_type3A_559, %cond3A_560 : i32
      scf.if %cond3A_561 {
        %add3A_634 = arith.constant 5 : i32
        %add3A_635 = arith.addi %add3A_529, %add3A_634 : i32
        %dma_start3A_636 = arith.constant 80 : i32
        %dma_start3A_637 = arith.constant 0 : i32
        %dma_start3A_638 = tpu.memref_slice %arg8[%dma_start3A_636, %dma_start3A_637] : memref<200x128xf32, #tpu.memory_space<vmem>> -> memref<40x128xf32, #tpu.memory_space<vmem>>
        %dma_start3A_639 = arith.constant 0 : i32
        %dma_start3A_640 = tpu.memref_slice %arg7[%add3A_635, %dma_start3A_639] : memref<250x40xi32, #tpu.memory_space<vmem>> -> memref<1x40xi32, #tpu.memory_space<vmem>>
        %dma_start3A_641 = tpu.memref_squeeze %dma_start3A_640 : memref<1x40xi32, #tpu.memory_space<vmem>> -> memref<40xi32, #tpu.memory_space<vmem>>
        %dma_start3A_642 = arith.constant 0 : i32
        %dma_start3A_643 = arith.constant 0 : i32
        %dma_start3A_644 = tpu.memref_slice %arg2[%dma_start3A_642, %dma_start3A_643] : memref<10000x128xf32, #tpu.memory_space<hbm>> -> memref<10000x128xf32, #tpu.memory_space<hbm>>
        tpu.enqueue_indirect_dma source(%dma_start3A_644 : memref<10000x128xf32, #tpu.memory_space<hbm>>) target(%dma_start3A_638 : memref<40x128xf32, #tpu.memory_space<vmem>>) offsets(%dma_start3A_641 : memref<40xi32, #tpu.memory_space<vmem>>) semaphore(%arg13 : memref<!tpu.dma_semaphore, #tpu.memory_space<semaphore_mem>>)
      } else {
      }
      %mul3A_562 = arith.constant 5 : i32
      %mul3A_563 = arith.muli %scan3A_454, %mul3A_562 : i32
      %add3A_564 = arith.constant 3 : i32
      %add3A_565 = arith.addi %mul3A_563, %add3A_564 : i32
      %dma_wait3A_566 = arith.constant 120 : i32
      %dma_wait3A_567 = arith.constant 0 : i32
      %dma_wait3A_568 = tpu.memref_slice %arg8[%dma_wait3A_566, %dma_wait3A_567] : memref<200x128xf32, #tpu.memory_space<vmem>> -> memref<40x128xf32, #tpu.memory_space<vmem>>
      %dma_wait3A_569 = arith.constant 0 : i32
      %dma_wait3A_570 = tpu.memref_slice %arg7[%add3A_565, %dma_wait3A_569] : memref<250x40xi32, #tpu.memory_space<vmem>> -> memref<1x40xi32, #tpu.memory_space<vmem>>
      %dma_wait3A_571 = tpu.memref_squeeze %dma_wait3A_570 : memref<1x40xi32, #tpu.memory_space<vmem>> -> memref<40xi32, #tpu.memory_space<vmem>>
      %dma_wait3A_572 = arith.constant 0 : i32
      %dma_wait3A_573 = arith.constant 0 : i32
      %dma_wait3A_574 = tpu.memref_slice %arg2[%dma_wait3A_572, %dma_wait3A_573] : memref<10000x128xf32, #tpu.memory_space<hbm>> -> memref<10000x128xf32, #tpu.memory_space<hbm>>
      tpu.wait_indirect_dma semaphore(%arg14 : memref<!tpu.dma_semaphore, #tpu.memory_space<semaphore_mem>>) src(%dma_wait3A_574 : memref<10000x128xf32, #tpu.memory_space<hbm>>) dst(%dma_wait3A_568 : memref<40x128xf32, #tpu.memory_space<vmem>>)
      %dma_start3A_575 = arith.constant 120 : i32
      %dma_start3A_576 = arith.constant 0 : i32
      %dma_start3A_577 = tpu.memref_slice %arg8[%dma_start3A_575, %dma_start3A_576] : memref<200x128xf32, #tpu.memory_space<vmem>> -> memref<40x128xf32, #tpu.memory_space<vmem>>
      %dma_start3A_578 = arith.constant 0 : i32
      %dma_start3A_579 = tpu.memref_slice %arg6[%add3A_565, %dma_start3A_578] : memref<250x40xi32, #tpu.memory_space<vmem>> -> memref<1x40xi32, #tpu.memory_space<vmem>>
      %dma_start3A_580 = tpu.memref_squeeze %dma_start3A_579 : memref<1x40xi32, #tpu.memory_space<vmem>> -> memref<40xi32, #tpu.memory_space<vmem>>
      %dma_start3A_581 = arith.constant 0 : i32
      %dma_start3A_582 = arith.constant 0 : i32
      %dma_start3A_583 = tpu.memref_slice %arg9[%dma_start3A_581, %dma_start3A_582] : memref<10000x128xf32, #tpu.memory_space<vmem_shared>> -> memref<10000x128xf32, #tpu.memory_space<vmem_shared>>
      tpu.enqueue_indirect_dma source(%dma_start3A_577 : memref<40x128xf32, #tpu.memory_space<vmem>>) target(%dma_start3A_583 : memref<10000x128xf32, #tpu.memory_space<vmem_shared>>) offsets(%dma_start3A_580 : memref<40xi32, #tpu.memory_space<vmem>>) semaphore(%arg10 : memref<!tpu.dma_semaphore, #tpu.memory_space<semaphore_mem>>) {add = true}
      %dma_wait3A_584 = arith.constant 120 : i32
      %dma_wait3A_585 = arith.constant 0 : i32
      %dma_wait3A_586 = tpu.memref_slice %arg8[%dma_wait3A_584, %dma_wait3A_585] : memref<200x128xf32, #tpu.memory_space<vmem>> -> memref<40x128xf32, #tpu.memory_space<vmem>>
      %dma_wait3A_587 = arith.constant 0 : i32
      %dma_wait3A_588 = tpu.memref_slice %arg6[%add3A_565, %dma_wait3A_587] : memref<250x40xi32, #tpu.memory_space<vmem>> -> memref<1x40xi32, #tpu.memory_space<vmem>>
      %dma_wait3A_589 = tpu.memref_squeeze %dma_wait3A_588 : memref<1x40xi32, #tpu.memory_space<vmem>> -> memref<40xi32, #tpu.memory_space<vmem>>
      %dma_wait3A_590 = arith.constant 0 : i32
      %dma_wait3A_591 = arith.constant 0 : i32
      %dma_wait3A_592 = tpu.memref_slice %arg9[%dma_wait3A_590, %dma_wait3A_591] : memref<10000x128xf32, #tpu.memory_space<vmem_shared>> -> memref<10000x128xf32, #tpu.memory_space<vmem_shared>>
      tpu.wait_indirect_dma semaphore(%arg10 : memref<!tpu.dma_semaphore, #tpu.memory_space<semaphore_mem>>) src(%dma_wait3A_586 : memref<40x128xf32, #tpu.memory_space<vmem>>) dst(%dma_wait3A_592 : memref<10000x128xf32, #tpu.memory_space<vmem_shared>>)
      %lt3A_593 = arith.constant 49 : i32
      %lt3A_594 = arith.cmpi slt, %scan3A_454, %lt3A_593 : i32
      %convert_element_type3A_595 = arith.extui %lt3A_594 : i1 to i32
      %cond3A_596 = arith.constant 0 : i32
      %cond3A_597 = arith.cmpi ne, %convert_element_type3A_595, %cond3A_596 : i32
      scf.if %cond3A_597 {
        %add3A_634 = arith.constant 5 : i32
        %add3A_635 = arith.addi %add3A_565, %add3A_634 : i32
        %dma_start3A_636 = arith.constant 120 : i32
        %dma_start3A_637 = arith.constant 0 : i32
        %dma_start3A_638 = tpu.memref_slice %arg8[%dma_start3A_636, %dma_start3A_637] : memref<200x128xf32, #tpu.memory_space<vmem>> -> memref<40x128xf32, #tpu.memory_space<vmem>>
        %dma_start3A_639 = arith.constant 0 : i32
        %dma_start3A_640 = tpu.memref_slice %arg7[%add3A_635, %dma_start3A_639] : memref<250x40xi32, #tpu.memory_space<vmem>> -> memref<1x40xi32, #tpu.memory_space<vmem>>
        %dma_start3A_641 = tpu.memref_squeeze %dma_start3A_640 : memref<1x40xi32, #tpu.memory_space<vmem>> -> memref<40xi32, #tpu.memory_space<vmem>>
        %dma_start3A_642 = arith.constant 0 : i32
        %dma_start3A_643 = arith.constant 0 : i32
        %dma_start3A_644 = tpu.memref_slice %arg2[%dma_start3A_642, %dma_start3A_643] : memref<10000x128xf32, #tpu.memory_space<hbm>> -> memref<10000x128xf32, #tpu.memory_space<hbm>>
        tpu.enqueue_indirect_dma source(%dma_start3A_644 : memref<10000x128xf32, #tpu.memory_space<hbm>>) target(%dma_start3A_638 : memref<40x128xf32, #tpu.memory_space<vmem>>) offsets(%dma_start3A_641 : memref<40xi32, #tpu.memory_space<vmem>>) semaphore(%arg14 : memref<!tpu.dma_semaphore, #tpu.memory_space<semaphore_mem>>)
      } else {
      }
      %mul3A_598 = arith.constant 5 : i32
      %mul3A_599 = arith.muli %scan3A_454, %mul3A_598 : i32
      %add3A_600 = arith.constant 4 : i32
      %add3A_601 = arith.addi %mul3A_599, %add3A_600 : i32
      %dma_wait3A_602 = arith.constant 160 : i32
      %dma_wait3A_603 = arith.constant 0 : i32
      %dma_wait3A_604 = tpu.memref_slice %arg8[%dma_wait3A_602, %dma_wait3A_603] : memref<200x128xf32, #tpu.memory_space<vmem>> -> memref<40x128xf32, #tpu.memory_space<vmem>>
      %dma_wait3A_605 = arith.constant 0 : i32
      %dma_wait3A_606 = tpu.memref_slice %arg7[%add3A_601, %dma_wait3A_605] : memref<250x40xi32, #tpu.memory_space<vmem>> -> memref<1x40xi32, #tpu.memory_space<vmem>>
      %dma_wait3A_607 = tpu.memref_squeeze %dma_wait3A_606 : memref<1x40xi32, #tpu.memory_space<vmem>> -> memref<40xi32, #tpu.memory_space<vmem>>
      %dma_wait3A_608 = arith.constant 0 : i32
      %dma_wait3A_609 = arith.constant 0 : i32
      %dma_wait3A_610 = tpu.memref_slice %arg2[%dma_wait3A_608, %dma_wait3A_609] : memref<10000x128xf32, #tpu.memory_space<hbm>> -> memref<10000x128xf32, #tpu.memory_space<hbm>>
      tpu.wait_indirect_dma semaphore(%arg15 : memref<!tpu.dma_semaphore, #tpu.memory_space<semaphore_mem>>) src(%dma_wait3A_610 : memref<10000x128xf32, #tpu.memory_space<hbm>>) dst(%dma_wait3A_604 : memref<40x128xf32, #tpu.memory_space<vmem>>)
      %dma_start3A_611 = arith.constant 160 : i32
      %dma_start3A_612 = arith.constant 0 : i32
      %dma_start3A_613 = tpu.memref_slice %arg8[%dma_start3A_611, %dma_start3A_612] : memref<200x128xf32, #tpu.memory_space<vmem>> -> memref<40x128xf32, #tpu.memory_space<vmem>>
      %dma_start3A_614 = arith.constant 0 : i32
      %dma_start3A_615 = tpu.memref_slice %arg6[%add3A_601, %dma_start3A_614] : memref<250x40xi32, #tpu.memory_space<vmem>> -> memref<1x40xi32, #tpu.memory_space<vmem>>
      %dma_start3A_616 = tpu.memref_squeeze %dma_start3A_615 : memref<1x40xi32, #tpu.memory_space<vmem>> -> memref<40xi32, #tpu.memory_space<vmem>>
      %dma_start3A_617 = arith.constant 0 : i32
      %dma_start3A_618 = arith.constant 0 : i32
      %dma_start3A_619 = tpu.memref_slice %arg9[%dma_start3A_617, %dma_start3A_618] : memref<10000x128xf32, #tpu.memory_space<vmem_shared>> -> memref<10000x128xf32, #tpu.memory_space<vmem_shared>>
      tpu.enqueue_indirect_dma source(%dma_start3A_613 : memref<40x128xf32, #tpu.memory_space<vmem>>) target(%dma_start3A_619 : memref<10000x128xf32, #tpu.memory_space<vmem_shared>>) offsets(%dma_start3A_616 : memref<40xi32, #tpu.memory_space<vmem>>) semaphore(%arg10 : memref<!tpu.dma_semaphore, #tpu.memory_space<semaphore_mem>>) {add = true}
      %dma_wait3A_620 = arith.constant 160 : i32
      %dma_wait3A_621 = arith.constant 0 : i32
      %dma_wait3A_622 = tpu.memref_slice %arg8[%dma_wait3A_620, %dma_wait3A_621] : memref<200x128xf32, #tpu.memory_space<vmem>> -> memref<40x128xf32, #tpu.memory_space<vmem>>
      %dma_wait3A_623 = arith.constant 0 : i32
      %dma_wait3A_624 = tpu.memref_slice %arg6[%add3A_601, %dma_wait3A_623] : memref<250x40xi32, #tpu.memory_space<vmem>> -> memref<1x40xi32, #tpu.memory_space<vmem>>
      %dma_wait3A_625 = tpu.memref_squeeze %dma_wait3A_624 : memref<1x40xi32, #tpu.memory_space<vmem>> -> memref<40xi32, #tpu.memory_space<vmem>>
      %dma_wait3A_626 = arith.constant 0 : i32
      %dma_wait3A_627 = arith.constant 0 : i32
      %dma_wait3A_628 = tpu.memref_slice %arg9[%dma_wait3A_626, %dma_wait3A_627] : memref<10000x128xf32, #tpu.memory_space<vmem_shared>> -> memref<10000x128xf32, #tpu.memory_space<vmem_shared>>
      tpu.wait_indirect_dma semaphore(%arg10 : memref<!tpu.dma_semaphore, #tpu.memory_space<semaphore_mem>>) src(%dma_wait3A_622 : memref<40x128xf32, #tpu.memory_space<vmem>>) dst(%dma_wait3A_628 : memref<10000x128xf32, #tpu.memory_space<vmem_shared>>)
      %lt3A_629 = arith.constant 49 : i32
      %lt3A_630 = arith.cmpi slt, %scan3A_454, %lt3A_629 : i32
      %convert_element_type3A_631 = arith.extui %lt3A_630 : i1 to i32
      %cond3A_632 = arith.constant 0 : i32
      %cond3A_633 = arith.cmpi ne, %convert_element_type3A_631, %cond3A_632 : i32
      scf.if %cond3A_633 {
        %add3A_634 = arith.constant 5 : i32
        %add3A_635 = arith.addi %add3A_601, %add3A_634 : i32
        %dma_start3A_636 = arith.constant 160 : i32
        %dma_start3A_637 = arith.constant 0 : i32
        %dma_start3A_638 = tpu.memref_slice %arg8[%dma_start3A_636, %dma_start3A_637] : memref<200x128xf32, #tpu.memory_space<vmem>> -> memref<40x128xf32, #tpu.memory_space<vmem>>
        %dma_start3A_639 = arith.constant 0 : i32
        %dma_start3A_640 = tpu.memref_slice %arg7[%add3A_635, %dma_start3A_639] : memref<250x40xi32, #tpu.memory_space<vmem>> -> memref<1x40xi32, #tpu.memory_space<vmem>>
        %dma_start3A_641 = tpu.memref_squeeze %dma_start3A_640 : memref<1x40xi32, #tpu.memory_space<vmem>> -> memref<40xi32, #tpu.memory_space<vmem>>
        %dma_start3A_642 = arith.constant 0 : i32
        %dma_start3A_643 = arith.constant 0 : i32
        %dma_start3A_644 = tpu.memref_slice %arg2[%dma_start3A_642, %dma_start3A_643] : memref<10000x128xf32, #tpu.memory_space<hbm>> -> memref<10000x128xf32, #tpu.memory_space<hbm>>
        tpu.enqueue_indirect_dma source(%dma_start3A_644 : memref<10000x128xf32, #tpu.memory_space<hbm>>) target(%dma_start3A_638 : memref<40x128xf32, #tpu.memory_space<vmem>>) offsets(%dma_start3A_641 : memref<40xi32, #tpu.memory_space<vmem>>) semaphore(%arg15 : memref<!tpu.dma_semaphore, #tpu.memory_space<semaphore_mem>>)
      } else {
      }
    }
    %scan3A_447 = arith.constant 50 : i32
    %barrier3A_448 = arith.constant 0 : index
    tpu.barrier barrier_id(%barrier3A_448)
    "tpu.region"() ({
      %run_scoped3A = tpu.sem_alloc : memref<!tpu.dma_semaphore, #tpu.memory_space<semaphore_mem>>
      %dma_start3A_454 = arith.constant 0 : i32
      %dma_start3A_455 = tpu.memref_slice %arg5[%arg0, %mul3A_2, %dma_start3A_454] : memref<2x10000x128xf32, #tpu.memory_space<hbm>> -> memref<1x624x128xf32, #tpu.memory_space<hbm>>
      %dma_start3A_456 = tpu.memref_squeeze %dma_start3A_455 : memref<1x624x128xf32, #tpu.memory_space<hbm>> -> memref<624x128xf32, #tpu.memory_space<hbm>>
      %dma_start3A_457 = arith.constant 0 : i32
      %dma_start3A_458 = tpu.memref_slice %arg9[%mul3A_2, %dma_start3A_457] : memref<10000x128xf32, #tpu.memory_space<vmem_shared>> -> memref<624x128xf32, #tpu.memory_space<vmem_shared>>
      tpu.enqueue_dma source(%dma_start3A_458 : memref<624x128xf32, #tpu.memory_space<vmem_shared>>) target(%dma_start3A_456 : memref<624x128xf32, #tpu.memory_space<hbm>>) target_semaphore(%run_scoped3A : memref<!tpu.dma_semaphore, #tpu.memory_space<semaphore_mem>>)
      %dma_wait3A_459 = arith.constant 0 : i32
      %dma_wait3A_460 = tpu.memref_slice %arg5[%arg0, %mul3A_2, %dma_wait3A_459] : memref<2x10000x128xf32, #tpu.memory_space<hbm>> -> memref<1x624x128xf32, #tpu.memory_space<hbm>>
      %dma_wait3A_461 = tpu.memref_squeeze %dma_wait3A_460 : memref<1x624x128xf32, #tpu.memory_space<hbm>> -> memref<624x128xf32, #tpu.memory_space<hbm>>
      %dma_wait3A_462 = arith.constant 0 : i32
      %dma_wait3A_463 = tpu.memref_slice %arg9[%mul3A_2, %dma_wait3A_462] : memref<10000x128xf32, #tpu.memory_space<vmem_shared>> -> memref<624x128xf32, #tpu.memory_space<vmem_shared>>
      tpu.wait_dma2 semaphore(%run_scoped3A : memref<!tpu.dma_semaphore, #tpu.memory_space<semaphore_mem>>) src(%dma_wait3A_463 : memref<624x128xf32, #tpu.memory_space<vmem_shared>>) dst(%dma_wait3A_461 : memref<624x128xf32, #tpu.memory_space<hbm>>)
      tpu.yield
    }) : () -> ()
    %eq3A_449 = arith.constant 15 : i32
    %eq3A_450 = arith.cmpi eq, %arg1, %eq3A_449 : i32
    %convert_element_type3A_451 = arith.extui %eq3A_450 : i1 to i32
    %cond3A_452 = arith.constant 0 : i32
    %cond3A_453 = arith.cmpi ne, %convert_element_type3A_451, %cond3A_452 : i32
    scf.if %cond3A_453 {
      "tpu.region"() ({
        %run_scoped3A = tpu.sem_alloc : memref<!tpu.dma_semaphore, #tpu.memory_space<semaphore_mem>>
        %dma_start3A_454 = arith.constant 9984 : i32
        %dma_start3A_455 = arith.constant 0 : i32
        %dma_start3A_456 = tpu.memref_slice %arg5[%arg0, %dma_start3A_454, %dma_start3A_455] : memref<2x10000x128xf32, #tpu.memory_space<hbm>> -> memref<1x16x128xf32, #tpu.memory_space<hbm>>
        %dma_start3A_457 = tpu.memref_squeeze %dma_start3A_456 : memref<1x16x128xf32, #tpu.memory_space<hbm>> -> memref<16x128xf32, #tpu.memory_space<hbm>>
        %dma_start3A_458 = arith.constant 9984 : i32
        %dma_start3A_459 = arith.constant 0 : i32
        %dma_start3A_460 = tpu.memref_slice %arg9[%dma_start3A_458, %dma_start3A_459] : memref<10000x128xf32, #tpu.memory_space<vmem_shared>> -> memref<16x128xf32, #tpu.memory_space<vmem_shared>>
        tpu.enqueue_dma source(%dma_start3A_460 : memref<16x128xf32, #tpu.memory_space<vmem_shared>>) target(%dma_start3A_457 : memref<16x128xf32, #tpu.memory_space<hbm>>) target_semaphore(%run_scoped3A : memref<!tpu.dma_semaphore, #tpu.memory_space<semaphore_mem>>)
        %dma_wait3A_461 = arith.constant 9984 : i32
        %dma_wait3A_462 = arith.constant 0 : i32
        %dma_wait3A_463 = tpu.memref_slice %arg5[%arg0, %dma_wait3A_461, %dma_wait3A_462] : memref<2x10000x128xf32, #tpu.memory_space<hbm>> -> memref<1x16x128xf32, #tpu.memory_space<hbm>>
        %dma_wait3A_464 = tpu.memref_squeeze %dma_wait3A_463 : memref<1x16x128xf32, #tpu.memory_space<hbm>> -> memref<16x128xf32, #tpu.memory_space<hbm>>
        %dma_wait3A_465 = arith.constant 9984 : i32
        %dma_wait3A_466 = arith.constant 0 : i32
        %dma_wait3A_467 = tpu.memref_slice %arg9[%dma_wait3A_465, %dma_wait3A_466] : memref<10000x128xf32, #tpu.memory_space<vmem_shared>> -> memref<16x128xf32, #tpu.memory_space<vmem_shared>>
        tpu.wait_dma2 semaphore(%run_scoped3A : memref<!tpu.dma_semaphore, #tpu.memory_space<semaphore_mem>>) src(%dma_wait3A_467 : memref<16x128xf32, #tpu.memory_space<vmem_shared>>) dst(%dma_wait3A_464 : memref<16x128xf32, #tpu.memory_space<hbm>>)
        tpu.yield
      }) : () -> ()
    } else {
    }
    return
  }
}

module attributes {stable_mosaic.version = 14 : i64} {
  func.func @_tc1_body(%arg0: i32, %arg1: memref<2x2000x128xf32, #tpu.memory_space<vmem>>, %arg2: memref<2x2000x16xf32, #tpu.memory_space<vmem>>, %arg3: memref<2000x128xf32, #tpu.memory_space<vmem>>, %arg4: memref<128x128xf32, #tpu.memory_space<vmem>>, %arg5: memref<1x128xf32, #tpu.memory_space<vmem>>, %arg6: memref<128x128xf32, #tpu.memory_space<vmem>>, %arg7: memref<2000x128xf32, #tpu.memory_space<vmem>>) attributes {dimension_semantics = [#tpu.dimension_semantics<arbitrary>], iteration_bounds = array<i64: 5>, scalar_prefetch = 0 : i64, scratch_operands = 0 : i64, tpu.core_type = #tpu.core_type<tc>, window_params = [{transform_indices = @transform_0, window_bounds = array<i64: 2, 2000, 128>}, {transform_indices = @transform_1, window_bounds = array<i64: 2, 2000, 16>}, {transform_indices = @transform_2, window_bounds = array<i64: 2000, 128>}, {pipeline_mode = #tpu.pipeline_mode<synchronous>, transform_indices = @transform_3, window_bounds = array<i64: 128, 128>}, {pipeline_mode = #tpu.pipeline_mode<synchronous>, transform_indices = @transform_4, window_bounds = array<i64: 1, 128>}, {pipeline_mode = #tpu.pipeline_mode<synchronous>, transform_indices = @transform_5, window_bounds = array<i64: 128, 128>}, {transform_indices = @transform_6, window_bounds = array<i64: 2000, 128>}]} {
    %get3A = arith.constant 0 : index
    %get3A_0 = arith.constant 0 : index
    %get3A_1 = arith.constant 0 : index
    %get3A_2 = vector.load %arg1[%get3A, %get3A_0, %get3A_1] : memref<2x2000x128xf32, #tpu.memory_space<vmem>>, vector<1x2000x128xf32>
    %get3A_3 = vector.shape_cast %get3A_2 : vector<1x2000x128xf32> to vector<2000x128xf32>
    %get3A_4 = arith.constant 1 : index
    %get3A_5 = arith.constant 0 : index
    %get3A_6 = arith.constant 0 : index
    %get3A_7 = vector.load %arg1[%get3A_4, %get3A_5, %get3A_6] : memref<2x2000x128xf32, #tpu.memory_space<vmem>>, vector<1x2000x128xf32>
    %get3A_8 = vector.shape_cast %get3A_7 : vector<1x2000x128xf32> to vector<2000x128xf32>
    %add3A = arith.addf %get3A_3, %get3A_8 : vector<2000x128xf32>
    %get3A_9 = arith.constant 0 : index
    %get3A_10 = arith.constant 0 : index
    %get3A_11 = arith.constant 0 : index
    %get3A_12 = vector.load %arg2[%get3A_9, %get3A_10, %get3A_11] : memref<2x2000x16xf32, #tpu.memory_space<vmem>>, vector<1x2000x1xf32>
    %get3A_13 = vector.shape_cast %get3A_12 : vector<1x2000x1xf32> to vector<2000x1xf32>
    %get3A_14 = arith.constant 1 : index
    %get3A_15 = arith.constant 0 : index
    %get3A_16 = arith.constant 0 : index
    %get3A_17 = vector.load %arg2[%get3A_14, %get3A_15, %get3A_16] : memref<2x2000x16xf32, #tpu.memory_space<vmem>>, vector<1x2000x1xf32>
    %get3A_18 = vector.shape_cast %get3A_17 : vector<1x2000x1xf32> to vector<2000x1xf32>
    %add3A_19 = arith.addf %get3A_13, %get3A_18 : vector<2000x1xf32>
    %max3A = arith.constant 1.000000e+00 : f32
    %max3A_20 = vector.broadcast %max3A : f32 to vector<2000x1xf32>
    %max3A_21 = arith.maximumf %add3A_19, %max3A_20 : vector<2000x1xf32>
    %div3A = arith.constant 1.000000e+00 : f32
    %div3A_22 = vector.broadcast %div3A : f32 to vector<2000x1xf32>
    %div3A_23 = arith.divf %div3A_22, %max3A_21 : vector<2000x1xf32>
    %mul3A = vector.broadcast %div3A_23 : vector<2000x1xf32> to vector<2000x128xf32>
    %mul3A_24 = arith.mulf %add3A, %mul3A : vector<2000x128xf32>
    %get3A_25 = arith.constant 0 : index
    %get3A_26 = arith.constant 0 : index
    %get3A_27 = vector.load %arg4[%get3A_25, %get3A_26] : memref<128x128xf32, #tpu.memory_space<vmem>>, vector<128x128xf32>
    %dot_general3A = arith.constant dense<0.000000e+00> : vector<2000x128xf32>
    %dot_general3A_28 = tpu.matmul %mul3A_24, %get3A_27, %dot_general3A {dimension_numbers = #tpu.dot_dimension_numbers<[1], [0], [0], [1], [0, 0, 1, 1], [], []>, transpose_lhs_hint = false} : vector<2000x128xf32>, vector<128x128xf32>, vector<2000x128xf32> -> vector<2000x128xf32>
    %get3A_29 = arith.constant 0 : index
    %get3A_30 = arith.constant 0 : index
    %get3A_31 = vector.load %arg5[%get3A_29, %get3A_30] : memref<1x128xf32, #tpu.memory_space<vmem>>, vector<1x128xf32>
    %add3A_32 = vector.broadcast %get3A_31 : vector<1x128xf32> to vector<2000x128xf32>
    %add3A_33 = arith.addf %dot_general3A_28, %add3A_32 : vector<2000x128xf32>
    %get3A_34 = arith.constant 0 : index
    %get3A_35 = arith.constant 0 : index
    %get3A_36 = vector.load %arg3[%get3A_34, %get3A_35] : memref<2000x128xf32, #tpu.memory_space<vmem>>, vector<2000x128xf32>
    %get3A_37 = arith.constant 0 : index
    %get3A_38 = arith.constant 0 : index
    %get3A_39 = vector.load %arg6[%get3A_37, %get3A_38] : memref<128x128xf32, #tpu.memory_space<vmem>>, vector<128x128xf32>
    %dot_general3A_40 = arith.constant dense<0.000000e+00> : vector<2000x128xf32>
    %dot_general3A_41 = tpu.matmul %get3A_36, %get3A_39, %dot_general3A_40 {dimension_numbers = #tpu.dot_dimension_numbers<[1], [0], [0], [1], [0, 0, 1, 1], [], []>, transpose_lhs_hint = false} : vector<2000x128xf32>, vector<128x128xf32>, vector<2000x128xf32> -> vector<2000x128xf32>
    %add3A_42 = arith.addf %add3A_33, %dot_general3A_41 : vector<2000x128xf32>
    %max3A_43 = arith.constant 0.000000e+00 : f32
    %max3A_44 = vector.broadcast %max3A_43 : f32 to vector<2000x128xf32>
    %max3A_45 = arith.maximumf %add3A_42, %max3A_44 : vector<2000x128xf32>
    %swap3A = arith.constant 0 : index
    %swap3A_46 = arith.constant 0 : index
    %swap3A_47 = vector.load %arg7[%swap3A, %swap3A_46] : memref<2000x128xf32, #tpu.memory_space<vmem>>, vector<2000x128xf32>
    tpu.vector_store %arg7[%swap3A, %swap3A_46], %max3A_45 {strides = array<i32>} : memref<2000x128xf32, #tpu.memory_space<vmem>>, vector<2000x128xf32>,
    return
  }
  func.func @transform_0(%arg0: i32) -> (i32, i32, i32) {
    %c0_i32 = arith.constant 0 : i32
    %c0_i32_0 = arith.constant 0 : i32
    %c0_i32_1 = arith.constant 0 : i32
    return %c0_i32, %arg0, %c0_i32_0 : i32, i32, i32
  }
  func.func @transform_1(%arg0: i32) -> (i32, i32, i32) {
    %c0_i32 = arith.constant 0 : i32
    %c0_i32_0 = arith.constant 0 : i32
    %c0_i32_1 = arith.constant 0 : i32
    return %c0_i32, %arg0, %c0_i32_0 : i32, i32, i32
  }
  func.func @transform_2(%arg0: i32) -> (i32, i32) {
    %c0_i32 = arith.constant 0 : i32
    %c0_i32_0 = arith.constant 0 : i32
    return %arg0, %c0_i32 : i32, i32
  }
  func.func @transform_3(%arg0: i32) -> (i32, i32) {
    %c0_i32 = arith.constant 0 : i32
    %c0_i32_0 = arith.constant 0 : i32
    %c0_i32_1 = arith.constant 0 : i32
    return %c0_i32, %c0_i32_0 : i32, i32
  }
  func.func @transform_4(%arg0: i32) -> (i32, i32) {
    %c0_i32 = arith.constant 0 : i32
    %c0_i32_0 = arith.constant 0 : i32
    %c0_i32_1 = arith.constant 0 : i32
    return %c0_i32, %c0_i32_0 : i32, i32
  }
  func.func @transform_5(%arg0: i32) -> (i32, i32) {
    %c0_i32 = arith.constant 0 : i32
    %c0_i32_0 = arith.constant 0 : i32
    %c0_i32_1 = arith.constant 0 : i32
    return %c0_i32, %c0_i32_0 : i32, i32
  }
  func.func @transform_6(%arg0: i32) -> (i32, i32) {
    %c0_i32 = arith.constant 0 : i32
    %c0_i32_0 = arith.constant 0 : i32
    return %arg0, %c0_i32 : i32, i32
  }
}

module attributes {stable_mosaic.version = 14 : i64} {
  func.func @_tc2_body(%arg0: i32, %arg1: memref<2x2000x128xf32, #tpu.memory_space<vmem>>, %arg2: memref<2x2000x16xf32, #tpu.memory_space<vmem>>, %arg3: memref<2000x128xf32, #tpu.memory_space<vmem>>, %arg4: memref<128x128xf32, #tpu.memory_space<vmem>>, %arg5: memref<1x128xf32, #tpu.memory_space<vmem>>, %arg6: memref<128x128xf32, #tpu.memory_space<vmem>>, %arg7: memref<1x128xf32, #tpu.memory_space<vmem>>, %arg8: memref<1x1xf32, #tpu.memory_space<smem>>, %arg9: memref<2000x1xf32, #tpu.memory_space<vmem>>) attributes {dimension_semantics = [#tpu.dimension_semantics<arbitrary>], iteration_bounds = array<i64: 5>, scalar_prefetch = 0 : i64, scratch_operands = 0 : i64, tpu.core_type = #tpu.core_type<tc>, window_params = [{transform_indices = @transform_0, window_bounds = array<i64: 2, 2000, 128>}, {transform_indices = @transform_1, window_bounds = array<i64: 2, 2000, 16>}, {transform_indices = @transform_2, window_bounds = array<i64: 2000, 128>}, {pipeline_mode = #tpu.pipeline_mode<synchronous>, transform_indices = @transform_3, window_bounds = array<i64: 128, 128>}, {pipeline_mode = #tpu.pipeline_mode<synchronous>, transform_indices = @transform_4, window_bounds = array<i64: 1, 128>}, {pipeline_mode = #tpu.pipeline_mode<synchronous>, transform_indices = @transform_5, window_bounds = array<i64: 128, 128>}, {pipeline_mode = #tpu.pipeline_mode<synchronous>, transform_indices = @transform_6, window_bounds = array<i64: 1, 128>}, {transform_indices = @transform_7, window_bounds = array<i64: 1, 1>}, {transform_indices = @transform_8, window_bounds = array<i64: 2000, 1>}]} {
    %get3A = arith.constant 0 : index
    %get3A_0 = arith.constant 0 : index
    %get3A_1 = arith.constant 0 : index
    %get3A_2 = vector.load %arg1[%get3A, %get3A_0, %get3A_1] : memref<2x2000x128xf32, #tpu.memory_space<vmem>>, vector<1x2000x128xf32>
    %get3A_3 = vector.shape_cast %get3A_2 : vector<1x2000x128xf32> to vector<2000x128xf32>
    %get3A_4 = arith.constant 1 : index
    %get3A_5 = arith.constant 0 : index
    %get3A_6 = arith.constant 0 : index
    %get3A_7 = vector.load %arg1[%get3A_4, %get3A_5, %get3A_6] : memref<2x2000x128xf32, #tpu.memory_space<vmem>>, vector<1x2000x128xf32>
    %get3A_8 = vector.shape_cast %get3A_7 : vector<1x2000x128xf32> to vector<2000x128xf32>
    %add3A = arith.addf %get3A_3, %get3A_8 : vector<2000x128xf32>
    %get3A_9 = arith.constant 0 : index
    %get3A_10 = arith.constant 0 : index
    %get3A_11 = arith.constant 0 : index
    %get3A_12 = vector.load %arg2[%get3A_9, %get3A_10, %get3A_11] : memref<2x2000x16xf32, #tpu.memory_space<vmem>>, vector<1x2000x1xf32>
    %get3A_13 = vector.shape_cast %get3A_12 : vector<1x2000x1xf32> to vector<2000x1xf32>
    %get3A_14 = arith.constant 1 : index
    %get3A_15 = arith.constant 0 : index
    %get3A_16 = arith.constant 0 : index
    %get3A_17 = vector.load %arg2[%get3A_14, %get3A_15, %get3A_16] : memref<2x2000x16xf32, #tpu.memory_space<vmem>>, vector<1x2000x1xf32>
    %get3A_18 = vector.shape_cast %get3A_17 : vector<1x2000x1xf32> to vector<2000x1xf32>
    %add3A_19 = arith.addf %get3A_13, %get3A_18 : vector<2000x1xf32>
    %max3A = arith.constant 1.000000e+00 : f32
    %max3A_20 = vector.broadcast %max3A : f32 to vector<2000x1xf32>
    %max3A_21 = arith.maximumf %add3A_19, %max3A_20 : vector<2000x1xf32>
    %div3A = arith.constant 1.000000e+00 : f32
    %div3A_22 = vector.broadcast %div3A : f32 to vector<2000x1xf32>
    %div3A_23 = arith.divf %div3A_22, %max3A_21 : vector<2000x1xf32>
    %mul3A = vector.broadcast %div3A_23 : vector<2000x1xf32> to vector<2000x128xf32>
    %mul3A_24 = arith.mulf %add3A, %mul3A : vector<2000x128xf32>
    %get3A_25 = arith.constant 0 : index
    %get3A_26 = arith.constant 0 : index
    %get3A_27 = vector.load %arg4[%get3A_25, %get3A_26] : memref<128x128xf32, #tpu.memory_space<vmem>>, vector<128x128xf32>
    %dot_general3A = arith.constant dense<0.000000e+00> : vector<2000x128xf32>
    %dot_general3A_28 = tpu.matmul %mul3A_24, %get3A_27, %dot_general3A {dimension_numbers = #tpu.dot_dimension_numbers<[1], [0], [0], [1], [0, 0, 1, 1], [], []>, transpose_lhs_hint = false} : vector<2000x128xf32>, vector<128x128xf32>, vector<2000x128xf32> -> vector<2000x128xf32>
    %get3A_29 = arith.constant 0 : index
    %get3A_30 = arith.constant 0 : index
    %get3A_31 = vector.load %arg5[%get3A_29, %get3A_30] : memref<1x128xf32, #tpu.memory_space<vmem>>, vector<1x128xf32>
    %add3A_32 = vector.broadcast %get3A_31 : vector<1x128xf32> to vector<2000x128xf32>
    %add3A_33 = arith.addf %dot_general3A_28, %add3A_32 : vector<2000x128xf32>
    %get3A_34 = arith.constant 0 : index
    %get3A_35 = arith.constant 0 : index
    %get3A_36 = vector.load %arg3[%get3A_34, %get3A_35] : memref<2000x128xf32, #tpu.memory_space<vmem>>, vector<2000x128xf32>
    %get3A_37 = arith.constant 0 : index
    %get3A_38 = arith.constant 0 : index
    %get3A_39 = vector.load %arg6[%get3A_37, %get3A_38] : memref<128x128xf32, #tpu.memory_space<vmem>>, vector<128x128xf32>
    %dot_general3A_40 = arith.constant dense<0.000000e+00> : vector<2000x128xf32>
    %dot_general3A_41 = tpu.matmul %get3A_36, %get3A_39, %dot_general3A_40 {dimension_numbers = #tpu.dot_dimension_numbers<[1], [0], [0], [1], [0, 0, 1, 1], [], []>, transpose_lhs_hint = false} : vector<2000x128xf32>, vector<128x128xf32>, vector<2000x128xf32> -> vector<2000x128xf32>
    %add3A_42 = arith.addf %add3A_33, %dot_general3A_41 : vector<2000x128xf32>
    %get3A_43 = arith.constant 0 : index
    %get3A_44 = arith.constant 0 : index
    %get3A_45 = vector.load %arg7[%get3A_43, %get3A_44] : memref<1x128xf32, #tpu.memory_space<vmem>>, vector<1x128xf32>
    %mul3A_46 = vector.broadcast %get3A_45 : vector<1x128xf32> to vector<2000x128xf32>
    %mul3A_47 = arith.mulf %add3A_42, %mul3A_46 : vector<2000x128xf32>
    %reduce_sum3A = arith.constant dense<0.000000e+00> : vector<2000xf32>
    %reduce_sum3A_48 = vector.multi_reduction <add>, %mul3A_47, %reduce_sum3A [1] : vector<2000x128xf32> to vector<2000xf32>
    %broadcast_in_dim3A = vector.shape_cast %reduce_sum3A_48 : vector<2000xf32> to vector<2000x1xf32>
    %get3A_49 = arith.constant 0 : index
    %get3A_50 = arith.constant 0 : index
    %get3A_51 = memref.load %arg8[%get3A_49, %get3A_50] : memref<1x1xf32, #tpu.memory_space<smem>>
    %add3A_52 = vector.broadcast %get3A_51 : f32 to vector<2000x1xf32>
    %add3A_53 = arith.addf %broadcast_in_dim3A, %add3A_52 : vector<2000x1xf32>
    %swap3A = arith.constant 0 : index
    %swap3A_54 = arith.constant 0 : index
    %swap3A_55 = vector.load %arg9[%swap3A, %swap3A_54] : memref<2000x1xf32, #tpu.memory_space<vmem>>, vector<2000x1xf32>
    tpu.vector_store %arg9[%swap3A, %swap3A_54], %add3A_53 {strides = array<i32>} : memref<2000x1xf32, #tpu.memory_space<vmem>>, vector<2000x1xf32>,
    return
  }
  func.func @transform_0(%arg0: i32) -> (i32, i32, i32) {
    %c0_i32 = arith.constant 0 : i32
    %c0_i32_0 = arith.constant 0 : i32
    %c0_i32_1 = arith.constant 0 : i32
    return %c0_i32, %arg0, %c0_i32_0 : i32, i32, i32
  }
  func.func @transform_1(%arg0: i32) -> (i32, i32, i32) {
    %c0_i32 = arith.constant 0 : i32
    %c0_i32_0 = arith.constant 0 : i32
    %c0_i32_1 = arith.constant 0 : i32
    return %c0_i32, %arg0, %c0_i32_0 : i32, i32, i32
  }
  func.func @transform_2(%arg0: i32) -> (i32, i32) {
    %c0_i32 = arith.constant 0 : i32
    %c0_i32_0 = arith.constant 0 : i32
    return %arg0, %c0_i32 : i32, i32
  }
  func.func @transform_3(%arg0: i32) -> (i32, i32) {
    %c0_i32 = arith.constant 0 : i32
    %c0_i32_0 = arith.constant 0 : i32
    %c0_i32_1 = arith.constant 0 : i32
    return %c0_i32, %c0_i32_0 : i32, i32
  }
  func.func @transform_4(%arg0: i32) -> (i32, i32) {
    %c0_i32 = arith.constant 0 : i32
    %c0_i32_0 = arith.constant 0 : i32
    %c0_i32_1 = arith.constant 0 : i32
    return %c0_i32, %c0_i32_0 : i32, i32
  }
  func.func @transform_5(%arg0: i32) -> (i32, i32) {
    %c0_i32 = arith.constant 0 : i32
    %c0_i32_0 = arith.constant 0 : i32
    %c0_i32_1 = arith.constant 0 : i32
    return %c0_i32, %c0_i32_0 : i32, i32
  }
  func.func @transform_6(%arg0: i32) -> (i32, i32) {
    %c0_i32 = arith.constant 0 : i32
    %c0_i32_0 = arith.constant 0 : i32
    %c0_i32_1 = arith.constant 0 : i32
    return %c0_i32, %c0_i32_0 : i32, i32
  }
  func.func @transform_7(%arg0: i32) -> (i32, i32) {
    %c0_i32 = arith.constant 0 : i32
    %c0_i32_0 = arith.constant 0 : i32
    %c0_i32_1 = arith.constant 0 : i32
    return %c0_i32, %c0_i32_0 : i32, i32
  }
  func.func @transform_8(%arg0: i32) -> (i32, i32) {
    %c0_i32 = arith.constant 0 : i32
    %c0_i32_0 = arith.constant 0 : i32
    return %arg0, %c0_i32 : i32, i32
  }
}

</mosaic_0001>

<sc_bundles>
// kernel: kernel.10.cloned.1.call-start
scs
__scs_entry_jumppad:
0x0: {  	(pc) =	sbr.rel $0x88, $3  }
0x1: {  	(tag) =	ssettag $0x0;
	lr =	simm.s32 $0x1  }
0x2: {  	[smem:$0x3F97] =	sst lr;
	_ =	strace $0xD0000000  }
0x3: {  	_ = 	snop  }
0x4: {  	_ = 	snop  }
0x5: {  	_ = 	snop  }
0x6: {  	_ = 	snop  }
0x7: {  	_ = 	snop  }
__scs_overlays_trampoline_lowered:
0x8: {  	[smem:$0x3FA6] =	sst s0  }
0x9: {  	[smem:$0x3FA7] =	sst s1  }
0xa: {  	[smem:$0x3FA8] =	sst s2  }
0xb: {  	[smem:$0x3FA9] =	sst s3  }
0xc: {  	[smem:$0x3FAA] =	sst s4  }
0xd: {  	[smem:$0x3FAB] =	sst s5  }
0xe: {  	[smem:$0x3FAC] =	sst s6  }
0xf: {  	[smem:$0x3FAD] =	sst s7  }
0x10: {  	[smem:$0x3FAE] =	sst s8  }
0x11: {  	[smem:$0x3FAF] =	sst s9;
	s0 =	simm.s32 @!p0 $0x0  }
0x12: {  	s1 =	sld [smem:$0x3F95];
	s0 =	simm.s32 @p0 $0x1  }
0x13: {  	[smem:$0x3FB0] =	sst s0;
	s0 =	simm.s32 @!p1 $0x0  }
0x14: {  	s2 =	sld [smem:$0x3F94];
	s0 =	simm.s32 @p1 $0x1  }
0x15: {  	[smem:$0x3FB1] =	sst s0;
	s0 =	simm.s32 @!p2 $0x0  }
0x16: {  	s3 =	sld [smem:$0x3FDB];
	s0 =	simm.s32 @p2 $0x1  }
0x17: {  	s4 =	simm.s32 $0x1BF5;
	[smem:$0x3FB3] =	sst s0  }
0x18: {  	s0 =	sld [smem:$0x3F96];
	_ =	swait.ge [sflag:s4], $0x0  }
0x19: {  	s7 =	sld [smem:$0x3F97]  }
0x1a: {  	s8 =	sadd.s32 $0xFFFFE003, lr  }
0x1b: {  	s9 =	sadd.s32 $0xFFFFFEF7, lr;
	s5 =	simm.s32 $0xFFFFFFFF;
	p2 =	slt.u32 s8, $0xFFFFF086  }
0x1c: {  	p1 =	slt.u32 s9, $0xF7A;
	s5 =	simm.s32 @!p2 $0x0  }
0x1d: {  	s5 =	simm.s32 @p1 $0x1;
	p0 =	seq.s32 s7, s2  }
0x1e: {  	s7 =	smul.u32 @!p0 $0xF7A, s2;
	p2 =	seq.s32 @!p0 s5, $0x0  }
0x1f: {  	s9 =	smul.u32 $0xF7A, s1;
	s8 =	simm.s32 @!p0 $0x1BF5;
	p2 =	por !p2, p0  }
0x20: {  	[sflag:s8] =	ssyncset.s32 @!p0 $0xFFFFF086;
	s6 =	sadd.s32 @!p0 s3, s7;
	s7 =	simm.s32 @!p0 $0x108  }
0x21: {  	s3 =	sadd.s32 s3, s9;
	s6 =	sadd.s32 @!p0 $0x88, s6;
	s7 =	simm.s32 @p2 $0x1082  }
0x22: {  	[simem:s7], [sflag:s8] =	dma.local @!p0 [hbm:s6], $0xF7A  }
0x23: {  	s9 =	sor.u32 $0xD0000000, s2;
	s6 =	simm.s32 $0x108;
	_ =	swait.ge @!p0 [sflag:s8], $0x0  }
0x24: {  	s3 =	sadd.s32 $0x88, s3;
	s6 =	simm.s32 @!p1 $0x1082;
	[sflag:s4] =	ssyncset.s32 $0xFFFFF086  }
0x25: {  	[simem:s6], [sflag:s4] =	dma.local [hbm:s3], $0xF7A  }
0x26: {  	[smem:$0x3F97] =	sst s1;
	(tag) =	ssettag s2;
	_ =	strace s9  }
0x27: {  	s1 =	sld [smem:$0x3FA7]  }
0x28: {  	s2 =	sld [smem:$0x3FA8]  }
0x29: {  	s4 =	sld [smem:$0x3FAA]  }
0x2a: {  	p0 =	seq.s32 s5, $0x0;
	s5 =	sld [smem:$0x3FAB]  }
0x2b: {  	s6 =	sld [smem:$0x3FAC]  }
0x2c: {  	s7 =	sld [smem:$0x3FAD]  }
0x2d: {  	s3 =	simm.s32 $0x108;
	s8 =	sld [smem:$0x3FAE]  }
0x2e: {  	s3 =	simm.s32 @!p0 $0x1082;
	s9 =	sld [smem:$0x3FAF]  }
0x2f: {  	lr =	sadd.s32 s0, s3;
	s0 =	sld [smem:$0x3FA6]  }
0x30: {  	s3 =	sld [smem:$0x3FA9]  }
0x31: {  	[smem:$0x3FB2] =	sst s10  }
0x32: {  	s10 =	sld [smem:$0x3FB0];
	_ =	sdelay $0x3  }
0x33: {  	p0 =	seq.s32 s10, $0x1;
	s10 =	sld [smem:$0x3FB2];
	_ =	sdelay $0x3  }
0x34: {  	[smem:$0x3FB2] =	sst s10  }
0x35: {  	s10 =	sld [smem:$0x3FB1];
	_ =	sdelay $0x3  }
0x36: {  	p1 =	seq.s32 s10, $0x1;
	s10 =	sld [smem:$0x3FB2];
	_ =	sdelay $0x3  }
0x37: {  	[smem:$0x3FB2] =	sst s10  }
0x38: {  	s10 =	sld [smem:$0x3FB3]  }
0x39: {  	_ = 	snop;
	(pc) =	sbr.ind lr, $3  }
0x3a: {  	_ = 	snop  }
0x3b: {  	_ = 	snop  }
0x3c: {  	p2 =	seq.s32 s10, $0x1;
	s10 =	sld [smem:$0x3FB2]  }
0x3d: {  	_ =	shalt  }
0x3e: {  	_ =	shalt  }
0x3f: {  	_ =	shalt  }
0x40: {  	_ =	shalt  }
0x41: {  	_ =	shalt  }
0x42: {  	_ =	shalt  }
0x43: {  	_ =	shalt  }
0x44: {  	_ =	shalt  }
0x45: {  	_ =	shalt  }
0x46: {  	_ =	shalt  }
0x47: {  	_ =	shalt  }
0x48: {  	_ =	shalt  }
0x49: {  	_ =	shalt  }
0x4a: {  	_ =	shalt  }
0x4b: {  	_ =	shalt  }
0x4c: {  	_ =	shalt  }
0x4d: {  	_ =	shalt  }
0x4e: {  	_ =	shalt  }
0x4f: {  	_ =	shalt  }
0x50: {  	_ =	shalt  }
0x51: {  	_ =	shalt  }
0x52: {  	_ =	shalt  }
0x53: {  	_ =	shalt  }
0x54: {  	_ =	shalt  }
0x55: {  	_ =	shalt  }
0x56: {  	_ =	shalt  }
0x57: {  	_ =	shalt  }
0x58: {  	_ =	shalt  }
0x59: {  	_ =	shalt  }
0x5a: {  	_ =	shalt  }
0x5b: {  	_ =	shalt  }
0x5c: {  	_ =	shalt  }
0x5d: {  	_ =	shalt  }
0x5e: {  	_ =	shalt  }
0x5f: {  	_ =	shalt  }
0x60: {  	_ =	shalt  }
0x61: {  	_ =	shalt  }
0x62: {  	_ =	shalt  }
0x63: {  	_ =	shalt  }
0x64: {  	_ =	shalt  }
0x65: {  	_ =	shalt  }
0x66: {  	_ =	shalt  }
0x67: {  	_ =	shalt  }
0x68: {  	_ =	shalt  }
0x69: {  	_ =	shalt  }
0x6a: {  	_ =	shalt  }
0x6b: {  	_ =	shalt  }
0x6c: {  	_ =	shalt  }
0x6d: {  	_ =	shalt  }
0x6e: {  	_ =	shalt  }
0x6f: {  	_ =	shalt  }
0x70: {  	_ =	shalt  }
0x71: {  	_ =	shalt  }
0x72: {  	_ =	shalt  }
0x73: {  	_ =	shalt  }
0x74: {  	_ =	shalt  }
0x75: {  	_ =	shalt  }
0x76: {  	_ =	shalt  }
0x77: {  	_ =	shalt  }
0x78: {  	_ =	shalt  }
0x79: {  	_ =	shalt  }
0x7a: {  	_ =	shalt  }
0x7b: {  	_ =	shalt  }
0x7c: {  	_ =	shalt  }
0x7d: {  	_ =	shalt  }
0x7e: {  	_ =	shalt  }
0x7f: {  	_ =	shalt  }
0x80: {  	_ =	shalt  }
0x81: {  	_ =	shalt  }
0x82: {  	_ =	shalt  }
0x83: {  	_ =	shalt  }
0x84: {  	_ =	shalt  }
0x85: {  	_ =	shalt  }
0x86: {  	_ =	shalt  }
0x87: {  	_ =	shalt  }
.Lfunc_end0:
.L_simem_size_0:
called_computation.1_lowered:
.L_overlay_start_0:
0x88: {  	s2 =	sld [smem:$0x3FD9]  }
0x89: {  	s3 =	sld [smem:$0x3FFE];
	_ =	sdelay $0x1  }
0x8a: {  	s1 =	srdreg.scid  }
0x8b: {  	s0 =	sand.u32 $0x1, s1  }
0x8c: {  	s17 =	sshll.u32 s0, $0xA;
	s2 =	sadd.s32 s3, s2  }
0x8d: {  	s2 =	sadd.s32 s2, s17  }
0x8e: {  	[smem:$0x3FBE] =	sst s2  }
0x8f: {  	_ = 	snop  }
0x90: {  	s18 =	sld [smem:$0x3FC9];
	(tm) =	ssettm $0x1  }
0x91: {  	s19 =	sld [smem:$0x3FFB];
	_ =	sdelay $0x3  }
0x92: {  	_ =	strace s19  }
0x93: {  	s2 =	sld [smem:$0x3FFC];
	_ =	sdelay $0x3  }
0x94: {  	_ =	strace s2  }
0x95: {  	s2 =	sld [smem:$0x3FFD];
	_ =	sdelay $0x3  }
0x96: {  	_ =	strace s2  }
0x97: {  	_ =	strace $0x8FFFFFFF  }
0x98: {  	s20 =	sld [smem:$0x3FDB];
	_ =	sdelay $0x1  }
0x99: {  	s4 =	simm.s32 $_scs_section_size  }
0x9a: {  	s5 =	simm.s32 $_size__tile_overlayer_lowered;
	s6 =	simm.s32 $_tile_overlayer_lowered  }
0x9b: {  	s7 =	simm.s32 $0x1BFF;
	s21 =	sshll.u32 s6, $0x1;
	s4 =	sadd.s32 s4, s20  }
0x9c: {  	s22 =	simm.s32 $0x0;
	s5 =	sshll.u32 s5, $0x1;
	s6 =	sadd.s32 s21, s4  }
0x9d: {  	[timem:s22], [sflag:s7] =	dma.local [hbm:s6], s5  }
0x9e: {  	_ =	swait.ge [sflag:s7], s5  }
0x9f: {  	s5 =	ssub.s32 $0x0, s5;
	[sflag:s7] =	ssyncset.done $0x0  }
0xa0: {  	[sflag:s7] =	ssyncadd.s32 s5;
	_ =	sdelay $0x1  }
0xa1: {  	s23 =	simm.s32 $0x1B8B  }
0xa2: {  	_ =	swait.ge [sflag:s23], $0x1  }
0xa3: {  	[sflag:s23] =	ssyncset.done $0x0  }
0xa4: {  	[sflag:s23] =	ssyncadd.s32 $0xFFFFFFFF  }
0xa5: {  	s5 =	sld [smem:$0x0]  }
0xa6: {  	s6 =	sand.u32 $0xFFFFFFFE, s1  }
0xa7: {  	p0 =	sne.s32 s1, s6  }
0xa8: {  	s6 =	sshll.u32 @p0 s6, $0xE  }
0xa9: {  	s6 =	sadd.s32 @p0 $0x11B8D, s6;
	s7 =	sshll.u32 @p0 s5, $0x11  }
0xaa: {  	s6 =	sor.u32 @p0 s7, s6  }
0xab: {  	[sflag:s6] =	ssyncadd.remote.s32 @p0 $0x1;
	_ =	sdelay $0x1  }
0xac: {  	s6 =	simm.s32 @p0 $0x1B8D  }
0xad: {  	_ =	swait.eq @p0 [sflag:s6], $0x1  }
0xae: {  	[sflag:s6] =	ssyncadd.s32 @p0 $0xFFFFFFFF  }
0xaf: {  	s7 =	sshll.u32 @!p0 s1, $0xE  }
0xb0: {  	s7 =	sor.u32 @!p0 $0x4000, s7;
	s6 =	simm.s32 @!p0 $0x1B8D  }
0xb1: {  	s5 =	sshll.u32 @!p0 s5, $0x11;
	s7 =	sadd.s32 @!p0 $0x11B8D, s7;
	_ =	swait.eq @!p0 [sflag:s6], $0x1  }
0xb2: {  	s5 =	sor.u32 @!p0 s5, s7;
	[sflag:s6] =	ssyncadd.s32 @!p0 $0xFFFFFFFF  }
0xb3: {  	s25 =	simm.s32 $0x1B8E;
	s24 =	sld [smem:$0x3FFE];
	[sflag:s5] =	ssyncadd.remote.s32 @!p0 $0x1  }
0xb4: {  	s26 =	simm.s32 $execute0_lowered;
	[smem:$0x3FD2] =	sst s25  }
0xb5: {  	s6 =	sshll.u32 s26, $0x1;
	_ =	strace $0x80000049;
	[dreg:$0x1] =	wrdreg $0xFFFFFFFF  }
0xb6: {  	s28 =	simm.s32 $_size_execute0_lowered;
	s4 =	sadd.s32 s4, s6;
	[dreg:$0x0] =	wrdreg $0x0  }
0xb7: {  	s6 =	sshll.u32 s28, $0x1;
	[dreg:$0x2] =	wrdreg s4  }
0xb8: {  	[dreg:$0x3] =	wrdreg s6  }
0xb9: {  	[dreg:$0x4] =	wrdreg $0xC0  }
0xba: {  	_ =	task [dreg:s22], $0x5FFFF  }
0xbb: {  	[dreg:$0x1] =	wrdreg $0xFFFFFFFF  }
0xbc: {  	[dreg:$0x0] =	wrdreg $0x60  }
0xbd: {  	[dreg:$0x2] =	wrdreg s18  }
0xbe: {  	[dreg:$0x3] =	wrdreg s24  }
0xbf: {  	[dreg:$0x4] =	wrdreg $0xB2200  }
0xc0: {  	[dreg:$0x5] =	wrdreg $0xA  }
0xc1: {  	_ =	task.clear_ibuf [dreg:s22], $0x6FFFF;
	_ =	strace $0x90000049  }
0xc2: {  	s29 =	simm.s32 $0xA;
	_ =	strace $0x8000004B  }
0xc3: {  	_ =	swait.ge [sflag:s29], $0x1  }
0xc4: {  	[sflag:s29] =	ssyncadd.s32 $0xFFFFFFFF  }
0xc5: {  	_ =	strace $0x9000004B  }
0xc6: {  	_ =	sfence  }
0xc7: {  	s30 =	sld [smem:$0x0];
	_ =	sdelay $0x2  }
0xc8: {  	s31 =	sshll.u32 s1, $0xD;
	s1 =	sshrl.u32 s1, $0x2  }
0xc9: {  	s4 =	sand.u32 $0x4000, s31;
	s1 =	sadd.s32 s1, s30  }
0xca: {  	s0 =	sor.u32 s4, s0;
	s1 =	sshll.u32 s1, $0x11  }
0xcb: {  	s0 =	sor.u32 s1, s0  }
0xcc: {  	s0 =	sadd.s32 $0x8F2B, s0  }
0xcd: {  	[sflag:s0] =	ssyncadd.remote.s32 $0x1  }
0xce: {  	_ =	sfence.sel $0xFFFF  }
0xcf: {  	[dreg:$0x0] =	wrdreg $0xFFFFFFFF;
	(pc) =	sbr.abs _section_cstart, $3  }
0xd0: {  	[dreg:$0x1] =	wrdreg $0xFFFFFFFF  }
0xd1: {  	_ =	task.clear_ibuf [dreg:s22], $0x2FFFF;
	_ =	strace $0x9FFFFFFF  }
0xd2: {  	(tm) =	ssettm $0x7FFFFFFF  }
0xd3: {  	_ =	shalt  }
tec
execute0_lowered:
.L_overlay_start_1:
0x0: {  	(tag) =	ssettag $0x1  }
0x1: {  	s1 =	rddreg [dreg:$0x0]  }
0x2: {  	s0 =	rddreg [dreg:$0x1];
	s2 =	srdreg.scid  }
0x3: {  	s9 =	stileid.u32;
	s3 =	rddreg [dreg:$0x2];
	s5 =	simm.s32 $0x0  }
0x4: {  	s28 =	simm.s32 $0x2710;
	s29 =	simm.s32 $0x1;
	s30 =	simm.s32 $0x4E20  }
0x5: {  	s31 =	simm.s32 $0x28;
	s10 =	simm.s32 $0x5;
	s11 =	simm.s32 $0x6  }
0x6: {  	s12 =	simm.s32 $0x7;
	s13 =	simm.s32 $0x0;
	s2 =	sand.u32 $0x1, s2  }
0x7: {  	s4 =	sshll.u32 s9, $0x1;
	[smem:$0x7FF] =	sst s5;
	s15 =	smul.u32 $0x4E000, s9  }
0x8: {  	s8 =	smul.u32 $0x13800, s9;
	p0 =	sne.s32 s9, $0xF;
	s9 =	simm.s32 $0x4  }
0x9: {  	s4 =	sor.u32 s2, s4;
	_ =	strace $0x8000004A;
	s5 =	sshrl.u32 s15, $0x2  }
0xa: {  	s6 =	ssub.s32 $0x2, s2;
	s2 =	smul.u32 $0x138800, s2;
	s5 =	sadd.s32 s5, s3  }
0xb: {  	s4 =	smul.u32 $0x4E2, s4;
	s7 =	sshrl.u32 s6, $0x1;
	s17 =	sadd.s32 $0x1400, s5  }
0xc: {  	s6 =	ssub.s32 s6, s7;
	s18 =	sadd.s32 $0x2800, s5;
	[dreg:$0x6] =	wrdreg s17  }
0xd: {  	s7 =	sadd.s32 s8, s3;
	s19 =	sadd.s32 $0x3C00, s5;
	[dreg:$0x7] =	wrdreg s18  }
0xe: {  	s26 =	sadd.s32 s8, s2;
	s20 =	sadd.s32 $0x5000, s5;
	[dreg:$0x8] =	wrdreg s19  }
0xf: {  	s2 =	sshrl.u32 s2, $0x3;
	s21 =	sadd.s32 $0x6400, s5;
	[dreg:$0x9] =	wrdreg s20  }
0x10: {  	s8 =	simm.s32 $0x3;
	s22 =	sadd.s32 $0x7800, s5;
	[dreg:$0xa] =	wrdreg s21  }
0x11: {  	s4 =	sadd.s32 s4, s0;
	s23 =	sadd.s32 $0x8C00, s5;
	[dreg:$0xb] =	wrdreg s22  }
0x12: {  	s0 =	sadd.s32 $0x2A000, s0;
	s24 =	sadd.s32 $0xA000, s5;
	[dreg:$0xc] =	wrdreg s23  }
0x13: {  	s25 =	sadd.s32 $0xB400, s5;
	s16 =	sadd.s32 $0xC800, s4;
	[dreg:$0xd] =	wrdreg s24  }
0x14: {  	s4 =	sadd.s32 $0x2A00, s4;
	[dreg:$0xe] =	wrdreg s25;
	s17 =	sadd.s32 $0xC800, s5  }
0x15: {  	s18 =	sadd.s32 $0xDC00, s5;
	s19 =	sadd.s32 $0xF000, s5;
	s20 =	sadd.s32 $0x10400, s5  }
0x16: {  	s22 =	sadd.s32 $0x11800, s5;
	s23 =	sadd.s32 $0x12C00, s5;
	s25 =	smax.u32 s6, $0x1  }
0x17: {  	s5 =	simm.s32 $0x9E20;
	s6 =	simm.s32 $0x2;
	[dreg:$0x4] =	wrdreg s16  }
0x18: {  	[dreg:$0x5] =	wrdreg s4;
	s4 =	sshrl.u32 s26, $0x3;
	s26 =	sadd.s32 $0x138000, s3  }
0x19: {  	s21 =	sadd.s32 s0, s4;
	s0 =	sadd.s32 s0, s2;
	s2 =	simm.s32 $0x6220  }
0x1a: {  	v0 =	vimm.f32 $0.0e+00;
	s4 =	simm.s32 $0x8A20;
	s24 =	sadd.s32 $0x27000, s0;
	s0 =	simm.s32 $0x7620  }
.LBB2_1:
0x1b: {  	s14 =	simm.s32 $0x0;
	s15 =	rddreg [dreg:$0x4]  }
0x1c: {  	[tilespmem:s14], [sflag:$0x1] =	stream.linear.gather [hbm4b:s15+s14], $0x2710, $0x38;
	[tilespmem:$0x1EAA0] =	vst v63  }
0x1d: {  	s16 =	rddreg [dreg:$0x5]  }
0x1e: {  	[tilespmem:s28], [sflag:$0x1] =	stream.linear.gather [hbm4b:s16+s14], $0x2710, $0x38;
	[tilespmem:$0x1EAA0] =	vst v63  }
0x1f: {  	s15 =	simm.s32 $0x200;
	s14 =	simm.s32 $0x0  }
.LBB2_2:
0x20: {  	p1 =	sne.s32 s15, $0x4E00;
	[tilespmem:s14+$0x4E90] =	vst v0  }
0x21: {  	[tilespmem:s14+$0x4E20] =	vst v0  }
0x22: {  	[tilespmem:s14+$0x4E30] =	vst v0  }
.Ltmp0:
0x23: {  	[tilespmem:s14+$0x4E40] =	vst v0;
	(pc) =	sbr.rel @p1 .LBB2_2-.Ltmp0, $4  }
0x24: {  	[tilespmem:s14+$0x4E50] =	vst v0  }
0x25: {  	[tilespmem:s14+$0x4E60] =	vst v0  }
0x26: {  	[tilespmem:s14+$0x4E70] =	vst v0  }
0x27: {  	[tilespmem:s14+$0x4E80] =	vst v0;
	s14 =	sshra.s32 s15, $0x2;
	s15 =	sadd.s32 $0x200, s15  }
0x28: {  	[tilespmem:s14+$0x4E90] =	vst v0  }
0x29: {  	[tilespmem:s14+$0x4E20] =	vst v0  }
0x2a: {  	[tilespmem:s14+$0x4E30] =	vst v0  }
0x2b: {  	[tilespmem:s14+$0x4E40] =	vst v0  }
0x2c: {  	[tilespmem:s14+$0x4E50] =	vst v0  }
0x2d: {  	[tilespmem:s14+$0x4E60] =	vst v0  }
0x2e: {  	[tilespmem:s14+$0x4E70] =	vst v0  }
0x2f: {  	[tilespmem:s14+$0x4E80] =	vst v0  }
0x30: {  	_ =	swait.ge [sflag:s29], $0x2710  }
0x31: {  	[sflag:s29] =	ssyncset.done $0x0  }
0x32: {  	[sflag:s29] =	ssyncadd.s32 $0xFFFFD8F0  }
0x33: {  	_ =	swait.ge [sflag:s29], $0x2710  }
0x34: {  	[sflag:s29] =	ssyncset.done $0x0  }
0x35: {  	[sflag:s29] =	ssyncadd.s32 $0xFFFFD8F0  }
0x36: {  	[spmem:s7] =	stream.linear.scatter [tilespmem:s30], [sflag:$0x1], $0x1400, $0x38;
	[tilespmem:$0x1EAA0] =	vst v63  }
0x37: {  	s15 =	rddreg [dreg:$0x6]  }
0x38: {  	[spmem:s15] =	stream.linear.scatter [tilespmem:s30], [sflag:$0x1], $0x1400, $0x38;
	[tilespmem:$0x1EAA0] =	vst v63  }
0x39: {  	s16 =	rddreg [dreg:$0x7]  }
0x3a: {  	[spmem:s16] =	stream.linear.scatter [tilespmem:s30], [sflag:$0x1], $0x1400, $0x38;
	[tilespmem:$0x1EAA0] =	vst v63  }
0x3b: {  	s15 =	rddreg [dreg:$0x8]  }
0x3c: {  	[spmem:s15] =	stream.linear.scatter [tilespmem:s30], [sflag:$0x1], $0x1400, $0x38;
	[tilespmem:$0x1EAA0] =	vst v63  }
0x3d: {  	s16 =	rddreg [dreg:$0x9]  }
0x3e: {  	[spmem:s16] =	stream.linear.scatter [tilespmem:s30], [sflag:$0x1], $0x1400, $0x38;
	[tilespmem:$0x1EAA0] =	vst v63  }
0x3f: {  	s15 =	rddreg [dreg:$0xa]  }
0x40: {  	[spmem:s15] =	stream.linear.scatter [tilespmem:s30], [sflag:$0x1], $0x1400, $0x38;
	[tilespmem:$0x1EAA0] =	vst v63  }
0x41: {  	s16 =	rddreg [dreg:$0xb]  }
0x42: {  	[spmem:s16] =	stream.linear.scatter [tilespmem:s30], [sflag:$0x1], $0x1400, $0x38;
	[tilespmem:$0x1EAA0] =	vst v63  }
0x43: {  	s15 =	rddreg [dreg:$0xc]  }
0x44: {  	[spmem:s15] =	stream.linear.scatter [tilespmem:s30], [sflag:$0x1], $0x1400, $0x38;
	[tilespmem:$0x1EAA0] =	vst v63  }
0x45: {  	s16 =	rddreg [dreg:$0xd]  }
0x46: {  	[spmem:s16] =	stream.linear.scatter [tilespmem:s30], [sflag:$0x1], $0x1400, $0x38;
	[tilespmem:$0x1EAA0] =	vst v63  }
0x47: {  	s15 =	rddreg [dreg:$0xe]  }
0x48: {  	[spmem:s15] =	stream.linear.scatter [tilespmem:s30], [sflag:$0x1], $0x1400, $0x38;
	[tilespmem:$0x1EAA0] =	vst v63  }
0x49: {  	_ = 	snop  }
0x4a: {  	[spmem:s17] =	stream.linear.scatter [tilespmem:s30], [sflag:$0x1], $0x1400, $0x38;
	[tilespmem:$0x1EAA0] =	vst v63  }
0x4b: {  	_ = 	snop  }
0x4c: {  	[spmem:s18] =	stream.linear.scatter [tilespmem:s30], [sflag:$0x1], $0x1400, $0x38;
	[tilespmem:$0x1EAA0] =	vst v63  }
0x4d: {  	_ = 	snop  }
0x4e: {  	[spmem:s19] =	stream.linear.scatter [tilespmem:s30], [sflag:$0x1], $0x1400, $0x38;
	[tilespmem:$0x1EAA0] =	vst v63  }
0x4f: {  	_ = 	snop  }
0x50: {  	[spmem:s20] =	stream.linear.scatter [tilespmem:s30], [sflag:$0x1], $0x1400, $0x38;
	[tilespmem:$0x1EAA0] =	vst v63  }
0x51: {  	_ = 	snop  }
0x52: {  	[spmem:s22] =	stream.linear.scatter [tilespmem:s30], [sflag:$0x1], $0x1400, $0x38;
	[tilespmem:$0x1EAA0] =	vst v63  }
0x53: {  	_ = 	snop  }
0x54: {  	[spmem:s23] =	stream.linear.scatter [tilespmem:s30], [sflag:$0x1], $0xC00, $0x38;
	[tilespmem:$0x1EAA0] =	vst v63  }
0x55: {  	_ =	swait.ge [sflag:s29], $0x1400  }
0x56: {  	[sflag:s29] =	ssyncset.done $0x0  }
0x57: {  	[sflag:s29] =	ssyncadd.s32 $0xFFFFEC00  }
0x58: {  	_ =	swait.ge [sflag:s29], $0x1400  }
0x59: {  	[sflag:s29] =	ssyncset.done $0x0  }
0x5a: {  	[sflag:s29] =	ssyncadd.s32 $0xFFFFEC00  }
0x5b: {  	_ =	swait.ge [sflag:s29], $0x1400  }
0x5c: {  	[sflag:s29] =	ssyncset.done $0x0  }
0x5d: {  	[sflag:s29] =	ssyncadd.s32 $0xFFFFEC00  }
0x5e: {  	_ =	swait.ge [sflag:s29], $0x1400  }
0x5f: {  	[sflag:s29] =	ssyncset.done $0x0  }
0x60: {  	[sflag:s29] =	ssyncadd.s32 $0xFFFFEC00  }
0x61: {  	_ =	swait.ge [sflag:s29], $0x1400  }
0x62: {  	[sflag:s29] =	ssyncset.done $0x0  }
0x63: {  	[sflag:s29] =	ssyncadd.s32 $0xFFFFEC00  }
0x64: {  	_ =	swait.ge [sflag:s29], $0x1400  }
0x65: {  	[sflag:s29] =	ssyncset.done $0x0  }
0x66: {  	[sflag:s29] =	ssyncadd.s32 $0xFFFFEC00  }
0x67: {  	_ =	swait.ge [sflag:s29], $0x1400  }
0x68: {  	[sflag:s29] =	ssyncset.done $0x0  }
0x69: {  	[sflag:s29] =	ssyncadd.s32 $0xFFFFEC00  }
0x6a: {  	_ =	swait.ge [sflag:s29], $0x1400  }
0x6b: {  	[sflag:s29] =	ssyncset.done $0x0  }
0x6c: {  	[sflag:s29] =	ssyncadd.s32 $0xFFFFEC00  }
0x6d: {  	_ =	swait.ge [sflag:s29], $0x1400  }
0x6e: {  	[sflag:s29] =	ssyncset.done $0x0  }
0x6f: {  	[sflag:s29] =	ssyncadd.s32 $0xFFFFEC00  }
0x70: {  	_ =	swait.ge [sflag:s29], $0x1400  }
0x71: {  	[sflag:s29] =	ssyncset.done $0x0  }
0x72: {  	[sflag:s29] =	ssyncadd.s32 $0xFFFFEC00  }
0x73: {  	_ =	swait.ge [sflag:s29], $0x1400  }
0x74: {  	[sflag:s29] =	ssyncset.done $0x0  }
0x75: {  	[sflag:s29] =	ssyncadd.s32 $0xFFFFEC00  }
0x76: {  	_ =	swait.ge [sflag:s29], $0x1400  }
0x77: {  	[sflag:s29] =	ssyncset.done $0x0  }
0x78: {  	[sflag:s29] =	ssyncadd.s32 $0xFFFFEC00  }
0x79: {  	_ =	swait.ge [sflag:s29], $0x1400  }
0x7a: {  	[sflag:s29] =	ssyncset.done $0x0  }
0x7b: {  	[sflag:s29] =	ssyncadd.s32 $0xFFFFEC00  }
0x7c: {  	_ =	swait.ge [sflag:s29], $0x1400  }
0x7d: {  	[sflag:s29] =	ssyncset.done $0x0  }
0x7e: {  	[sflag:s29] =	ssyncadd.s32 $0xFFFFEC00  }
0x7f: {  	_ =	swait.ge [sflag:s29], $0x1400  }
0x80: {  	[sflag:s29] =	ssyncset.done $0x0  }
0x81: {  	[sflag:s29] =	ssyncadd.s32 $0xFFFFEC00  }
0x82: {  	_ =	swait.ge [sflag:s29], $0xC00  }
0x83: {  	[sflag:s29] =	ssyncset.done $0x0  }
0x84: {  	s14 =	simm.s32 @!p0 $0x4E20;
	[sflag:s29] =	ssyncadd.s32 $0xFFFFF400  }
0x85: {  	[spmem:s26] =	stream.linear.scatter @!p0 [tilespmem:s14], [sflag:$0x7], $0x800, $0x38;
	[tilespmem:$0x1EAA0] =	vst v63  }
0x86: {  	s14 =	simm.s32 @!p0 $0x7  }
0x87: {  	_ =	swait.ge @!p0 [sflag:s14], $0x800  }
0x88: {  	[sflag:s14] =	ssyncset.done @!p0 $0x0  }
0x89: {  	[sflag:s14] =	ssyncadd.s32 @!p0 $0xFFFFF800  }
0x8a: {  	[bflag:$0x0] =	sbarrier.arrive $0xFFFF  }
0x8b: {  	[tilespmem:s30], [sflag:$0x2] =	stream.indirect.gather [hbm4b:s1+s31], $0x80, s28, s31, $0xb8;
	[tilespmem:$0x1EAA0] =	vst v63  }
0x8c: {  	s16 =	simm.s32 $0x2738  }
0x8d: {  	[tilespmem:s2], [sflag:$0x3] =	stream.indirect.gather [hbm4b:s1+s31], $0x80, s16, s31, $0xb8;
	[tilespmem:$0x1EAA0] =	vst v63  }
0x8e: {  	s15 =	simm.s32 $0x2760  }
0x8f: {  	[tilespmem:s0], [sflag:$0x4] =	stream.indirect.gather [hbm4b:s1+s31], $0x80, s15, s31, $0xb8;
	[tilespmem:$0x1EAA0] =	vst v63  }
0x90: {  	s16 =	simm.s32 $0x2788  }
0x91: {  	[tilespmem:s4], [sflag:$0x5] =	stream.indirect.gather [hbm4b:s1+s31], $0x80, s16, s31, $0xb8;
	[tilespmem:$0x1EAA0] =	vst v63  }
0x92: {  	s15 =	simm.s32 $0x27B0  }
0x93: {  	[tilespmem:s5], [sflag:$0x6] =	stream.indirect.gather [hbm4b:s1+s31], $0x80, s15, s31, $0xb8;
	[tilespmem:$0x1EAA0] =	vst v63  }
0x94: {  	_ =	swait.ge [sflag:s6], $0x1400  }
0x95: {  	[sflag:s6] =	ssyncset.done $0x0  }
0x96: {  	s16 =	simm.s32 $0x0;
	[sflag:s6] =	ssyncadd.s32 $0xFFFFEC00  }
0x97: {  	[spmem:s3] =	stream.indirect.scatter.add.f32 [tilespmem:s30], [sflag:$0x1], $0x80, s16, s31, $0xb8;
	[tilespmem:$0x1EAA0] =	vst v63  }
0x98: {  	_ =	swait.ge [sflag:s29], $0x1400  }
0x99: {  	[sflag:s29] =	ssyncset.done $0x0  }
0x9a: {  	s15 =	simm.s32 $0x27D8;
	[sflag:s29] =	ssyncadd.s32 $0xFFFFEC00  }
0x9b: {  	[tilespmem:s30], [sflag:$0x2] =	stream.indirect.gather [hbm4b:s1+s31], $0x80, s15, s31, $0xb8;
	[tilespmem:$0x1EAA0] =	vst v63  }
0x9c: {  	_ =	swait.ge [sflag:s8], $0x1400  }
0x9d: {  	[sflag:s8] =	ssyncset.done $0x0  }
0x9e: {  	s16 =	simm.s32 $0x28;
	[sflag:s8] =	ssyncadd.s32 $0xFFFFEC00  }
0x9f: {  	[spmem:s3] =	stream.indirect.scatter.add.f32 [tilespmem:s2], [sflag:$0x1], $0x80, s16, s31, $0xb8;
	[tilespmem:$0x1EAA0] =	vst v63  }
0xa0: {  	_ =	swait.ge [sflag:s29], $0x1400  }
0xa1: {  	[sflag:s29] =	ssyncset.done $0x0  }
0xa2: {  	s15 =	simm.s32 $0x2800;
	[sflag:s29] =	ssyncadd.s32 $0xFFFFEC00  }
0xa3: {  	[tilespmem:s2], [sflag:$0x3] =	stream.indirect.gather [hbm4b:s1+s31], $0x80, s15, s31, $0xb8;
	[tilespmem:$0x1EAA0] =	vst v63  }
0xa4: {  	_ =	swait.ge [sflag:s9], $0x1400  }
0xa5: {  	[sflag:s9] =	ssyncset.done $0x0  }
0xa6: {  	s16 =	simm.s32 $0x50;
	[sflag:s9] =	ssyncadd.s32 $0xFFFFEC00  }
0xa7: {  	[spmem:s3] =	stream.indirect.scatter.add.f32 [tilespmem:s0], [sflag:$0x1], $0x80, s16, s31, $0xb8;
	[tilespmem:$0x1EAA0] =	vst v63  }
0xa8: {  	_ =	swait.ge [sflag:s29], $0x1400  }
0xa9: {  	[sflag:s29] =	ssyncset.done $0x0  }
0xaa: {  	s15 =	simm.s32 $0x2828;
	[sflag:s29] =	ssyncadd.s32 $0xFFFFEC00  }
0xab: {  	[tilespmem:s0], [sflag:$0x4] =	stream.indirect.gather [hbm4b:s1+s31], $0x80, s15, s31, $0xb8;
	[tilespmem:$0x1EAA0] =	vst v63  }
0xac: {  	_ =	swait.ge [sflag:s10], $0x1400  }
0xad: {  	[sflag:s10] =	ssyncset.done $0x0  }
0xae: {  	s16 =	simm.s32 $0x78;
	[sflag:s10] =	ssyncadd.s32 $0xFFFFEC00  }
0xaf: {  	[spmem:s3] =	stream.indirect.scatter.add.f32 [tilespmem:s4], [sflag:$0x1], $0x80, s16, s31, $0xb8;
	[tilespmem:$0x1EAA0] =	vst v63  }
0xb0: {  	_ =	swait.ge [sflag:s29], $0x1400  }
0xb1: {  	[sflag:s29] =	ssyncset.done $0x0  }
0xb2: {  	s15 =	simm.s32 $0x2850;
	[sflag:s29] =	ssyncadd.s32 $0xFFFFEC00  }
0xb3: {  	[tilespmem:s4], [sflag:$0x5] =	stream.indirect.gather [hbm4b:s1+s31], $0x80, s15, s31, $0xb8;
	[tilespmem:$0x1EAA0] =	vst v63  }
0xb4: {  	_ =	swait.ge [sflag:s11], $0x1400  }
0xb5: {  	[sflag:s11] =	ssyncset.done $0x0  }
0xb6: {  	s16 =	simm.s32 $0xA0;
	[sflag:s11] =	ssyncadd.s32 $0xFFFFEC00  }
0xb7: {  	[spmem:s3] =	stream.indirect.scatter.add.f32 [tilespmem:s5], [sflag:$0x1], $0x80, s16, s31, $0xb8;
	[tilespmem:$0x1EAA0] =	vst v63  }
0xb8: {  	_ =	swait.ge [sflag:s29], $0x1400  }
0xb9: {  	[sflag:s29] =	ssyncset.done $0x0  }
0xba: {  	s14 =	simm.s32 $0x320;
	s15 =	simm.s32 $0x2878;
	[sflag:s29] =	ssyncadd.s32 $0xFFFFEC00  }
.LBB2_4:
0xbb: {  	[tilespmem:s5], [sflag:$0x6] =	stream.indirect.gather [hbm4b:s1+s31], $0x80, s15, s31, $0xb8;
	[tilespmem:$0x1EAA0] =	vst v63  }
0xbc: {  	s15 =	smov.u32 s14  }
0xbd: {  	p1 =	sne.s32 s14, $0x9600;
	s14 =	sadd.s32 $0x320, s14;
	_ =	swait.ge [sflag:s6], $0x1400  }
0xbe: {  	[sflag:s6] =	ssyncset.done $0x0  }
0xbf: {  	s15 =	sshra.s32 s15, $0x2;
	[sflag:s6] =	ssyncadd.s32 $0xFFFFEC00  }
0xc0: {  	[spmem:s3] =	stream.indirect.scatter.add.f32 [tilespmem:s30], [sflag:$0x1], $0x80, s15, s31, $0xb8;
	[tilespmem:$0x1EAA0] =	vst v63  }
0xc1: {  	_ =	swait.ge [sflag:s29], $0x1400  }
0xc2: {  	[sflag:s29] =	ssyncset.done $0x0  }
0xc3: {  	s16 =	sadd.s32 $0x27D8, s15;
	[sflag:s29] =	ssyncadd.s32 $0xFFFFEC00  }
0xc4: {  	[tilespmem:s30], [sflag:$0x2] =	stream.indirect.gather [hbm4b:s1+s31], $0x80, s16, s31, $0xb8;
	[tilespmem:$0x1EAA0] =	vst v63  }
0xc5: {  	_ =	swait.ge [sflag:s8], $0x1400  }
0xc6: {  	[sflag:s8] =	ssyncset.done $0x0  }
0xc7: {  	s16 =	sadd.s32 $0x28, s15;
	[sflag:s8] =	ssyncadd.s32 $0xFFFFEC00  }
0xc8: {  	[spmem:s3] =	stream.indirect.scatter.add.f32 [tilespmem:s2], [sflag:$0x1], $0x80, s16, s31, $0xb8;
	[tilespmem:$0x1EAA0] =	vst v63  }
0xc9: {  	_ =	swait.ge [sflag:s29], $0x1400  }
0xca: {  	[sflag:s29] =	ssyncset.done $0x0  }
0xcb: {  	s16 =	sadd.s32 $0x2800, s15;
	[sflag:s29] =	ssyncadd.s32 $0xFFFFEC00  }
0xcc: {  	[tilespmem:s2], [sflag:$0x3] =	stream.indirect.gather [hbm4b:s1+s31], $0x80, s16, s31, $0xb8;
	[tilespmem:$0x1EAA0] =	vst v63  }
0xcd: {  	_ =	swait.ge [sflag:s9], $0x1400  }
0xce: {  	[sflag:s9] =	ssyncset.done $0x0  }
0xcf: {  	s16 =	sadd.s32 $0x50, s15;
	[sflag:s9] =	ssyncadd.s32 $0xFFFFEC00  }
0xd0: {  	[spmem:s3] =	stream.indirect.scatter.add.f32 [tilespmem:s0], [sflag:$0x1], $0x80, s16, s31, $0xb8;
	[tilespmem:$0x1EAA0] =	vst v63  }
0xd1: {  	_ =	swait.ge [sflag:s29], $0x1400  }
0xd2: {  	[sflag:s29] =	ssyncset.done $0x0  }
0xd3: {  	s16 =	sadd.s32 $0x2828, s15;
	[sflag:s29] =	ssyncadd.s32 $0xFFFFEC00  }
0xd4: {  	[tilespmem:s0], [sflag:$0x4] =	stream.indirect.gather [hbm4b:s1+s31], $0x80, s16, s31, $0xb8;
	[tilespmem:$0x1EAA0] =	vst v63  }
0xd5: {  	_ =	swait.ge [sflag:s10], $0x1400  }
0xd6: {  	[sflag:s10] =	ssyncset.done $0x0  }
0xd7: {  	s16 =	sadd.s32 $0x78, s15;
	[sflag:s10] =	ssyncadd.s32 $0xFFFFEC00  }
0xd8: {  	[spmem:s3] =	stream.indirect.scatter.add.f32 [tilespmem:s4], [sflag:$0x1], $0x80, s16, s31, $0xb8;
	[tilespmem:$0x1EAA0] =	vst v63  }
0xd9: {  	_ =	swait.ge [sflag:s29], $0x1400  }
0xda: {  	[sflag:s29] =	ssyncset.done $0x0  }
0xdb: {  	s16 =	sadd.s32 $0x2850, s15;
	[sflag:s29] =	ssyncadd.s32 $0xFFFFEC00  }
0xdc: {  	[tilespmem:s4], [sflag:$0x5] =	stream.indirect.gather [hbm4b:s1+s31], $0x80, s16, s31, $0xb8;
	[tilespmem:$0x1EAA0] =	vst v63  }
0xdd: {  	_ =	swait.ge [sflag:s11], $0x1400  }
0xde: {  	[sflag:s11] =	ssyncset.done $0x0  }
.Ltmp1:
0xdf: {  	s16 =	sadd.s32 $0xA0, s15;
	[sflag:s11] =	ssyncadd.s32 $0xFFFFEC00;
	(pc) =	sbr.rel @p1 .LBB2_4-.Ltmp1, $4  }
0xe0: {  	[spmem:s3] =	stream.indirect.scatter.add.f32 [tilespmem:s5], [sflag:$0x1], $0x80, s16, s31, $0xb8;
	[tilespmem:$0x1EAA0] =	vst v63  }
0xe1: {  	_ =	swait.ge [sflag:s29], $0x1400  }
0xe2: {  	[sflag:s29] =	ssyncset.done $0x0  }
0xe3: {  	s15 =	sadd.s32 $0x2878, s15;
	[sflag:s29] =	ssyncadd.s32 $0xFFFFEC00  }
0xe4: {  	[tilespmem:s5], [sflag:$0x6] =	stream.indirect.gather [hbm4b:s1+s31], $0x80, s15, s31, $0xb8;
	[tilespmem:$0x1EAA0] =	vst v63  }
0xe5: {  	_ =	swait.ge [sflag:s6], $0x1400  }
0xe6: {  	[sflag:s6] =	ssyncset.done $0x0  }
0xe7: {  	s14 =	simm.s32 $0x2648;
	[sflag:s6] =	ssyncadd.s32 $0xFFFFEC00  }
0xe8: {  	[spmem:s3] =	stream.indirect.scatter.add.f32 [tilespmem:s30], [sflag:$0x1], $0x80, s14, s31, $0xb8;
	[tilespmem:$0x1EAA0] =	vst v63  }
0xe9: {  	_ =	swait.ge [sflag:s29], $0x1400  }
0xea: {  	[sflag:s29] =	ssyncset.done $0x0  }
0xeb: {  	[sflag:s29] =	ssyncadd.s32 $0xFFFFEC00  }
0xec: {  	_ =	swait.ge [sflag:s8], $0x1400  }
0xed: {  	[sflag:s8] =	ssyncset.done $0x0  }
0xee: {  	s15 =	simm.s32 $0x2670;
	[sflag:s8] =	ssyncadd.s32 $0xFFFFEC00  }
0xef: {  	[spmem:s3] =	stream.indirect.scatter.add.f32 [tilespmem:s2], [sflag:$0x1], $0x80, s15, s31, $0xb8;
	[tilespmem:$0x1EAA0] =	vst v63  }
0xf0: {  	_ =	swait.ge [sflag:s29], $0x1400  }
0xf1: {  	[sflag:s29] =	ssyncset.done $0x0  }
0xf2: {  	[sflag:s29] =	ssyncadd.s32 $0xFFFFEC00  }
0xf3: {  	_ =	swait.ge [sflag:s9], $0x1400  }
0xf4: {  	[sflag:s9] =	ssyncset.done $0x0  }
0xf5: {  	s16 =	simm.s32 $0x2698;
	[sflag:s9] =	ssyncadd.s32 $0xFFFFEC00  }
0xf6: {  	[spmem:s3] =	stream.indirect.scatter.add.f32 [tilespmem:s0], [sflag:$0x1], $0x80, s16, s31, $0xb8;
	[tilespmem:$0x1EAA0] =	vst v63  }
0xf7: {  	_ =	swait.ge [sflag:s29], $0x1400  }
0xf8: {  	[sflag:s29] =	ssyncset.done $0x0  }
0xf9: {  	[sflag:s29] =	ssyncadd.s32 $0xFFFFEC00  }
0xfa: {  	_ =	swait.ge [sflag:s10], $0x1400  }
0xfb: {  	[sflag:s10] =	ssyncset.done $0x0  }
0xfc: {  	s15 =	simm.s32 $0x26C0;
	[sflag:s10] =	ssyncadd.s32 $0xFFFFEC00  }
0xfd: {  	[spmem:s3] =	stream.indirect.scatter.add.f32 [tilespmem:s4], [sflag:$0x1], $0x80, s15, s31, $0xb8;
	[tilespmem:$0x1EAA0] =	vst v63  }
0xfe: {  	_ =	swait.ge [sflag:s29], $0x1400  }
0xff: {  	[sflag:s29] =	ssyncset.done $0x0  }
0x100: {  	[sflag:s29] =	ssyncadd.s32 $0xFFFFEC00  }
0x101: {  	_ =	swait.ge [sflag:s11], $0x1400  }
0x102: {  	[sflag:s11] =	ssyncset.done $0x0  }
0x103: {  	s16 =	simm.s32 $0x26E8;
	[sflag:s11] =	ssyncadd.s32 $0xFFFFEC00  }
0x104: {  	[spmem:s3] =	stream.indirect.scatter.add.f32 [tilespmem:s5], [sflag:$0x1], $0x80, s16, s31, $0xb8;
	[tilespmem:$0x1EAA0] =	vst v63  }
0x105: {  	_ =	swait.ge [sflag:s29], $0x1400  }
0x106: {  	s15 =	stileid.u32;
	[sflag:s29] =	ssyncset.done $0x0  }
0x107: {  	s14 =	sshll.u32 s15, $0x6;
	[sflag:s29] =	ssyncadd.s32 $0xFFFFEC00  }
0x108: {  	s14 =	sor.u32 $0x1C07, s14;
	s16 =	sshrl.u32 s7, $0x3;
	[bflag:$0x0] =	sbarrier.arrive $0xFFFF  }
0x109: {  	[hbm:s21], [sflag:s14] =	dma.local [spmem:s16], $0x2700  }
0x10a: {  	_ =	swait.ge [sflag:s12], $0x2700  }
0x10b: {  	s13 =	sadd.s32 $0x1, s13;
	[sflag:s12] =	ssyncset.done $0x0  }
0x10c: {  	p1 =	sne.s32 s13, s25;
	s15 =	sshrl.u32 @!p0 s26, $0x3;
	[sflag:s12] =	ssyncadd.s32 $0xFFFFD900  }
0x10d: {  	[hbm:s24], [sflag:s14] =	dma.local @!p0 [spmem:s15], $0x100  }
.Ltmp2:
0x10e: {  	_ = 	snop;
	(pc) =	sbr.rel @p1 .LBB2_1-.Ltmp2, $4  }
0x10f: {  	s14 =	simm.s32 @!p0 $0x7  }
0x110: {  	_ =	swait.ge @!p0 [sflag:s14], $0x100  }
0x111: {  	[sflag:s14] =	ssyncset.done @!p0 $0x0  }
0x112: {  	[sflag:s14] =	ssyncadd.s32 @!p0 $0xFFFFFF00  }
0x113: {  	_ =	sfence.sel $0x180000  }
0x114: {  	[bflag:$0x0] =	sbarrier.arrive $0xFFFF  }
0x115: {  	_ =	strace $0x9000004A  }
0x116: {  	s0 =	stileid.u32;
	[bflag:$0x2] =	sbarrier.arrive $0xFFFF  }
0x117: {  	p0 =	sne.s32 s0, $0x0;
	s0 =	rddreg [dreg:$0x3]  }
0x118: {  	s0 =	sadd.s32 @!p0 $0x100000, s0  }
0x119: {  	[sflag:s0] =	ssyncadd.tile.s32 @!p0 $0x1;
	_ =	shalt  }
.Lfunc_end2:
_tile_overlayer_lowered:
.L_overlay_start_2:
0x11a: {  	(tag) =	ssettag $0x2  }
0x11b: {  	s0 =	rddreg [dreg:$0x0];
	s2 =	stileid.u32  }
0x11c: {  	s1 =	rddreg [dreg:$0x1];
	p0 =	sne.s32 s2, $0x0  }
0x11d: {  	s3 =	rddreg [dreg:$0x2];
	[bflag:$0x3] =	sbarrier.arrive $0xFFFF;
	s2 =	simm.s32 @!p0 $0x1C07  }
0x11e: {  	[timem:s3], [sflag:s2] =	dma.local @!p0 [hbm:s0], s1  }
0x11f: {  	s0 =	simm.s32 @!p0 $0x7  }
0x120: {  	_ =	swait.ge @!p0 [sflag:s0], s1  }
0x121: {  	s1 =	ssub.s32 @!p0 $0x0, s1;
	[sflag:s0] =	ssyncset.done @!p0 $0x0  }
0x122: {  	[sflag:s0] =	ssyncadd.s32 @!p0 s1  }
0x123: {  	[bflag:$0x3] =	sbarrier.arrive $0xFFFF  }
0x124: {  	_ =	shalt  }

// kernel: kernel.13.cloned.1.call-start
scs
__scs_entry_jumppad:
0x0: {  	(pc) =	sbr.rel $0x88, $3  }
0x1: {  	(tag) =	ssettag $0x0;
	lr =	simm.s32 $0x1  }
0x2: {  	[smem:$0x3F97] =	sst lr;
	_ =	strace $0xD0000000  }
0x3: {  	_ = 	snop  }
0x4: {  	_ = 	snop  }
0x5: {  	_ = 	snop  }
0x6: {  	_ = 	snop  }
0x7: {  	_ = 	snop  }
__scs_overlays_trampoline_lowered:
0x8: {  	[smem:$0x3FA6] =	sst s0  }
0x9: {  	[smem:$0x3FA7] =	sst s1  }
0xa: {  	[smem:$0x3FA8] =	sst s2  }
0xb: {  	[smem:$0x3FA9] =	sst s3  }
0xc: {  	[smem:$0x3FAA] =	sst s4  }
0xd: {  	[smem:$0x3FAB] =	sst s5  }
0xe: {  	[smem:$0x3FAC] =	sst s6  }
0xf: {  	[smem:$0x3FAD] =	sst s7  }
0x10: {  	[smem:$0x3FAE] =	sst s8  }
0x11: {  	[smem:$0x3FAF] =	sst s9;
	s0 =	simm.s32 @!p0 $0x0  }
0x12: {  	s1 =	sld [smem:$0x3F95];
	s0 =	simm.s32 @p0 $0x1  }
0x13: {  	[smem:$0x3FB0] =	sst s0;
	s0 =	simm.s32 @!p1 $0x0  }
0x14: {  	s2 =	sld [smem:$0x3F94];
	s0 =	simm.s32 @p1 $0x1  }
0x15: {  	[smem:$0x3FB1] =	sst s0;
	s0 =	simm.s32 @!p2 $0x0  }
0x16: {  	s3 =	sld [smem:$0x3FDB];
	s0 =	simm.s32 @p2 $0x1  }
0x17: {  	s4 =	simm.s32 $0x1BF5;
	[smem:$0x3FB3] =	sst s0  }
0x18: {  	s0 =	sld [smem:$0x3F96];
	_ =	swait.ge [sflag:s4], $0x0  }
0x19: {  	s7 =	sld [smem:$0x3F97]  }
0x1a: {  	s8 =	sadd.s32 $0xFFFFE003, lr  }
0x1b: {  	s9 =	sadd.s32 $0xFFFFFEF7, lr;
	s5 =	simm.s32 $0xFFFFFFFF;
	p2 =	slt.u32 s8, $0xFFFFF086  }
0x1c: {  	p1 =	slt.u32 s9, $0xF7A;
	s5 =	simm.s32 @!p2 $0x0  }
0x1d: {  	s5 =	simm.s32 @p1 $0x1;
	p0 =	seq.s32 s7, s2  }
0x1e: {  	s7 =	smul.u32 @!p0 $0xF7A, s2;
	p2 =	seq.s32 @!p0 s5, $0x0  }
0x1f: {  	s9 =	smul.u32 $0xF7A, s1;
	s8 =	simm.s32 @!p0 $0x1BF5;
	p2 =	por !p2, p0  }
0x20: {  	[sflag:s8] =	ssyncset.s32 @!p0 $0xFFFFF086;
	s6 =	sadd.s32 @!p0 s3, s7;
	s7 =	simm.s32 @!p0 $0x108  }
0x21: {  	s3 =	sadd.s32 s3, s9;
	s6 =	sadd.s32 @!p0 $0x88, s6;
	s7 =	simm.s32 @p2 $0x1082  }
0x22: {  	[simem:s7], [sflag:s8] =	dma.local @!p0 [hbm:s6], $0xF7A  }
0x23: {  	s9 =	sor.u32 $0xD0000000, s2;
	s6 =	simm.s32 $0x108;
	_ =	swait.ge @!p0 [sflag:s8], $0x0  }
0x24: {  	s3 =	sadd.s32 $0x88, s3;
	s6 =	simm.s32 @!p1 $0x1082;
	[sflag:s4] =	ssyncset.s32 $0xFFFFF086  }
0x25: {  	[simem:s6], [sflag:s4] =	dma.local [hbm:s3], $0xF7A  }
0x26: {  	[smem:$0x3F97] =	sst s1;
	(tag) =	ssettag s2;
	_ =	strace s9  }
0x27: {  	s1 =	sld [smem:$0x3FA7]  }
0x28: {  	s2 =	sld [smem:$0x3FA8]  }
0x29: {  	s4 =	sld [smem:$0x3FAA]  }
0x2a: {  	p0 =	seq.s32 s5, $0x0;
	s5 =	sld [smem:$0x3FAB]  }
0x2b: {  	s6 =	sld [smem:$0x3FAC]  }
0x2c: {  	s7 =	sld [smem:$0x3FAD]  }
0x2d: {  	s3 =	simm.s32 $0x108;
	s8 =	sld [smem:$0x3FAE]  }
0x2e: {  	s3 =	simm.s32 @!p0 $0x1082;
	s9 =	sld [smem:$0x3FAF]  }
0x2f: {  	lr =	sadd.s32 s0, s3;
	s0 =	sld [smem:$0x3FA6]  }
0x30: {  	s3 =	sld [smem:$0x3FA9]  }
0x31: {  	[smem:$0x3FB2] =	sst s10  }
0x32: {  	s10 =	sld [smem:$0x3FB0];
	_ =	sdelay $0x3  }
0x33: {  	p0 =	seq.s32 s10, $0x1;
	s10 =	sld [smem:$0x3FB2];
	_ =	sdelay $0x3  }
0x34: {  	[smem:$0x3FB2] =	sst s10  }
0x35: {  	s10 =	sld [smem:$0x3FB1];
	_ =	sdelay $0x3  }
0x36: {  	p1 =	seq.s32 s10, $0x1;
	s10 =	sld [smem:$0x3FB2];
	_ =	sdelay $0x3  }
0x37: {  	[smem:$0x3FB2] =	sst s10  }
0x38: {  	s10 =	sld [smem:$0x3FB3]  }
0x39: {  	_ = 	snop;
	(pc) =	sbr.ind lr, $3  }
0x3a: {  	_ = 	snop  }
0x3b: {  	_ = 	snop  }
0x3c: {  	p2 =	seq.s32 s10, $0x1;
	s10 =	sld [smem:$0x3FB2]  }
0x3d: {  	_ =	shalt  }
0x3e: {  	_ =	shalt  }
0x3f: {  	_ =	shalt  }
0x40: {  	_ =	shalt  }
0x41: {  	_ =	shalt  }
0x42: {  	_ =	shalt  }
0x43: {  	_ =	shalt  }
0x44: {  	_ =	shalt  }
0x45: {  	_ =	shalt  }
0x46: {  	_ =	shalt  }
0x47: {  	_ =	shalt  }
0x48: {  	_ =	shalt  }
0x49: {  	_ =	shalt  }
0x4a: {  	_ =	shalt  }
0x4b: {  	_ =	shalt  }
0x4c: {  	_ =	shalt  }
0x4d: {  	_ =	shalt  }
0x4e: {  	_ =	shalt  }
0x4f: {  	_ =	shalt  }
0x50: {  	_ =	shalt  }
0x51: {  	_ =	shalt  }
0x52: {  	_ =	shalt  }
0x53: {  	_ =	shalt  }
0x54: {  	_ =	shalt  }
0x55: {  	_ =	shalt  }
0x56: {  	_ =	shalt  }
0x57: {  	_ =	shalt  }
0x58: {  	_ =	shalt  }
0x59: {  	_ =	shalt  }
0x5a: {  	_ =	shalt  }
0x5b: {  	_ =	shalt  }
0x5c: {  	_ =	shalt  }
0x5d: {  	_ =	shalt  }
0x5e: {  	_ =	shalt  }
0x5f: {  	_ =	shalt  }
0x60: {  	_ =	shalt  }
0x61: {  	_ =	shalt  }
0x62: {  	_ =	shalt  }
0x63: {  	_ =	shalt  }
0x64: {  	_ =	shalt  }
0x65: {  	_ =	shalt  }
0x66: {  	_ =	shalt  }
0x67: {  	_ =	shalt  }
0x68: {  	_ =	shalt  }
0x69: {  	_ =	shalt  }
0x6a: {  	_ =	shalt  }
0x6b: {  	_ =	shalt  }
0x6c: {  	_ =	shalt  }
0x6d: {  	_ =	shalt  }
0x6e: {  	_ =	shalt  }
0x6f: {  	_ =	shalt  }
0x70: {  	_ =	shalt  }
0x71: {  	_ =	shalt  }
0x72: {  	_ =	shalt  }
0x73: {  	_ =	shalt  }
0x74: {  	_ =	shalt  }
0x75: {  	_ =	shalt  }
0x76: {  	_ =	shalt  }
0x77: {  	_ =	shalt  }
0x78: {  	_ =	shalt  }
0x79: {  	_ =	shalt  }
0x7a: {  	_ =	shalt  }
0x7b: {  	_ =	shalt  }
0x7c: {  	_ =	shalt  }
0x7d: {  	_ =	shalt  }
0x7e: {  	_ =	shalt  }
0x7f: {  	_ =	shalt  }
0x80: {  	_ =	shalt  }
0x81: {  	_ =	shalt  }
0x82: {  	_ =	shalt  }
0x83: {  	_ =	shalt  }
0x84: {  	_ =	shalt  }
0x85: {  	_ =	shalt  }
0x86: {  	_ =	shalt  }
0x87: {  	_ =	shalt  }
.Lfunc_end0:
.L_simem_size_0:
called_computation.2_lowered:
.L_overlay_start_0:
0x88: {  	s2 =	sld [smem:$0x3FD9]  }
0x89: {  	s3 =	sld [smem:$0x3FFE];
	_ =	sdelay $0x1  }
0x8a: {  	s1 =	srdreg.scid  }
0x8b: {  	s0 =	sand.u32 $0x1, s1  }
0x8c: {  	s16 =	sshll.u32 s0, $0xA;
	s2 =	sadd.s32 s3, s2  }
0x8d: {  	s2 =	sadd.s32 s2, s16  }
0x8e: {  	[smem:$0x3FBE] =	sst s2  }
0x8f: {  	_ = 	snop  }
0x90: {  	(tm) =	ssettm $0x1  }
0x91: {  	s17 =	sld [smem:$0x3FFB];
	_ =	sdelay $0x3  }
0x92: {  	_ =	strace s17  }
0x93: {  	s2 =	sld [smem:$0x3FFC];
	_ =	sdelay $0x3  }
0x94: {  	_ =	strace s2  }
0x95: {  	s2 =	sld [smem:$0x3FFD];
	_ =	sdelay $0x3  }
0x96: {  	_ =	strace s2  }
0x97: {  	_ =	strace $0x8FFFFFFF  }
0x98: {  	s18 =	sld [smem:$0x3FDB];
	_ =	sdelay $0x1  }
0x99: {  	s19 =	simm.s32 $_scs_section_size  }
0x9a: {  	s4 =	simm.s32 $_size__tile_overlayer_lowered;
	s5 =	simm.s32 $_tile_overlayer_lowered  }
0x9b: {  	s22 =	simm.s32 $0x1BFF;
	s21 =	sshll.u32 s5, $0x1;
	s2 =	sadd.s32 s19, s18  }
0x9c: {  	s6 =	simm.s32 $0x0;
	s20 =	sshll.u32 s4, $0x1;
	s4 =	sadd.s32 s21, s2  }
0x9d: {  	[timem:s6], [sflag:s22] =	dma.local [hbm:s4], s20  }
0x9e: {  	_ =	swait.ge [sflag:s22], s20  }
0x9f: {  	s3 =	ssub.s32 $0x0, s20;
	[sflag:s22] =	ssyncset.done $0x0  }
0xa0: {  	[sflag:s22] =	ssyncadd.s32 s3;
	_ =	sdelay $0x1  }
0xa1: {  	s23 =	simm.s32 $0x1B8B  }
0xa2: {  	_ =	swait.ge [sflag:s23], $0x1  }
0xa3: {  	[sflag:s23] =	ssyncset.done $0x0  }
0xa4: {  	s25 =	simm.s32 $0x1B8E;
	s24 =	sld [smem:$0x3FFE];
	[sflag:s23] =	ssyncadd.s32 $0xFFFFFFFF  }
0xa5: {  	s26 =	simm.s32 $execute0_lowered;
	[smem:$0x3FD2] =	sst s25  }
0xa6: {  	s4 =	sshll.u32 s26, $0x1;
	_ =	strace $0x8000004C;
	[dreg:$0x1] =	wrdreg $0xFFFFFFFF  }
0xa7: {  	s28 =	simm.s32 $_size_execute0_lowered;
	s2 =	sadd.s32 s2, s4;
	[dreg:$0x0] =	wrdreg $0x0  }
0xa8: {  	s4 =	sshll.u32 s28, $0x1;
	[dreg:$0x2] =	wrdreg s2  }
0xa9: {  	[dreg:$0x3] =	wrdreg s4  }
0xaa: {  	[dreg:$0x4] =	wrdreg $0xC0  }
0xab: {  	_ =	task [dreg:s6], $0x5FFFF  }
0xac: {  	[dreg:$0x1] =	wrdreg $0xFFFFFFFF  }
0xad: {  	[dreg:$0x0] =	wrdreg $0x60  }
0xae: {  	[dreg:$0x2] =	wrdreg s24  }
0xaf: {  	[dreg:$0x3] =	wrdreg $0xB2200  }
0xb0: {  	[dreg:$0x4] =	wrdreg $0x9  }
0xb1: {  	_ =	task.clear_ibuf [dreg:s6], $0x5FFFF;
	_ =	strace $0x9000004C  }
0xb2: {  	s29 =	simm.s32 $0x9;
	_ =	strace $0x8000004E  }
0xb3: {  	_ =	swait.ge [sflag:s29], $0x1  }
0xb4: {  	[sflag:s29] =	ssyncadd.s32 $0xFFFFFFFF  }
0xb5: {  	_ =	strace $0x9000004E  }
0xb6: {  	_ =	sfence  }
0xb7: {  	s30 =	sld [smem:$0x0];
	_ =	sdelay $0x2  }
0xb8: {  	s31 =	sshll.u32 s1, $0xD;
	s1 =	sshrl.u32 s1, $0x2  }
0xb9: {  	s3 =	sand.u32 $0x4000, s31;
	s1 =	sadd.s32 s1, s30  }
0xba: {  	s0 =	sor.u32 s3, s0;
	s1 =	sshll.u32 s1, $0x11  }
0xbb: {  	s0 =	sor.u32 s1, s0  }
0xbc: {  	s0 =	sadd.s32 $0x8F2B, s0  }
0xbd: {  	[sflag:s0] =	ssyncadd.remote.s32 $0x1  }
0xbe: {  	_ =	sfence.sel $0xFFFF  }
0xbf: {  	[dreg:$0x0] =	wrdreg $0xFFFFFFFF;
	(pc) =	sbr.abs _section_cstart, $3  }
0xc0: {  	[dreg:$0x1] =	wrdreg $0xFFFFFFFF  }
0xc1: {  	_ =	task.clear_ibuf [dreg:s6], $0x2FFFF;
	_ =	strace $0x9FFFFFFF  }
0xc2: {  	(tm) =	ssettm $0x7FFFFFFF  }
0xc3: {  	_ =	shalt  }
tec
execute0_lowered:
.L_overlay_start_1:
0x0: {  	(tag) =	ssettag $0x1  }
0x1: {  	s0 =	rddreg [dreg:$0x0]  }
0x2: {  	s1 =	srdreg.scid;
	s9 =	stileid.u32  }
0x3: {  	s2 =	rddreg [dreg:$0x1];
	s4 =	simm.s32 $0x0;
	s28 =	simm.s32 $0x2710  }
0x4: {  	s29 =	simm.s32 $0x1;
	s30 =	simm.s32 $0x4E20;
	s31 =	simm.s32 $0x28  }
0x5: {  	s10 =	simm.s32 $0x5;
	s11 =	simm.s32 $0x6;
	s12 =	simm.s32 $0x7  }
0x6: {  	s13 =	simm.s32 $0x0;
	s1 =	sand.u32 $0x1, s1;
	s3 =	sshll.u32 s9, $0x1  }
0x7: {  	[smem:$0x7FF] =	sst s4;
	s4 =	sadd.s32 $0x16600, s0;
	s5 =	smul.u32 $0x4E000, s9  }
0x8: {  	s8 =	smul.u32 $0x13800, s9;
	p0 =	sne.s32 s9, $0xF;
	s9 =	simm.s32 $0x4  }
0x9: {  	s3 =	sor.u32 s1, s3;
	_ =	strace $0x8000004D;
	s5 =	sshrl.u32 s5, $0x2  }
0xa: {  	s6 =	ssub.s32 $0x2, s1;
	s1 =	smul.u32 $0x138800, s1;
	s5 =	sadd.s32 s5, s2  }
0xb: {  	s3 =	smul.u32 $0x4E2, s3;
	s7 =	sshrl.u32 s6, $0x1;
	s17 =	sadd.s32 $0x1400, s5  }
0xc: {  	s6 =	ssub.s32 s6, s7;
	s18 =	sadd.s32 $0x2800, s5;
	[dreg:$0x5] =	wrdreg s17  }
0xd: {  	s7 =	sadd.s32 s8, s2;
	s19 =	sadd.s32 $0x3C00, s5;
	[dreg:$0x6] =	wrdreg s18  }
0xe: {  	s26 =	sadd.s32 s8, s1;
	s20 =	sadd.s32 $0x5000, s5;
	[dreg:$0x7] =	wrdreg s19  }
0xf: {  	s1 =	sshrl.u32 s1, $0x3;
	s21 =	sadd.s32 $0x6400, s5;
	[dreg:$0x8] =	wrdreg s20  }
0x10: {  	s8 =	simm.s32 $0x3;
	s22 =	sadd.s32 $0x7800, s5;
	[dreg:$0x9] =	wrdreg s21  }
0x11: {  	s3 =	sadd.s32 s3, s0;
	s23 =	sadd.s32 $0x8C00, s5;
	[dreg:$0xa] =	wrdreg s22  }
0x12: {  	s0 =	sadd.s32 $0xC6400, s0;
	s24 =	sadd.s32 $0xA000, s5;
	[dreg:$0xb] =	wrdreg s23  }
0x13: {  	s25 =	sadd.s32 $0xB400, s5;
	s16 =	sadd.s32 $0xC800, s3;
	[dreg:$0xc] =	wrdreg s24  }
0x14: {  	s3 =	sadd.s32 $0x2A00, s3;
	[dreg:$0xd] =	wrdreg s25;
	s17 =	sadd.s32 $0xC800, s5  }
0x15: {  	s18 =	sadd.s32 $0xDC00, s5;
	s19 =	sadd.s32 $0xF000, s5;
	s20 =	sadd.s32 $0x10400, s5  }
0x16: {  	s22 =	sadd.s32 $0x11800, s5;
	s23 =	sadd.s32 $0x12C00, s5;
	s25 =	smax.u32 s6, $0x1  }
0x17: {  	s5 =	simm.s32 $0x9E20;
	s6 =	simm.s32 $0x2;
	[dreg:$0x3] =	wrdreg s16  }
0x18: {  	[dreg:$0x4] =	wrdreg s3;
	s3 =	sshrl.u32 s26, $0x3;
	s26 =	sadd.s32 $0x138000, s2  }
0x19: {  	s21 =	sadd.s32 s0, s3;
	s0 =	sadd.s32 s0, s1;
	s1 =	simm.s32 $0x7620  }
0x1a: {  	v0 =	vimm.f32 $0.0e+00;
	s3 =	simm.s32 $0x8A20;
	s24 =	sadd.s32 $0x27000, s0;
	s0 =	simm.s32 $0x6220  }
.LBB2_1:
0x1b: {  	s14 =	simm.s32 $0x0;
	s15 =	rddreg [dreg:$0x3]  }
0x1c: {  	[tilespmem:s14], [sflag:$0x1] =	stream.linear.gather [hbm4b:s15+s14], $0x2710, $0x38;
	[tilespmem:$0x1EAA0] =	vst v63  }
0x1d: {  	s16 =	rddreg [dreg:$0x4]  }
0x1e: {  	[tilespmem:s28], [sflag:$0x1] =	stream.linear.gather [hbm4b:s16+s14], $0x2710, $0x38;
	[tilespmem:$0x1EAA0] =	vst v63  }
0x1f: {  	s15 =	simm.s32 $0x200;
	s14 =	simm.s32 $0x0  }
.LBB2_2:
0x20: {  	p1 =	sne.s32 s15, $0x4E00;
	[tilespmem:s14+$0x4E90] =	vst v0  }
0x21: {  	[tilespmem:s14+$0x4E20] =	vst v0  }
0x22: {  	[tilespmem:s14+$0x4E30] =	vst v0  }
.Ltmp0:
0x23: {  	[tilespmem:s14+$0x4E40] =	vst v0;
	(pc) =	sbr.rel @p1 .LBB2_2-.Ltmp0, $4  }
0x24: {  	[tilespmem:s14+$0x4E50] =	vst v0  }
0x25: {  	[tilespmem:s14+$0x4E60] =	vst v0  }
0x26: {  	[tilespmem:s14+$0x4E70] =	vst v0  }
0x27: {  	[tilespmem:s14+$0x4E80] =	vst v0;
	s14 =	sshra.s32 s15, $0x2;
	s15 =	sadd.s32 $0x200, s15  }
0x28: {  	[tilespmem:s14+$0x4E90] =	vst v0  }
0x29: {  	[tilespmem:s14+$0x4E20] =	vst v0  }
0x2a: {  	[tilespmem:s14+$0x4E30] =	vst v0  }
0x2b: {  	[tilespmem:s14+$0x4E40] =	vst v0  }
0x2c: {  	[tilespmem:s14+$0x4E50] =	vst v0  }
0x2d: {  	[tilespmem:s14+$0x4E60] =	vst v0  }
0x2e: {  	[tilespmem:s14+$0x4E70] =	vst v0  }
0x2f: {  	[tilespmem:s14+$0x4E80] =	vst v0  }
0x30: {  	_ =	swait.ge [sflag:s29], $0x2710  }
0x31: {  	[sflag:s29] =	ssyncset.done $0x0  }
0x32: {  	[sflag:s29] =	ssyncadd.s32 $0xFFFFD8F0  }
0x33: {  	_ =	swait.ge [sflag:s29], $0x2710  }
0x34: {  	[sflag:s29] =	ssyncset.done $0x0  }
0x35: {  	[sflag:s29] =	ssyncadd.s32 $0xFFFFD8F0  }
0x36: {  	[spmem:s7] =	stream.linear.scatter [tilespmem:s30], [sflag:$0x1], $0x1400, $0x38;
	[tilespmem:$0x1EAA0] =	vst v63  }
0x37: {  	s15 =	rddreg [dreg:$0x5]  }
0x38: {  	[spmem:s15] =	stream.linear.scatter [tilespmem:s30], [sflag:$0x1], $0x1400, $0x38;
	[tilespmem:$0x1EAA0] =	vst v63  }
0x39: {  	s16 =	rddreg [dreg:$0x6]  }
0x3a: {  	[spmem:s16] =	stream.linear.scatter [tilespmem:s30], [sflag:$0x1], $0x1400, $0x38;
	[tilespmem:$0x1EAA0] =	vst v63  }
0x3b: {  	s15 =	rddreg [dreg:$0x7]  }
0x3c: {  	[spmem:s15] =	stream.linear.scatter [tilespmem:s30], [sflag:$0x1], $0x1400, $0x38;
	[tilespmem:$0x1EAA0] =	vst v63  }
0x3d: {  	s16 =	rddreg [dreg:$0x8]  }
0x3e: {  	[spmem:s16] =	stream.linear.scatter [tilespmem:s30], [sflag:$0x1], $0x1400, $0x38;
	[tilespmem:$0x1EAA0] =	vst v63  }
0x3f: {  	s15 =	rddreg [dreg:$0x9]  }
0x40: {  	[spmem:s15] =	stream.linear.scatter [tilespmem:s30], [sflag:$0x1], $0x1400, $0x38;
	[tilespmem:$0x1EAA0] =	vst v63  }
0x41: {  	s16 =	rddreg [dreg:$0xa]  }
0x42: {  	[spmem:s16] =	stream.linear.scatter [tilespmem:s30], [sflag:$0x1], $0x1400, $0x38;
	[tilespmem:$0x1EAA0] =	vst v63  }
0x43: {  	s15 =	rddreg [dreg:$0xb]  }
0x44: {  	[spmem:s15] =	stream.linear.scatter [tilespmem:s30], [sflag:$0x1], $0x1400, $0x38;
	[tilespmem:$0x1EAA0] =	vst v63  }
0x45: {  	s16 =	rddreg [dreg:$0xc]  }
0x46: {  	[spmem:s16] =	stream.linear.scatter [tilespmem:s30], [sflag:$0x1], $0x1400, $0x38;
	[tilespmem:$0x1EAA0] =	vst v63  }
0x47: {  	s15 =	rddreg [dreg:$0xd]  }
0x48: {  	[spmem:s15] =	stream.linear.scatter [tilespmem:s30], [sflag:$0x1], $0x1400, $0x38;
	[tilespmem:$0x1EAA0] =	vst v63  }
0x49: {  	_ = 	snop  }
0x4a: {  	[spmem:s17] =	stream.linear.scatter [tilespmem:s30], [sflag:$0x1], $0x1400, $0x38;
	[tilespmem:$0x1EAA0] =	vst v63  }
0x4b: {  	_ = 	snop  }
0x4c: {  	[spmem:s18] =	stream.linear.scatter [tilespmem:s30], [sflag:$0x1], $0x1400, $0x38;
	[tilespmem:$0x1EAA0] =	vst v63  }
0x4d: {  	_ = 	snop  }
0x4e: {  	[spmem:s19] =	stream.linear.scatter [tilespmem:s30], [sflag:$0x1], $0x1400, $0x38;
	[tilespmem:$0x1EAA0] =	vst v63  }
0x4f: {  	_ = 	snop  }
0x50: {  	[spmem:s20] =	stream.linear.scatter [tilespmem:s30], [sflag:$0x1], $0x1400, $0x38;
	[tilespmem:$0x1EAA0] =	vst v63  }
0x51: {  	_ = 	snop  }
0x52: {  	[spmem:s22] =	stream.linear.scatter [tilespmem:s30], [sflag:$0x1], $0x1400, $0x38;
	[tilespmem:$0x1EAA0] =	vst v63  }
0x53: {  	_ = 	snop  }
0x54: {  	[spmem:s23] =	stream.linear.scatter [tilespmem:s30], [sflag:$0x1], $0xC00, $0x38;
	[tilespmem:$0x1EAA0] =	vst v63  }
0x55: {  	_ =	swait.ge [sflag:s29], $0x1400  }
0x56: {  	[sflag:s29] =	ssyncset.done $0x0  }
0x57: {  	[sflag:s29] =	ssyncadd.s32 $0xFFFFEC00  }
0x58: {  	_ =	swait.ge [sflag:s29], $0x1400  }
0x59: {  	[sflag:s29] =	ssyncset.done $0x0  }
0x5a: {  	[sflag:s29] =	ssyncadd.s32 $0xFFFFEC00  }
0x5b: {  	_ =	swait.ge [sflag:s29], $0x1400  }
0x5c: {  	[sflag:s29] =	ssyncset.done $0x0  }
0x5d: {  	[sflag:s29] =	ssyncadd.s32 $0xFFFFEC00  }
0x5e: {  	_ =	swait.ge [sflag:s29], $0x1400  }
0x5f: {  	[sflag:s29] =	ssyncset.done $0x0  }
0x60: {  	[sflag:s29] =	ssyncadd.s32 $0xFFFFEC00  }
0x61: {  	_ =	swait.ge [sflag:s29], $0x1400  }
0x62: {  	[sflag:s29] =	ssyncset.done $0x0  }
0x63: {  	[sflag:s29] =	ssyncadd.s32 $0xFFFFEC00  }
0x64: {  	_ =	swait.ge [sflag:s29], $0x1400  }
0x65: {  	[sflag:s29] =	ssyncset.done $0x0  }
0x66: {  	[sflag:s29] =	ssyncadd.s32 $0xFFFFEC00  }
0x67: {  	_ =	swait.ge [sflag:s29], $0x1400  }
0x68: {  	[sflag:s29] =	ssyncset.done $0x0  }
0x69: {  	[sflag:s29] =	ssyncadd.s32 $0xFFFFEC00  }
0x6a: {  	_ =	swait.ge [sflag:s29], $0x1400  }
0x6b: {  	[sflag:s29] =	ssyncset.done $0x0  }
0x6c: {  	[sflag:s29] =	ssyncadd.s32 $0xFFFFEC00  }
0x6d: {  	_ =	swait.ge [sflag:s29], $0x1400  }
0x6e: {  	[sflag:s29] =	ssyncset.done $0x0  }
0x6f: {  	[sflag:s29] =	ssyncadd.s32 $0xFFFFEC00  }
0x70: {  	_ =	swait.ge [sflag:s29], $0x1400  }
0x71: {  	[sflag:s29] =	ssyncset.done $0x0  }
0x72: {  	[sflag:s29] =	ssyncadd.s32 $0xFFFFEC00  }
0x73: {  	_ =	swait.ge [sflag:s29], $0x1400  }
0x74: {  	[sflag:s29] =	ssyncset.done $0x0  }
0x75: {  	[sflag:s29] =	ssyncadd.s32 $0xFFFFEC00  }
0x76: {  	_ =	swait.ge [sflag:s29], $0x1400  }
0x77: {  	[sflag:s29] =	ssyncset.done $0x0  }
0x78: {  	[sflag:s29] =	ssyncadd.s32 $0xFFFFEC00  }
0x79: {  	_ =	swait.ge [sflag:s29], $0x1400  }
0x7a: {  	[sflag:s29] =	ssyncset.done $0x0  }
0x7b: {  	[sflag:s29] =	ssyncadd.s32 $0xFFFFEC00  }
0x7c: {  	_ =	swait.ge [sflag:s29], $0x1400  }
0x7d: {  	[sflag:s29] =	ssyncset.done $0x0  }
0x7e: {  	[sflag:s29] =	ssyncadd.s32 $0xFFFFEC00  }
0x7f: {  	_ =	swait.ge [sflag:s29], $0x1400  }
0x80: {  	[sflag:s29] =	ssyncset.done $0x0  }
0x81: {  	[sflag:s29] =	ssyncadd.s32 $0xFFFFEC00  }
0x82: {  	_ =	swait.ge [sflag:s29], $0xC00  }
0x83: {  	[sflag:s29] =	ssyncset.done $0x0  }
0x84: {  	s14 =	simm.s32 @!p0 $0x4E20;
	[sflag:s29] =	ssyncadd.s32 $0xFFFFF400  }
0x85: {  	[spmem:s26] =	stream.linear.scatter @!p0 [tilespmem:s14], [sflag:$0x7], $0x800, $0x38;
	[tilespmem:$0x1EAA0] =	vst v63  }
0x86: {  	s14 =	simm.s32 @!p0 $0x7  }
0x87: {  	_ =	swait.ge @!p0 [sflag:s14], $0x800  }
0x88: {  	[sflag:s14] =	ssyncset.done @!p0 $0x0  }
0x89: {  	[sflag:s14] =	ssyncadd.s32 @!p0 $0xFFFFF800  }
0x8a: {  	[bflag:$0x0] =	sbarrier.arrive $0xFFFF  }
0x8b: {  	[tilespmem:s30], [sflag:$0x2] =	stream.indirect.gather [hbm4b:s4+s31], $0x80, s28, s31, $0xb8;
	[tilespmem:$0x1EAA0] =	vst v63  }
0x8c: {  	s16 =	simm.s32 $0x2738  }
0x8d: {  	[tilespmem:s0], [sflag:$0x3] =	stream.indirect.gather [hbm4b:s4+s31], $0x80, s16, s31, $0xb8;
	[tilespmem:$0x1EAA0] =	vst v63  }
0x8e: {  	s15 =	simm.s32 $0x2760  }
0x8f: {  	[tilespmem:s1], [sflag:$0x4] =	stream.indirect.gather [hbm4b:s4+s31], $0x80, s15, s31, $0xb8;
	[tilespmem:$0x1EAA0] =	vst v63  }
0x90: {  	s16 =	simm.s32 $0x2788  }
0x91: {  	[tilespmem:s3], [sflag:$0x5] =	stream.indirect.gather [hbm4b:s4+s31], $0x80, s16, s31, $0xb8;
	[tilespmem:$0x1EAA0] =	vst v63  }
0x92: {  	s15 =	simm.s32 $0x27B0  }
0x93: {  	[tilespmem:s5], [sflag:$0x6] =	stream.indirect.gather [hbm4b:s4+s31], $0x80, s15, s31, $0xb8;
	[tilespmem:$0x1EAA0] =	vst v63  }
0x94: {  	_ =	swait.ge [sflag:s6], $0x1400  }
0x95: {  	[sflag:s6] =	ssyncset.done $0x0  }
0x96: {  	s16 =	simm.s32 $0x0;
	[sflag:s6] =	ssyncadd.s32 $0xFFFFEC00  }
0x97: {  	[spmem:s2] =	stream.indirect.scatter.add.f32 [tilespmem:s30], [sflag:$0x1], $0x80, s16, s31, $0xb8;
	[tilespmem:$0x1EAA0] =	vst v63  }
0x98: {  	_ =	swait.ge [sflag:s29], $0x1400  }
0x99: {  	[sflag:s29] =	ssyncset.done $0x0  }
0x9a: {  	s15 =	simm.s32 $0x27D8;
	[sflag:s29] =	ssyncadd.s32 $0xFFFFEC00  }
0x9b: {  	[tilespmem:s30], [sflag:$0x2] =	stream.indirect.gather [hbm4b:s4+s31], $0x80, s15, s31, $0xb8;
	[tilespmem:$0x1EAA0] =	vst v63  }
0x9c: {  	_ =	swait.ge [sflag:s8], $0x1400  }
0x9d: {  	[sflag:s8] =	ssyncset.done $0x0  }
0x9e: {  	s16 =	simm.s32 $0x28;
	[sflag:s8] =	ssyncadd.s32 $0xFFFFEC00  }
0x9f: {  	[spmem:s2] =	stream.indirect.scatter.add.f32 [tilespmem:s0], [sflag:$0x1], $0x80, s16, s31, $0xb8;
	[tilespmem:$0x1EAA0] =	vst v63  }
0xa0: {  	_ =	swait.ge [sflag:s29], $0x1400  }
0xa1: {  	[sflag:s29] =	ssyncset.done $0x0  }
0xa2: {  	s15 =	simm.s32 $0x2800;
	[sflag:s29] =	ssyncadd.s32 $0xFFFFEC00  }
0xa3: {  	[tilespmem:s0], [sflag:$0x3] =	stream.indirect.gather [hbm4b:s4+s31], $0x80, s15, s31, $0xb8;
	[tilespmem:$0x1EAA0] =	vst v63  }
0xa4: {  	_ =	swait.ge [sflag:s9], $0x1400  }
0xa5: {  	[sflag:s9] =	ssyncset.done $0x0  }
0xa6: {  	s16 =	simm.s32 $0x50;
	[sflag:s9] =	ssyncadd.s32 $0xFFFFEC00  }
0xa7: {  	[spmem:s2] =	stream.indirect.scatter.add.f32 [tilespmem:s1], [sflag:$0x1], $0x80, s16, s31, $0xb8;
	[tilespmem:$0x1EAA0] =	vst v63  }
0xa8: {  	_ =	swait.ge [sflag:s29], $0x1400  }
0xa9: {  	[sflag:s29] =	ssyncset.done $0x0  }
0xaa: {  	s15 =	simm.s32 $0x2828;
	[sflag:s29] =	ssyncadd.s32 $0xFFFFEC00  }
0xab: {  	[tilespmem:s1], [sflag:$0x4] =	stream.indirect.gather [hbm4b:s4+s31], $0x80, s15, s31, $0xb8;
	[tilespmem:$0x1EAA0] =	vst v63  }
0xac: {  	_ =	swait.ge [sflag:s10], $0x1400  }
0xad: {  	[sflag:s10] =	ssyncset.done $0x0  }
0xae: {  	s16 =	simm.s32 $0x78;
	[sflag:s10] =	ssyncadd.s32 $0xFFFFEC00  }
0xaf: {  	[spmem:s2] =	stream.indirect.scatter.add.f32 [tilespmem:s3], [sflag:$0x1], $0x80, s16, s31, $0xb8;
	[tilespmem:$0x1EAA0] =	vst v63  }
0xb0: {  	_ =	swait.ge [sflag:s29], $0x1400  }
0xb1: {  	[sflag:s29] =	ssyncset.done $0x0  }
0xb2: {  	s15 =	simm.s32 $0x2850;
	[sflag:s29] =	ssyncadd.s32 $0xFFFFEC00  }
0xb3: {  	[tilespmem:s3], [sflag:$0x5] =	stream.indirect.gather [hbm4b:s4+s31], $0x80, s15, s31, $0xb8;
	[tilespmem:$0x1EAA0] =	vst v63  }
0xb4: {  	_ =	swait.ge [sflag:s11], $0x1400  }
0xb5: {  	[sflag:s11] =	ssyncset.done $0x0  }
0xb6: {  	s16 =	simm.s32 $0xA0;
	[sflag:s11] =	ssyncadd.s32 $0xFFFFEC00  }
0xb7: {  	[spmem:s2] =	stream.indirect.scatter.add.f32 [tilespmem:s5], [sflag:$0x1], $0x80, s16, s31, $0xb8;
	[tilespmem:$0x1EAA0] =	vst v63  }
0xb8: {  	_ =	swait.ge [sflag:s29], $0x1400  }
0xb9: {  	[sflag:s29] =	ssyncset.done $0x0  }
0xba: {  	s14 =	simm.s32 $0x320;
	s15 =	simm.s32 $0x2878;
	[sflag:s29] =	ssyncadd.s32 $0xFFFFEC00  }
.LBB2_4:
0xbb: {  	[tilespmem:s5], [sflag:$0x6] =	stream.indirect.gather [hbm4b:s4+s31], $0x80, s15, s31, $0xb8;
	[tilespmem:$0x1EAA0] =	vst v63  }
0xbc: {  	s15 =	smov.u32 s14  }
0xbd: {  	p1 =	sne.s32 s14, $0x9600;
	s14 =	sadd.s32 $0x320, s14;
	_ =	swait.ge [sflag:s6], $0x1400  }
0xbe: {  	[sflag:s6] =	ssyncset.done $0x0  }
0xbf: {  	s15 =	sshra.s32 s15, $0x2;
	[sflag:s6] =	ssyncadd.s32 $0xFFFFEC00  }
0xc0: {  	[spmem:s2] =	stream.indirect.scatter.add.f32 [tilespmem:s30], [sflag:$0x1], $0x80, s15, s31, $0xb8;
	[tilespmem:$0x1EAA0] =	vst v63  }
0xc1: {  	_ =	swait.ge [sflag:s29], $0x1400  }
0xc2: {  	[sflag:s29] =	ssyncset.done $0x0  }
0xc3: {  	s16 =	sadd.s32 $0x27D8, s15;
	[sflag:s29] =	ssyncadd.s32 $0xFFFFEC00  }
0xc4: {  	[tilespmem:s30], [sflag:$0x2] =	stream.indirect.gather [hbm4b:s4+s31], $0x80, s16, s31, $0xb8;
	[tilespmem:$0x1EAA0] =	vst v63  }
0xc5: {  	_ =	swait.ge [sflag:s8], $0x1400  }
0xc6: {  	[sflag:s8] =	ssyncset.done $0x0  }
0xc7: {  	s16 =	sadd.s32 $0x28, s15;
	[sflag:s8] =	ssyncadd.s32 $0xFFFFEC00  }
0xc8: {  	[spmem:s2] =	stream.indirect.scatter.add.f32 [tilespmem:s0], [sflag:$0x1], $0x80, s16, s31, $0xb8;
	[tilespmem:$0x1EAA0] =	vst v63  }
0xc9: {  	_ =	swait.ge [sflag:s29], $0x1400  }
0xca: {  	[sflag:s29] =	ssyncset.done $0x0  }
0xcb: {  	s16 =	sadd.s32 $0x2800, s15;
	[sflag:s29] =	ssyncadd.s32 $0xFFFFEC00  }
0xcc: {  	[tilespmem:s0], [sflag:$0x3] =	stream.indirect.gather [hbm4b:s4+s31], $0x80, s16, s31, $0xb8;
	[tilespmem:$0x1EAA0] =	vst v63  }
0xcd: {  	_ =	swait.ge [sflag:s9], $0x1400  }
0xce: {  	[sflag:s9] =	ssyncset.done $0x0  }
0xcf: {  	s16 =	sadd.s32 $0x50, s15;
	[sflag:s9] =	ssyncadd.s32 $0xFFFFEC00  }
0xd0: {  	[spmem:s2] =	stream.indirect.scatter.add.f32 [tilespmem:s1], [sflag:$0x1], $0x80, s16, s31, $0xb8;
	[tilespmem:$0x1EAA0] =	vst v63  }
0xd1: {  	_ =	swait.ge [sflag:s29], $0x1400  }
0xd2: {  	[sflag:s29] =	ssyncset.done $0x0  }
0xd3: {  	s16 =	sadd.s32 $0x2828, s15;
	[sflag:s29] =	ssyncadd.s32 $0xFFFFEC00  }
0xd4: {  	[tilespmem:s1], [sflag:$0x4] =	stream.indirect.gather [hbm4b:s4+s31], $0x80, s16, s31, $0xb8;
	[tilespmem:$0x1EAA0] =	vst v63  }
0xd5: {  	_ =	swait.ge [sflag:s10], $0x1400  }
0xd6: {  	[sflag:s10] =	ssyncset.done $0x0  }
0xd7: {  	s16 =	sadd.s32 $0x78, s15;
	[sflag:s10] =	ssyncadd.s32 $0xFFFFEC00  }
0xd8: {  	[spmem:s2] =	stream.indirect.scatter.add.f32 [tilespmem:s3], [sflag:$0x1], $0x80, s16, s31, $0xb8;
	[tilespmem:$0x1EAA0] =	vst v63  }
0xd9: {  	_ =	swait.ge [sflag:s29], $0x1400  }
0xda: {  	[sflag:s29] =	ssyncset.done $0x0  }
0xdb: {  	s16 =	sadd.s32 $0x2850, s15;
	[sflag:s29] =	ssyncadd.s32 $0xFFFFEC00  }
0xdc: {  	[tilespmem:s3], [sflag:$0x5] =	stream.indirect.gather [hbm4b:s4+s31], $0x80, s16, s31, $0xb8;
	[tilespmem:$0x1EAA0] =	vst v63  }
0xdd: {  	_ =	swait.ge [sflag:s11], $0x1400  }
0xde: {  	[sflag:s11] =	ssyncset.done $0x0  }
.Ltmp1:
0xdf: {  	s16 =	sadd.s32 $0xA0, s15;
	[sflag:s11] =	ssyncadd.s32 $0xFFFFEC00;
	(pc) =	sbr.rel @p1 .LBB2_4-.Ltmp1, $4  }
0xe0: {  	[spmem:s2] =	stream.indirect.scatter.add.f32 [tilespmem:s5], [sflag:$0x1], $0x80, s16, s31, $0xb8;
	[tilespmem:$0x1EAA0] =	vst v63  }
0xe1: {  	_ =	swait.ge [sflag:s29], $0x1400  }
0xe2: {  	[sflag:s29] =	ssyncset.done $0x0  }
0xe3: {  	s15 =	sadd.s32 $0x2878, s15;
	[sflag:s29] =	ssyncadd.s32 $0xFFFFEC00  }
0xe4: {  	[tilespmem:s5], [sflag:$0x6] =	stream.indirect.gather [hbm4b:s4+s31], $0x80, s15, s31, $0xb8;
	[tilespmem:$0x1EAA0] =	vst v63  }
0xe5: {  	_ =	swait.ge [sflag:s6], $0x1400  }
0xe6: {  	[sflag:s6] =	ssyncset.done $0x0  }
0xe7: {  	s14 =	simm.s32 $0x2648;
	[sflag:s6] =	ssyncadd.s32 $0xFFFFEC00  }
0xe8: {  	[spmem:s2] =	stream.indirect.scatter.add.f32 [tilespmem:s30], [sflag:$0x1], $0x80, s14, s31, $0xb8;
	[tilespmem:$0x1EAA0] =	vst v63  }
0xe9: {  	_ =	swait.ge [sflag:s29], $0x1400  }
0xea: {  	[sflag:s29] =	ssyncset.done $0x0  }
0xeb: {  	[sflag:s29] =	ssyncadd.s32 $0xFFFFEC00  }
0xec: {  	_ =	swait.ge [sflag:s8], $0x1400  }
0xed: {  	[sflag:s8] =	ssyncset.done $0x0  }
0xee: {  	s15 =	simm.s32 $0x2670;
	[sflag:s8] =	ssyncadd.s32 $0xFFFFEC00  }
0xef: {  	[spmem:s2] =	stream.indirect.scatter.add.f32 [tilespmem:s0], [sflag:$0x1], $0x80, s15, s31, $0xb8;
	[tilespmem:$0x1EAA0] =	vst v63  }
0xf0: {  	_ =	swait.ge [sflag:s29], $0x1400  }
0xf1: {  	[sflag:s29] =	ssyncset.done $0x0  }
0xf2: {  	[sflag:s29] =	ssyncadd.s32 $0xFFFFEC00  }
0xf3: {  	_ =	swait.ge [sflag:s9], $0x1400  }
0xf4: {  	[sflag:s9] =	ssyncset.done $0x0  }
0xf5: {  	s16 =	simm.s32 $0x2698;
	[sflag:s9] =	ssyncadd.s32 $0xFFFFEC00  }
0xf6: {  	[spmem:s2] =	stream.indirect.scatter.add.f32 [tilespmem:s1], [sflag:$0x1], $0x80, s16, s31, $0xb8;
	[tilespmem:$0x1EAA0] =	vst v63  }
0xf7: {  	_ =	swait.ge [sflag:s29], $0x1400  }
0xf8: {  	[sflag:s29] =	ssyncset.done $0x0  }
0xf9: {  	[sflag:s29] =	ssyncadd.s32 $0xFFFFEC00  }
0xfa: {  	_ =	swait.ge [sflag:s10], $0x1400  }
0xfb: {  	[sflag:s10] =	ssyncset.done $0x0  }
0xfc: {  	s15 =	simm.s32 $0x26C0;
	[sflag:s10] =	ssyncadd.s32 $0xFFFFEC00  }
0xfd: {  	[spmem:s2] =	stream.indirect.scatter.add.f32 [tilespmem:s3], [sflag:$0x1], $0x80, s15, s31, $0xb8;
	[tilespmem:$0x1EAA0] =	vst v63  }
0xfe: {  	_ =	swait.ge [sflag:s29], $0x1400  }
0xff: {  	[sflag:s29] =	ssyncset.done $0x0  }
0x100: {  	[sflag:s29] =	ssyncadd.s32 $0xFFFFEC00  }
0x101: {  	_ =	swait.ge [sflag:s11], $0x1400  }
0x102: {  	[sflag:s11] =	ssyncset.done $0x0  }
0x103: {  	s16 =	simm.s32 $0x26E8;
	[sflag:s11] =	ssyncadd.s32 $0xFFFFEC00  }
0x104: {  	[spmem:s2] =	stream.indirect.scatter.add.f32 [tilespmem:s5], [sflag:$0x1], $0x80, s16, s31, $0xb8;
	[tilespmem:$0x1EAA0] =	vst v63  }
0x105: {  	_ =	swait.ge [sflag:s29], $0x1400  }
0x106: {  	s15 =	stileid.u32;
	[sflag:s29] =	ssyncset.done $0x0  }
0x107: {  	s14 =	sshll.u32 s15, $0x6;
	[sflag:s29] =	ssyncadd.s32 $0xFFFFEC00  }
0x108: {  	s14 =	sor.u32 $0x1C07, s14;
	s16 =	sshrl.u32 s7, $0x3;
	[bflag:$0x0] =	sbarrier.arrive $0xFFFF  }
0x109: {  	[hbm:s21], [sflag:s14] =	dma.local [spmem:s16], $0x2700  }
0x10a: {  	_ =	swait.ge [sflag:s12], $0x2700  }
0x10b: {  	s13 =	sadd.s32 $0x1, s13;
	[sflag:s12] =	ssyncset.done $0x0  }
0x10c: {  	p1 =	sne.s32 s13, s25;
	s15 =	sshrl.u32 @!p0 s26, $0x3;
	[sflag:s12] =	ssyncadd.s32 $0xFFFFD900  }
0x10d: {  	[hbm:s24], [sflag:s14] =	dma.local @!p0 [spmem:s15], $0x100  }
.Ltmp2:
0x10e: {  	_ = 	snop;
	(pc) =	sbr.rel @p1 .LBB2_1-.Ltmp2, $4  }
0x10f: {  	s14 =	simm.s32 @!p0 $0x7  }
0x110: {  	_ =	swait.ge @!p0 [sflag:s14], $0x100  }
0x111: {  	[sflag:s14] =	ssyncset.done @!p0 $0x0  }
0x112: {  	[sflag:s14] =	ssyncadd.s32 @!p0 $0xFFFFFF00  }
0x113: {  	_ =	sfence.sel $0x180000  }
0x114: {  	[bflag:$0x0] =	sbarrier.arrive $0xFFFF  }
0x115: {  	_ =	strace $0x9000004D  }
0x116: {  	s0 =	stileid.u32;
	[bflag:$0x2] =	sbarrier.arrive $0xFFFF  }
0x117: {  	p0 =	sne.s32 s0, $0x0;
	s0 =	rddreg [dreg:$0x2]  }
0x118: {  	s0 =	sadd.s32 @!p0 $0x100000, s0  }
0x119: {  	[sflag:s0] =	ssyncadd.tile.s32 @!p0 $0x1;
	_ =	shalt  }
.Lfunc_end2:
_tile_overlayer_lowered:
.L_overlay_start_2:
0x11a: {  	(tag) =	ssettag $0x2  }
0x11b: {  	s0 =	rddreg [dreg:$0x0];
	s2 =	stileid.u32  }
0x11c: {  	s1 =	rddreg [dreg:$0x1];
	p0 =	sne.s32 s2, $0x0  }
0x11d: {  	s3 =	rddreg [dreg:$0x2];
	[bflag:$0x3] =	sbarrier.arrive $0xFFFF;
	s2 =	simm.s32 @!p0 $0x1C07  }
0x11e: {  	[timem:s3], [sflag:s2] =	dma.local @!p0 [hbm:s0], s1  }
0x11f: {  	s0 =	simm.s32 @!p0 $0x7  }
0x120: {  	_ =	swait.ge @!p0 [sflag:s0], s1  }
0x121: {  	s1 =	ssub.s32 @!p0 $0x0, s1;
	[sflag:s0] =	ssyncset.done @!p0 $0x0  }
0x122: {  	[sflag:s0] =	ssyncadd.s32 @!p0 s1  }
0x123: {  	[bflag:$0x3] =	sbarrier.arrive $0xFFFF  }
0x124: {  	_ =	shalt  }

// kernel: kernel.7.cloned.1.call-start
scs
__scs_entry_jumppad:
0x0: {  	(pc) =	sbr.rel $0x88, $3  }
0x1: {  	(tag) =	ssettag $0x0;
	lr =	simm.s32 $0x1  }
0x2: {  	[smem:$0x3F97] =	sst lr;
	_ =	strace $0xD0000000  }
0x3: {  	_ = 	snop  }
0x4: {  	_ = 	snop  }
0x5: {  	_ = 	snop  }
0x6: {  	_ = 	snop  }
0x7: {  	_ = 	snop  }
__scs_overlays_trampoline_lowered:
0x8: {  	[smem:$0x3FA6] =	sst s0  }
0x9: {  	[smem:$0x3FA7] =	sst s1  }
0xa: {  	[smem:$0x3FA8] =	sst s2  }
0xb: {  	[smem:$0x3FA9] =	sst s3  }
0xc: {  	[smem:$0x3FAA] =	sst s4  }
0xd: {  	[smem:$0x3FAB] =	sst s5  }
0xe: {  	[smem:$0x3FAC] =	sst s6  }
0xf: {  	[smem:$0x3FAD] =	sst s7  }
0x10: {  	[smem:$0x3FAE] =	sst s8  }
0x11: {  	[smem:$0x3FAF] =	sst s9;
	s0 =	simm.s32 @!p0 $0x0  }
0x12: {  	s1 =	sld [smem:$0x3F95];
	s0 =	simm.s32 @p0 $0x1  }
0x13: {  	[smem:$0x3FB0] =	sst s0;
	s0 =	simm.s32 @!p1 $0x0  }
0x14: {  	s2 =	sld [smem:$0x3F94];
	s0 =	simm.s32 @p1 $0x1  }
0x15: {  	[smem:$0x3FB1] =	sst s0;
	s0 =	simm.s32 @!p2 $0x0  }
0x16: {  	s3 =	sld [smem:$0x3FDB];
	s0 =	simm.s32 @p2 $0x1  }
0x17: {  	s4 =	simm.s32 $0x1BF5;
	[smem:$0x3FB3] =	sst s0  }
0x18: {  	s0 =	sld [smem:$0x3F96];
	_ =	swait.ge [sflag:s4], $0x0  }
0x19: {  	s7 =	sld [smem:$0x3F97]  }
0x1a: {  	s8 =	sadd.s32 $0xFFFFE003, lr  }
0x1b: {  	s9 =	sadd.s32 $0xFFFFFEF7, lr;
	s5 =	simm.s32 $0xFFFFFFFF;
	p2 =	slt.u32 s8, $0xFFFFF086  }
0x1c: {  	p1 =	slt.u32 s9, $0xF7A;
	s5 =	simm.s32 @!p2 $0x0  }
0x1d: {  	s5 =	simm.s32 @p1 $0x1;
	p0 =	seq.s32 s7, s2  }
0x1e: {  	s7 =	smul.u32 @!p0 $0xF7A, s2;
	p2 =	seq.s32 @!p0 s5, $0x0  }
0x1f: {  	s9 =	smul.u32 $0xF7A, s1;
	s8 =	simm.s32 @!p0 $0x1BF5;
	p2 =	por !p2, p0  }
0x20: {  	[sflag:s8] =	ssyncset.s32 @!p0 $0xFFFFF086;
	s6 =	sadd.s32 @!p0 s3, s7;
	s7 =	simm.s32 @!p0 $0x108  }
0x21: {  	s3 =	sadd.s32 s3, s9;
	s6 =	sadd.s32 @!p0 $0x88, s6;
	s7 =	simm.s32 @p2 $0x1082  }
0x22: {  	[simem:s7], [sflag:s8] =	dma.local @!p0 [hbm:s6], $0xF7A  }
0x23: {  	s9 =	sor.u32 $0xD0000000, s2;
	s6 =	simm.s32 $0x108;
	_ =	swait.ge @!p0 [sflag:s8], $0x0  }
0x24: {  	s3 =	sadd.s32 $0x88, s3;
	s6 =	simm.s32 @!p1 $0x1082;
	[sflag:s4] =	ssyncset.s32 $0xFFFFF086  }
0x25: {  	[simem:s6], [sflag:s4] =	dma.local [hbm:s3], $0xF7A  }
0x26: {  	[smem:$0x3F97] =	sst s1;
	(tag) =	ssettag s2;
	_ =	strace s9  }
0x27: {  	s1 =	sld [smem:$0x3FA7]  }
0x28: {  	s2 =	sld [smem:$0x3FA8]  }
0x29: {  	s4 =	sld [smem:$0x3FAA]  }
0x2a: {  	p0 =	seq.s32 s5, $0x0;
	s5 =	sld [smem:$0x3FAB]  }
0x2b: {  	s6 =	sld [smem:$0x3FAC]  }
0x2c: {  	s7 =	sld [smem:$0x3FAD]  }
0x2d: {  	s3 =	simm.s32 $0x108;
	s8 =	sld [smem:$0x3FAE]  }
0x2e: {  	s3 =	simm.s32 @!p0 $0x1082;
	s9 =	sld [smem:$0x3FAF]  }
0x2f: {  	lr =	sadd.s32 s0, s3;
	s0 =	sld [smem:$0x3FA6]  }
0x30: {  	s3 =	sld [smem:$0x3FA9]  }
0x31: {  	[smem:$0x3FB2] =	sst s10  }
0x32: {  	s10 =	sld [smem:$0x3FB0];
	_ =	sdelay $0x3  }
0x33: {  	p0 =	seq.s32 s10, $0x1;
	s10 =	sld [smem:$0x3FB2];
	_ =	sdelay $0x3  }
0x34: {  	[smem:$0x3FB2] =	sst s10  }
0x35: {  	s10 =	sld [smem:$0x3FB1];
	_ =	sdelay $0x3  }
0x36: {  	p1 =	seq.s32 s10, $0x1;
	s10 =	sld [smem:$0x3FB2];
	_ =	sdelay $0x3  }
0x37: {  	[smem:$0x3FB2] =	sst s10  }
0x38: {  	s10 =	sld [smem:$0x3FB3]  }
0x39: {  	_ = 	snop;
	(pc) =	sbr.ind lr, $3  }
0x3a: {  	_ = 	snop  }
0x3b: {  	_ = 	snop  }
0x3c: {  	p2 =	seq.s32 s10, $0x1;
	s10 =	sld [smem:$0x3FB2]  }
0x3d: {  	_ =	shalt  }
0x3e: {  	_ =	shalt  }
0x3f: {  	_ =	shalt  }
0x40: {  	_ =	shalt  }
0x41: {  	_ =	shalt  }
0x42: {  	_ =	shalt  }
0x43: {  	_ =	shalt  }
0x44: {  	_ =	shalt  }
0x45: {  	_ =	shalt  }
0x46: {  	_ =	shalt  }
0x47: {  	_ =	shalt  }
0x48: {  	_ =	shalt  }
0x49: {  	_ =	shalt  }
0x4a: {  	_ =	shalt  }
0x4b: {  	_ =	shalt  }
0x4c: {  	_ =	shalt  }
0x4d: {  	_ =	shalt  }
0x4e: {  	_ =	shalt  }
0x4f: {  	_ =	shalt  }
0x50: {  	_ =	shalt  }
0x51: {  	_ =	shalt  }
0x52: {  	_ =	shalt  }
0x53: {  	_ =	shalt  }
0x54: {  	_ =	shalt  }
0x55: {  	_ =	shalt  }
0x56: {  	_ =	shalt  }
0x57: {  	_ =	shalt  }
0x58: {  	_ =	shalt  }
0x59: {  	_ =	shalt  }
0x5a: {  	_ =	shalt  }
0x5b: {  	_ =	shalt  }
0x5c: {  	_ =	shalt  }
0x5d: {  	_ =	shalt  }
0x5e: {  	_ =	shalt  }
0x5f: {  	_ =	shalt  }
0x60: {  	_ =	shalt  }
0x61: {  	_ =	shalt  }
0x62: {  	_ =	shalt  }
0x63: {  	_ =	shalt  }
0x64: {  	_ =	shalt  }
0x65: {  	_ =	shalt  }
0x66: {  	_ =	shalt  }
0x67: {  	_ =	shalt  }
0x68: {  	_ =	shalt  }
0x69: {  	_ =	shalt  }
0x6a: {  	_ =	shalt  }
0x6b: {  	_ =	shalt  }
0x6c: {  	_ =	shalt  }
0x6d: {  	_ =	shalt  }
0x6e: {  	_ =	shalt  }
0x6f: {  	_ =	shalt  }
0x70: {  	_ =	shalt  }
0x71: {  	_ =	shalt  }
0x72: {  	_ =	shalt  }
0x73: {  	_ =	shalt  }
0x74: {  	_ =	shalt  }
0x75: {  	_ =	shalt  }
0x76: {  	_ =	shalt  }
0x77: {  	_ =	shalt  }
0x78: {  	_ =	shalt  }
0x79: {  	_ =	shalt  }
0x7a: {  	_ =	shalt  }
0x7b: {  	_ =	shalt  }
0x7c: {  	_ =	shalt  }
0x7d: {  	_ =	shalt  }
0x7e: {  	_ =	shalt  }
0x7f: {  	_ =	shalt  }
0x80: {  	_ =	shalt  }
0x81: {  	_ =	shalt  }
0x82: {  	_ =	shalt  }
0x83: {  	_ =	shalt  }
0x84: {  	_ =	shalt  }
0x85: {  	_ =	shalt  }
0x86: {  	_ =	shalt  }
0x87: {  	_ =	shalt  }
.Lfunc_end0:
.L_simem_size_0:
called_computation_lowered:
.L_overlay_start_0:
0x88: {  	s2 =	sld [smem:$0x3FD9]  }
0x89: {  	s3 =	sld [smem:$0x3FFE];
	_ =	sdelay $0x1  }
0x8a: {  	s1 =	srdreg.scid  }
0x8b: {  	s0 =	sand.u32 $0x1, s1  }
0x8c: {  	s17 =	sshll.u32 s0, $0xA;
	s2 =	sadd.s32 s3, s2  }
0x8d: {  	s2 =	sadd.s32 s2, s17  }
0x8e: {  	[smem:$0x3FBE] =	sst s2  }
0x8f: {  	_ = 	snop  }
0x90: {  	s2 =	sld [smem:$0x3FD0];
	(tm) =	ssettm $0x1  }
0x91: {  	s18 =	sld [smem:$0x3FFB];
	_ =	sdelay $0x3  }
0x92: {  	_ =	strace s18  }
0x93: {  	s3 =	sld [smem:$0x3FFC];
	_ =	sdelay $0x3  }
0x94: {  	_ =	strace s3  }
0x95: {  	s3 =	sld [smem:$0x3FFD];
	_ =	sdelay $0x3  }
0x96: {  	_ =	strace s3  }
0x97: {  	_ =	strace $0x8FFFFFFF  }
0x98: {  	s19 =	sld [smem:$0x3FDB];
	_ =	sdelay $0x1  }
0x99: {  	s4 =	simm.s32 $_scs_section_size  }
0x9a: {  	s5 =	simm.s32 $_size__tile_overlayer_lowered;
	s6 =	simm.s32 $_tile_overlayer_lowered  }
0x9b: {  	s22 =	simm.s32 $0x1BFF;
	s21 =	sshll.u32 s6, $0x1;
	s3 =	sadd.s32 s4, s19  }
0x9c: {  	s7 =	simm.s32 $0x0;
	s20 =	sshll.u32 s5, $0x1;
	s5 =	sadd.s32 s21, s3  }
0x9d: {  	[timem:s7], [sflag:s22] =	dma.local [hbm:s5], s20  }
0x9e: {  	_ =	swait.ge [sflag:s22], s20  }
0x9f: {  	s4 =	ssub.s32 $0x0, s20;
	[sflag:s22] =	ssyncset.done $0x0  }
0xa0: {  	[sflag:s22] =	ssyncadd.s32 s4;
	_ =	sdelay $0x1  }
0xa1: {  	s23 =	simm.s32 $0x1B8B  }
0xa2: {  	_ =	swait.ge [sflag:s23], $0x1  }
0xa3: {  	[sflag:s23] =	ssyncset.done $0x0  }
0xa4: {  	s25 =	simm.s32 $0x1B8E;
	s24 =	sld [smem:$0x3FFE];
	[sflag:s23] =	ssyncadd.s32 $0xFFFFFFFF  }
0xa5: {  	s26 =	simm.s32 $execute0_lowered;
	[smem:$0x3FD2] =	sst s25  }
0xa6: {  	s5 =	sshll.u32 s26, $0x1;
	_ =	strace $0x80000046;
	[dreg:$0x1] =	wrdreg $0xFFFFFFFF  }
0xa7: {  	s28 =	simm.s32 $_size_execute0_lowered;
	s3 =	sadd.s32 s3, s5;
	[dreg:$0x0] =	wrdreg $0x0  }
0xa8: {  	s5 =	sshll.u32 s28, $0x1;
	[dreg:$0x2] =	wrdreg s3  }
0xa9: {  	[dreg:$0x3] =	wrdreg s5  }
0xaa: {  	[dreg:$0x4] =	wrdreg $0xC0  }
0xab: {  	_ =	task [dreg:s7], $0x5FFFF  }
0xac: {  	[dreg:$0x1] =	wrdreg $0xFFFFFFFF  }
0xad: {  	[dreg:$0x0] =	wrdreg $0x60  }
0xae: {  	[dreg:$0x2] =	wrdreg s24  }
0xaf: {  	[dreg:$0x3] =	wrdreg s2  }
0xb0: {  	[dreg:$0x4] =	wrdreg $0x2F800  }
0xb1: {  	[dreg:$0x5] =	wrdreg $0x9  }
0xb2: {  	_ =	task.clear_ibuf [dreg:s7], $0x6FFFF;
	_ =	strace $0x90000046  }
0xb3: {  	s29 =	simm.s32 $0x9;
	_ =	strace $0x80000048  }
0xb4: {  	_ =	swait.ge [sflag:s29], $0x1  }
0xb5: {  	[sflag:s29] =	ssyncadd.s32 $0xFFFFFFFF  }
0xb6: {  	_ =	strace $0x90000048  }
0xb7: {  	_ =	sfence  }
0xb8: {  	s30 =	sld [smem:$0x0];
	_ =	sdelay $0x2  }
0xb9: {  	s31 =	sshll.u32 s1, $0xD;
	s1 =	sshrl.u32 s1, $0x2  }
0xba: {  	s3 =	sand.u32 $0x4000, s31;
	s1 =	sadd.s32 s1, s30  }
0xbb: {  	s0 =	sor.u32 s3, s0;
	s1 =	sshll.u32 s1, $0x11  }
0xbc: {  	s0 =	sor.u32 s1, s0  }
0xbd: {  	s0 =	sadd.s32 $0x8F2B, s0  }
0xbe: {  	[sflag:s0] =	ssyncadd.remote.s32 $0x1  }
0xbf: {  	_ =	sfence.sel $0xFFFF  }
0xc0: {  	[dreg:$0x0] =	wrdreg $0xFFFFFFFF;
	(pc) =	sbr.abs _section_cstart, $3  }
0xc1: {  	[dreg:$0x1] =	wrdreg $0xFFFFFFFF  }
0xc2: {  	_ =	task.clear_ibuf [dreg:s7], $0x2FFFF;
	_ =	strace $0x9FFFFFFF  }
0xc3: {  	(tm) =	ssettm $0x7FFFFFFF  }
tec
execute0_lowered:
.L_overlay_start_1:
0x0: {  	(tag) =	ssettag $0x1  }
0x1: {  	s4 =	rddreg [dreg:$0x0]  }
0x2: {  	s5 =	rddreg [dreg:$0x1];
	s1 =	srdreg.scid  }
0x3: {  	s0 =	stileid.u32;
	s2 =	rddreg [dreg:$0x2]  }
0x4: {  	s3 =	simm.s32 $0x0;
	s16 =	simm.s32 $0x1;
	s17 =	simm.s32 $0x2780  }
0x5: {  	s18 =	simm.s32 $0x80;
	s19 =	simm.s32 $0x10;
	s20 =	simm.s32 $0x2  }
0x6: {  	s21 =	simm.s32 $0x0;
	s6 =	sand.u32 $0x1, s1;
	s1 =	rddreg [dreg:$0x3]  }
0x7: {  	s7 =	sshll.u32 s0, $0x1;
	[smem:$0x7FF] =	sst s3;
	s11 =	smul.u32 $0x9C00, s0  }
0x8: {  	s12 =	sadd.s32 $0x20200, s4;
	s30 =	smul.u32 $0x2700, s0;
	p0 =	sne.s32 s0, $0xF  }
0x9: {  	s7 =	sor.u32 s6, s7;
	s9 =	ssub.s32 $0x2, s6;
	s13 =	smul.u32 $0x27100, s6  }
0xa: {  	_ =	strace $0x80000047;
	s8 =	smul.u32 $0x4E0, s7;
	s10 =	sshrl.u32 s9, $0x1  }
0xb: {  	s7 =	sshll.u32 s7, $0x1;
	s31 =	sshrl.u32 s11, $0x2;
	s6 =	sadd.s32 s30, s2  }
0xc: {  	s14 =	ssub.s32 s9, s10;
	s5 =	sadd.s32 s5, s7;
	s11 =	sadd.s32 s31, s2  }
0xd: {  	s15 =	sadd.s32 s30, s13;
	s13 =	sshrl.u32 s13, $0x3;
	s8 =	sadd.s32 s8, s4  }
0xe: {  	s7 =	sadd.s32 $0x800, s11;
	s9 =	sadd.s32 $0x1800, s11;
	s10 =	sadd.s32 $0x2000, s11  }
0xf: {  	s15 =	sshrl.u32 s15, $0x3;
	s13 =	sadd.s32 s12, s13;
	s14 =	smax.u32 s14, $0x1  }
0x10: {  	s4 =	sadd.s32 $0x16600, s8;
	s8 =	sadd.s32 $0x1000, s11;
	s11 =	sadd.s32 $0x27000, s2  }
0x11: {  	v0 =	vimm.f32 $0.0e+00;
	v1 =	vimm.f32 $1.000000000e+00;
	s12 =	sadd.s32 s12, s15;
	s13 =	sadd.s32 $0x4E00, s13;
	s15 =	simm.s32 $0x2700  }
.LBB2_1:
0x12: {  	[tilespmem:s3], [sflag:$0x1] =	stream.linear.gather [hbm4b:s4+s3], $0x2700, $0x38;
	[tilespmem:$0x5690] =	vst v63  }
0x13: {  	s22 =	simm.s32 $0x40;
	s23 =	simm.s32 $0x0  }
0x14: {  	[tilespmem:s15], [sflag:$0x1] =	stream.linear.gather [hbm4b:s5+s3], $0x10, $0x38;
	[tilespmem:$0x5690] =	vst v63  }
.LBB2_2:
0x15: {  	p1 =	sne.s32 s22, $0x1FC0;
	[tilespmem:s23+$0x2780] =	vst v0;
	s23 =	smov.u32 s22;
	s22 =	sadd.s32 $0x40, s22  }
.Ltmp0:
0x16: {  	(pc) =	sbr.rel @p1 .LBB2_2-.Ltmp0, $2  }
0x17: {  	_ =	sdelay $0x2  }
0x18: {  	s23 =	sshra.s32 s23, $0x2  }
0x19: {  	[tilespmem:s23+$0x2780] =	vst v0  }
0x1a: {  	_ =	swait.ge [sflag:s16], $0x2700  }
0x1b: {  	[sflag:s16] =	ssyncset.done $0x0  }
0x1c: {  	[sflag:s16] =	ssyncadd.s32 $0xFFFFD900  }
0x1d: {  	_ =	swait.ge [sflag:s16], $0x10  }
0x1e: {  	[sflag:s16] =	ssyncset.done $0x0  }
0x1f: {  	[sflag:s16] =	ssyncadd.s32 $0xFFFFFFF0  }
0x20: {  	[spmem:s6] =	stream.linear.scatter [tilespmem:s17], [sflag:$0x1], $0x800, $0x38;
	[tilespmem:$0x5690] =	vst v63  }
0x21: {  	_ = 	snop  }
0x22: {  	[spmem:s7] =	stream.linear.scatter [tilespmem:s17], [sflag:$0x1], $0x800, $0x38;
	[tilespmem:$0x5690] =	vst v63  }
0x23: {  	_ = 	snop  }
0x24: {  	[spmem:s8] =	stream.linear.scatter [tilespmem:s17], [sflag:$0x1], $0x800, $0x38;
	[tilespmem:$0x5690] =	vst v63  }
0x25: {  	_ = 	snop  }
0x26: {  	[spmem:s9] =	stream.linear.scatter [tilespmem:s17], [sflag:$0x1], $0x800, $0x38;
	[tilespmem:$0x5690] =	vst v63  }
0x27: {  	_ = 	snop  }
0x28: {  	[spmem:s10] =	stream.linear.scatter [tilespmem:s17], [sflag:$0x1], $0x700, $0x38;
	[tilespmem:$0x5690] =	vst v63  }
0x29: {  	_ =	swait.ge [sflag:s16], $0x800  }
0x2a: {  	[sflag:s16] =	ssyncset.done $0x0  }
0x2b: {  	[sflag:s16] =	ssyncadd.s32 $0xFFFFF800  }
0x2c: {  	_ =	swait.ge [sflag:s16], $0x800  }
0x2d: {  	[sflag:s16] =	ssyncset.done $0x0  }
0x2e: {  	[sflag:s16] =	ssyncadd.s32 $0xFFFFF800  }
0x2f: {  	_ =	swait.ge [sflag:s16], $0x800  }
0x30: {  	[sflag:s16] =	ssyncset.done $0x0  }
0x31: {  	[sflag:s16] =	ssyncadd.s32 $0xFFFFF800  }
0x32: {  	_ =	swait.ge [sflag:s16], $0x800  }
0x33: {  	[sflag:s16] =	ssyncset.done $0x0  }
0x34: {  	[sflag:s16] =	ssyncadd.s32 $0xFFFFF800  }
0x35: {  	_ =	swait.ge [sflag:s16], $0x700  }
0x36: {  	[sflag:s16] =	ssyncset.done $0x0  }
0x37: {  	s22 =	simm.s32 @!p0 $0x2780;
	[sflag:s16] =	ssyncadd.s32 $0xFFFFF900  }
0x38: {  	[spmem:s11] =	stream.linear.scatter @!p0 [tilespmem:s22], [sflag:$0x2], $0x100, $0x38;
	[tilespmem:$0x5690] =	vst v63  }
0x39: {  	s22 =	simm.s32 @!p0 $0x2  }
0x3a: {  	_ =	swait.ge @!p0 [sflag:s22], $0x100  }
0x3b: {  	[sflag:s22] =	ssyncset.done @!p0 $0x0  }
0x3c: {  	s23 =	simm.s32 $0x0;
	[sflag:s22] =	ssyncadd.s32 @!p0 $0xFFFFFF00;
	s22 =	simm.s32 $0x40  }
.LBB2_4:
0x3d: {  	p1 =	sne.s32 s22, $0x1FC0;
	[tilespmem:s23+$0x2780] =	vst v1;
	s23 =	smov.u32 s22;
	s22 =	sadd.s32 $0x40, s22  }
.Ltmp1:
0x3e: {  	(pc) =	sbr.rel @p1 .LBB2_4-.Ltmp1, $2  }
0x3f: {  	_ =	sdelay $0x2  }
0x40: {  	s23 =	sshra.s32 s23, $0x2  }
0x41: {  	[tilespmem:s23+$0x2780] =	vst v1  }
0x42: {  	s22 =	simm.s32 $0x0;
	[bflag:$0x0] =	sbarrier.arrive $0xFFFF  }
0x43: {  	[spmem:s2] =	stream.indirect.scatter.add.f32 [tilespmem:s17], [sflag:$0x1], $0x10, s22, s18, $0xb8;
	[tilespmem:$0x5690] =	vst v63  }
0x44: {  	s26 =	simm.s32 $0x80  }
0x45: {  	[spmem:s2] =	stream.indirect.scatter.add.f32 [tilespmem:s17], [sflag:$0x1], $0x10, s26, s18, $0xb8;
	[tilespmem:$0x5690] =	vst v63  }
0x46: {  	s28 =	simm.s32 $0x100  }
0x47: {  	[spmem:s2] =	stream.indirect.scatter.add.f32 [tilespmem:s17], [sflag:$0x1], $0x10, s28, s18, $0xb8;
	[tilespmem:$0x5690] =	vst v63  }
0x48: {  	s29 =	simm.s32 $0x180  }
0x49: {  	[spmem:s2] =	stream.indirect.scatter.add.f32 [tilespmem:s17], [sflag:$0x1], $0x10, s29, s18, $0xb8;
	[tilespmem:$0x5690] =	vst v63  }
0x4a: {  	s30 =	simm.s32 $0x200  }
0x4b: {  	[spmem:s2] =	stream.indirect.scatter.add.f32 [tilespmem:s17], [sflag:$0x1], $0x10, s30, s18, $0xb8;
	[tilespmem:$0x5690] =	vst v63  }
0x4c: {  	s31 =	simm.s32 $0x280  }
0x4d: {  	[spmem:s2] =	stream.indirect.scatter.add.f32 [tilespmem:s17], [sflag:$0x1], $0x10, s31, s18, $0xb8;
	[tilespmem:$0x5690] =	vst v63  }
0x4e: {  	_ =	swait.ge [sflag:s16], $0x800  }
0x4f: {  	[sflag:s16] =	ssyncset.done $0x0  }
0x50: {  	[sflag:s16] =	ssyncadd.s32 $0xFFFFF800  }
0x51: {  	_ =	swait.ge [sflag:s16], $0x800  }
0x52: {  	[sflag:s16] =	ssyncset.done $0x0  }
0x53: {  	[sflag:s16] =	ssyncadd.s32 $0xFFFFF800  }
0x54: {  	_ =	swait.ge [sflag:s16], $0x800  }
0x55: {  	[sflag:s16] =	ssyncset.done $0x0  }
0x56: {  	[sflag:s16] =	ssyncadd.s32 $0xFFFFF800  }
0x57: {  	_ =	swait.ge [sflag:s16], $0x800  }
0x58: {  	[sflag:s16] =	ssyncset.done $0x0  }
0x59: {  	[sflag:s16] =	ssyncadd.s32 $0xFFFFF800  }
0x5a: {  	_ =	swait.ge [sflag:s16], $0x800  }
0x5b: {  	[sflag:s16] =	ssyncset.done $0x0  }
0x5c: {  	[sflag:s16] =	ssyncadd.s32 $0xFFFFF800  }
0x5d: {  	_ =	swait.ge [sflag:s16], $0x800  }
0x5e: {  	s23 =	simm.s32 $0x1800;
	s22 =	simm.s32 $0xC00;
	[sflag:s16] =	ssyncset.done $0x0  }
.LBB2_6:
0x5f: {  	s24 =	sshra.s32 s22, $0x2  }
0x60: {  	[sflag:s16] =	ssyncadd.s32 $0xFFFFF800;
	s22 =	smov.u32 s23;
	s25 =	sadd.s32 $0xC00, s23  }
0x61: {  	[spmem:s2] =	stream.indirect.scatter.add.f32 [tilespmem:s17], [sflag:$0x1], $0x10, s24, s18, $0xb8;
	[tilespmem:$0x5690] =	vst v63  }
0x62: {  	p1 =	sne.s32 s23, $0x9000;
	s23 =	sadd.s32 $0x80, s24  }
0x63: {  	[spmem:s2] =	stream.indirect.scatter.add.f32 [tilespmem:s17], [sflag:$0x1], $0x10, s23, s18, $0xb8;
	[tilespmem:$0x5690] =	vst v63  }
0x64: {  	s23 =	sadd.s32 $0x100, s24  }
0x65: {  	[spmem:s2] =	stream.indirect.scatter.add.f32 [tilespmem:s17], [sflag:$0x1], $0x10, s23, s18, $0xb8;
	[tilespmem:$0x5690] =	vst v63  }
0x66: {  	s23 =	sadd.s32 $0x180, s24  }
0x67: {  	[spmem:s2] =	stream.indirect.scatter.add.f32 [tilespmem:s17], [sflag:$0x1], $0x10, s23, s18, $0xb8;
	[tilespmem:$0x5690] =	vst v63  }
0x68: {  	s23 =	sadd.s32 $0x200, s24  }
0x69: {  	[spmem:s2] =	stream.indirect.scatter.add.f32 [tilespmem:s17], [sflag:$0x1], $0x10, s23, s18, $0xb8;
	[tilespmem:$0x5690] =	vst v63  }
0x6a: {  	s23 =	sadd.s32 $0x280, s24  }
0x6b: {  	[spmem:s2] =	stream.indirect.scatter.add.f32 [tilespmem:s17], [sflag:$0x1], $0x10, s23, s18, $0xb8;
	[tilespmem:$0x5690] =	vst v63  }
0x6c: {  	_ =	swait.ge [sflag:s16], $0x800  }
0x6d: {  	[sflag:s16] =	ssyncset.done $0x0  }
0x6e: {  	[sflag:s16] =	ssyncadd.s32 $0xFFFFF800  }
0x6f: {  	_ =	swait.ge [sflag:s16], $0x800  }
0x70: {  	[sflag:s16] =	ssyncset.done $0x0  }
0x71: {  	[sflag:s16] =	ssyncadd.s32 $0xFFFFF800  }
0x72: {  	_ =	swait.ge [sflag:s16], $0x800  }
0x73: {  	[sflag:s16] =	ssyncset.done $0x0  }
0x74: {  	[sflag:s16] =	ssyncadd.s32 $0xFFFFF800  }
0x75: {  	_ =	swait.ge [sflag:s16], $0x800  }
0x76: {  	[sflag:s16] =	ssyncset.done $0x0  }
0x77: {  	[sflag:s16] =	ssyncadd.s32 $0xFFFFF800  }
.Ltmp2:
0x78: {  	_ =	swait.ge [sflag:s16], $0x800;
	(pc) =	sbr.rel @p1 .LBB2_6-.Ltmp2, $4  }
0x79: {  	[sflag:s16] =	ssyncset.done $0x0  }
0x7a: {  	[sflag:s16] =	ssyncadd.s32 $0xFFFFF800  }
0x7b: {  	_ =	swait.ge [sflag:s16], $0x800  }
0x7c: {  	s23 =	smov.u32 s25;
	[sflag:s16] =	ssyncset.done $0x0  }
0x7d: {  	s22 =	sshra.s32 s22, $0x2;
	[sflag:s16] =	ssyncadd.s32 $0xFFFFF800  }
0x7e: {  	[spmem:s2] =	stream.indirect.scatter.add.f32 [tilespmem:s17], [sflag:$0x1], $0x10, s22, s18, $0xb8;
	[tilespmem:$0x5690] =	vst v63  }
0x7f: {  	s23 =	sadd.s32 $0x80, s22  }
0x80: {  	[spmem:s2] =	stream.indirect.scatter.add.f32 [tilespmem:s17], [sflag:$0x1], $0x10, s23, s18, $0xb8;
	[tilespmem:$0x5690] =	vst v63  }
0x81: {  	s26 =	sadd.s32 $0x100, s22  }
0x82: {  	[spmem:s2] =	stream.indirect.scatter.add.f32 [tilespmem:s17], [sflag:$0x1], $0x10, s26, s18, $0xb8;
	[tilespmem:$0x5690] =	vst v63  }
0x83: {  	s28 =	sadd.s32 $0x180, s22  }
0x84: {  	[spmem:s2] =	stream.indirect.scatter.add.f32 [tilespmem:s17], [sflag:$0x1], $0x10, s28, s18, $0xb8;
	[tilespmem:$0x5690] =	vst v63  }
0x85: {  	s29 =	sadd.s32 $0x200, s22  }
0x86: {  	[spmem:s2] =	stream.indirect.scatter.add.f32 [tilespmem:s17], [sflag:$0x1], $0x10, s29, s18, $0xb8;
	[tilespmem:$0x5690] =	vst v63  }
0x87: {  	s22 =	sadd.s32 $0x280, s22  }
0x88: {  	[spmem:s2] =	stream.indirect.scatter.add.f32 [tilespmem:s17], [sflag:$0x1], $0x10, s22, s18, $0xb8;
	[tilespmem:$0x5690] =	vst v63  }
0x89: {  	_ =	swait.ge [sflag:s16], $0x800  }
0x8a: {  	[sflag:s16] =	ssyncset.done $0x0  }
0x8b: {  	[sflag:s16] =	ssyncadd.s32 $0xFFFFF800  }
0x8c: {  	_ =	swait.ge [sflag:s16], $0x800  }
0x8d: {  	[sflag:s16] =	ssyncset.done $0x0  }
0x8e: {  	[sflag:s16] =	ssyncadd.s32 $0xFFFFF800  }
0x8f: {  	_ =	swait.ge [sflag:s16], $0x800  }
0x90: {  	[sflag:s16] =	ssyncset.done $0x0  }
0x91: {  	[sflag:s16] =	ssyncadd.s32 $0xFFFFF800  }
0x92: {  	_ =	swait.ge [sflag:s16], $0x800  }
0x93: {  	[sflag:s16] =	ssyncset.done $0x0  }
0x94: {  	[sflag:s16] =	ssyncadd.s32 $0xFFFFF800  }
0x95: {  	_ =	swait.ge [sflag:s16], $0x800  }
0x96: {  	[sflag:s16] =	ssyncset.done $0x0  }
0x97: {  	[sflag:s16] =	ssyncadd.s32 $0xFFFFF800  }
0x98: {  	_ =	swait.ge [sflag:s16], $0x800  }
0x99: {  	[sflag:s16] =	ssyncset.done $0x0  }
0x9a: {  	[sflag:s16] =	ssyncadd.s32 $0xFFFFF800  }
0x9b: {  	[spmem:s2] =	stream.indirect.scatter.add.f32 [tilespmem:s17], [sflag:$0x2], $0x10, s15, s19, $0xb8;
	[tilespmem:$0x5690] =	vst v63  }
0x9c: {  	_ =	swait.ge [sflag:s20], $0x100  }
0x9d: {  	[sflag:s20] =	ssyncset.done $0x0  }
0x9e: {  	s30 =	sshll.u32 s0, $0x6;
	[sflag:s20] =	ssyncadd.s32 $0xFFFFFF00  }
0x9f: {  	s31 =	sshrl.u32 s6, $0x3;
	s22 =	sor.u32 $0x1C02, s30;
	[bflag:$0x0] =	sbarrier.arrive $0xFFFF  }
0xa0: {  	[hbm:s12], [sflag:s22] =	dma.local [spmem:s31], $0x4E0  }
0xa1: {  	_ =	swait.ge [sflag:s20], $0x4E0  }
0xa2: {  	s21 =	sadd.s32 $0x1, s21;
	[sflag:s20] =	ssyncset.done $0x0  }
0xa3: {  	p1 =	sne.s32 s21, s14;
	s23 =	sshrl.u32 @!p0 s11, $0x3;
	[sflag:s20] =	ssyncadd.s32 $0xFFFFFB20  }
0xa4: {  	[hbm:s13], [sflag:s22] =	dma.local @!p0 [spmem:s23], $0x20  }
.Ltmp3:
0xa5: {  	_ = 	snop;
	(pc) =	sbr.rel @p1 .LBB2_1-.Ltmp3, $4  }
0xa6: {  	s22 =	simm.s32 @!p0 $0x2  }
0xa7: {  	_ =	swait.ge @!p0 [sflag:s22], $0x20  }
0xa8: {  	[sflag:s22] =	ssyncset.done @!p0 $0x0  }
0xa9: {  	[sflag:s22] =	ssyncadd.s32 @!p0 $0xFFFFFFE0  }
0xaa: {  	_ =	sfence.sel $0x180000  }
0xab: {  	[bflag:$0x0] =	sbarrier.arrive $0xFFFF  }
0xac: {  	p0 =	sne.s32 s0, $0x0;
	_ =	strace $0x90000047  }
0xad: {  	s0 =	sadd.s32 @!p0 $0x100000, s1;
	[bflag:$0x2] =	sbarrier.arrive $0xFFFF  }
0xae: {  	[sflag:s0] =	ssyncadd.tile.s32 @!p0 $0x1;
	_ =	shalt  }
.Lfunc_end2:
_tile_overlayer_lowered:
.L_overlay_start_2:
0xaf: {  	(tag) =	ssettag $0x2  }
0xb0: {  	s0 =	rddreg [dreg:$0x0];
	s2 =	stileid.u32  }
0xb1: {  	s1 =	rddreg [dreg:$0x1];
	p0 =	sne.s32 s2, $0x0  }
0xb2: {  	s3 =	rddreg [dreg:$0x2];
	[bflag:$0x3] =	sbarrier.arrive $0xFFFF;
	s2 =	simm.s32 @!p0 $0x1C02  }
0xb3: {  	[timem:s3], [sflag:s2] =	dma.local @!p0 [hbm:s0], s1  }
0xb4: {  	s0 =	simm.s32 @!p0 $0x2  }
0xb5: {  	_ =	swait.ge @!p0 [sflag:s0], s1  }
0xb6: {  	s1 =	ssub.s32 @!p0 $0x0, s1;
	[sflag:s0] =	ssyncset.done @!p0 $0x0  }
0xb7: {  	[sflag:s0] =	ssyncadd.s32 @!p0 s1  }
0xb8: {  	[bflag:$0x3] =	sbarrier.arrive $0xFFFF  }
0xb9: {  	_ =	shalt  }

</sc_bundles>
